<compile_context>
chip_gen: v7x
topology: tpu7x:2x2x1
jax: 0.10.2.dev20260603
libtpu: 0.0.44.dev20260713+nightly
codegen_flags: <defaults>
</compile_context>

<pallas_src>
import functools

import jax
import jax.numpy as jnp
from jax import lax
from jax.experimental import pallas as pl
from jax.experimental.pallas import tpu as pltpu
from jax.experimental.pallas import tpu_sc as plsc

NS = 32
D = 48
SB = 4
INNER = 8
L = 16
ROW = 80
GQ = 4


def _round_bf16(x):
    u = lax.bitcast_convert_type(x, jnp.uint32)
    r = u + jnp.uint32(0x7FFF) + ((u >> 16) & jnp.uint32(1))
    r = r & jnp.uint32(0xFFFF0000)
    return lax.bitcast_convert_type(r, jnp.float32)


def _merge2(ak, av, bk, bv):
    rbk = lax.rev(bk, (0,))
    rbv = lax.rev(bv, (0,))
    msel = (ak < rbk) | ((ak == rbk) & (av <= rbv))
    sk = jnp.where(msel, ak, rbk)
    sv = jnp.where(msel, av, rbv)
    lk = jnp.where(msel, rbk, ak)
    lv = jnp.where(msel, rbv, av)
    sk, sv = plsc.sort_key_val(sk, sv)
    lk, lv = plsc.sort_key_val(lk, lv)
    return sk, sv, lk, lv


def _sc_body(nq_tile, n, m, pbx_h, pby_h, pbz_h, xx_h, qmeta_h, centers_h,
             table_h, out_h, px_v, py_v, pz_v, xx_v, qmeta_v, centers_v,
             d2buf, cvbuf, idx_v, rows_v, sem):
    nc = 2
    wid = lax.axis_index("s") * nc + lax.axis_index("c")
    batch = wid // L
    qoff = (wid % L) * nq_tile
    gq = batch * m + qoff

    pltpu.sync_copy(pbx_h.at[batch], px_v)
    pltpu.sync_copy(pby_h.at[batch], py_v)
    pltpu.sync_copy(pbz_h.at[batch], pz_v)
    pltpu.sync_copy(xx_h.at[batch], xx_v)
    pltpu.sync_copy(qmeta_h.at[pl.ds(gq * L, nq_tile * L)], qmeta_v)
    pltpu.sync_copy(centers_h.at[pl.ds(gq * L, nq_tile * L)], centers_v)

    inf16 = jnp.full((L,), jnp.inf, jnp.float32)
    neg16 = jnp.full((L,), -1, jnp.int32)
    sent16 = jnp.full((L,), n, jnp.int32)
    zeros16 = jnp.zeros((L,), jnp.int32)
    ones16 = jnp.ones((L,), jnp.int32)
    iota16 = lax.iota(jnp.int32, L)
    d2buf[pl.ds(n, L)] = inf16
    for ch in range(D):
        cvbuf[pl.ds(ch * L, L)] = sent16

    giter = n // (SB * L)

    def drain(lo_k, lo_v, hi_k, hi_v, nch):
        def dbody(ch, carry):
            lo_k, lo_v, hi_k, hi_v = carry
            cv = cvbuf[pl.ds(ch * L, L)]
            ck = plsc.load_gather(d2buf, [cv])
            ck, cv = plsc.sort_key_val(ck, cv)
            s1k, s1v, l1k, l1v = _merge2(lo_k, lo_v, ck, cv)
            s2k, s2v, _, _ = _merge2(l1k, l1v, hi_k, hi_v)
            cvbuf[pl.ds(ch * L, L)] = sent16
            return s1k, s1v, s2k, s2v
        return lax.fori_loop(0, nch, dbody, (lo_k, lo_v, hi_k, hi_v))

    def per_query(q, _):
        qrow = qmeta_v[pl.ds(q * L, L)]
        qx = jnp.broadcast_to(qrow[0], (L,))
        qy = jnp.broadcast_to(qrow[1], (L,))
        qz = jnp.broadcast_to(qrow[2], (L,))
        qqv = jnp.broadcast_to(qrow[3], (L,))

        def p1(g, carry):
            m1, m2 = carry
            gbase = g * (SB * L)
            for j in range(SB):
                base = gbase + j * L
                px = px_v[pl.ds(base, L)]
                py = py_v[pl.ds(base, L)]
                pz = pz_v[pl.ds(base, L)]
                xxv = xx_v[pl.ds(base, L)]
                inner = (qx * px + qy * py) + qz * pz
                d2 = (qqv - 2.0 * inner) + xxv
                d2buf[pl.ds(base, L)] = d2
                lo = jnp.minimum(m1, d2)
                m2 = jnp.minimum(m2, jnp.maximum(m1, d2))
                m1 = lo
            return m1, m2

        m1, m2 = lax.fori_loop(0, giter, p1, (inf16, inf16))
        thr = jnp.broadcast_to(jnp.max(m2), (L,))

        def p2_inner(gi, cnts):
            gbase = gi * (SB * L)
            for j in range(SB):
                base = gbase + j * L
                d2 = d2buf[pl.ds(base, L)]
                pred = d2 <= thr
                iv = iota16 + jnp.broadcast_to(base, (L,))
                offs = lax.shift_left(cnts, 4) | iota16
                plsc.store_scatter(cvbuf, [offs], iv, mask=pred)
                cnts = cnts + jnp.where(pred, ones16, zeros16)
            return cnts

        def p2_outer(go, carry):
            lo_k, lo_v, hi_k, hi_v, cnts = carry
            cnts = lax.fori_loop(go * INNER, go * INNER + INNER,
                                 p2_inner, cnts)
            mx = jnp.max(cnts)

            def do_drain(args):
                lo_k, lo_v, hi_k, hi_v, cnts = args
                lo_k, lo_v, hi_k, hi_v = drain(lo_k, lo_v, hi_k, hi_v, mx)
                return lo_k, lo_v, hi_k, hi_v, zeros16

            return lax.cond(mx >= D - SB * INNER, do_drain, lambda a: a,
                            (lo_k, lo_v, hi_k, hi_v, cnts))

        init = (inf16, neg16, inf16, neg16, zeros16)
        lo_k, lo_v, hi_k, hi_v, cnts = lax.fori_loop(
            0, giter // INNER, p2_outer, init)
        lo_k, lo_v, hi_k, hi_v = drain(lo_k, lo_v, hi_k, hi_v,
                                       jnp.max(cnts))
        rank_lo, rank_hi = zeros16, zeros16
        tmask = zeros16 == zeros16
        for s in range(2 * L):
            sk, sv = (lo_k, lo_v) if s < L else (hi_k, hi_v)
            ks = jnp.broadcast_to(sk[s % L], (L,))
            vs = jnp.broadcast_to(sv[s % L], (L,))
            rank_lo = rank_lo + jnp.where(
                (ks < lo_k) | ((ks == lo_k) & (vs < lo_v)), ones16, zeros16)
            rank_hi = rank_hi + jnp.where(
                (ks < hi_k) | ((ks == hi_k) & (vs < hi_v)), ones16, zeros16)
        plsc.store_scatter(cvbuf, [rank_lo], lo_v, mask=tmask)
        plsc.store_scatter(cvbuf, [rank_hi], hi_v, mask=tmask)
        nlo = cvbuf[pl.ds(0, L)]
        nhi = cvbuf[pl.ds(L, L)]
        cvbuf[pl.ds(0, L)] = sent16
        cvbuf[pl.ds(L, L)] = sent16
        off = jnp.broadcast_to(batch * n, (L,))
        idx_v[pl.ds(q * NS, L)] = nlo + off
        idx_v[pl.ds(q * NS + L, L)] = nhi + off
        return 0

    lax.fori_loop(0, nq_tile, per_query, 0)

    def per_group(g, _):
        pltpu.async_copy(table_h.at[idx_v.at[pl.ds(g * GQ * NS, GQ * NS)]],
                         rows_v, sem).wait()
        for j in range(GQ):
            cbase = (g * GQ + j) * L
            cvec = centers_v[pl.ds(cbase, L)]
            for r in range(NS):
                row = j * NS + r
                rows_v[row, pl.ds(0, L)] = rows_v[row, pl.ds(0, L)] - cvec
        out_base = (gq + g * GQ) * NS
        pltpu.sync_copy(rows_v, out_h.at[pl.ds(out_base, GQ * NS)])
        return 0

    lax.fori_loop(0, nq_tile // GQ, per_group, 0)


def kernel(xyz, new_xyz, features):
    b, n, _ = xyz.shape
    m = new_xyz.shape[1]
    c = features.shape[1]
    nw = 32
    nq_tile = (b * m) // nw

    xb = _round_bf16(xyz)
    qb = _round_bf16(new_xyz)
    xx = jnp.sum(xyz * xyz, axis=-1)
    qq = jnp.sum(new_xyz * new_xyz, axis=-1)

    pbx, pby, pbz = xb[..., 0], xb[..., 1], xb[..., 2]
    qmeta = jnp.concatenate(
        [jnp.stack([qb[..., 0], qb[..., 1], qb[..., 2], qq], axis=-1),
         jnp.zeros((b, m, L - 4), jnp.float32)], axis=-1).reshape(b * m * L)
    centers = jnp.concatenate(
        [new_xyz, jnp.zeros((b, m, L - 3), jnp.float32)],
        axis=-1).reshape(b * m * L)
    table = jnp.concatenate(
        [xyz, jnp.transpose(features, (0, 2, 1)),
         jnp.zeros((b, n, ROW - 3 - c), jnp.float32)],
        axis=-1).reshape(b * n, ROW)

    mesh = plsc.VectorSubcoreMesh(core_axis_name="c", subcore_axis_name="s")
    grouped_flat = pl.kernel(
        functools.partial(_sc_body, nq_tile, n, m),
        out_type=jax.ShapeDtypeStruct((b * m * NS, ROW), jnp.float32),
        mesh=mesh,
        scratch_types=[
            pltpu.VMEM((n,), jnp.float32),
            pltpu.VMEM((n,), jnp.float32),
            pltpu.VMEM((n,), jnp.float32),
            pltpu.VMEM((n,), jnp.float32),
            pltpu.VMEM((nq_tile * L,), jnp.float32),
            pltpu.VMEM((nq_tile * L,), jnp.float32),
            pltpu.VMEM((n + L,), jnp.float32),
            pltpu.VMEM((L * D,), jnp.int32),
            pltpu.VMEM((nq_tile * NS,), jnp.int32),
            pltpu.VMEM((GQ * NS, ROW), jnp.float32),
            pltpu.SemaphoreType.DMA,
        ],
        compiler_params=pltpu.CompilerParams(needs_layout_passes=False, use_tc_tiling_on_sc=False),
    )(pbx, pby, pbz, xx, qmeta, centers, table)

    grouped = grouped_flat.reshape(b, m, NS, ROW)
    out = jnp.transpose(grouped, (0, 3, 1, 2))[:, :3 + c]
    return out

# --- scband reference (transcript-rebuilt; emitter-appended) ---
"""Pipeline reference for scband-query-and-group-9242769621778 (READ-ONLY COPY).

The authoritative reference and input builder live on the scoring server;
editing this copy changes nothing except your own understanding.
"""

import jax, jax.numpy as jnp
import numpy as np

NSAMPLE = 32

def setup_inputs(seed: int = 0) -> dict:
    key = jax.random.key(seed)
    k1, k2, k3 = jax.random.split(key, 3)
    xyz = jax.random.normal(k1, (2, 16384, 3), dtype=jnp.float32)
    new_xyz = jax.random.normal(k2, (2, 4096, 3), dtype=jnp.float32)
    features = jax.random.normal(k3, (2, 64, 16384), dtype=jnp.float32)
    return {"xyz": xyz, "new_xyz": new_xyz, "features": features}

def _knn_idx(xyz, new_xyz, nsample):
    # squared euclidean distances: (b, m, n)
    xx = jnp.sum(xyz * xyz, axis=-1)            # (b, n)
    qq = jnp.sum(new_xyz * new_xyz, axis=-1)    # (b, m)
    inner = jnp.einsum('bmd,bnd->bmn', new_xyz, xyz)
    d2 = qq[:, :, None] - 2.0 * inner + xx[:, None, :]
    _, idx = jax.lax.top_k(-d2, nsample)        # smallest distances
    return idx                                   # (b, m, nsample) int32

def reference(xyz, new_xyz, features):
    # QueryAndGroup.forward with radius=None (knn), use_xyz=True
    idx = jax.lax.stop_gradient(_knn_idx(xyz, new_xyz, NSAMPLE))
    xyz_t = jnp.transpose(xyz, (0, 2, 1))        # (b, 3, n)
    # grouping: gather neighbor coords -> (b, 3, m, nsample)
    grouped_xyz = jax.vmap(lambda x, i: x[:, i])(xyz_t, idx)
    grouped_xyz = grouped_xyz - jnp.transpose(new_xyz, (0, 2, 1))[..., None]
    # grouping features: (b, c, n) -> (b, c, m, nsample)
    grouped_features = jax.vmap(lambda f, i: f[:, i])(features, idx)
    new_features = jnp.concatenate([grouped_xyz, grouped_features], axis=1)
    return new_features                          # (b, c+3, m, nsample)

if __name__ == "__main__":
    import jax
    _d = setup_inputs()
    print(jax.jit(kernel)(*tuple(_d.values())))

</pallas_src>

<mosaic_0001>
#map = affine_map<(d0, d1) -> (0, 0)>
#map1 = affine_map<(d0, d1) -> (0)>
module attributes {stable_mosaic.version = 14 : i64} {
  func.func @_sc_body(%arg0: i32, %arg1: i32, %arg2: memref<2x16384xf32, #tpu.memory_space<hbm>>, %arg3: memref<2x16384xf32, #tpu.memory_space<hbm>>, %arg4: memref<2x16384xf32, #tpu.memory_space<hbm>>, %arg5: memref<2x16384xf32, #tpu.memory_space<hbm>>, %arg6: memref<131072xf32, #tpu.memory_space<hbm>>, %arg7: memref<131072xf32, #tpu.memory_space<hbm>>, %arg8: memref<32768x80xf32, #tpu.memory_space<hbm>>, %arg9: memref<262144x80xf32, #tpu.memory_space<hbm>>, %arg10: memref<16384xf32, #tpu.memory_space<vmem>>, %arg11: memref<16384xf32, #tpu.memory_space<vmem>>, %arg12: memref<16384xf32, #tpu.memory_space<vmem>>, %arg13: memref<16384xf32, #tpu.memory_space<vmem>>, %arg14: memref<4096xf32, #tpu.memory_space<vmem>>, %arg15: memref<4096xf32, #tpu.memory_space<vmem>>, %arg16: memref<16400xf32, #tpu.memory_space<vmem>>, %arg17: memref<768xi32, #tpu.memory_space<vmem>>, %arg18: memref<8192xi32, #tpu.memory_space<vmem>>, %arg19: memref<128x80xf32, #tpu.memory_space<vmem>>, %arg20: memref<!tpu.dma_semaphore, #tpu.memory_space<semaphore_mem>>) attributes {dimension_semantics = [#tpu.dimension_semantics<core_parallel>, #tpu.dimension_semantics<subcore_parallel>], iteration_bounds = array<i64: 2, 16>, scalar_prefetch = 0 : i64, scratch_operands = 11 : i64, tpu.core_type = #tpu.core_type<sc_vector_subcore>, window_params = [{transform_indices = #map}, {transform_indices = #map}, {transform_indices = #map}, {transform_indices = #map}, {transform_indices = #map1}, {transform_indices = #map1}, {transform_indices = #map}, {transform_indices = #map}]} {
    %mul3A = arith.constant 2 : i32
    %mul3A_0 = arith.muli %arg1, %mul3A : i32
    %add3A = arith.addi %mul3A_0, %arg0 : i32
    %jit3A = arith.constant 16 : i32
    %div3A = arith.divsi %add3A, %jit3A : i32
    %sign3A = arith.constant 0 : i32
    %sign3A_1 = arith.cmpi sgt, %add3A, %sign3A : i32
    %sign3A_2 = arith.extui %sign3A_1 : i1 to i32
    %sign3A_3 = arith.constant 0 : i32
    %sign3A_4 = arith.cmpi slt, %add3A, %sign3A_3 : i32
    %sign3A_5 = arith.extui %sign3A_4 : i1 to i32
    %sign3A_6 = arith.subi %sign3A_2, %sign3A_5 : i32
    %sign3A_7 = arith.constant 0 : i32
    %sign3A_8 = arith.cmpi sgt, %jit3A, %sign3A_7 : i32
    %sign3A_9 = arith.extui %sign3A_8 : i1 to i32
    %sign3A_10 = arith.constant 0 : i32
    %sign3A_11 = arith.cmpi slt, %jit3A, %sign3A_10 : i32
    %sign3A_12 = arith.extui %sign3A_11 : i1 to i32
    %sign3A_13 = arith.subi %sign3A_9, %sign3A_12 : i32
    %ne3A = arith.cmpi ne, %sign3A_6, %sign3A_13 : i32
    %rem3A = arith.remsi %add3A, %jit3A : i32
    %ne3A_14 = arith.constant 0 : i32
    %ne3A_15 = arith.cmpi ne, %rem3A, %ne3A_14 : i32
    %and3A = arith.andi %ne3A, %ne3A_15 : i1
    %sub3A = arith.constant 1 : i32
    %sub3A_16 = arith.subi %div3A, %sub3A : i32
    %select_n3A = arith.select %and3A, %sub3A_16, %div3A : i32
    %jit3A_17 = arith.constant 16 : i32
    %eq3A = arith.constant 0 : i32
    %eq3A_18 = arith.cmpi eq, %jit3A_17, %eq3A : i32
    %jit3A_19 = arith.constant 1 : i32
    %select_n3A_20 = arith.select %eq3A_18, %jit3A_19, %jit3A_17 : i32
    %rem3A_21 = arith.remsi %add3A, %select_n3A_20 : i32
    %ne3A_22 = arith.constant 0 : i32
    %ne3A_23 = arith.cmpi ne, %rem3A_21, %ne3A_22 : i32
    %lt3A = arith.constant 0 : i32
    %lt3A_24 = arith.cmpi slt, %rem3A_21, %lt3A : i32
    %lt3A_25 = arith.constant 0 : i32
    %lt3A_26 = arith.cmpi slt, %select_n3A_20, %lt3A_25 : i32
    %ne3A_27 = arith.xori %lt3A_24, %lt3A_26 : i1
    %and3A_28 = arith.andi %ne3A_27, %ne3A_23 : i1
    %add3A_29 = arith.addi %rem3A_21, %select_n3A_20 : i32
    %select_n3A_30 = arith.select %and3A_28, %add3A_29, %rem3A_21 : i32
    %mul3A_31 = arith.constant 256 : i32
    %mul3A_32 = arith.muli %select_n3A_30, %mul3A_31 : i32
    %mul3A_33 = arith.constant 4096 : i32
    %mul3A_34 = arith.muli %select_n3A, %mul3A_33 : i32
    %add3A_35 = arith.addi %mul3A_34, %mul3A_32 : i32
    "tpu.region"() ({
      %run_scoped3A = tpu.sem_alloc : memref<!tpu.dma_semaphore, #tpu.memory_space<semaphore_mem>>
      %dma_start3A = arith.constant 0 : i32
      %dma_start3A_159 = tpu.memref_slice %arg2[%select_n3A, %dma_start3A] : memref<2x16384xf32, #tpu.memory_space<hbm>> -> memref<1x16384xf32, #tpu.memory_space<hbm>>
      %dma_start3A_160 = tpu.memref_squeeze %dma_start3A_159 : memref<1x16384xf32, #tpu.memory_space<hbm>> -> memref<16384xf32, #tpu.memory_space<hbm>>
      %dma_start3A_161 = arith.constant 0 : i32
      %dma_start3A_162 = tpu.memref_slice %arg2[%select_n3A, %dma_start3A_161] : memref<2x16384xf32, #tpu.memory_space<hbm>> -> memref<1x16384xf32, #tpu.memory_space<hbm>>
      %dma_start3A_163 = tpu.memref_squeeze %dma_start3A_162 : memref<1x16384xf32, #tpu.memory_space<hbm>> -> memref<16384xf32, #tpu.memory_space<hbm>>
      tpu.enqueue_dma source(%dma_start3A_163 : memref<16384xf32, #tpu.memory_space<hbm>>) target(%arg10 : memref<16384xf32, #tpu.memory_space<vmem>>) target_semaphore(%run_scoped3A : memref<!tpu.dma_semaphore, #tpu.memory_space<semaphore_mem>>)
      %dma_wait3A = arith.constant 0 : i32
      %dma_wait3A_164 = tpu.memref_slice %arg2[%select_n3A, %dma_wait3A] : memref<2x16384xf32, #tpu.memory_space<hbm>> -> memref<1x16384xf32, #tpu.memory_space<hbm>>
      %dma_wait3A_165 = tpu.memref_squeeze %dma_wait3A_164 : memref<1x16384xf32, #tpu.memory_space<hbm>> -> memref<16384xf32, #tpu.memory_space<hbm>>
      %dma_wait3A_166 = arith.constant 0 : i32
      %dma_wait3A_167 = tpu.memref_slice %arg2[%select_n3A, %dma_wait3A_166] : memref<2x16384xf32, #tpu.memory_space<hbm>> -> memref<1x16384xf32, #tpu.memory_space<hbm>>
      %dma_wait3A_168 = tpu.memref_squeeze %dma_wait3A_167 : memref<1x16384xf32, #tpu.memory_space<hbm>> -> memref<16384xf32, #tpu.memory_space<hbm>>
      tpu.wait_dma2 semaphore(%run_scoped3A : memref<!tpu.dma_semaphore, #tpu.memory_space<semaphore_mem>>) src(%dma_wait3A_168 : memref<16384xf32, #tpu.memory_space<hbm>>) dst(%arg10 : memref<16384xf32, #tpu.memory_space<vmem>>)
      tpu.yield
    }) : () -> ()
    "tpu.region"() ({
      %run_scoped3A = tpu.sem_alloc : memref<!tpu.dma_semaphore, #tpu.memory_space<semaphore_mem>>
      %dma_start3A = arith.constant 0 : i32
      %dma_start3A_159 = tpu.memref_slice %arg3[%select_n3A, %dma_start3A] : memref<2x16384xf32, #tpu.memory_space<hbm>> -> memref<1x16384xf32, #tpu.memory_space<hbm>>
      %dma_start3A_160 = tpu.memref_squeeze %dma_start3A_159 : memref<1x16384xf32, #tpu.memory_space<hbm>> -> memref<16384xf32, #tpu.memory_space<hbm>>
      %dma_start3A_161 = arith.constant 0 : i32
      %dma_start3A_162 = tpu.memref_slice %arg3[%select_n3A, %dma_start3A_161] : memref<2x16384xf32, #tpu.memory_space<hbm>> -> memref<1x16384xf32, #tpu.memory_space<hbm>>
      %dma_start3A_163 = tpu.memref_squeeze %dma_start3A_162 : memref<1x16384xf32, #tpu.memory_space<hbm>> -> memref<16384xf32, #tpu.memory_space<hbm>>
      tpu.enqueue_dma source(%dma_start3A_163 : memref<16384xf32, #tpu.memory_space<hbm>>) target(%arg11 : memref<16384xf32, #tpu.memory_space<vmem>>) target_semaphore(%run_scoped3A : memref<!tpu.dma_semaphore, #tpu.memory_space<semaphore_mem>>)
      %dma_wait3A = arith.constant 0 : i32
      %dma_wait3A_164 = tpu.memref_slice %arg3[%select_n3A, %dma_wait3A] : memref<2x16384xf32, #tpu.memory_space<hbm>> -> memref<1x16384xf32, #tpu.memory_space<hbm>>
      %dma_wait3A_165 = tpu.memref_squeeze %dma_wait3A_164 : memref<1x16384xf32, #tpu.memory_space<hbm>> -> memref<16384xf32, #tpu.memory_space<hbm>>
      %dma_wait3A_166 = arith.constant 0 : i32
      %dma_wait3A_167 = tpu.memref_slice %arg3[%select_n3A, %dma_wait3A_166] : memref<2x16384xf32, #tpu.memory_space<hbm>> -> memref<1x16384xf32, #tpu.memory_space<hbm>>
      %dma_wait3A_168 = tpu.memref_squeeze %dma_wait3A_167 : memref<1x16384xf32, #tpu.memory_space<hbm>> -> memref<16384xf32, #tpu.memory_space<hbm>>
      tpu.wait_dma2 semaphore(%run_scoped3A : memref<!tpu.dma_semaphore, #tpu.memory_space<semaphore_mem>>) src(%dma_wait3A_168 : memref<16384xf32, #tpu.memory_space<hbm>>) dst(%arg11 : memref<16384xf32, #tpu.memory_space<vmem>>)
      tpu.yield
    }) : () -> ()
    "tpu.region"() ({
      %run_scoped3A = tpu.sem_alloc : memref<!tpu.dma_semaphore, #tpu.memory_space<semaphore_mem>>
      %dma_start3A = arith.constant 0 : i32
      %dma_start3A_159 = tpu.memref_slice %arg4[%select_n3A, %dma_start3A] : memref<2x16384xf32, #tpu.memory_space<hbm>> -> memref<1x16384xf32, #tpu.memory_space<hbm>>
      %dma_start3A_160 = tpu.memref_squeeze %dma_start3A_159 : memref<1x16384xf32, #tpu.memory_space<hbm>> -> memref<16384xf32, #tpu.memory_space<hbm>>
      %dma_start3A_161 = arith.constant 0 : i32
      %dma_start3A_162 = tpu.memref_slice %arg4[%select_n3A, %dma_start3A_161] : memref<2x16384xf32, #tpu.memory_space<hbm>> -> memref<1x16384xf32, #tpu.memory_space<hbm>>
      %dma_start3A_163 = tpu.memref_squeeze %dma_start3A_162 : memref<1x16384xf32, #tpu.memory_space<hbm>> -> memref<16384xf32, #tpu.memory_space<hbm>>
      tpu.enqueue_dma source(%dma_start3A_163 : memref<16384xf32, #tpu.memory_space<hbm>>) target(%arg12 : memref<16384xf32, #tpu.memory_space<vmem>>) target_semaphore(%run_scoped3A : memref<!tpu.dma_semaphore, #tpu.memory_space<semaphore_mem>>)
      %dma_wait3A = arith.constant 0 : i32
      %dma_wait3A_164 = tpu.memref_slice %arg4[%select_n3A, %dma_wait3A] : memref<2x16384xf32, #tpu.memory_space<hbm>> -> memref<1x16384xf32, #tpu.memory_space<hbm>>
      %dma_wait3A_165 = tpu.memref_squeeze %dma_wait3A_164 : memref<1x16384xf32, #tpu.memory_space<hbm>> -> memref<16384xf32, #tpu.memory_space<hbm>>
      %dma_wait3A_166 = arith.constant 0 : i32
      %dma_wait3A_167 = tpu.memref_slice %arg4[%select_n3A, %dma_wait3A_166] : memref<2x16384xf32, #tpu.memory_space<hbm>> -> memref<1x16384xf32, #tpu.memory_space<hbm>>
      %dma_wait3A_168 = tpu.memref_squeeze %dma_wait3A_167 : memref<1x16384xf32, #tpu.memory_space<hbm>> -> memref<16384xf32, #tpu.memory_space<hbm>>
      tpu.wait_dma2 semaphore(%run_scoped3A : memref<!tpu.dma_semaphore, #tpu.memory_space<semaphore_mem>>) src(%dma_wait3A_168 : memref<16384xf32, #tpu.memory_space<hbm>>) dst(%arg12 : memref<16384xf32, #tpu.memory_space<vmem>>)
      tpu.yield
    }) : () -> ()
    "tpu.region"() ({
      %run_scoped3A = tpu.sem_alloc : memref<!tpu.dma_semaphore, #tpu.memory_space<semaphore_mem>>
      %dma_start3A = arith.constant 0 : i32
      %dma_start3A_159 = tpu.memref_slice %arg5[%select_n3A, %dma_start3A] : memref<2x16384xf32, #tpu.memory_space<hbm>> -> memref<1x16384xf32, #tpu.memory_space<hbm>>
      %dma_start3A_160 = tpu.memref_squeeze %dma_start3A_159 : memref<1x16384xf32, #tpu.memory_space<hbm>> -> memref<16384xf32, #tpu.memory_space<hbm>>
      %dma_start3A_161 = arith.constant 0 : i32
      %dma_start3A_162 = tpu.memref_slice %arg5[%select_n3A, %dma_start3A_161] : memref<2x16384xf32, #tpu.memory_space<hbm>> -> memref<1x16384xf32, #tpu.memory_space<hbm>>
      %dma_start3A_163 = tpu.memref_squeeze %dma_start3A_162 : memref<1x16384xf32, #tpu.memory_space<hbm>> -> memref<16384xf32, #tpu.memory_space<hbm>>
      tpu.enqueue_dma source(%dma_start3A_163 : memref<16384xf32, #tpu.memory_space<hbm>>) target(%arg13 : memref<16384xf32, #tpu.memory_space<vmem>>) target_semaphore(%run_scoped3A : memref<!tpu.dma_semaphore, #tpu.memory_space<semaphore_mem>>)
      %dma_wait3A = arith.constant 0 : i32
      %dma_wait3A_164 = tpu.memref_slice %arg5[%select_n3A, %dma_wait3A] : memref<2x16384xf32, #tpu.memory_space<hbm>> -> memref<1x16384xf32, #tpu.memory_space<hbm>>
      %dma_wait3A_165 = tpu.memref_squeeze %dma_wait3A_164 : memref<1x16384xf32, #tpu.memory_space<hbm>> -> memref<16384xf32, #tpu.memory_space<hbm>>
      %dma_wait3A_166 = arith.constant 0 : i32
      %dma_wait3A_167 = tpu.memref_slice %arg5[%select_n3A, %dma_wait3A_166] : memref<2x16384xf32, #tpu.memory_space<hbm>> -> memref<1x16384xf32, #tpu.memory_space<hbm>>
      %dma_wait3A_168 = tpu.memref_squeeze %dma_wait3A_167 : memref<1x16384xf32, #tpu.memory_space<hbm>> -> memref<16384xf32, #tpu.memory_space<hbm>>
      tpu.wait_dma2 semaphore(%run_scoped3A : memref<!tpu.dma_semaphore, #tpu.memory_space<semaphore_mem>>) src(%dma_wait3A_168 : memref<16384xf32, #tpu.memory_space<hbm>>) dst(%arg13 : memref<16384xf32, #tpu.memory_space<vmem>>)
      tpu.yield
    }) : () -> ()
    %mul3A_36 = arith.constant 16 : i32
    %mul3A_37 = arith.muli %add3A_35, %mul3A_36 : i32
    "tpu.region"() ({
      %run_scoped3A = tpu.sem_alloc : memref<!tpu.dma_semaphore, #tpu.memory_space<semaphore_mem>>
      %dma_start3A = tpu.memref_slice %arg6[%mul3A_37] : memref<131072xf32, #tpu.memory_space<hbm>> -> memref<4096xf32, #tpu.memory_space<hbm>>
      %dma_start3A_159 = tpu.memref_slice %arg6[%mul3A_37] : memref<131072xf32, #tpu.memory_space<hbm>> -> memref<4096xf32, #tpu.memory_space<hbm>>
      tpu.enqueue_dma source(%dma_start3A_159 : memref<4096xf32, #tpu.memory_space<hbm>>) target(%arg14 : memref<4096xf32, #tpu.memory_space<vmem>>) target_semaphore(%run_scoped3A : memref<!tpu.dma_semaphore, #tpu.memory_space<semaphore_mem>>)
      %dma_wait3A = tpu.memref_slice %arg6[%mul3A_37] : memref<131072xf32, #tpu.memory_space<hbm>> -> memref<4096xf32, #tpu.memory_space<hbm>>
      %dma_wait3A_160 = tpu.memref_slice %arg6[%mul3A_37] : memref<131072xf32, #tpu.memory_space<hbm>> -> memref<4096xf32, #tpu.memory_space<hbm>>
      tpu.wait_dma2 semaphore(%run_scoped3A : memref<!tpu.dma_semaphore, #tpu.memory_space<semaphore_mem>>) src(%dma_wait3A_160 : memref<4096xf32, #tpu.memory_space<hbm>>) dst(%arg14 : memref<4096xf32, #tpu.memory_space<vmem>>)
      tpu.yield
    }) : () -> ()
    %mul3A_38 = arith.constant 16 : i32
    %mul3A_39 = arith.muli %add3A_35, %mul3A_38 : i32
    "tpu.region"() ({
      %run_scoped3A = tpu.sem_alloc : memref<!tpu.dma_semaphore, #tpu.memory_space<semaphore_mem>>
      %dma_start3A = tpu.memref_slice %arg7[%mul3A_39] : memref<131072xf32, #tpu.memory_space<hbm>> -> memref<4096xf32, #tpu.memory_space<hbm>>
      %dma_start3A_159 = tpu.memref_slice %arg7[%mul3A_39] : memref<131072xf32, #tpu.memory_space<hbm>> -> memref<4096xf32, #tpu.memory_space<hbm>>
      tpu.enqueue_dma source(%dma_start3A_159 : memref<4096xf32, #tpu.memory_space<hbm>>) target(%arg15 : memref<4096xf32, #tpu.memory_space<vmem>>) target_semaphore(%run_scoped3A : memref<!tpu.dma_semaphore, #tpu.memory_space<semaphore_mem>>)
      %dma_wait3A = tpu.memref_slice %arg7[%mul3A_39] : memref<131072xf32, #tpu.memory_space<hbm>> -> memref<4096xf32, #tpu.memory_space<hbm>>
      %dma_wait3A_160 = tpu.memref_slice %arg7[%mul3A_39] : memref<131072xf32, #tpu.memory_space<hbm>> -> memref<4096xf32, #tpu.memory_space<hbm>>
      tpu.wait_dma2 semaphore(%run_scoped3A : memref<!tpu.dma_semaphore, #tpu.memory_space<semaphore_mem>>) src(%dma_wait3A_160 : memref<4096xf32, #tpu.memory_space<hbm>>) dst(%arg15 : memref<4096xf32, #tpu.memory_space<vmem>>)
      tpu.yield
    }) : () -> ()
    %broadcast_in_dim3A = arith.constant 0x7F800000 : f32
    %broadcast_in_dim3A_40 = vector.broadcast %broadcast_in_dim3A : f32 to vector<16xf32>
    %broadcast_in_dim3A_41 = arith.constant -1 : i32
    %broadcast_in_dim3A_42 = vector.broadcast %broadcast_in_dim3A_41 : i32 to vector<16xi32>
    %broadcast_in_dim3A_43 = arith.constant 16384 : i32
    %broadcast_in_dim3A_44 = vector.broadcast %broadcast_in_dim3A_43 : i32 to vector<16xi32>
    %broadcast_in_dim3A_45 = arith.constant 0 : i32
    %broadcast_in_dim3A_46 = vector.broadcast %broadcast_in_dim3A_45 : i32 to vector<16xi32>
    %broadcast_in_dim3A_47 = arith.constant 1 : i32
    %broadcast_in_dim3A_48 = vector.broadcast %broadcast_in_dim3A_47 : i32 to vector<16xi32>
    %iota3A = tpu.iota {dimensions = array<i32: 0>} : vector<16xi32>
    %swap3A = arith.constant 16384 : index
    %swap3A_49 = tpu.vector_load %arg16[%swap3A] {strides = array<i32>} : memref<16400xf32, #tpu.memory_space<vmem>>, vector<16xf32>,
    tpu.vector_store %arg16[%swap3A], %broadcast_in_dim3A_40 {strides = array<i32>} : memref<16400xf32, #tpu.memory_space<vmem>>, vector<16xf32>,
    %swap3A_50 = arith.constant 0 : index
    %swap3A_51 = tpu.vector_load %arg17[%swap3A_50] {strides = array<i32>} : memref<768xi32, #tpu.memory_space<vmem>>, vector<16xi32>,
    tpu.vector_store %arg17[%swap3A_50], %broadcast_in_dim3A_44 {strides = array<i32>} : memref<768xi32, #tpu.memory_space<vmem>>, vector<16xi32>,
    %swap3A_52 = arith.constant 16 : index
    %swap3A_53 = tpu.vector_load %arg17[%swap3A_52] {strides = array<i32>} : memref<768xi32, #tpu.memory_space<vmem>>, vector<16xi32>,
    tpu.vector_store %arg17[%swap3A_52], %broadcast_in_dim3A_44 {strides = array<i32>} : memref<768xi32, #tpu.memory_space<vmem>>, vector<16xi32>,
    %swap3A_54 = arith.constant 32 : index
    %swap3A_55 = tpu.vector_load %arg17[%swap3A_54] {strides = array<i32>} : memref<768xi32, #tpu.memory_space<vmem>>, vector<16xi32>,
    tpu.vector_store %arg17[%swap3A_54], %broadcast_in_dim3A_44 {strides = array<i32>} : memref<768xi32, #tpu.memory_space<vmem>>, vector<16xi32>,
    %swap3A_56 = arith.constant 48 : index
    %swap3A_57 = tpu.vector_load %arg17[%swap3A_56] {strides = array<i32>} : memref<768xi32, #tpu.memory_space<vmem>>, vector<16xi32>,
    tpu.vector_store %arg17[%swap3A_56], %broadcast_in_dim3A_44 {strides = array<i32>} : memref<768xi32, #tpu.memory_space<vmem>>, vector<16xi32>,
    %swap3A_58 = arith.constant 64 : index
    %swap3A_59 = tpu.vector_load %arg17[%swap3A_58] {strides = array<i32>} : memref<768xi32, #tpu.memory_space<vmem>>, vector<16xi32>,
    tpu.vector_store %arg17[%swap3A_58], %broadcast_in_dim3A_44 {strides = array<i32>} : memref<768xi32, #tpu.memory_space<vmem>>, vector<16xi32>,
    %swap3A_60 = arith.constant 80 : index
    %swap3A_61 = tpu.vector_load %arg17[%swap3A_60] {strides = array<i32>} : memref<768xi32, #tpu.memory_space<vmem>>, vector<16xi32>,
    tpu.vector_store %arg17[%swap3A_60], %broadcast_in_dim3A_44 {strides = array<i32>} : memref<768xi32, #tpu.memory_space<vmem>>, vector<16xi32>,
    %swap3A_62 = arith.constant 96 : index
    %swap3A_63 = tpu.vector_load %arg17[%swap3A_62] {strides = array<i32>} : memref<768xi32, #tpu.memory_space<vmem>>, vector<16xi32>,
    tpu.vector_store %arg17[%swap3A_62], %broadcast_in_dim3A_44 {strides = array<i32>} : memref<768xi32, #tpu.memory_space<vmem>>, vector<16xi32>,
    %swap3A_64 = arith.constant 112 : index
    %swap3A_65 = tpu.vector_load %arg17[%swap3A_64] {strides = array<i32>} : memref<768xi32, #tpu.memory_space<vmem>>, vector<16xi32>,
    tpu.vector_store %arg17[%swap3A_64], %broadcast_in_dim3A_44 {strides = array<i32>} : memref<768xi32, #tpu.memory_space<vmem>>, vector<16xi32>,
    %swap3A_66 = arith.constant 128 : index
    %swap3A_67 = tpu.vector_load %arg17[%swap3A_66] {strides = array<i32>} : memref<768xi32, #tpu.memory_space<vmem>>, vector<16xi32>,
    tpu.vector_store %arg17[%swap3A_66], %broadcast_in_dim3A_44 {strides = array<i32>} : memref<768xi32, #tpu.memory_space<vmem>>, vector<16xi32>,
    %swap3A_68 = arith.constant 144 : index
    %swap3A_69 = tpu.vector_load %arg17[%swap3A_68] {strides = array<i32>} : memref<768xi32, #tpu.memory_space<vmem>>, vector<16xi32>,
    tpu.vector_store %arg17[%swap3A_68], %broadcast_in_dim3A_44 {strides = array<i32>} : memref<768xi32, #tpu.memory_space<vmem>>, vector<16xi32>,
    %swap3A_70 = arith.constant 160 : index
    %swap3A_71 = tpu.vector_load %arg17[%swap3A_70] {strides = array<i32>} : memref<768xi32, #tpu.memory_space<vmem>>, vector<16xi32>,
    tpu.vector_store %arg17[%swap3A_70], %broadcast_in_dim3A_44 {strides = array<i32>} : memref<768xi32, #tpu.memory_space<vmem>>, vector<16xi32>,
    %swap3A_72 = arith.constant 176 : index
    %swap3A_73 = tpu.vector_load %arg17[%swap3A_72] {strides = array<i32>} : memref<768xi32, #tpu.memory_space<vmem>>, vector<16xi32>,
    tpu.vector_store %arg17[%swap3A_72], %broadcast_in_dim3A_44 {strides = array<i32>} : memref<768xi32, #tpu.memory_space<vmem>>, vector<16xi32>,
    %swap3A_74 = arith.constant 192 : index
    %swap3A_75 = tpu.vector_load %arg17[%swap3A_74] {strides = array<i32>} : memref<768xi32, #tpu.memory_space<vmem>>, vector<16xi32>,
    tpu.vector_store %arg17[%swap3A_74], %broadcast_in_dim3A_44 {strides = array<i32>} : memref<768xi32, #tpu.memory_space<vmem>>, vector<16xi32>,
    %swap3A_76 = arith.constant 208 : index
    %swap3A_77 = tpu.vector_load %arg17[%swap3A_76] {strides = array<i32>} : memref<768xi32, #tpu.memory_space<vmem>>, vector<16xi32>,
    tpu.vector_store %arg17[%swap3A_76], %broadcast_in_dim3A_44 {strides = array<i32>} : memref<768xi32, #tpu.memory_space<vmem>>, vector<16xi32>,
    %swap3A_78 = arith.constant 224 : index
    %swap3A_79 = tpu.vector_load %arg17[%swap3A_78] {strides = array<i32>} : memref<768xi32, #tpu.memory_space<vmem>>, vector<16xi32>,
    tpu.vector_store %arg17[%swap3A_78], %broadcast_in_dim3A_44 {strides = array<i32>} : memref<768xi32, #tpu.memory_space<vmem>>, vector<16xi32>,
    %swap3A_80 = arith.constant 240 : index
    %swap3A_81 = tpu.vector_load %arg17[%swap3A_80] {strides = array<i32>} : memref<768xi32, #tpu.memory_space<vmem>>, vector<16xi32>,
    tpu.vector_store %arg17[%swap3A_80], %broadcast_in_dim3A_44 {strides = array<i32>} : memref<768xi32, #tpu.memory_space<vmem>>, vector<16xi32>,
    %swap3A_82 = arith.constant 256 : index
    %swap3A_83 = tpu.vector_load %arg17[%swap3A_82] {strides = array<i32>} : memref<768xi32, #tpu.memory_space<vmem>>, vector<16xi32>,
    tpu.vector_store %arg17[%swap3A_82], %broadcast_in_dim3A_44 {strides = array<i32>} : memref<768xi32, #tpu.memory_space<vmem>>, vector<16xi32>,
    %swap3A_84 = arith.constant 272 : index
    %swap3A_85 = tpu.vector_load %arg17[%swap3A_84] {strides = array<i32>} : memref<768xi32, #tpu.memory_space<vmem>>, vector<16xi32>,
    tpu.vector_store %arg17[%swap3A_84], %broadcast_in_dim3A_44 {strides = array<i32>} : memref<768xi32, #tpu.memory_space<vmem>>, vector<16xi32>,
    %swap3A_86 = arith.constant 288 : index
    %swap3A_87 = tpu.vector_load %arg17[%swap3A_86] {strides = array<i32>} : memref<768xi32, #tpu.memory_space<vmem>>, vector<16xi32>,
    tpu.vector_store %arg17[%swap3A_86], %broadcast_in_dim3A_44 {strides = array<i32>} : memref<768xi32, #tpu.memory_space<vmem>>, vector<16xi32>,
    %swap3A_88 = arith.constant 304 : index
    %swap3A_89 = tpu.vector_load %arg17[%swap3A_88] {strides = array<i32>} : memref<768xi32, #tpu.memory_space<vmem>>, vector<16xi32>,
    tpu.vector_store %arg17[%swap3A_88], %broadcast_in_dim3A_44 {strides = array<i32>} : memref<768xi32, #tpu.memory_space<vmem>>, vector<16xi32>,
    %swap3A_90 = arith.constant 320 : index
    %swap3A_91 = tpu.vector_load %arg17[%swap3A_90] {strides = array<i32>} : memref<768xi32, #tpu.memory_space<vmem>>, vector<16xi32>,
    tpu.vector_store %arg17[%swap3A_90], %broadcast_in_dim3A_44 {strides = array<i32>} : memref<768xi32, #tpu.memory_space<vmem>>, vector<16xi32>,
    %swap3A_92 = arith.constant 336 : index
    %swap3A_93 = tpu.vector_load %arg17[%swap3A_92] {strides = array<i32>} : memref<768xi32, #tpu.memory_space<vmem>>, vector<16xi32>,
    tpu.vector_store %arg17[%swap3A_92], %broadcast_in_dim3A_44 {strides = array<i32>} : memref<768xi32, #tpu.memory_space<vmem>>, vector<16xi32>,
    %swap3A_94 = arith.constant 352 : index
    %swap3A_95 = tpu.vector_load %arg17[%swap3A_94] {strides = array<i32>} : memref<768xi32, #tpu.memory_space<vmem>>, vector<16xi32>,
    tpu.vector_store %arg17[%swap3A_94], %broadcast_in_dim3A_44 {strides = array<i32>} : memref<768xi32, #tpu.memory_space<vmem>>, vector<16xi32>,
    %swap3A_96 = arith.constant 368 : index
    %swap3A_97 = tpu.vector_load %arg17[%swap3A_96] {strides = array<i32>} : memref<768xi32, #tpu.memory_space<vmem>>, vector<16xi32>,
    tpu.vector_store %arg17[%swap3A_96], %broadcast_in_dim3A_44 {strides = array<i32>} : memref<768xi32, #tpu.memory_space<vmem>>, vector<16xi32>,
    %swap3A_98 = arith.constant 384 : index
    %swap3A_99 = tpu.vector_load %arg17[%swap3A_98] {strides = array<i32>} : memref<768xi32, #tpu.memory_space<vmem>>, vector<16xi32>,
    tpu.vector_store %arg17[%swap3A_98], %broadcast_in_dim3A_44 {strides = array<i32>} : memref<768xi32, #tpu.memory_space<vmem>>, vector<16xi32>,
    %swap3A_100 = arith.constant 400 : index
    %swap3A_101 = tpu.vector_load %arg17[%swap3A_100] {strides = array<i32>} : memref<768xi32, #tpu.memory_space<vmem>>, vector<16xi32>,
    tpu.vector_store %arg17[%swap3A_100], %broadcast_in_dim3A_44 {strides = array<i32>} : memref<768xi32, #tpu.memory_space<vmem>>, vector<16xi32>,
    %swap3A_102 = arith.constant 416 : index
    %swap3A_103 = tpu.vector_load %arg17[%swap3A_102] {strides = array<i32>} : memref<768xi32, #tpu.memory_space<vmem>>, vector<16xi32>,
    tpu.vector_store %arg17[%swap3A_102], %broadcast_in_dim3A_44 {strides = array<i32>} : memref<768xi32, #tpu.memory_space<vmem>>, vector<16xi32>,
    %swap3A_104 = arith.constant 432 : index
    %swap3A_105 = tpu.vector_load %arg17[%swap3A_104] {strides = array<i32>} : memref<768xi32, #tpu.memory_space<vmem>>, vector<16xi32>,
    tpu.vector_store %arg17[%swap3A_104], %broadcast_in_dim3A_44 {strides = array<i32>} : memref<768xi32, #tpu.memory_space<vmem>>, vector<16xi32>,
    %swap3A_106 = arith.constant 448 : index
    %swap3A_107 = tpu.vector_load %arg17[%swap3A_106] {strides = array<i32>} : memref<768xi32, #tpu.memory_space<vmem>>, vector<16xi32>,
    tpu.vector_store %arg17[%swap3A_106], %broadcast_in_dim3A_44 {strides = array<i32>} : memref<768xi32, #tpu.memory_space<vmem>>, vector<16xi32>,
    %swap3A_108 = arith.constant 464 : index
    %swap3A_109 = tpu.vector_load %arg17[%swap3A_108] {strides = array<i32>} : memref<768xi32, #tpu.memory_space<vmem>>, vector<16xi32>,
    tpu.vector_store %arg17[%swap3A_108], %broadcast_in_dim3A_44 {strides = array<i32>} : memref<768xi32, #tpu.memory_space<vmem>>, vector<16xi32>,
    %swap3A_110 = arith.constant 480 : index
    %swap3A_111 = tpu.vector_load %arg17[%swap3A_110] {strides = array<i32>} : memref<768xi32, #tpu.memory_space<vmem>>, vector<16xi32>,
    tpu.vector_store %arg17[%swap3A_110], %broadcast_in_dim3A_44 {strides = array<i32>} : memref<768xi32, #tpu.memory_space<vmem>>, vector<16xi32>,
    %swap3A_112 = arith.constant 496 : index
    %swap3A_113 = tpu.vector_load %arg17[%swap3A_112] {strides = array<i32>} : memref<768xi32, #tpu.memory_space<vmem>>, vector<16xi32>,
    tpu.vector_store %arg17[%swap3A_112], %broadcast_in_dim3A_44 {strides = array<i32>} : memref<768xi32, #tpu.memory_space<vmem>>, vector<16xi32>,
    %swap3A_114 = arith.constant 512 : index
    %swap3A_115 = tpu.vector_load %arg17[%swap3A_114] {strides = array<i32>} : memref<768xi32, #tpu.memory_space<vmem>>, vector<16xi32>,
    tpu.vector_store %arg17[%swap3A_114], %broadcast_in_dim3A_44 {strides = array<i32>} : memref<768xi32, #tpu.memory_space<vmem>>, vector<16xi32>,
    %swap3A_116 = arith.constant 528 : index
    %swap3A_117 = tpu.vector_load %arg17[%swap3A_116] {strides = array<i32>} : memref<768xi32, #tpu.memory_space<vmem>>, vector<16xi32>,
    tpu.vector_store %arg17[%swap3A_116], %broadcast_in_dim3A_44 {strides = array<i32>} : memref<768xi32, #tpu.memory_space<vmem>>, vector<16xi32>,
    %swap3A_118 = arith.constant 544 : index
    %swap3A_119 = tpu.vector_load %arg17[%swap3A_118] {strides = array<i32>} : memref<768xi32, #tpu.memory_space<vmem>>, vector<16xi32>,
    tpu.vector_store %arg17[%swap3A_118], %broadcast_in_dim3A_44 {strides = array<i32>} : memref<768xi32, #tpu.memory_space<vmem>>, vector<16xi32>,
    %swap3A_120 = arith.constant 560 : index
    %swap3A_121 = tpu.vector_load %arg17[%swap3A_120] {strides = array<i32>} : memref<768xi32, #tpu.memory_space<vmem>>, vector<16xi32>,
    tpu.vector_store %arg17[%swap3A_120], %broadcast_in_dim3A_44 {strides = array<i32>} : memref<768xi32, #tpu.memory_space<vmem>>, vector<16xi32>,
    %swap3A_122 = arith.constant 576 : index
    %swap3A_123 = tpu.vector_load %arg17[%swap3A_122] {strides = array<i32>} : memref<768xi32, #tpu.memory_space<vmem>>, vector<16xi32>,
    tpu.vector_store %arg17[%swap3A_122], %broadcast_in_dim3A_44 {strides = array<i32>} : memref<768xi32, #tpu.memory_space<vmem>>, vector<16xi32>,
    %swap3A_124 = arith.constant 592 : index
    %swap3A_125 = tpu.vector_load %arg17[%swap3A_124] {strides = array<i32>} : memref<768xi32, #tpu.memory_space<vmem>>, vector<16xi32>,
    tpu.vector_store %arg17[%swap3A_124], %broadcast_in_dim3A_44 {strides = array<i32>} : memref<768xi32, #tpu.memory_space<vmem>>, vector<16xi32>,
    %swap3A_126 = arith.constant 608 : index
    %swap3A_127 = tpu.vector_load %arg17[%swap3A_126] {strides = array<i32>} : memref<768xi32, #tpu.memory_space<vmem>>, vector<16xi32>,
    tpu.vector_store %arg17[%swap3A_126], %broadcast_in_dim3A_44 {strides = array<i32>} : memref<768xi32, #tpu.memory_space<vmem>>, vector<16xi32>,
    %swap3A_128 = arith.constant 624 : index
    %swap3A_129 = tpu.vector_load %arg17[%swap3A_128] {strides = array<i32>} : memref<768xi32, #tpu.memory_space<vmem>>, vector<16xi32>,
    tpu.vector_store %arg17[%swap3A_128], %broadcast_in_dim3A_44 {strides = array<i32>} : memref<768xi32, #tpu.memory_space<vmem>>, vector<16xi32>,
    %swap3A_130 = arith.constant 640 : index
    %swap3A_131 = tpu.vector_load %arg17[%swap3A_130] {strides = array<i32>} : memref<768xi32, #tpu.memory_space<vmem>>, vector<16xi32>,
    tpu.vector_store %arg17[%swap3A_130], %broadcast_in_dim3A_44 {strides = array<i32>} : memref<768xi32, #tpu.memory_space<vmem>>, vector<16xi32>,
    %swap3A_132 = arith.constant 656 : index
    %swap3A_133 = tpu.vector_load %arg17[%swap3A_132] {strides = array<i32>} : memref<768xi32, #tpu.memory_space<vmem>>, vector<16xi32>,
    tpu.vector_store %arg17[%swap3A_132], %broadcast_in_dim3A_44 {strides = array<i32>} : memref<768xi32, #tpu.memory_space<vmem>>, vector<16xi32>,
    %swap3A_134 = arith.constant 672 : index
    %swap3A_135 = tpu.vector_load %arg17[%swap3A_134] {strides = array<i32>} : memref<768xi32, #tpu.memory_space<vmem>>, vector<16xi32>,
    tpu.vector_store %arg17[%swap3A_134], %broadcast_in_dim3A_44 {strides = array<i32>} : memref<768xi32, #tpu.memory_space<vmem>>, vector<16xi32>,
    %swap3A_136 = arith.constant 688 : index
    %swap3A_137 = tpu.vector_load %arg17[%swap3A_136] {strides = array<i32>} : memref<768xi32, #tpu.memory_space<vmem>>, vector<16xi32>,
    tpu.vector_store %arg17[%swap3A_136], %broadcast_in_dim3A_44 {strides = array<i32>} : memref<768xi32, #tpu.memory_space<vmem>>, vector<16xi32>,
    %swap3A_138 = arith.constant 704 : index
    %swap3A_139 = tpu.vector_load %arg17[%swap3A_138] {strides = array<i32>} : memref<768xi32, #tpu.memory_space<vmem>>, vector<16xi32>,
    tpu.vector_store %arg17[%swap3A_138], %broadcast_in_dim3A_44 {strides = array<i32>} : memref<768xi32, #tpu.memory_space<vmem>>, vector<16xi32>,
    %swap3A_140 = arith.constant 720 : index
    %swap3A_141 = tpu.vector_load %arg17[%swap3A_140] {strides = array<i32>} : memref<768xi32, #tpu.memory_space<vmem>>, vector<16xi32>,
    tpu.vector_store %arg17[%swap3A_140], %broadcast_in_dim3A_44 {strides = array<i32>} : memref<768xi32, #tpu.memory_space<vmem>>, vector<16xi32>,
    %swap3A_142 = arith.constant 736 : index
    %swap3A_143 = tpu.vector_load %arg17[%swap3A_142] {strides = array<i32>} : memref<768xi32, #tpu.memory_space<vmem>>, vector<16xi32>,
    tpu.vector_store %arg17[%swap3A_142], %broadcast_in_dim3A_44 {strides = array<i32>} : memref<768xi32, #tpu.memory_space<vmem>>, vector<16xi32>,
    %swap3A_144 = arith.constant 752 : index
    %swap3A_145 = tpu.vector_load %arg17[%swap3A_144] {strides = array<i32>} : memref<768xi32, #tpu.memory_space<vmem>>, vector<16xi32>,
    tpu.vector_store %arg17[%swap3A_144], %broadcast_in_dim3A_44 {strides = array<i32>} : memref<768xi32, #tpu.memory_space<vmem>>, vector<16xi32>,
    %scan3A = arith.constant 0 : i32
    %scan3A_146 = arith.constant 0 : i32
    %scan3A_147 = arith.constant 256 : i32
    %scan3A_148 = arith.addi %scan3A_146, %scan3A_147 : i32
    %scan3A_149 = arith.constant 1 : i32
    %scan3A_150 = scf.for %scan3A_159 = %scan3A_146 to %scan3A_148 step %scan3A_149 iter_args(%scan3A_160 = %scan3A) -> (i32)  : i32 {
      %mul3A_161 = arith.constant 16 : i32
      %mul3A_162 = arith.muli %scan3A_159, %mul3A_161 : i32
      %get3A = arith.index_cast %mul3A_162 : i32 to index
      %get3A_163 = tpu.vector_load %arg14[%get3A] {strides = array<i32>} : memref<4096xf32, #tpu.memory_space<vmem>>, vector<16xf32>,
      %slice3A = vector.extract_strided_slice %get3A_163 {offsets = [0], sizes = [1], strides = [1]} : vector<16xf32> to vector<1xf32>
      %squeeze3A = vector.extract %slice3A[0] : f32 from vector<1xf32>
      %broadcast_in_dim3A_164 = vector.broadcast %squeeze3A : f32 to vector<16xf32>
      %slice3A_165 = vector.extract_strided_slice %get3A_163 {offsets = [1], sizes = [1], strides = [1]} : vector<16xf32> to vector<1xf32>
      %squeeze3A_166 = vector.extract %slice3A_165[0] : f32 from vector<1xf32>
      %broadcast_in_dim3A_167 = vector.broadcast %squeeze3A_166 : f32 to vector<16xf32>
      %slice3A_168 = vector.extract_strided_slice %get3A_163 {offsets = [2], sizes = [1], strides = [1]} : vector<16xf32> to vector<1xf32>
      %squeeze3A_169 = vector.extract %slice3A_168[0] : f32 from vector<1xf32>
      %broadcast_in_dim3A_170 = vector.broadcast %squeeze3A_169 : f32 to vector<16xf32>
      %slice3A_171 = vector.extract_strided_slice %get3A_163 {offsets = [3], sizes = [1], strides = [1]} : vector<16xf32> to vector<1xf32>
      %squeeze3A_172 = vector.extract %slice3A_171[0] : f32 from vector<1xf32>
      %broadcast_in_dim3A_173 = vector.broadcast %squeeze3A_172 : f32 to vector<16xf32>
      %scan3A_174 = arith.constant 0 : i32
      %scan3A_175 = arith.constant 256 : i32
      %scan3A_176 = arith.addi %scan3A_174, %scan3A_175 : i32
      %scan3A_177 = arith.constant 1 : i32
      %scan3A_178:2 = scf.for %scan3A_872 = %scan3A_174 to %scan3A_176 step %scan3A_177 iter_args(%scan3A_873 = %broadcast_in_dim3A_40, %scan3A_874 = %broadcast_in_dim3A_40) -> (vector<16xf32>, vector<16xf32>)  : i32 {
        %mul3A_875 = arith.constant 64 : i32
        %mul3A_876 = arith.muli %scan3A_872, %mul3A_875 : i32
        %add3A_877 = arith.constant 0 : i32
        %add3A_878 = arith.addi %mul3A_876, %add3A_877 : i32
        %get3A_879 = arith.index_cast %add3A_878 : i32 to index
        %get3A_880 = tpu.vector_load %arg10[%get3A_879] {strides = array<i32>} : memref<16384xf32, #tpu.memory_space<vmem>>, vector<16xf32>,
        %get3A_881 = arith.index_cast %add3A_878 : i32 to index
        %get3A_882 = tpu.vector_load %arg11[%get3A_881] {strides = array<i32>} : memref<16384xf32, #tpu.memory_space<vmem>>, vector<16xf32>,
        %get3A_883 = arith.index_cast %add3A_878 : i32 to index
        %get3A_884 = tpu.vector_load %arg12[%get3A_883] {strides = array<i32>} : memref<16384xf32, #tpu.memory_space<vmem>>, vector<16xf32>,
        %get3A_885 = arith.index_cast %add3A_878 : i32 to index
        %get3A_886 = tpu.vector_load %arg13[%get3A_885] {strides = array<i32>} : memref<16384xf32, #tpu.memory_space<vmem>>, vector<16xf32>,
        %mul3A_887 = arith.mulf %broadcast_in_dim3A_164, %get3A_880 : vector<16xf32>
        %mul3A_888 = arith.mulf %broadcast_in_dim3A_167, %get3A_882 : vector<16xf32>
        %add3A_889 = arith.addf %mul3A_887, %mul3A_888 : vector<16xf32>
        %mul3A_890 = arith.mulf %broadcast_in_dim3A_170, %get3A_884 : vector<16xf32>
        %add3A_891 = arith.addf %add3A_889, %mul3A_890 : vector<16xf32>
        %mul3A_892 = arith.constant 2.000000e+00 : f32
        %mul3A_893 = vector.broadcast %mul3A_892 : f32 to vector<16xf32>
        %mul3A_894 = arith.mulf %mul3A_893, %add3A_891 : vector<16xf32>
        %sub3A_895 = arith.subf %broadcast_in_dim3A_173, %mul3A_894 : vector<16xf32>
        %add3A_896 = arith.addf %sub3A_895, %get3A_886 : vector<16xf32>
        %swap3A_897 = arith.index_cast %add3A_878 : i32 to index
        %swap3A_898 = tpu.vector_load %arg16[%swap3A_897] {strides = array<i32>} : memref<16400xf32, #tpu.memory_space<vmem>>, vector<16xf32>,
        tpu.vector_store %arg16[%swap3A_897], %add3A_896 {strides = array<i32>} : memref<16400xf32, #tpu.memory_space<vmem>>, vector<16xf32>,
        %min3A = arith.minimumf %scan3A_873, %add3A_896 : vector<16xf32>
        %max3A = arith.maximumf %scan3A_873, %add3A_896 : vector<16xf32>
        %min3A_899 = arith.minimumf %scan3A_874, %max3A : vector<16xf32>
        %add3A_900 = arith.constant 16 : i32
        %add3A_901 = arith.addi %mul3A_876, %add3A_900 : i32
        %get3A_902 = arith.index_cast %add3A_901 : i32 to index
        %get3A_903 = tpu.vector_load %arg10[%get3A_902] {strides = array<i32>} : memref<16384xf32, #tpu.memory_space<vmem>>, vector<16xf32>,
        %get3A_904 = arith.index_cast %add3A_901 : i32 to index
        %get3A_905 = tpu.vector_load %arg11[%get3A_904] {strides = array<i32>} : memref<16384xf32, #tpu.memory_space<vmem>>, vector<16xf32>,
        %get3A_906 = arith.index_cast %add3A_901 : i32 to index
        %get3A_907 = tpu.vector_load %arg12[%get3A_906] {strides = array<i32>} : memref<16384xf32, #tpu.memory_space<vmem>>, vector<16xf32>,
        %get3A_908 = arith.index_cast %add3A_901 : i32 to index
        %get3A_909 = tpu.vector_load %arg13[%get3A_908] {strides = array<i32>} : memref<16384xf32, #tpu.memory_space<vmem>>, vector<16xf32>,
        %mul3A_910 = arith.mulf %broadcast_in_dim3A_164, %get3A_903 : vector<16xf32>
        %mul3A_911 = arith.mulf %broadcast_in_dim3A_167, %get3A_905 : vector<16xf32>
        %add3A_912 = arith.addf %mul3A_910, %mul3A_911 : vector<16xf32>
        %mul3A_913 = arith.mulf %broadcast_in_dim3A_170, %get3A_907 : vector<16xf32>
        %add3A_914 = arith.addf %add3A_912, %mul3A_913 : vector<16xf32>
        %mul3A_915 = arith.constant 2.000000e+00 : f32
        %mul3A_916 = vector.broadcast %mul3A_915 : f32 to vector<16xf32>
        %mul3A_917 = arith.mulf %mul3A_916, %add3A_914 : vector<16xf32>
        %sub3A_918 = arith.subf %broadcast_in_dim3A_173, %mul3A_917 : vector<16xf32>
        %add3A_919 = arith.addf %sub3A_918, %get3A_909 : vector<16xf32>
        %swap3A_920 = arith.index_cast %add3A_901 : i32 to index
        %swap3A_921 = tpu.vector_load %arg16[%swap3A_920] {strides = array<i32>} : memref<16400xf32, #tpu.memory_space<vmem>>, vector<16xf32>,
        tpu.vector_store %arg16[%swap3A_920], %add3A_919 {strides = array<i32>} : memref<16400xf32, #tpu.memory_space<vmem>>, vector<16xf32>,
        %min3A_922 = arith.minimumf %min3A, %add3A_919 : vector<16xf32>
        %max3A_923 = arith.maximumf %min3A, %add3A_919 : vector<16xf32>
        %min3A_924 = arith.minimumf %min3A_899, %max3A_923 : vector<16xf32>
        %add3A_925 = arith.constant 32 : i32
        %add3A_926 = arith.addi %mul3A_876, %add3A_925 : i32
        %get3A_927 = arith.index_cast %add3A_926 : i32 to index
        %get3A_928 = tpu.vector_load %arg10[%get3A_927] {strides = array<i32>} : memref<16384xf32, #tpu.memory_space<vmem>>, vector<16xf32>,
        %get3A_929 = arith.index_cast %add3A_926 : i32 to index
        %get3A_930 = tpu.vector_load %arg11[%get3A_929] {strides = array<i32>} : memref<16384xf32, #tpu.memory_space<vmem>>, vector<16xf32>,
        %get3A_931 = arith.index_cast %add3A_926 : i32 to index
        %get3A_932 = tpu.vector_load %arg12[%get3A_931] {strides = array<i32>} : memref<16384xf32, #tpu.memory_space<vmem>>, vector<16xf32>,
        %get3A_933 = arith.index_cast %add3A_926 : i32 to index
        %get3A_934 = tpu.vector_load %arg13[%get3A_933] {strides = array<i32>} : memref<16384xf32, #tpu.memory_space<vmem>>, vector<16xf32>,
        %mul3A_935 = arith.mulf %broadcast_in_dim3A_164, %get3A_928 : vector<16xf32>
        %mul3A_936 = arith.mulf %broadcast_in_dim3A_167, %get3A_930 : vector<16xf32>
        %add3A_937 = arith.addf %mul3A_935, %mul3A_936 : vector<16xf32>
        %mul3A_938 = arith.mulf %broadcast_in_dim3A_170, %get3A_932 : vector<16xf32>
        %add3A_939 = arith.addf %add3A_937, %mul3A_938 : vector<16xf32>
        %mul3A_940 = arith.constant 2.000000e+00 : f32
        %mul3A_941 = vector.broadcast %mul3A_940 : f32 to vector<16xf32>
        %mul3A_942 = arith.mulf %mul3A_941, %add3A_939 : vector<16xf32>
        %sub3A_943 = arith.subf %broadcast_in_dim3A_173, %mul3A_942 : vector<16xf32>
        %add3A_944 = arith.addf %sub3A_943, %get3A_934 : vector<16xf32>
        %swap3A_945 = arith.index_cast %add3A_926 : i32 to index
        %swap3A_946 = tpu.vector_load %arg16[%swap3A_945] {strides = array<i32>} : memref<16400xf32, #tpu.memory_space<vmem>>, vector<16xf32>,
        tpu.vector_store %arg16[%swap3A_945], %add3A_944 {strides = array<i32>} : memref<16400xf32, #tpu.memory_space<vmem>>, vector<16xf32>,
        %min3A_947 = arith.minimumf %min3A_922, %add3A_944 : vector<16xf32>
        %max3A_948 = arith.maximumf %min3A_922, %add3A_944 : vector<16xf32>
        %min3A_949 = arith.minimumf %min3A_924, %max3A_948 : vector<16xf32>
        %add3A_950 = arith.constant 48 : i32
        %add3A_951 = arith.addi %mul3A_876, %add3A_950 : i32
        %get3A_952 = arith.index_cast %add3A_951 : i32 to index
        %get3A_953 = tpu.vector_load %arg10[%get3A_952] {strides = array<i32>} : memref<16384xf32, #tpu.memory_space<vmem>>, vector<16xf32>,
        %get3A_954 = arith.index_cast %add3A_951 : i32 to index
        %get3A_955 = tpu.vector_load %arg11[%get3A_954] {strides = array<i32>} : memref<16384xf32, #tpu.memory_space<vmem>>, vector<16xf32>,
        %get3A_956 = arith.index_cast %add3A_951 : i32 to index
        %get3A_957 = tpu.vector_load %arg12[%get3A_956] {strides = array<i32>} : memref<16384xf32, #tpu.memory_space<vmem>>, vector<16xf32>,
        %get3A_958 = arith.index_cast %add3A_951 : i32 to index
        %get3A_959 = tpu.vector_load %arg13[%get3A_958] {strides = array<i32>} : memref<16384xf32, #tpu.memory_space<vmem>>, vector<16xf32>,
        %mul3A_960 = arith.mulf %broadcast_in_dim3A_164, %get3A_953 : vector<16xf32>
        %mul3A_961 = arith.mulf %broadcast_in_dim3A_167, %get3A_955 : vector<16xf32>
        %add3A_962 = arith.addf %mul3A_960, %mul3A_961 : vector<16xf32>
        %mul3A_963 = arith.mulf %broadcast_in_dim3A_170, %get3A_957 : vector<16xf32>
        %add3A_964 = arith.addf %add3A_962, %mul3A_963 : vector<16xf32>
        %mul3A_965 = arith.constant 2.000000e+00 : f32
        %mul3A_966 = vector.broadcast %mul3A_965 : f32 to vector<16xf32>
        %mul3A_967 = arith.mulf %mul3A_966, %add3A_964 : vector<16xf32>
        %sub3A_968 = arith.subf %broadcast_in_dim3A_173, %mul3A_967 : vector<16xf32>
        %add3A_969 = arith.addf %sub3A_968, %get3A_959 : vector<16xf32>
        %swap3A_970 = arith.index_cast %add3A_951 : i32 to index
        %swap3A_971 = tpu.vector_load %arg16[%swap3A_970] {strides = array<i32>} : memref<16400xf32, #tpu.memory_space<vmem>>, vector<16xf32>,
        tpu.vector_store %arg16[%swap3A_970], %add3A_969 {strides = array<i32>} : memref<16400xf32, #tpu.memory_space<vmem>>, vector<16xf32>,
        %min3A_972 = arith.minimumf %min3A_947, %add3A_969 : vector<16xf32>
        %max3A_973 = arith.maximumf %min3A_947, %add3A_969 : vector<16xf32>
        %min3A_974 = arith.minimumf %min3A_949, %max3A_973 : vector<16xf32>
        scf.yield %min3A_972, %min3A_974 : vector<16xf32>, vector<16xf32>
      }
      %scan3A_179 = arith.constant 256 : i32
      %reduce_max3A = arith.constant true
      %reduce_max3A_180 = vector.broadcast %reduce_max3A : i1 to vector<16xi1>
      %reduce_max3A_181 = tpu.scan <max>, %scan3A_178#1 masked %reduce_max3A_180 : vector<16xf32>, vector<16xi1> -> vector<16xf32>
      %reduce_max3A_182 = vector.extract %reduce_max3A_181[15] : f32 from vector<16xf32>
      %broadcast_in_dim3A_183 = vector.broadcast %reduce_max3A_182 : f32 to vector<16xf32>
      %scan3A_184 = arith.constant 0 : i32
      %scan3A_185 = arith.constant 32 : i32
      %scan3A_186 = arith.addi %scan3A_184, %scan3A_185 : i32
      %scan3A_187 = arith.constant 1 : i32
      %scan3A_188:5 = scf.for %scan3A_872 = %scan3A_184 to %scan3A_186 step %scan3A_187 iter_args(%scan3A_873 = %broadcast_in_dim3A_40, %scan3A_874 = %broadcast_in_dim3A_42, %scan3A_875 = %broadcast_in_dim3A_40, %scan3A_876 = %broadcast_in_dim3A_42, %scan3A_877 = %broadcast_in_dim3A_46) -> (vector<16xf32>, vector<16xi32>, vector<16xf32>, vector<16xi32>, vector<16xi32>)  : i32 {
        %mul3A_878 = arith.constant 8 : i32
        %mul3A_879 = arith.muli %scan3A_872, %mul3A_878 : i32
        %mul3A_880 = arith.constant 8 : i32
        %mul3A_881 = arith.muli %scan3A_872, %mul3A_880 : i32
        %add3A_882 = arith.constant 8 : i32
        %add3A_883 = arith.addi %mul3A_881, %add3A_882 : i32
        %while3A_884 = arith.subi %add3A_883, %mul3A_879 : i32
        %while3A_885 = arith.addi %mul3A_879, %while3A_884 : i32
        %while3A_886 = arith.constant 1 : i32
        %while3A_887 = arith.divsi %while3A_884, %while3A_886 : i32
        %while3A_888 = arith.muli %while3A_887, %while3A_886 : i32
        %while3A_889 = arith.addi %mul3A_879, %while3A_888 : i32
        %while3A_890 = arith.constant 1 : i32
        %while3A_891 = scf.for %while3A_905 = %mul3A_879 to %while3A_889 step %while3A_890 iter_args(%while3A_906 = %scan3A_877) -> (vector<16xi32>)  : i32 {
          %mul3A_907 = arith.constant 64 : i32
          %mul3A_908 = arith.muli %while3A_905, %mul3A_907 : i32
          %add3A_909 = arith.constant 0 : i32
          %add3A_910 = arith.addi %mul3A_908, %add3A_909 : i32
          %get3A_911 = arith.index_cast %add3A_910 : i32 to index
          %get3A_912 = tpu.vector_load %arg16[%get3A_911] {strides = array<i32>} : memref<16400xf32, #tpu.memory_space<vmem>>, vector<16xf32>,
          %le3A = arith.cmpf ole, %get3A_912, %broadcast_in_dim3A_183 : vector<16xf32>
          %broadcast_in_dim3A_913 = vector.broadcast %add3A_910 : i32 to vector<16xi32>
          %add3A_914 = arith.addi %iota3A, %broadcast_in_dim3A_913 : vector<16xi32>
          %shift_left3A = arith.constant 4 : i32
          %shift_left3A_915 = vector.broadcast %shift_left3A : i32 to vector<16xi32>
          %shift_left3A_916 = arith.shli %while3A_906, %shift_left3A_915 : vector<16xi32>
          %or3A_917 = arith.ori %shift_left3A_916, %iota3A : vector<16xi32>
          tpu.vector_store_idx %arg17[%or3A_917], %add3A_914 masked %le3A : memref<768xi32, #tpu.memory_space<vmem>>[vector<16xi32>], vector<16xi32>, vector<16xi1>
          %select_n3A_918 = arith.select %le3A, %broadcast_in_dim3A_48, %broadcast_in_dim3A_46 : vector<16xi1>, vector<16xi32>
          %add3A_919 = arith.addi %while3A_906, %select_n3A_918 : vector<16xi32>
          %add3A_920 = arith.constant 16 : i32
          %add3A_921 = arith.addi %mul3A_908, %add3A_920 : i32
          %get3A_922 = arith.index_cast %add3A_921 : i32 to index
          %get3A_923 = tpu.vector_load %arg16[%get3A_922] {strides = array<i32>} : memref<16400xf32, #tpu.memory_space<vmem>>, vector<16xf32>,
          %le3A_924 = arith.cmpf ole, %get3A_923, %broadcast_in_dim3A_183 : vector<16xf32>
          %broadcast_in_dim3A_925 = vector.broadcast %add3A_921 : i32 to vector<16xi32>
          %add3A_926 = arith.addi %iota3A, %broadcast_in_dim3A_925 : vector<16xi32>
          %shift_left3A_927 = arith.constant 4 : i32
          %shift_left3A_928 = vector.broadcast %shift_left3A_927 : i32 to vector<16xi32>
          %shift_left3A_929 = arith.shli %add3A_919, %shift_left3A_928 : vector<16xi32>
          %or3A_930 = arith.ori %shift_left3A_929, %iota3A : vector<16xi32>
          tpu.vector_store_idx %arg17[%or3A_930], %add3A_926 masked %le3A_924 : memref<768xi32, #tpu.memory_space<vmem>>[vector<16xi32>], vector<16xi32>, vector<16xi1>
          %select_n3A_931 = arith.select %le3A_924, %broadcast_in_dim3A_48, %broadcast_in_dim3A_46 : vector<16xi1>, vector<16xi32>
          %add3A_932 = arith.addi %add3A_919, %select_n3A_931 : vector<16xi32>
          %add3A_933 = arith.constant 32 : i32
          %add3A_934 = arith.addi %mul3A_908, %add3A_933 : i32
          %get3A_935 = arith.index_cast %add3A_934 : i32 to index
          %get3A_936 = tpu.vector_load %arg16[%get3A_935] {strides = array<i32>} : memref<16400xf32, #tpu.memory_space<vmem>>, vector<16xf32>,
          %le3A_937 = arith.cmpf ole, %get3A_936, %broadcast_in_dim3A_183 : vector<16xf32>
          %broadcast_in_dim3A_938 = vector.broadcast %add3A_934 : i32 to vector<16xi32>
          %add3A_939 = arith.addi %iota3A, %broadcast_in_dim3A_938 : vector<16xi32>
          %shift_left3A_940 = arith.constant 4 : i32
          %shift_left3A_941 = vector.broadcast %shift_left3A_940 : i32 to vector<16xi32>
          %shift_left3A_942 = arith.shli %add3A_932, %shift_left3A_941 : vector<16xi32>
          %or3A_943 = arith.ori %shift_left3A_942, %iota3A : vector<16xi32>
          tpu.vector_store_idx %arg17[%or3A_943], %add3A_939 masked %le3A_937 : memref<768xi32, #tpu.memory_space<vmem>>[vector<16xi32>], vector<16xi32>, vector<16xi1>
          %select_n3A_944 = arith.select %le3A_937, %broadcast_in_dim3A_48, %broadcast_in_dim3A_46 : vector<16xi1>, vector<16xi32>
          %add3A_945 = arith.addi %add3A_932, %select_n3A_944 : vector<16xi32>
          %add3A_946 = arith.constant 48 : i32
          %add3A_947 = arith.addi %mul3A_908, %add3A_946 : i32
          %get3A_948 = arith.index_cast %add3A_947 : i32 to index
          %get3A_949 = tpu.vector_load %arg16[%get3A_948] {strides = array<i32>} : memref<16400xf32, #tpu.memory_space<vmem>>, vector<16xf32>,
          %le3A_950 = arith.cmpf ole, %get3A_949, %broadcast_in_dim3A_183 : vector<16xf32>
          %broadcast_in_dim3A_951 = vector.broadcast %add3A_947 : i32 to vector<16xi32>
          %add3A_952 = arith.addi %iota3A, %broadcast_in_dim3A_951 : vector<16xi32>
          %shift_left3A_953 = arith.constant 4 : i32
          %shift_left3A_954 = vector.broadcast %shift_left3A_953 : i32 to vector<16xi32>
          %shift_left3A_955 = arith.shli %add3A_945, %shift_left3A_954 : vector<16xi32>
          %or3A_956 = arith.ori %shift_left3A_955, %iota3A : vector<16xi32>
          tpu.vector_store_idx %arg17[%or3A_956], %add3A_952 masked %le3A_950 : memref<768xi32, #tpu.memory_space<vmem>>[vector<16xi32>], vector<16xi32>, vector<16xi1>
          %select_n3A_957 = arith.select %le3A_950, %broadcast_in_dim3A_48, %broadcast_in_dim3A_46 : vector<16xi1>, vector<16xi32>
          %add3A_958 = arith.addi %add3A_945, %select_n3A_957 : vector<16xi32>
          scf.yield %add3A_958 : vector<16xi32>
        }
        %while3A_892 = arith.constant 1 : i32
        %while3A_893 = scf.for %while3A_905 = %while3A_889 to %while3A_885 step %while3A_892 iter_args(%while3A_906 = %while3A_891) -> (vector<16xi32>)  : i32 {
          %mul3A_907 = arith.constant 64 : i32
          %mul3A_908 = arith.muli %while3A_905, %mul3A_907 : i32
          %add3A_909 = arith.constant 0 : i32
          %add3A_910 = arith.addi %mul3A_908, %add3A_909 : i32
          %get3A_911 = arith.index_cast %add3A_910 : i32 to index
          %get3A_912 = tpu.vector_load %arg16[%get3A_911] {strides = array<i32>} : memref<16400xf32, #tpu.memory_space<vmem>>, vector<16xf32>,
          %le3A = arith.cmpf ole, %get3A_912, %broadcast_in_dim3A_183 : vector<16xf32>
          %broadcast_in_dim3A_913 = vector.broadcast %add3A_910 : i32 to vector<16xi32>
          %add3A_914 = arith.addi %iota3A, %broadcast_in_dim3A_913 : vector<16xi32>
          %shift_left3A = arith.constant 4 : i32
          %shift_left3A_915 = vector.broadcast %shift_left3A : i32 to vector<16xi32>
          %shift_left3A_916 = arith.shli %while3A_906, %shift_left3A_915 : vector<16xi32>
          %or3A_917 = arith.ori %shift_left3A_916, %iota3A : vector<16xi32>
          tpu.vector_store_idx %arg17[%or3A_917], %add3A_914 masked %le3A : memref<768xi32, #tpu.memory_space<vmem>>[vector<16xi32>], vector<16xi32>, vector<16xi1>
          %select_n3A_918 = arith.select %le3A, %broadcast_in_dim3A_48, %broadcast_in_dim3A_46 : vector<16xi1>, vector<16xi32>
          %add3A_919 = arith.addi %while3A_906, %select_n3A_918 : vector<16xi32>
          %add3A_920 = arith.constant 16 : i32
          %add3A_921 = arith.addi %mul3A_908, %add3A_920 : i32
          %get3A_922 = arith.index_cast %add3A_921 : i32 to index
          %get3A_923 = tpu.vector_load %arg16[%get3A_922] {strides = array<i32>} : memref<16400xf32, #tpu.memory_space<vmem>>, vector<16xf32>,
          %le3A_924 = arith.cmpf ole, %get3A_923, %broadcast_in_dim3A_183 : vector<16xf32>
          %broadcast_in_dim3A_925 = vector.broadcast %add3A_921 : i32 to vector<16xi32>
          %add3A_926 = arith.addi %iota3A, %broadcast_in_dim3A_925 : vector<16xi32>
          %shift_left3A_927 = arith.constant 4 : i32
          %shift_left3A_928 = vector.broadcast %shift_left3A_927 : i32 to vector<16xi32>
          %shift_left3A_929 = arith.shli %add3A_919, %shift_left3A_928 : vector<16xi32>
          %or3A_930 = arith.ori %shift_left3A_929, %iota3A : vector<16xi32>
          tpu.vector_store_idx %arg17[%or3A_930], %add3A_926 masked %le3A_924 : memref<768xi32, #tpu.memory_space<vmem>>[vector<16xi32>], vector<16xi32>, vector<16xi1>
          %select_n3A_931 = arith.select %le3A_924, %broadcast_in_dim3A_48, %broadcast_in_dim3A_46 : vector<16xi1>, vector<16xi32>
          %add3A_932 = arith.addi %add3A_919, %select_n3A_931 : vector<16xi32>
          %add3A_933 = arith.constant 32 : i32
          %add3A_934 = arith.addi %mul3A_908, %add3A_933 : i32
          %get3A_935 = arith.index_cast %add3A_934 : i32 to index
          %get3A_936 = tpu.vector_load %arg16[%get3A_935] {strides = array<i32>} : memref<16400xf32, #tpu.memory_space<vmem>>, vector<16xf32>,
          %le3A_937 = arith.cmpf ole, %get3A_936, %broadcast_in_dim3A_183 : vector<16xf32>
          %broadcast_in_dim3A_938 = vector.broadcast %add3A_934 : i32 to vector<16xi32>
          %add3A_939 = arith.addi %iota3A, %broadcast_in_dim3A_938 : vector<16xi32>
          %shift_left3A_940 = arith.constant 4 : i32
          %shift_left3A_941 = vector.broadcast %shift_left3A_940 : i32 to vector<16xi32>
          %shift_left3A_942 = arith.shli %add3A_932, %shift_left3A_941 : vector<16xi32>
          %or3A_943 = arith.ori %shift_left3A_942, %iota3A : vector<16xi32>
          tpu.vector_store_idx %arg17[%or3A_943], %add3A_939 masked %le3A_937 : memref<768xi32, #tpu.memory_space<vmem>>[vector<16xi32>], vector<16xi32>, vector<16xi1>
          %select_n3A_944 = arith.select %le3A_937, %broadcast_in_dim3A_48, %broadcast_in_dim3A_46 : vector<16xi1>, vector<16xi32>
          %add3A_945 = arith.addi %add3A_932, %select_n3A_944 : vector<16xi32>
          %add3A_946 = arith.constant 48 : i32
          %add3A_947 = arith.addi %mul3A_908, %add3A_946 : i32
          %get3A_948 = arith.index_cast %add3A_947 : i32 to index
          %get3A_949 = tpu.vector_load %arg16[%get3A_948] {strides = array<i32>} : memref<16400xf32, #tpu.memory_space<vmem>>, vector<16xf32>,
          %le3A_950 = arith.cmpf ole, %get3A_949, %broadcast_in_dim3A_183 : vector<16xf32>
          %broadcast_in_dim3A_951 = vector.broadcast %add3A_947 : i32 to vector<16xi32>
          %add3A_952 = arith.addi %iota3A, %broadcast_in_dim3A_951 : vector<16xi32>
          %shift_left3A_953 = arith.constant 4 : i32
          %shift_left3A_954 = vector.broadcast %shift_left3A_953 : i32 to vector<16xi32>
          %shift_left3A_955 = arith.shli %add3A_945, %shift_left3A_954 : vector<16xi32>
          %or3A_956 = arith.ori %shift_left3A_955, %iota3A : vector<16xi32>
          tpu.vector_store_idx %arg17[%or3A_956], %add3A_952 masked %le3A_950 : memref<768xi32, #tpu.memory_space<vmem>>[vector<16xi32>], vector<16xi32>, vector<16xi1>
          %select_n3A_957 = arith.select %le3A_950, %broadcast_in_dim3A_48, %broadcast_in_dim3A_46 : vector<16xi1>, vector<16xi32>
          %add3A_958 = arith.addi %add3A_945, %select_n3A_957 : vector<16xi32>
          scf.yield %add3A_958 : vector<16xi32>
        }
        %reduce_max3A_894 = arith.constant true
        %reduce_max3A_895 = vector.broadcast %reduce_max3A_894 : i1 to vector<16xi1>
        %reduce_max3A_896 = arith.constant -2147483648 : i32
        %reduce_max3A_897 = vector.broadcast %reduce_max3A_896 : i32 to vector<16xi32>
        %reduce_max3A_898 = arith.xori %while3A_893, %reduce_max3A_897 : vector<16xi32>
        %reduce_max3A_899 = tpu.scan <max>, %reduce_max3A_898 masked %reduce_max3A_895 : vector<16xi32>, vector<16xi1> -> vector<16xi32>
        %reduce_max3A_900 = arith.xori %reduce_max3A_899, %reduce_max3A_897 : vector<16xi32>
        %reduce_max3A_901 = vector.extract %reduce_max3A_900[15] : i32 from vector<16xi32>
        %ge3A = arith.constant 16 : i32
        %ge3A_902 = arith.cmpi sge, %reduce_max3A_901, %ge3A : i32
        %convert_element_type3A = arith.extui %ge3A_902 : i1 to i32
        %cond3A = arith.constant 0 : i32
        %cond3A_903 = arith.cmpi ne, %convert_element_type3A, %cond3A : i32
        %cond3A_904:5 = scf.if %cond3A_903 -> (vector<16xf32>, vector<16xi32>, vector<16xf32>, vector<16xi32>, vector<16xi32>) {
          %while3A_905 = arith.constant 0 : i32
          %while3A_906 = arith.subi %reduce_max3A_901, %while3A_905 : i32
          %while3A_907 = arith.addi %while3A_905, %while3A_906 : i32
          %while3A_908 = arith.constant 1 : i32
          %while3A_909 = arith.divsi %while3A_906, %while3A_908 : i32
          %while3A_910 = arith.muli %while3A_909, %while3A_908 : i32
          %while3A_911 = arith.addi %while3A_905, %while3A_910 : i32
          %while3A_912 = arith.constant 1 : i32
          %while3A_913:4 = scf.for %while3A_916 = %while3A_905 to %while3A_911 step %while3A_912 iter_args(%while3A_917 = %scan3A_873, %while3A_918 = %scan3A_874, %while3A_919 = %scan3A_875, %while3A_920 = %scan3A_876) -> (vector<16xf32>, vector<16xi32>, vector<16xf32>, vector<16xi32>)  : i32 {
            %mul3A_921 = arith.constant 16 : i32
            %mul3A_922 = arith.muli %while3A_916, %mul3A_921 : i32
            %get3A_923 = arith.index_cast %mul3A_922 : i32 to index
            %get3A_924 = tpu.vector_load %arg17[%get3A_923] {strides = array<i32>} : memref<768xi32, #tpu.memory_space<vmem>>, vector<16xi32>,
            %gather3A = tpu.vector_load_idx %arg16[%get3A_924] : memref<16400xf32, #tpu.memory_space<vmem>>[vector<16xi32>], vector<16xf32>,
            %masked_sort3A = arith.constant dense<true> : vector<16xi1>
            %masked_sort3A_925, %masked_sort3A_926, %masked_sort3A_927 = tpu.sort %gather3A, %get3A_924 masked %masked_sort3A : (vector<16xf32>, vector<16xi32>, vector<16xi1>) -> (vector<16xi1>, vector<16xf32>, vector<16xi32>)
            %rev3A = arith.constant 15 : i32
            %rev3A_928 = vector.broadcast %rev3A : i32 to vector<16xi32>
            %rev3A_929 = tpu.iota {dimensions = array<i32: 0>} : vector<16xi32>
            %rev3A_930 = arith.subi %rev3A_928, %rev3A_929 : vector<16xi32>
            %rev3A_931 = tpu.dynamic_gather %masked_sort3A_926[%rev3A_930] in [0] : vector<16xf32>, vector<16xi32> -> vector<16xf32>
            %rev3A_932 = arith.constant 15 : i32
            %rev3A_933 = vector.broadcast %rev3A_932 : i32 to vector<16xi32>
            %rev3A_934 = tpu.iota {dimensions = array<i32: 0>} : vector<16xi32>
            %rev3A_935 = arith.subi %rev3A_933, %rev3A_934 : vector<16xi32>
            %rev3A_936 = tpu.dynamic_gather %masked_sort3A_927[%rev3A_935] in [0] : vector<16xi32>, vector<16xi32> -> vector<16xi32>
            %lt3A_937 = arith.cmpf olt, %while3A_917, %rev3A_931 : vector<16xf32>
            %eq3A_938 = arith.cmpf oeq, %while3A_917, %rev3A_931 : vector<16xf32>
            %le3A = arith.cmpi sle, %while3A_918, %rev3A_936 : vector<16xi32>
            %and3A_939 = arith.andi %eq3A_938, %le3A : vector<16xi1>
            %or3A_940 = arith.ori %lt3A_937, %and3A_939 : vector<16xi1>
            %select_n3A_941 = arith.select %or3A_940, %while3A_917, %rev3A_931 : vector<16xi1>, vector<16xf32>
            %select_n3A_942 = arith.select %or3A_940, %while3A_918, %rev3A_936 : vector<16xi1>, vector<16xi32>
            %select_n3A_943 = arith.select %or3A_940, %rev3A_931, %while3A_917 : vector<16xi1>, vector<16xf32>
            %select_n3A_944 = arith.select %or3A_940, %rev3A_936, %while3A_918 : vector<16xi1>, vector<16xi32>
            %masked_sort3A_945 = arith.constant dense<true> : vector<16xi1>
            %masked_sort3A_946, %masked_sort3A_947, %masked_sort3A_948 = tpu.sort %select_n3A_941, %select_n3A_942 masked %masked_sort3A_945 : (vector<16xf32>, vector<16xi32>, vector<16xi1>) -> (vector<16xi1>, vector<16xf32>, vector<16xi32>)
            %masked_sort3A_949 = arith.constant dense<true> : vector<16xi1>
            %masked_sort3A_950, %masked_sort3A_951, %masked_sort3A_952 = tpu.sort %select_n3A_943, %select_n3A_944 masked %masked_sort3A_949 : (vector<16xf32>, vector<16xi32>, vector<16xi1>) -> (vector<16xi1>, vector<16xf32>, vector<16xi32>)
            %rev3A_953 = arith.constant 15 : i32
            %rev3A_954 = vector.broadcast %rev3A_953 : i32 to vector<16xi32>
            %rev3A_955 = tpu.iota {dimensions = array<i32: 0>} : vector<16xi32>
            %rev3A_956 = arith.subi %rev3A_954, %rev3A_955 : vector<16xi32>
            %rev3A_957 = tpu.dynamic_gather %while3A_919[%rev3A_956] in [0] : vector<16xf32>, vector<16xi32> -> vector<16xf32>
            %rev3A_958 = arith.constant 15 : i32
            %rev3A_959 = vector.broadcast %rev3A_958 : i32 to vector<16xi32>
            %rev3A_960 = tpu.iota {dimensions = array<i32: 0>} : vector<16xi32>
            %rev3A_961 = arith.subi %rev3A_959, %rev3A_960 : vector<16xi32>
            %rev3A_962 = tpu.dynamic_gather %while3A_920[%rev3A_961] in [0] : vector<16xi32>, vector<16xi32> -> vector<16xi32>
            %lt3A_963 = arith.cmpf olt, %masked_sort3A_951, %rev3A_957 : vector<16xf32>
            %eq3A_964 = arith.cmpf oeq, %masked_sort3A_951, %rev3A_957 : vector<16xf32>
            %le3A_965 = arith.cmpi sle, %masked_sort3A_952, %rev3A_962 : vector<16xi32>
            %and3A_966 = arith.andi %eq3A_964, %le3A_965 : vector<16xi1>
            %or3A_967 = arith.ori %lt3A_963, %and3A_966 : vector<16xi1>
            %select_n3A_968 = arith.select %or3A_967, %masked_sort3A_951, %rev3A_957 : vector<16xi1>, vector<16xf32>
            %select_n3A_969 = arith.select %or3A_967, %masked_sort3A_952, %rev3A_962 : vector<16xi1>, vector<16xi32>
            %select_n3A_970 = arith.select %or3A_967, %rev3A_957, %masked_sort3A_951 : vector<16xi1>, vector<16xf32>
            %select_n3A_971 = arith.select %or3A_967, %rev3A_962, %masked_sort3A_952 : vector<16xi1>, vector<16xi32>
            %masked_sort3A_972 = arith.constant dense<true> : vector<16xi1>
            %masked_sort3A_973, %masked_sort3A_974, %masked_sort3A_975 = tpu.sort %select_n3A_968, %select_n3A_969 masked %masked_sort3A_972 : (vector<16xf32>, vector<16xi32>, vector<16xi1>) -> (vector<16xi1>, vector<16xf32>, vector<16xi32>)
            %masked_sort3A_976 = arith.constant dense<true> : vector<16xi1>
            %masked_sort3A_977, %masked_sort3A_978, %masked_sort3A_979 = tpu.sort %select_n3A_970, %select_n3A_971 masked %masked_sort3A_976 : (vector<16xf32>, vector<16xi32>, vector<16xi1>) -> (vector<16xi1>, vector<16xf32>, vector<16xi32>)
            %mul3A_980 = arith.constant 16 : i32
            %mul3A_981 = arith.muli %while3A_916, %mul3A_980 : i32
            %swap3A_982 = arith.index_cast %mul3A_981 : i32 to index
            %swap3A_983 = tpu.vector_load %arg17[%swap3A_982] {strides = array<i32>} : memref<768xi32, #tpu.memory_space<vmem>>, vector<16xi32>,
            tpu.vector_store %arg17[%swap3A_982], %broadcast_in_dim3A_44 {strides = array<i32>} : memref<768xi32, #tpu.memory_space<vmem>>, vector<16xi32>,
            scf.yield %masked_sort3A_947, %masked_sort3A_948, %masked_sort3A_974, %masked_sort3A_975 : vector<16xf32>, vector<16xi32>, vector<16xf32>, vector<16xi32>
          }
          %while3A_914 = arith.constant 1 : i32
          %while3A_915:4 = scf.for %while3A_916 = %while3A_911 to %while3A_907 step %while3A_914 iter_args(%while3A_917 = %while3A_913#0, %while3A_918 = %while3A_913#1, %while3A_919 = %while3A_913#2, %while3A_920 = %while3A_913#3) -> (vector<16xf32>, vector<16xi32>, vector<16xf32>, vector<16xi32>)  : i32 {
            %mul3A_921 = arith.constant 16 : i32
            %mul3A_922 = arith.muli %while3A_916, %mul3A_921 : i32
            %get3A_923 = arith.index_cast %mul3A_922 : i32 to index
            %get3A_924 = tpu.vector_load %arg17[%get3A_923] {strides = array<i32>} : memref<768xi32, #tpu.memory_space<vmem>>, vector<16xi32>,
            %gather3A = tpu.vector_load_idx %arg16[%get3A_924] : memref<16400xf32, #tpu.memory_space<vmem>>[vector<16xi32>], vector<16xf32>,
            %masked_sort3A = arith.constant dense<true> : vector<16xi1>
            %masked_sort3A_925, %masked_sort3A_926, %masked_sort3A_927 = tpu.sort %gather3A, %get3A_924 masked %masked_sort3A : (vector<16xf32>, vector<16xi32>, vector<16xi1>) -> (vector<16xi1>, vector<16xf32>, vector<16xi32>)
            %rev3A = arith.constant 15 : i32
            %rev3A_928 = vector.broadcast %rev3A : i32 to vector<16xi32>
            %rev3A_929 = tpu.iota {dimensions = array<i32: 0>} : vector<16xi32>
            %rev3A_930 = arith.subi %rev3A_928, %rev3A_929 : vector<16xi32>
            %rev3A_931 = tpu.dynamic_gather %masked_sort3A_926[%rev3A_930] in [0] : vector<16xf32>, vector<16xi32> -> vector<16xf32>
            %rev3A_932 = arith.constant 15 : i32
            %rev3A_933 = vector.broadcast %rev3A_932 : i32 to vector<16xi32>
            %rev3A_934 = tpu.iota {dimensions = array<i32: 0>} : vector<16xi32>
            %rev3A_935 = arith.subi %rev3A_933, %rev3A_934 : vector<16xi32>
            %rev3A_936 = tpu.dynamic_gather %masked_sort3A_927[%rev3A_935] in [0] : vector<16xi32>, vector<16xi32> -> vector<16xi32>
            %lt3A_937 = arith.cmpf olt, %while3A_917, %rev3A_931 : vector<16xf32>
            %eq3A_938 = arith.cmpf oeq, %while3A_917, %rev3A_931 : vector<16xf32>
            %le3A = arith.cmpi sle, %while3A_918, %rev3A_936 : vector<16xi32>
            %and3A_939 = arith.andi %eq3A_938, %le3A : vector<16xi1>
            %or3A_940 = arith.ori %lt3A_937, %and3A_939 : vector<16xi1>
            %select_n3A_941 = arith.select %or3A_940, %while3A_917, %rev3A_931 : vector<16xi1>, vector<16xf32>
            %select_n3A_942 = arith.select %or3A_940, %while3A_918, %rev3A_936 : vector<16xi1>, vector<16xi32>
            %select_n3A_943 = arith.select %or3A_940, %rev3A_931, %while3A_917 : vector<16xi1>, vector<16xf32>
            %select_n3A_944 = arith.select %or3A_940, %rev3A_936, %while3A_918 : vector<16xi1>, vector<16xi32>
            %masked_sort3A_945 = arith.constant dense<true> : vector<16xi1>
            %masked_sort3A_946, %masked_sort3A_947, %masked_sort3A_948 = tpu.sort %select_n3A_941, %select_n3A_942 masked %masked_sort3A_945 : (vector<16xf32>, vector<16xi32>, vector<16xi1>) -> (vector<16xi1>, vector<16xf32>, vector<16xi32>)
            %masked_sort3A_949 = arith.constant dense<true> : vector<16xi1>
            %masked_sort3A_950, %masked_sort3A_951, %masked_sort3A_952 = tpu.sort %select_n3A_943, %select_n3A_944 masked %masked_sort3A_949 : (vector<16xf32>, vector<16xi32>, vector<16xi1>) -> (vector<16xi1>, vector<16xf32>, vector<16xi32>)
            %rev3A_953 = arith.constant 15 : i32
            %rev3A_954 = vector.broadcast %rev3A_953 : i32 to vector<16xi32>
            %rev3A_955 = tpu.iota {dimensions = array<i32: 0>} : vector<16xi32>
            %rev3A_956 = arith.subi %rev3A_954, %rev3A_955 : vector<16xi32>
            %rev3A_957 = tpu.dynamic_gather %while3A_919[%rev3A_956] in [0] : vector<16xf32>, vector<16xi32> -> vector<16xf32>
            %rev3A_958 = arith.constant 15 : i32
            %rev3A_959 = vector.broadcast %rev3A_958 : i32 to vector<16xi32>
            %rev3A_960 = tpu.iota {dimensions = array<i32: 0>} : vector<16xi32>
            %rev3A_961 = arith.subi %rev3A_959, %rev3A_960 : vector<16xi32>
            %rev3A_962 = tpu.dynamic_gather %while3A_920[%rev3A_961] in [0] : vector<16xi32>, vector<16xi32> -> vector<16xi32>
            %lt3A_963 = arith.cmpf olt, %masked_sort3A_951, %rev3A_957 : vector<16xf32>
            %eq3A_964 = arith.cmpf oeq, %masked_sort3A_951, %rev3A_957 : vector<16xf32>
            %le3A_965 = arith.cmpi sle, %masked_sort3A_952, %rev3A_962 : vector<16xi32>
            %and3A_966 = arith.andi %eq3A_964, %le3A_965 : vector<16xi1>
            %or3A_967 = arith.ori %lt3A_963, %and3A_966 : vector<16xi1>
            %select_n3A_968 = arith.select %or3A_967, %masked_sort3A_951, %rev3A_957 : vector<16xi1>, vector<16xf32>
            %select_n3A_969 = arith.select %or3A_967, %masked_sort3A_952, %rev3A_962 : vector<16xi1>, vector<16xi32>
            %select_n3A_970 = arith.select %or3A_967, %rev3A_957, %masked_sort3A_951 : vector<16xi1>, vector<16xf32>
            %select_n3A_971 = arith.select %or3A_967, %rev3A_962, %masked_sort3A_952 : vector<16xi1>, vector<16xi32>
            %masked_sort3A_972 = arith.constant dense<true> : vector<16xi1>
            %masked_sort3A_973, %masked_sort3A_974, %masked_sort3A_975 = tpu.sort %select_n3A_968, %select_n3A_969 masked %masked_sort3A_972 : (vector<16xf32>, vector<16xi32>, vector<16xi1>) -> (vector<16xi1>, vector<16xf32>, vector<16xi32>)
            %masked_sort3A_976 = arith.constant dense<true> : vector<16xi1>
            %masked_sort3A_977, %masked_sort3A_978, %masked_sort3A_979 = tpu.sort %select_n3A_970, %select_n3A_971 masked %masked_sort3A_976 : (vector<16xf32>, vector<16xi32>, vector<16xi1>) -> (vector<16xi1>, vector<16xf32>, vector<16xi32>)
            %mul3A_980 = arith.constant 16 : i32
            %mul3A_981 = arith.muli %while3A_916, %mul3A_980 : i32
            %swap3A_982 = arith.index_cast %mul3A_981 : i32 to index
            %swap3A_983 = tpu.vector_load %arg17[%swap3A_982] {strides = array<i32>} : memref<768xi32, #tpu.memory_space<vmem>>, vector<16xi32>,
            tpu.vector_store %arg17[%swap3A_982], %broadcast_in_dim3A_44 {strides = array<i32>} : memref<768xi32, #tpu.memory_space<vmem>>, vector<16xi32>,
            scf.yield %masked_sort3A_947, %masked_sort3A_948, %masked_sort3A_974, %masked_sort3A_975 : vector<16xf32>, vector<16xi32>, vector<16xf32>, vector<16xi32>
          }
          scf.yield %while3A_915#0, %while3A_915#1, %while3A_915#2, %while3A_915#3, %broadcast_in_dim3A_46 : vector<16xf32>, vector<16xi32>, vector<16xf32>, vector<16xi32>, vector<16xi32>
        } else {
          scf.yield %scan3A_873, %scan3A_874, %scan3A_875, %scan3A_876, %while3A_893 : vector<16xf32>, vector<16xi32>, vector<16xf32>, vector<16xi32>, vector<16xi32>
        }
        scf.yield %cond3A_904#0, %cond3A_904#1, %cond3A_904#2, %cond3A_904#3, %cond3A_904#4 : vector<16xf32>, vector<16xi32>, vector<16xf32>, vector<16xi32>, vector<16xi32>
      }
      %scan3A_189 = arith.constant 32 : i32
      %reduce_max3A_190 = arith.constant true
      %reduce_max3A_191 = vector.broadcast %reduce_max3A_190 : i1 to vector<16xi1>
      %reduce_max3A_192 = arith.constant -2147483648 : i32
      %reduce_max3A_193 = vector.broadcast %reduce_max3A_192 : i32 to vector<16xi32>
      %reduce_max3A_194 = arith.xori %scan3A_188#4, %reduce_max3A_193 : vector<16xi32>
      %reduce_max3A_195 = tpu.scan <max>, %reduce_max3A_194 masked %reduce_max3A_191 : vector<16xi32>, vector<16xi1> -> vector<16xi32>
      %reduce_max3A_196 = arith.xori %reduce_max3A_195, %reduce_max3A_193 : vector<16xi32>
      %reduce_max3A_197 = vector.extract %reduce_max3A_196[15] : i32 from vector<16xi32>
      %while3A = arith.constant 0 : i32
      %while3A_198 = arith.subi %reduce_max3A_197, %while3A : i32
      %while3A_199 = arith.addi %while3A, %while3A_198 : i32
      %while3A_200 = arith.constant 1 : i32
      %while3A_201 = arith.divsi %while3A_198, %while3A_200 : i32
      %while3A_202 = arith.muli %while3A_201, %while3A_200 : i32
      %while3A_203 = arith.addi %while3A, %while3A_202 : i32
      %while3A_204 = arith.constant 1 : i32
      %while3A_205:4 = scf.for %while3A_872 = %while3A to %while3A_203 step %while3A_204 iter_args(%while3A_873 = %scan3A_188#0, %while3A_874 = %scan3A_188#1, %while3A_875 = %scan3A_188#2, %while3A_876 = %scan3A_188#3) -> (vector<16xf32>, vector<16xi32>, vector<16xf32>, vector<16xi32>)  : i32 {
        %mul3A_877 = arith.constant 16 : i32
        %mul3A_878 = arith.muli %while3A_872, %mul3A_877 : i32
        %get3A_879 = arith.index_cast %mul3A_878 : i32 to index
        %get3A_880 = tpu.vector_load %arg17[%get3A_879] {strides = array<i32>} : memref<768xi32, #tpu.memory_space<vmem>>, vector<16xi32>,
        %gather3A = tpu.vector_load_idx %arg16[%get3A_880] : memref<16400xf32, #tpu.memory_space<vmem>>[vector<16xi32>], vector<16xf32>,
        %masked_sort3A = arith.constant dense<true> : vector<16xi1>
        %masked_sort3A_881, %masked_sort3A_882, %masked_sort3A_883 = tpu.sort %gather3A, %get3A_880 masked %masked_sort3A : (vector<16xf32>, vector<16xi32>, vector<16xi1>) -> (vector<16xi1>, vector<16xf32>, vector<16xi32>)
        %rev3A = arith.constant 15 : i32
        %rev3A_884 = vector.broadcast %rev3A : i32 to vector<16xi32>
        %rev3A_885 = tpu.iota {dimensions = array<i32: 0>} : vector<16xi32>
        %rev3A_886 = arith.subi %rev3A_884, %rev3A_885 : vector<16xi32>
        %rev3A_887 = tpu.dynamic_gather %masked_sort3A_882[%rev3A_886] in [0] : vector<16xf32>, vector<16xi32> -> vector<16xf32>
        %rev3A_888 = arith.constant 15 : i32
        %rev3A_889 = vector.broadcast %rev3A_888 : i32 to vector<16xi32>
        %rev3A_890 = tpu.iota {dimensions = array<i32: 0>} : vector<16xi32>
        %rev3A_891 = arith.subi %rev3A_889, %rev3A_890 : vector<16xi32>
        %rev3A_892 = tpu.dynamic_gather %masked_sort3A_883[%rev3A_891] in [0] : vector<16xi32>, vector<16xi32> -> vector<16xi32>
        %lt3A_893 = arith.cmpf olt, %while3A_873, %rev3A_887 : vector<16xf32>
        %eq3A_894 = arith.cmpf oeq, %while3A_873, %rev3A_887 : vector<16xf32>
        %le3A = arith.cmpi sle, %while3A_874, %rev3A_892 : vector<16xi32>
        %and3A_895 = arith.andi %eq3A_894, %le3A : vector<16xi1>
        %or3A_896 = arith.ori %lt3A_893, %and3A_895 : vector<16xi1>
        %select_n3A_897 = arith.select %or3A_896, %while3A_873, %rev3A_887 : vector<16xi1>, vector<16xf32>
        %select_n3A_898 = arith.select %or3A_896, %while3A_874, %rev3A_892 : vector<16xi1>, vector<16xi32>
        %select_n3A_899 = arith.select %or3A_896, %rev3A_887, %while3A_873 : vector<16xi1>, vector<16xf32>
        %select_n3A_900 = arith.select %or3A_896, %rev3A_892, %while3A_874 : vector<16xi1>, vector<16xi32>
        %masked_sort3A_901 = arith.constant dense<true> : vector<16xi1>
        %masked_sort3A_902, %masked_sort3A_903, %masked_sort3A_904 = tpu.sort %select_n3A_897, %select_n3A_898 masked %masked_sort3A_901 : (vector<16xf32>, vector<16xi32>, vector<16xi1>) -> (vector<16xi1>, vector<16xf32>, vector<16xi32>)
        %masked_sort3A_905 = arith.constant dense<true> : vector<16xi1>
        %masked_sort3A_906, %masked_sort3A_907, %masked_sort3A_908 = tpu.sort %select_n3A_899, %select_n3A_900 masked %masked_sort3A_905 : (vector<16xf32>, vector<16xi32>, vector<16xi1>) -> (vector<16xi1>, vector<16xf32>, vector<16xi32>)
        %rev3A_909 = arith.constant 15 : i32
        %rev3A_910 = vector.broadcast %rev3A_909 : i32 to vector<16xi32>
        %rev3A_911 = tpu.iota {dimensions = array<i32: 0>} : vector<16xi32>
        %rev3A_912 = arith.subi %rev3A_910, %rev3A_911 : vector<16xi32>
        %rev3A_913 = tpu.dynamic_gather %while3A_875[%rev3A_912] in [0] : vector<16xf32>, vector<16xi32> -> vector<16xf32>
        %rev3A_914 = arith.constant 15 : i32
        %rev3A_915 = vector.broadcast %rev3A_914 : i32 to vector<16xi32>
        %rev3A_916 = tpu.iota {dimensions = array<i32: 0>} : vector<16xi32>
        %rev3A_917 = arith.subi %rev3A_915, %rev3A_916 : vector<16xi32>
        %rev3A_918 = tpu.dynamic_gather %while3A_876[%rev3A_917] in [0] : vector<16xi32>, vector<16xi32> -> vector<16xi32>
        %lt3A_919 = arith.cmpf olt, %masked_sort3A_907, %rev3A_913 : vector<16xf32>
        %eq3A_920 = arith.cmpf oeq, %masked_sort3A_907, %rev3A_913 : vector<16xf32>
        %le3A_921 = arith.cmpi sle, %masked_sort3A_908, %rev3A_918 : vector<16xi32>
        %and3A_922 = arith.andi %eq3A_920, %le3A_921 : vector<16xi1>
        %or3A_923 = arith.ori %lt3A_919, %and3A_922 : vector<16xi1>
        %select_n3A_924 = arith.select %or3A_923, %masked_sort3A_907, %rev3A_913 : vector<16xi1>, vector<16xf32>
        %select_n3A_925 = arith.select %or3A_923, %masked_sort3A_908, %rev3A_918 : vector<16xi1>, vector<16xi32>
        %select_n3A_926 = arith.select %or3A_923, %rev3A_913, %masked_sort3A_907 : vector<16xi1>, vector<16xf32>
        %select_n3A_927 = arith.select %or3A_923, %rev3A_918, %masked_sort3A_908 : vector<16xi1>, vector<16xi32>
        %masked_sort3A_928 = arith.constant dense<true> : vector<16xi1>
        %masked_sort3A_929, %masked_sort3A_930, %masked_sort3A_931 = tpu.sort %select_n3A_924, %select_n3A_925 masked %masked_sort3A_928 : (vector<16xf32>, vector<16xi32>, vector<16xi1>) -> (vector<16xi1>, vector<16xf32>, vector<16xi32>)
        %masked_sort3A_932 = arith.constant dense<true> : vector<16xi1>
        %masked_sort3A_933, %masked_sort3A_934, %masked_sort3A_935 = tpu.sort %select_n3A_926, %select_n3A_927 masked %masked_sort3A_932 : (vector<16xf32>, vector<16xi32>, vector<16xi1>) -> (vector<16xi1>, vector<16xf32>, vector<16xi32>)
        %mul3A_936 = arith.constant 16 : i32
        %mul3A_937 = arith.muli %while3A_872, %mul3A_936 : i32
        %swap3A_938 = arith.index_cast %mul3A_937 : i32 to index
        %swap3A_939 = tpu.vector_load %arg17[%swap3A_938] {strides = array<i32>} : memref<768xi32, #tpu.memory_space<vmem>>, vector<16xi32>,
        tpu.vector_store %arg17[%swap3A_938], %broadcast_in_dim3A_44 {strides = array<i32>} : memref<768xi32, #tpu.memory_space<vmem>>, vector<16xi32>,
        scf.yield %masked_sort3A_903, %masked_sort3A_904, %masked_sort3A_930, %masked_sort3A_931 : vector<16xf32>, vector<16xi32>, vector<16xf32>, vector<16xi32>
      }
      %while3A_206 = arith.constant 1 : i32
      %while3A_207:4 = scf.for %while3A_872 = %while3A_203 to %while3A_199 step %while3A_206 iter_args(%while3A_873 = %while3A_205#0, %while3A_874 = %while3A_205#1, %while3A_875 = %while3A_205#2, %while3A_876 = %while3A_205#3) -> (vector<16xf32>, vector<16xi32>, vector<16xf32>, vector<16xi32>)  : i32 {
        %mul3A_877 = arith.constant 16 : i32
        %mul3A_878 = arith.muli %while3A_872, %mul3A_877 : i32
        %get3A_879 = arith.index_cast %mul3A_878 : i32 to index
        %get3A_880 = tpu.vector_load %arg17[%get3A_879] {strides = array<i32>} : memref<768xi32, #tpu.memory_space<vmem>>, vector<16xi32>,
        %gather3A = tpu.vector_load_idx %arg16[%get3A_880] : memref<16400xf32, #tpu.memory_space<vmem>>[vector<16xi32>], vector<16xf32>,
        %masked_sort3A = arith.constant dense<true> : vector<16xi1>
        %masked_sort3A_881, %masked_sort3A_882, %masked_sort3A_883 = tpu.sort %gather3A, %get3A_880 masked %masked_sort3A : (vector<16xf32>, vector<16xi32>, vector<16xi1>) -> (vector<16xi1>, vector<16xf32>, vector<16xi32>)
        %rev3A = arith.constant 15 : i32
        %rev3A_884 = vector.broadcast %rev3A : i32 to vector<16xi32>
        %rev3A_885 = tpu.iota {dimensions = array<i32: 0>} : vector<16xi32>
        %rev3A_886 = arith.subi %rev3A_884, %rev3A_885 : vector<16xi32>
        %rev3A_887 = tpu.dynamic_gather %masked_sort3A_882[%rev3A_886] in [0] : vector<16xf32>, vector<16xi32> -> vector<16xf32>
        %rev3A_888 = arith.constant 15 : i32
        %rev3A_889 = vector.broadcast %rev3A_888 : i32 to vector<16xi32>
        %rev3A_890 = tpu.iota {dimensions = array<i32: 0>} : vector<16xi32>
        %rev3A_891 = arith.subi %rev3A_889, %rev3A_890 : vector<16xi32>
        %rev3A_892 = tpu.dynamic_gather %masked_sort3A_883[%rev3A_891] in [0] : vector<16xi32>, vector<16xi32> -> vector<16xi32>
        %lt3A_893 = arith.cmpf olt, %while3A_873, %rev3A_887 : vector<16xf32>
        %eq3A_894 = arith.cmpf oeq, %while3A_873, %rev3A_887 : vector<16xf32>
        %le3A = arith.cmpi sle, %while3A_874, %rev3A_892 : vector<16xi32>
        %and3A_895 = arith.andi %eq3A_894, %le3A : vector<16xi1>
        %or3A_896 = arith.ori %lt3A_893, %and3A_895 : vector<16xi1>
        %select_n3A_897 = arith.select %or3A_896, %while3A_873, %rev3A_887 : vector<16xi1>, vector<16xf32>
        %select_n3A_898 = arith.select %or3A_896, %while3A_874, %rev3A_892 : vector<16xi1>, vector<16xi32>
        %select_n3A_899 = arith.select %or3A_896, %rev3A_887, %while3A_873 : vector<16xi1>, vector<16xf32>
        %select_n3A_900 = arith.select %or3A_896, %rev3A_892, %while3A_874 : vector<16xi1>, vector<16xi32>
        %masked_sort3A_901 = arith.constant dense<true> : vector<16xi1>
        %masked_sort3A_902, %masked_sort3A_903, %masked_sort3A_904 = tpu.sort %select_n3A_897, %select_n3A_898 masked %masked_sort3A_901 : (vector<16xf32>, vector<16xi32>, vector<16xi1>) -> (vector<16xi1>, vector<16xf32>, vector<16xi32>)
        %masked_sort3A_905 = arith.constant dense<true> : vector<16xi1>
        %masked_sort3A_906, %masked_sort3A_907, %masked_sort3A_908 = tpu.sort %select_n3A_899, %select_n3A_900 masked %masked_sort3A_905 : (vector<16xf32>, vector<16xi32>, vector<16xi1>) -> (vector<16xi1>, vector<16xf32>, vector<16xi32>)
        %rev3A_909 = arith.constant 15 : i32
        %rev3A_910 = vector.broadcast %rev3A_909 : i32 to vector<16xi32>
        %rev3A_911 = tpu.iota {dimensions = array<i32: 0>} : vector<16xi32>
        %rev3A_912 = arith.subi %rev3A_910, %rev3A_911 : vector<16xi32>
        %rev3A_913 = tpu.dynamic_gather %while3A_875[%rev3A_912] in [0] : vector<16xf32>, vector<16xi32> -> vector<16xf32>
        %rev3A_914 = arith.constant 15 : i32
        %rev3A_915 = vector.broadcast %rev3A_914 : i32 to vector<16xi32>
        %rev3A_916 = tpu.iota {dimensions = array<i32: 0>} : vector<16xi32>
        %rev3A_917 = arith.subi %rev3A_915, %rev3A_916 : vector<16xi32>
        %rev3A_918 = tpu.dynamic_gather %while3A_876[%rev3A_917] in [0] : vector<16xi32>, vector<16xi32> -> vector<16xi32>
        %lt3A_919 = arith.cmpf olt, %masked_sort3A_907, %rev3A_913 : vector<16xf32>
        %eq3A_920 = arith.cmpf oeq, %masked_sort3A_907, %rev3A_913 : vector<16xf32>
        %le3A_921 = arith.cmpi sle, %masked_sort3A_908, %rev3A_918 : vector<16xi32>
        %and3A_922 = arith.andi %eq3A_920, %le3A_921 : vector<16xi1>
        %or3A_923 = arith.ori %lt3A_919, %and3A_922 : vector<16xi1>
        %select_n3A_924 = arith.select %or3A_923, %masked_sort3A_907, %rev3A_913 : vector<16xi1>, vector<16xf32>
        %select_n3A_925 = arith.select %or3A_923, %masked_sort3A_908, %rev3A_918 : vector<16xi1>, vector<16xi32>
        %select_n3A_926 = arith.select %or3A_923, %rev3A_913, %masked_sort3A_907 : vector<16xi1>, vector<16xf32>
        %select_n3A_927 = arith.select %or3A_923, %rev3A_918, %masked_sort3A_908 : vector<16xi1>, vector<16xi32>
        %masked_sort3A_928 = arith.constant dense<true> : vector<16xi1>
        %masked_sort3A_929, %masked_sort3A_930, %masked_sort3A_931 = tpu.sort %select_n3A_924, %select_n3A_925 masked %masked_sort3A_928 : (vector<16xf32>, vector<16xi32>, vector<16xi1>) -> (vector<16xi1>, vector<16xf32>, vector<16xi32>)
        %masked_sort3A_932 = arith.constant dense<true> : vector<16xi1>
        %masked_sort3A_933, %masked_sort3A_934, %masked_sort3A_935 = tpu.sort %select_n3A_926, %select_n3A_927 masked %masked_sort3A_932 : (vector<16xf32>, vector<16xi32>, vector<16xi1>) -> (vector<16xi1>, vector<16xf32>, vector<16xi32>)
        %mul3A_936 = arith.constant 16 : i32
        %mul3A_937 = arith.muli %while3A_872, %mul3A_936 : i32
        %swap3A_938 = arith.index_cast %mul3A_937 : i32 to index
        %swap3A_939 = tpu.vector_load %arg17[%swap3A_938] {strides = array<i32>} : memref<768xi32, #tpu.memory_space<vmem>>, vector<16xi32>,
        tpu.vector_store %arg17[%swap3A_938], %broadcast_in_dim3A_44 {strides = array<i32>} : memref<768xi32, #tpu.memory_space<vmem>>, vector<16xi32>,
        scf.yield %masked_sort3A_903, %masked_sort3A_904, %masked_sort3A_930, %masked_sort3A_931 : vector<16xf32>, vector<16xi32>, vector<16xf32>, vector<16xi32>
      }
      %eq3A_208 = arith.cmpi eq, %broadcast_in_dim3A_46, %broadcast_in_dim3A_46 : vector<16xi32>
      %slice3A_209 = vector.extract_strided_slice %while3A_207#0 {offsets = [0], sizes = [1], strides = [1]} : vector<16xf32> to vector<1xf32>
      %squeeze3A_210 = vector.extract %slice3A_209[0] : f32 from vector<1xf32>
      %broadcast_in_dim3A_211 = vector.broadcast %squeeze3A_210 : f32 to vector<16xf32>
      %slice3A_212 = vector.extract_strided_slice %while3A_207#1 {offsets = [0], sizes = [1], strides = [1]} : vector<16xi32> to vector<1xi32>
      %squeeze3A_213 = vector.extract %slice3A_212[0] : i32 from vector<1xi32>
      %broadcast_in_dim3A_214 = vector.broadcast %squeeze3A_213 : i32 to vector<16xi32>
      %lt3A_215 = arith.cmpf olt, %broadcast_in_dim3A_211, %while3A_207#0 : vector<16xf32>
      %eq3A_216 = arith.cmpf oeq, %broadcast_in_dim3A_211, %while3A_207#0 : vector<16xf32>
      %lt3A_217 = arith.cmpi slt, %broadcast_in_dim3A_214, %while3A_207#1 : vector<16xi32>
      %and3A_218 = arith.andi %eq3A_216, %lt3A_217 : vector<16xi1>
      %or3A = arith.ori %lt3A_215, %and3A_218 : vector<16xi1>
      %select_n3A_219 = arith.select %or3A, %broadcast_in_dim3A_48, %broadcast_in_dim3A_46 : vector<16xi1>, vector<16xi32>
      %add3A_220 = arith.addi %broadcast_in_dim3A_46, %select_n3A_219 : vector<16xi32>
      %lt3A_221 = arith.cmpf olt, %broadcast_in_dim3A_211, %while3A_207#2 : vector<16xf32>
      %eq3A_222 = arith.cmpf oeq, %broadcast_in_dim3A_211, %while3A_207#2 : vector<16xf32>
      %lt3A_223 = arith.cmpi slt, %broadcast_in_dim3A_214, %while3A_207#3 : vector<16xi32>
      %and3A_224 = arith.andi %eq3A_222, %lt3A_223 : vector<16xi1>
      %or3A_225 = arith.ori %lt3A_221, %and3A_224 : vector<16xi1>
      %select_n3A_226 = arith.select %or3A_225, %broadcast_in_dim3A_48, %broadcast_in_dim3A_46 : vector<16xi1>, vector<16xi32>
      %add3A_227 = arith.addi %broadcast_in_dim3A_46, %select_n3A_226 : vector<16xi32>
      %slice3A_228 = vector.extract_strided_slice %while3A_207#0 {offsets = [1], sizes = [1], strides = [1]} : vector<16xf32> to vector<1xf32>
      %squeeze3A_229 = vector.extract %slice3A_228[0] : f32 from vector<1xf32>
      %broadcast_in_dim3A_230 = vector.broadcast %squeeze3A_229 : f32 to vector<16xf32>
      %slice3A_231 = vector.extract_strided_slice %while3A_207#1 {offsets = [1], sizes = [1], strides = [1]} : vector<16xi32> to vector<1xi32>
      %squeeze3A_232 = vector.extract %slice3A_231[0] : i32 from vector<1xi32>
      %broadcast_in_dim3A_233 = vector.broadcast %squeeze3A_232 : i32 to vector<16xi32>
      %lt3A_234 = arith.cmpf olt, %broadcast_in_dim3A_230, %while3A_207#0 : vector<16xf32>
      %eq3A_235 = arith.cmpf oeq, %broadcast_in_dim3A_230, %while3A_207#0 : vector<16xf32>
      %lt3A_236 = arith.cmpi slt, %broadcast_in_dim3A_233, %while3A_207#1 : vector<16xi32>
      %and3A_237 = arith.andi %eq3A_235, %lt3A_236 : vector<16xi1>
      %or3A_238 = arith.ori %lt3A_234, %and3A_237 : vector<16xi1>
      %select_n3A_239 = arith.select %or3A_238, %broadcast_in_dim3A_48, %broadcast_in_dim3A_46 : vector<16xi1>, vector<16xi32>
      %add3A_240 = arith.addi %add3A_220, %select_n3A_239 : vector<16xi32>
      %lt3A_241 = arith.cmpf olt, %broadcast_in_dim3A_230, %while3A_207#2 : vector<16xf32>
      %eq3A_242 = arith.cmpf oeq, %broadcast_in_dim3A_230, %while3A_207#2 : vector<16xf32>
      %lt3A_243 = arith.cmpi slt, %broadcast_in_dim3A_233, %while3A_207#3 : vector<16xi32>
      %and3A_244 = arith.andi %eq3A_242, %lt3A_243 : vector<16xi1>
      %or3A_245 = arith.ori %lt3A_241, %and3A_244 : vector<16xi1>
      %select_n3A_246 = arith.select %or3A_245, %broadcast_in_dim3A_48, %broadcast_in_dim3A_46 : vector<16xi1>, vector<16xi32>
      %add3A_247 = arith.addi %add3A_227, %select_n3A_246 : vector<16xi32>
      %slice3A_248 = vector.extract_strided_slice %while3A_207#0 {offsets = [2], sizes = [1], strides = [1]} : vector<16xf32> to vector<1xf32>
      %squeeze3A_249 = vector.extract %slice3A_248[0] : f32 from vector<1xf32>
      %broadcast_in_dim3A_250 = vector.broadcast %squeeze3A_249 : f32 to vector<16xf32>
      %slice3A_251 = vector.extract_strided_slice %while3A_207#1 {offsets = [2], sizes = [1], strides = [1]} : vector<16xi32> to vector<1xi32>
      %squeeze3A_252 = vector.extract %slice3A_251[0] : i32 from vector<1xi32>
      %broadcast_in_dim3A_253 = vector.broadcast %squeeze3A_252 : i32 to vector<16xi32>
      %lt3A_254 = arith.cmpf olt, %broadcast_in_dim3A_250, %while3A_207#0 : vector<16xf32>
      %eq3A_255 = arith.cmpf oeq, %broadcast_in_dim3A_250, %while3A_207#0 : vector<16xf32>
      %lt3A_256 = arith.cmpi slt, %broadcast_in_dim3A_253, %while3A_207#1 : vector<16xi32>
      %and3A_257 = arith.andi %eq3A_255, %lt3A_256 : vector<16xi1>
      %or3A_258 = arith.ori %lt3A_254, %and3A_257 : vector<16xi1>
      %select_n3A_259 = arith.select %or3A_258, %broadcast_in_dim3A_48, %broadcast_in_dim3A_46 : vector<16xi1>, vector<16xi32>
      %add3A_260 = arith.addi %add3A_240, %select_n3A_259 : vector<16xi32>
      %lt3A_261 = arith.cmpf olt, %broadcast_in_dim3A_250, %while3A_207#2 : vector<16xf32>
      %eq3A_262 = arith.cmpf oeq, %broadcast_in_dim3A_250, %while3A_207#2 : vector<16xf32>
      %lt3A_263 = arith.cmpi slt, %broadcast_in_dim3A_253, %while3A_207#3 : vector<16xi32>
      %and3A_264 = arith.andi %eq3A_262, %lt3A_263 : vector<16xi1>
      %or3A_265 = arith.ori %lt3A_261, %and3A_264 : vector<16xi1>
      %select_n3A_266 = arith.select %or3A_265, %broadcast_in_dim3A_48, %broadcast_in_dim3A_46 : vector<16xi1>, vector<16xi32>
      %add3A_267 = arith.addi %add3A_247, %select_n3A_266 : vector<16xi32>
      %slice3A_268 = vector.extract_strided_slice %while3A_207#0 {offsets = [3], sizes = [1], strides = [1]} : vector<16xf32> to vector<1xf32>
      %squeeze3A_269 = vector.extract %slice3A_268[0] : f32 from vector<1xf32>
      %broadcast_in_dim3A_270 = vector.broadcast %squeeze3A_269 : f32 to vector<16xf32>
      %slice3A_271 = vector.extract_strided_slice %while3A_207#1 {offsets = [3], sizes = [1], strides = [1]} : vector<16xi32> to vector<1xi32>
      %squeeze3A_272 = vector.extract %slice3A_271[0] : i32 from vector<1xi32>
      %broadcast_in_dim3A_273 = vector.broadcast %squeeze3A_272 : i32 to vector<16xi32>
      %lt3A_274 = arith.cmpf olt, %broadcast_in_dim3A_270, %while3A_207#0 : vector<16xf32>
      %eq3A_275 = arith.cmpf oeq, %broadcast_in_dim3A_270, %while3A_207#0 : vector<16xf32>
      %lt3A_276 = arith.cmpi slt, %broadcast_in_dim3A_273, %while3A_207#1 : vector<16xi32>
      %and3A_277 = arith.andi %eq3A_275, %lt3A_276 : vector<16xi1>
      %or3A_278 = arith.ori %lt3A_274, %and3A_277 : vector<16xi1>
      %select_n3A_279 = arith.select %or3A_278, %broadcast_in_dim3A_48, %broadcast_in_dim3A_46 : vector<16xi1>, vector<16xi32>
      %add3A_280 = arith.addi %add3A_260, %select_n3A_279 : vector<16xi32>
      %lt3A_281 = arith.cmpf olt, %broadcast_in_dim3A_270, %while3A_207#2 : vector<16xf32>
      %eq3A_282 = arith.cmpf oeq, %broadcast_in_dim3A_270, %while3A_207#2 : vector<16xf32>
      %lt3A_283 = arith.cmpi slt, %broadcast_in_dim3A_273, %while3A_207#3 : vector<16xi32>
      %and3A_284 = arith.andi %eq3A_282, %lt3A_283 : vector<16xi1>
      %or3A_285 = arith.ori %lt3A_281, %and3A_284 : vector<16xi1>
      %select_n3A_286 = arith.select %or3A_285, %broadcast_in_dim3A_48, %broadcast_in_dim3A_46 : vector<16xi1>, vector<16xi32>
      %add3A_287 = arith.addi %add3A_267, %select_n3A_286 : vector<16xi32>
      %slice3A_288 = vector.extract_strided_slice %while3A_207#0 {offsets = [4], sizes = [1], strides = [1]} : vector<16xf32> to vector<1xf32>
      %squeeze3A_289 = vector.extract %slice3A_288[0] : f32 from vector<1xf32>
      %broadcast_in_dim3A_290 = vector.broadcast %squeeze3A_289 : f32 to vector<16xf32>
      %slice3A_291 = vector.extract_strided_slice %while3A_207#1 {offsets = [4], sizes = [1], strides = [1]} : vector<16xi32> to vector<1xi32>
      %squeeze3A_292 = vector.extract %slice3A_291[0] : i32 from vector<1xi32>
      %broadcast_in_dim3A_293 = vector.broadcast %squeeze3A_292 : i32 to vector<16xi32>
      %lt3A_294 = arith.cmpf olt, %broadcast_in_dim3A_290, %while3A_207#0 : vector<16xf32>
      %eq3A_295 = arith.cmpf oeq, %broadcast_in_dim3A_290, %while3A_207#0 : vector<16xf32>
      %lt3A_296 = arith.cmpi slt, %broadcast_in_dim3A_293, %while3A_207#1 : vector<16xi32>
      %and3A_297 = arith.andi %eq3A_295, %lt3A_296 : vector<16xi1>
      %or3A_298 = arith.ori %lt3A_294, %and3A_297 : vector<16xi1>
      %select_n3A_299 = arith.select %or3A_298, %broadcast_in_dim3A_48, %broadcast_in_dim3A_46 : vector<16xi1>, vector<16xi32>
      %add3A_300 = arith.addi %add3A_280, %select_n3A_299 : vector<16xi32>
      %lt3A_301 = arith.cmpf olt, %broadcast_in_dim3A_290, %while3A_207#2 : vector<16xf32>
      %eq3A_302 = arith.cmpf oeq, %broadcast_in_dim3A_290, %while3A_207#2 : vector<16xf32>
      %lt3A_303 = arith.cmpi slt, %broadcast_in_dim3A_293, %while3A_207#3 : vector<16xi32>
      %and3A_304 = arith.andi %eq3A_302, %lt3A_303 : vector<16xi1>
      %or3A_305 = arith.ori %lt3A_301, %and3A_304 : vector<16xi1>
      %select_n3A_306 = arith.select %or3A_305, %broadcast_in_dim3A_48, %broadcast_in_dim3A_46 : vector<16xi1>, vector<16xi32>
      %add3A_307 = arith.addi %add3A_287, %select_n3A_306 : vector<16xi32>
      %slice3A_308 = vector.extract_strided_slice %while3A_207#0 {offsets = [5], sizes = [1], strides = [1]} : vector<16xf32> to vector<1xf32>
      %squeeze3A_309 = vector.extract %slice3A_308[0] : f32 from vector<1xf32>
      %broadcast_in_dim3A_310 = vector.broadcast %squeeze3A_309 : f32 to vector<16xf32>
      %slice3A_311 = vector.extract_strided_slice %while3A_207#1 {offsets = [5], sizes = [1], strides = [1]} : vector<16xi32> to vector<1xi32>
      %squeeze3A_312 = vector.extract %slice3A_311[0] : i32 from vector<1xi32>
      %broadcast_in_dim3A_313 = vector.broadcast %squeeze3A_312 : i32 to vector<16xi32>
      %lt3A_314 = arith.cmpf olt, %broadcast_in_dim3A_310, %while3A_207#0 : vector<16xf32>
      %eq3A_315 = arith.cmpf oeq, %broadcast_in_dim3A_310, %while3A_207#0 : vector<16xf32>
      %lt3A_316 = arith.cmpi slt, %broadcast_in_dim3A_313, %while3A_207#1 : vector<16xi32>
      %and3A_317 = arith.andi %eq3A_315, %lt3A_316 : vector<16xi1>
      %or3A_318 = arith.ori %lt3A_314, %and3A_317 : vector<16xi1>
      %select_n3A_319 = arith.select %or3A_318, %broadcast_in_dim3A_48, %broadcast_in_dim3A_46 : vector<16xi1>, vector<16xi32>
      %add3A_320 = arith.addi %add3A_300, %select_n3A_319 : vector<16xi32>
      %lt3A_321 = arith.cmpf olt, %broadcast_in_dim3A_310, %while3A_207#2 : vector<16xf32>
      %eq3A_322 = arith.cmpf oeq, %broadcast_in_dim3A_310, %while3A_207#2 : vector<16xf32>
      %lt3A_323 = arith.cmpi slt, %broadcast_in_dim3A_313, %while3A_207#3 : vector<16xi32>
      %and3A_324 = arith.andi %eq3A_322, %lt3A_323 : vector<16xi1>
      %or3A_325 = arith.ori %lt3A_321, %and3A_324 : vector<16xi1>
      %select_n3A_326 = arith.select %or3A_325, %broadcast_in_dim3A_48, %broadcast_in_dim3A_46 : vector<16xi1>, vector<16xi32>
      %add3A_327 = arith.addi %add3A_307, %select_n3A_326 : vector<16xi32>
      %slice3A_328 = vector.extract_strided_slice %while3A_207#0 {offsets = [6], sizes = [1], strides = [1]} : vector<16xf32> to vector<1xf32>
      %squeeze3A_329 = vector.extract %slice3A_328[0] : f32 from vector<1xf32>
      %broadcast_in_dim3A_330 = vector.broadcast %squeeze3A_329 : f32 to vector<16xf32>
      %slice3A_331 = vector.extract_strided_slice %while3A_207#1 {offsets = [6], sizes = [1], strides = [1]} : vector<16xi32> to vector<1xi32>
      %squeeze3A_332 = vector.extract %slice3A_331[0] : i32 from vector<1xi32>
      %broadcast_in_dim3A_333 = vector.broadcast %squeeze3A_332 : i32 to vector<16xi32>
      %lt3A_334 = arith.cmpf olt, %broadcast_in_dim3A_330, %while3A_207#0 : vector<16xf32>
      %eq3A_335 = arith.cmpf oeq, %broadcast_in_dim3A_330, %while3A_207#0 : vector<16xf32>
      %lt3A_336 = arith.cmpi slt, %broadcast_in_dim3A_333, %while3A_207#1 : vector<16xi32>
      %and3A_337 = arith.andi %eq3A_335, %lt3A_336 : vector<16xi1>
      %or3A_338 = arith.ori %lt3A_334, %and3A_337 : vector<16xi1>
      %select_n3A_339 = arith.select %or3A_338, %broadcast_in_dim3A_48, %broadcast_in_dim3A_46 : vector<16xi1>, vector<16xi32>
      %add3A_340 = arith.addi %add3A_320, %select_n3A_339 : vector<16xi32>
      %lt3A_341 = arith.cmpf olt, %broadcast_in_dim3A_330, %while3A_207#2 : vector<16xf32>
      %eq3A_342 = arith.cmpf oeq, %broadcast_in_dim3A_330, %while3A_207#2 : vector<16xf32>
      %lt3A_343 = arith.cmpi slt, %broadcast_in_dim3A_333, %while3A_207#3 : vector<16xi32>
      %and3A_344 = arith.andi %eq3A_342, %lt3A_343 : vector<16xi1>
      %or3A_345 = arith.ori %lt3A_341, %and3A_344 : vector<16xi1>
      %select_n3A_346 = arith.select %or3A_345, %broadcast_in_dim3A_48, %broadcast_in_dim3A_46 : vector<16xi1>, vector<16xi32>
      %add3A_347 = arith.addi %add3A_327, %select_n3A_346 : vector<16xi32>
      %slice3A_348 = vector.extract_strided_slice %while3A_207#0 {offsets = [7], sizes = [1], strides = [1]} : vector<16xf32> to vector<1xf32>
      %squeeze3A_349 = vector.extract %slice3A_348[0] : f32 from vector<1xf32>
      %broadcast_in_dim3A_350 = vector.broadcast %squeeze3A_349 : f32 to vector<16xf32>
      %slice3A_351 = vector.extract_strided_slice %while3A_207#1 {offsets = [7], sizes = [1], strides = [1]} : vector<16xi32> to vector<1xi32>
      %squeeze3A_352 = vector.extract %slice3A_351[0] : i32 from vector<1xi32>
      %broadcast_in_dim3A_353 = vector.broadcast %squeeze3A_352 : i32 to vector<16xi32>
      %lt3A_354 = arith.cmpf olt, %broadcast_in_dim3A_350, %while3A_207#0 : vector<16xf32>
      %eq3A_355 = arith.cmpf oeq, %broadcast_in_dim3A_350, %while3A_207#0 : vector<16xf32>
      %lt3A_356 = arith.cmpi slt, %broadcast_in_dim3A_353, %while3A_207#1 : vector<16xi32>
      %and3A_357 = arith.andi %eq3A_355, %lt3A_356 : vector<16xi1>
      %or3A_358 = arith.ori %lt3A_354, %and3A_357 : vector<16xi1>
      %select_n3A_359 = arith.select %or3A_358, %broadcast_in_dim3A_48, %broadcast_in_dim3A_46 : vector<16xi1>, vector<16xi32>
      %add3A_360 = arith.addi %add3A_340, %select_n3A_359 : vector<16xi32>
      %lt3A_361 = arith.cmpf olt, %broadcast_in_dim3A_350, %while3A_207#2 : vector<16xf32>
      %eq3A_362 = arith.cmpf oeq, %broadcast_in_dim3A_350, %while3A_207#2 : vector<16xf32>
      %lt3A_363 = arith.cmpi slt, %broadcast_in_dim3A_353, %while3A_207#3 : vector<16xi32>
      %and3A_364 = arith.andi %eq3A_362, %lt3A_363 : vector<16xi1>
      %or3A_365 = arith.ori %lt3A_361, %and3A_364 : vector<16xi1>
      %select_n3A_366 = arith.select %or3A_365, %broadcast_in_dim3A_48, %broadcast_in_dim3A_46 : vector<16xi1>, vector<16xi32>
      %add3A_367 = arith.addi %add3A_347, %select_n3A_366 : vector<16xi32>
      %slice3A_368 = vector.extract_strided_slice %while3A_207#0 {offsets = [8], sizes = [1], strides = [1]} : vector<16xf32> to vector<1xf32>
      %squeeze3A_369 = vector.extract %slice3A_368[0] : f32 from vector<1xf32>
      %broadcast_in_dim3A_370 = vector.broadcast %squeeze3A_369 : f32 to vector<16xf32>
      %slice3A_371 = vector.extract_strided_slice %while3A_207#1 {offsets = [8], sizes = [1], strides = [1]} : vector<16xi32> to vector<1xi32>
      %squeeze3A_372 = vector.extract %slice3A_371[0] : i32 from vector<1xi32>
      %broadcast_in_dim3A_373 = vector.broadcast %squeeze3A_372 : i32 to vector<16xi32>
      %lt3A_374 = arith.cmpf olt, %broadcast_in_dim3A_370, %while3A_207#0 : vector<16xf32>
      %eq3A_375 = arith.cmpf oeq, %broadcast_in_dim3A_370, %while3A_207#0 : vector<16xf32>
      %lt3A_376 = arith.cmpi slt, %broadcast_in_dim3A_373, %while3A_207#1 : vector<16xi32>
      %and3A_377 = arith.andi %eq3A_375, %lt3A_376 : vector<16xi1>
      %or3A_378 = arith.ori %lt3A_374, %and3A_377 : vector<16xi1>
      %select_n3A_379 = arith.select %or3A_378, %broadcast_in_dim3A_48, %broadcast_in_dim3A_46 : vector<16xi1>, vector<16xi32>
      %add3A_380 = arith.addi %add3A_360, %select_n3A_379 : vector<16xi32>
      %lt3A_381 = arith.cmpf olt, %broadcast_in_dim3A_370, %while3A_207#2 : vector<16xf32>
      %eq3A_382 = arith.cmpf oeq, %broadcast_in_dim3A_370, %while3A_207#2 : vector<16xf32>
      %lt3A_383 = arith.cmpi slt, %broadcast_in_dim3A_373, %while3A_207#3 : vector<16xi32>
      %and3A_384 = arith.andi %eq3A_382, %lt3A_383 : vector<16xi1>
      %or3A_385 = arith.ori %lt3A_381, %and3A_384 : vector<16xi1>
      %select_n3A_386 = arith.select %or3A_385, %broadcast_in_dim3A_48, %broadcast_in_dim3A_46 : vector<16xi1>, vector<16xi32>
      %add3A_387 = arith.addi %add3A_367, %select_n3A_386 : vector<16xi32>
      %slice3A_388 = vector.extract_strided_slice %while3A_207#0 {offsets = [9], sizes = [1], strides = [1]} : vector<16xf32> to vector<1xf32>
      %squeeze3A_389 = vector.extract %slice3A_388[0] : f32 from vector<1xf32>
      %broadcast_in_dim3A_390 = vector.broadcast %squeeze3A_389 : f32 to vector<16xf32>
      %slice3A_391 = vector.extract_strided_slice %while3A_207#1 {offsets = [9], sizes = [1], strides = [1]} : vector<16xi32> to vector<1xi32>
      %squeeze3A_392 = vector.extract %slice3A_391[0] : i32 from vector<1xi32>
      %broadcast_in_dim3A_393 = vector.broadcast %squeeze3A_392 : i32 to vector<16xi32>
      %lt3A_394 = arith.cmpf olt, %broadcast_in_dim3A_390, %while3A_207#0 : vector<16xf32>
      %eq3A_395 = arith.cmpf oeq, %broadcast_in_dim3A_390, %while3A_207#0 : vector<16xf32>
      %lt3A_396 = arith.cmpi slt, %broadcast_in_dim3A_393, %while3A_207#1 : vector<16xi32>
      %and3A_397 = arith.andi %eq3A_395, %lt3A_396 : vector<16xi1>
      %or3A_398 = arith.ori %lt3A_394, %and3A_397 : vector<16xi1>
      %select_n3A_399 = arith.select %or3A_398, %broadcast_in_dim3A_48, %broadcast_in_dim3A_46 : vector<16xi1>, vector<16xi32>
      %add3A_400 = arith.addi %add3A_380, %select_n3A_399 : vector<16xi32>
      %lt3A_401 = arith.cmpf olt, %broadcast_in_dim3A_390, %while3A_207#2 : vector<16xf32>
      %eq3A_402 = arith.cmpf oeq, %broadcast_in_dim3A_390, %while3A_207#2 : vector<16xf32>
      %lt3A_403 = arith.cmpi slt, %broadcast_in_dim3A_393, %while3A_207#3 : vector<16xi32>
      %and3A_404 = arith.andi %eq3A_402, %lt3A_403 : vector<16xi1>
      %or3A_405 = arith.ori %lt3A_401, %and3A_404 : vector<16xi1>
      %select_n3A_406 = arith.select %or3A_405, %broadcast_in_dim3A_48, %broadcast_in_dim3A_46 : vector<16xi1>, vector<16xi32>
      %add3A_407 = arith.addi %add3A_387, %select_n3A_406 : vector<16xi32>
      %slice3A_408 = vector.extract_strided_slice %while3A_207#0 {offsets = [10], sizes = [1], strides = [1]} : vector<16xf32> to vector<1xf32>
      %squeeze3A_409 = vector.extract %slice3A_408[0] : f32 from vector<1xf32>
      %broadcast_in_dim3A_410 = vector.broadcast %squeeze3A_409 : f32 to vector<16xf32>
      %slice3A_411 = vector.extract_strided_slice %while3A_207#1 {offsets = [10], sizes = [1], strides = [1]} : vector<16xi32> to vector<1xi32>
      %squeeze3A_412 = vector.extract %slice3A_411[0] : i32 from vector<1xi32>
      %broadcast_in_dim3A_413 = vector.broadcast %squeeze3A_412 : i32 to vector<16xi32>
      %lt3A_414 = arith.cmpf olt, %broadcast_in_dim3A_410, %while3A_207#0 : vector<16xf32>
      %eq3A_415 = arith.cmpf oeq, %broadcast_in_dim3A_410, %while3A_207#0 : vector<16xf32>
      %lt3A_416 = arith.cmpi slt, %broadcast_in_dim3A_413, %while3A_207#1 : vector<16xi32>
      %and3A_417 = arith.andi %eq3A_415, %lt3A_416 : vector<16xi1>
      %or3A_418 = arith.ori %lt3A_414, %and3A_417 : vector<16xi1>
      %select_n3A_419 = arith.select %or3A_418, %broadcast_in_dim3A_48, %broadcast_in_dim3A_46 : vector<16xi1>, vector<16xi32>
      %add3A_420 = arith.addi %add3A_400, %select_n3A_419 : vector<16xi32>
      %lt3A_421 = arith.cmpf olt, %broadcast_in_dim3A_410, %while3A_207#2 : vector<16xf32>
      %eq3A_422 = arith.cmpf oeq, %broadcast_in_dim3A_410, %while3A_207#2 : vector<16xf32>
      %lt3A_423 = arith.cmpi slt, %broadcast_in_dim3A_413, %while3A_207#3 : vector<16xi32>
      %and3A_424 = arith.andi %eq3A_422, %lt3A_423 : vector<16xi1>
      %or3A_425 = arith.ori %lt3A_421, %and3A_424 : vector<16xi1>
      %select_n3A_426 = arith.select %or3A_425, %broadcast_in_dim3A_48, %broadcast_in_dim3A_46 : vector<16xi1>, vector<16xi32>
      %add3A_427 = arith.addi %add3A_407, %select_n3A_426 : vector<16xi32>
      %slice3A_428 = vector.extract_strided_slice %while3A_207#0 {offsets = [11], sizes = [1], strides = [1]} : vector<16xf32> to vector<1xf32>
      %squeeze3A_429 = vector.extract %slice3A_428[0] : f32 from vector<1xf32>
      %broadcast_in_dim3A_430 = vector.broadcast %squeeze3A_429 : f32 to vector<16xf32>
      %slice3A_431 = vector.extract_strided_slice %while3A_207#1 {offsets = [11], sizes = [1], strides = [1]} : vector<16xi32> to vector<1xi32>
      %squeeze3A_432 = vector.extract %slice3A_431[0] : i32 from vector<1xi32>
      %broadcast_in_dim3A_433 = vector.broadcast %squeeze3A_432 : i32 to vector<16xi32>
      %lt3A_434 = arith.cmpf olt, %broadcast_in_dim3A_430, %while3A_207#0 : vector<16xf32>
      %eq3A_435 = arith.cmpf oeq, %broadcast_in_dim3A_430, %while3A_207#0 : vector<16xf32>
      %lt3A_436 = arith.cmpi slt, %broadcast_in_dim3A_433, %while3A_207#1 : vector<16xi32>
      %and3A_437 = arith.andi %eq3A_435, %lt3A_436 : vector<16xi1>
      %or3A_438 = arith.ori %lt3A_434, %and3A_437 : vector<16xi1>
      %select_n3A_439 = arith.select %or3A_438, %broadcast_in_dim3A_48, %broadcast_in_dim3A_46 : vector<16xi1>, vector<16xi32>
      %add3A_440 = arith.addi %add3A_420, %select_n3A_439 : vector<16xi32>
      %lt3A_441 = arith.cmpf olt, %broadcast_in_dim3A_430, %while3A_207#2 : vector<16xf32>
      %eq3A_442 = arith.cmpf oeq, %broadcast_in_dim3A_430, %while3A_207#2 : vector<16xf32>
      %lt3A_443 = arith.cmpi slt, %broadcast_in_dim3A_433, %while3A_207#3 : vector<16xi32>
      %and3A_444 = arith.andi %eq3A_442, %lt3A_443 : vector<16xi1>
      %or3A_445 = arith.ori %lt3A_441, %and3A_444 : vector<16xi1>
      %select_n3A_446 = arith.select %or3A_445, %broadcast_in_dim3A_48, %broadcast_in_dim3A_46 : vector<16xi1>, vector<16xi32>
      %add3A_447 = arith.addi %add3A_427, %select_n3A_446 : vector<16xi32>
      %slice3A_448 = vector.extract_strided_slice %while3A_207#0 {offsets = [12], sizes = [1], strides = [1]} : vector<16xf32> to vector<1xf32>
      %squeeze3A_449 = vector.extract %slice3A_448[0] : f32 from vector<1xf32>
      %broadcast_in_dim3A_450 = vector.broadcast %squeeze3A_449 : f32 to vector<16xf32>
      %slice3A_451 = vector.extract_strided_slice %while3A_207#1 {offsets = [12], sizes = [1], strides = [1]} : vector<16xi32> to vector<1xi32>
      %squeeze3A_452 = vector.extract %slice3A_451[0] : i32 from vector<1xi32>
      %broadcast_in_dim3A_453 = vector.broadcast %squeeze3A_452 : i32 to vector<16xi32>
      %lt3A_454 = arith.cmpf olt, %broadcast_in_dim3A_450, %while3A_207#0 : vector<16xf32>
      %eq3A_455 = arith.cmpf oeq, %broadcast_in_dim3A_450, %while3A_207#0 : vector<16xf32>
      %lt3A_456 = arith.cmpi slt, %broadcast_in_dim3A_453, %while3A_207#1 : vector<16xi32>
      %and3A_457 = arith.andi %eq3A_455, %lt3A_456 : vector<16xi1>
      %or3A_458 = arith.ori %lt3A_454, %and3A_457 : vector<16xi1>
      %select_n3A_459 = arith.select %or3A_458, %broadcast_in_dim3A_48, %broadcast_in_dim3A_46 : vector<16xi1>, vector<16xi32>
      %add3A_460 = arith.addi %add3A_440, %select_n3A_459 : vector<16xi32>
      %lt3A_461 = arith.cmpf olt, %broadcast_in_dim3A_450, %while3A_207#2 : vector<16xf32>
      %eq3A_462 = arith.cmpf oeq, %broadcast_in_dim3A_450, %while3A_207#2 : vector<16xf32>
      %lt3A_463 = arith.cmpi slt, %broadcast_in_dim3A_453, %while3A_207#3 : vector<16xi32>
      %and3A_464 = arith.andi %eq3A_462, %lt3A_463 : vector<16xi1>
      %or3A_465 = arith.ori %lt3A_461, %and3A_464 : vector<16xi1>
      %select_n3A_466 = arith.select %or3A_465, %broadcast_in_dim3A_48, %broadcast_in_dim3A_46 : vector<16xi1>, vector<16xi32>
      %add3A_467 = arith.addi %add3A_447, %select_n3A_466 : vector<16xi32>
      %slice3A_468 = vector.extract_strided_slice %while3A_207#0 {offsets = [13], sizes = [1], strides = [1]} : vector<16xf32> to vector<1xf32>
      %squeeze3A_469 = vector.extract %slice3A_468[0] : f32 from vector<1xf32>
      %broadcast_in_dim3A_470 = vector.broadcast %squeeze3A_469 : f32 to vector<16xf32>
      %slice3A_471 = vector.extract_strided_slice %while3A_207#1 {offsets = [13], sizes = [1], strides = [1]} : vector<16xi32> to vector<1xi32>
      %squeeze3A_472 = vector.extract %slice3A_471[0] : i32 from vector<1xi32>
      %broadcast_in_dim3A_473 = vector.broadcast %squeeze3A_472 : i32 to vector<16xi32>
      %lt3A_474 = arith.cmpf olt, %broadcast_in_dim3A_470, %while3A_207#0 : vector<16xf32>
      %eq3A_475 = arith.cmpf oeq, %broadcast_in_dim3A_470, %while3A_207#0 : vector<16xf32>
      %lt3A_476 = arith.cmpi slt, %broadcast_in_dim3A_473, %while3A_207#1 : vector<16xi32>
      %and3A_477 = arith.andi %eq3A_475, %lt3A_476 : vector<16xi1>
      %or3A_478 = arith.ori %lt3A_474, %and3A_477 : vector<16xi1>
      %select_n3A_479 = arith.select %or3A_478, %broadcast_in_dim3A_48, %broadcast_in_dim3A_46 : vector<16xi1>, vector<16xi32>
      %add3A_480 = arith.addi %add3A_460, %select_n3A_479 : vector<16xi32>
      %lt3A_481 = arith.cmpf olt, %broadcast_in_dim3A_470, %while3A_207#2 : vector<16xf32>
      %eq3A_482 = arith.cmpf oeq, %broadcast_in_dim3A_470, %while3A_207#2 : vector<16xf32>
      %lt3A_483 = arith.cmpi slt, %broadcast_in_dim3A_473, %while3A_207#3 : vector<16xi32>
      %and3A_484 = arith.andi %eq3A_482, %lt3A_483 : vector<16xi1>
      %or3A_485 = arith.ori %lt3A_481, %and3A_484 : vector<16xi1>
      %select_n3A_486 = arith.select %or3A_485, %broadcast_in_dim3A_48, %broadcast_in_dim3A_46 : vector<16xi1>, vector<16xi32>
      %add3A_487 = arith.addi %add3A_467, %select_n3A_486 : vector<16xi32>
      %slice3A_488 = vector.extract_strided_slice %while3A_207#0 {offsets = [14], sizes = [1], strides = [1]} : vector<16xf32> to vector<1xf32>
      %squeeze3A_489 = vector.extract %slice3A_488[0] : f32 from vector<1xf32>
      %broadcast_in_dim3A_490 = vector.broadcast %squeeze3A_489 : f32 to vector<16xf32>
      %slice3A_491 = vector.extract_strided_slice %while3A_207#1 {offsets = [14], sizes = [1], strides = [1]} : vector<16xi32> to vector<1xi32>
      %squeeze3A_492 = vector.extract %slice3A_491[0] : i32 from vector<1xi32>
      %broadcast_in_dim3A_493 = vector.broadcast %squeeze3A_492 : i32 to vector<16xi32>
      %lt3A_494 = arith.cmpf olt, %broadcast_in_dim3A_490, %while3A_207#0 : vector<16xf32>
      %eq3A_495 = arith.cmpf oeq, %broadcast_in_dim3A_490, %while3A_207#0 : vector<16xf32>
      %lt3A_496 = arith.cmpi slt, %broadcast_in_dim3A_493, %while3A_207#1 : vector<16xi32>
      %and3A_497 = arith.andi %eq3A_495, %lt3A_496 : vector<16xi1>
      %or3A_498 = arith.ori %lt3A_494, %and3A_497 : vector<16xi1>
      %select_n3A_499 = arith.select %or3A_498, %broadcast_in_dim3A_48, %broadcast_in_dim3A_46 : vector<16xi1>, vector<16xi32>
      %add3A_500 = arith.addi %add3A_480, %select_n3A_499 : vector<16xi32>
      %lt3A_501 = arith.cmpf olt, %broadcast_in_dim3A_490, %while3A_207#2 : vector<16xf32>
      %eq3A_502 = arith.cmpf oeq, %broadcast_in_dim3A_490, %while3A_207#2 : vector<16xf32>
      %lt3A_503 = arith.cmpi slt, %broadcast_in_dim3A_493, %while3A_207#3 : vector<16xi32>
      %and3A_504 = arith.andi %eq3A_502, %lt3A_503 : vector<16xi1>
      %or3A_505 = arith.ori %lt3A_501, %and3A_504 : vector<16xi1>
      %select_n3A_506 = arith.select %or3A_505, %broadcast_in_dim3A_48, %broadcast_in_dim3A_46 : vector<16xi1>, vector<16xi32>
      %add3A_507 = arith.addi %add3A_487, %select_n3A_506 : vector<16xi32>
      %slice3A_508 = vector.extract_strided_slice %while3A_207#0 {offsets = [15], sizes = [1], strides = [1]} : vector<16xf32> to vector<1xf32>
      %squeeze3A_509 = vector.extract %slice3A_508[0] : f32 from vector<1xf32>
      %broadcast_in_dim3A_510 = vector.broadcast %squeeze3A_509 : f32 to vector<16xf32>
      %slice3A_511 = vector.extract_strided_slice %while3A_207#1 {offsets = [15], sizes = [1], strides = [1]} : vector<16xi32> to vector<1xi32>
      %squeeze3A_512 = vector.extract %slice3A_511[0] : i32 from vector<1xi32>
      %broadcast_in_dim3A_513 = vector.broadcast %squeeze3A_512 : i32 to vector<16xi32>
      %lt3A_514 = arith.cmpf olt, %broadcast_in_dim3A_510, %while3A_207#0 : vector<16xf32>
      %eq3A_515 = arith.cmpf oeq, %broadcast_in_dim3A_510, %while3A_207#0 : vector<16xf32>
      %lt3A_516 = arith.cmpi slt, %broadcast_in_dim3A_513, %while3A_207#1 : vector<16xi32>
      %and3A_517 = arith.andi %eq3A_515, %lt3A_516 : vector<16xi1>
      %or3A_518 = arith.ori %lt3A_514, %and3A_517 : vector<16xi1>
      %select_n3A_519 = arith.select %or3A_518, %broadcast_in_dim3A_48, %broadcast_in_dim3A_46 : vector<16xi1>, vector<16xi32>
      %add3A_520 = arith.addi %add3A_500, %select_n3A_519 : vector<16xi32>
      %lt3A_521 = arith.cmpf olt, %broadcast_in_dim3A_510, %while3A_207#2 : vector<16xf32>
      %eq3A_522 = arith.cmpf oeq, %broadcast_in_dim3A_510, %while3A_207#2 : vector<16xf32>
      %lt3A_523 = arith.cmpi slt, %broadcast_in_dim3A_513, %while3A_207#3 : vector<16xi32>
      %and3A_524 = arith.andi %eq3A_522, %lt3A_523 : vector<16xi1>
      %or3A_525 = arith.ori %lt3A_521, %and3A_524 : vector<16xi1>
      %select_n3A_526 = arith.select %or3A_525, %broadcast_in_dim3A_48, %broadcast_in_dim3A_46 : vector<16xi1>, vector<16xi32>
      %add3A_527 = arith.addi %add3A_507, %select_n3A_526 : vector<16xi32>
      %slice3A_528 = vector.extract_strided_slice %while3A_207#2 {offsets = [0], sizes = [1], strides = [1]} : vector<16xf32> to vector<1xf32>
      %squeeze3A_529 = vector.extract %slice3A_528[0] : f32 from vector<1xf32>
      %broadcast_in_dim3A_530 = vector.broadcast %squeeze3A_529 : f32 to vector<16xf32>
      %slice3A_531 = vector.extract_strided_slice %while3A_207#3 {offsets = [0], sizes = [1], strides = [1]} : vector<16xi32> to vector<1xi32>
      %squeeze3A_532 = vector.extract %slice3A_531[0] : i32 from vector<1xi32>
      %broadcast_in_dim3A_533 = vector.broadcast %squeeze3A_532 : i32 to vector<16xi32>
      %lt3A_534 = arith.cmpf olt, %broadcast_in_dim3A_530, %while3A_207#0 : vector<16xf32>
      %eq3A_535 = arith.cmpf oeq, %broadcast_in_dim3A_530, %while3A_207#0 : vector<16xf32>
      %lt3A_536 = arith.cmpi slt, %broadcast_in_dim3A_533, %while3A_207#1 : vector<16xi32>
      %and3A_537 = arith.andi %eq3A_535, %lt3A_536 : vector<16xi1>
      %or3A_538 = arith.ori %lt3A_534, %and3A_537 : vector<16xi1>
      %select_n3A_539 = arith.select %or3A_538, %broadcast_in_dim3A_48, %broadcast_in_dim3A_46 : vector<16xi1>, vector<16xi32>
      %add3A_540 = arith.addi %add3A_520, %select_n3A_539 : vector<16xi32>
      %lt3A_541 = arith.cmpf olt, %broadcast_in_dim3A_530, %while3A_207#2 : vector<16xf32>
      %eq3A_542 = arith.cmpf oeq, %broadcast_in_dim3A_530, %while3A_207#2 : vector<16xf32>
      %lt3A_543 = arith.cmpi slt, %broadcast_in_dim3A_533, %while3A_207#3 : vector<16xi32>
      %and3A_544 = arith.andi %eq3A_542, %lt3A_543 : vector<16xi1>
      %or3A_545 = arith.ori %lt3A_541, %and3A_544 : vector<16xi1>
      %select_n3A_546 = arith.select %or3A_545, %broadcast_in_dim3A_48, %broadcast_in_dim3A_46 : vector<16xi1>, vector<16xi32>
      %add3A_547 = arith.addi %add3A_527, %select_n3A_546 : vector<16xi32>
      %slice3A_548 = vector.extract_strided_slice %while3A_207#2 {offsets = [1], sizes = [1], strides = [1]} : vector<16xf32> to vector<1xf32>
      %squeeze3A_549 = vector.extract %slice3A_548[0] : f32 from vector<1xf32>
      %broadcast_in_dim3A_550 = vector.broadcast %squeeze3A_549 : f32 to vector<16xf32>
      %slice3A_551 = vector.extract_strided_slice %while3A_207#3 {offsets = [1], sizes = [1], strides = [1]} : vector<16xi32> to vector<1xi32>
      %squeeze3A_552 = vector.extract %slice3A_551[0] : i32 from vector<1xi32>
      %broadcast_in_dim3A_553 = vector.broadcast %squeeze3A_552 : i32 to vector<16xi32>
      %lt3A_554 = arith.cmpf olt, %broadcast_in_dim3A_550, %while3A_207#0 : vector<16xf32>
      %eq3A_555 = arith.cmpf oeq, %broadcast_in_dim3A_550, %while3A_207#0 : vector<16xf32>
      %lt3A_556 = arith.cmpi slt, %broadcast_in_dim3A_553, %while3A_207#1 : vector<16xi32>
      %and3A_557 = arith.andi %eq3A_555, %lt3A_556 : vector<16xi1>
      %or3A_558 = arith.ori %lt3A_554, %and3A_557 : vector<16xi1>
      %select_n3A_559 = arith.select %or3A_558, %broadcast_in_dim3A_48, %broadcast_in_dim3A_46 : vector<16xi1>, vector<16xi32>
      %add3A_560 = arith.addi %add3A_540, %select_n3A_559 : vector<16xi32>
      %lt3A_561 = arith.cmpf olt, %broadcast_in_dim3A_550, %while3A_207#2 : vector<16xf32>
      %eq3A_562 = arith.cmpf oeq, %broadcast_in_dim3A_550, %while3A_207#2 : vector<16xf32>
      %lt3A_563 = arith.cmpi slt, %broadcast_in_dim3A_553, %while3A_207#3 : vector<16xi32>
      %and3A_564 = arith.andi %eq3A_562, %lt3A_563 : vector<16xi1>
      %or3A_565 = arith.ori %lt3A_561, %and3A_564 : vector<16xi1>
      %select_n3A_566 = arith.select %or3A_565, %broadcast_in_dim3A_48, %broadcast_in_dim3A_46 : vector<16xi1>, vector<16xi32>
      %add3A_567 = arith.addi %add3A_547, %select_n3A_566 : vector<16xi32>
      %slice3A_568 = vector.extract_strided_slice %while3A_207#2 {offsets = [2], sizes = [1], strides = [1]} : vector<16xf32> to vector<1xf32>
      %squeeze3A_569 = vector.extract %slice3A_568[0] : f32 from vector<1xf32>
      %broadcast_in_dim3A_570 = vector.broadcast %squeeze3A_569 : f32 to vector<16xf32>
      %slice3A_571 = vector.extract_strided_slice %while3A_207#3 {offsets = [2], sizes = [1], strides = [1]} : vector<16xi32> to vector<1xi32>
      %squeeze3A_572 = vector.extract %slice3A_571[0] : i32 from vector<1xi32>
      %broadcast_in_dim3A_573 = vector.broadcast %squeeze3A_572 : i32 to vector<16xi32>
      %lt3A_574 = arith.cmpf olt, %broadcast_in_dim3A_570, %while3A_207#0 : vector<16xf32>
      %eq3A_575 = arith.cmpf oeq, %broadcast_in_dim3A_570, %while3A_207#0 : vector<16xf32>
      %lt3A_576 = arith.cmpi slt, %broadcast_in_dim3A_573, %while3A_207#1 : vector<16xi32>
      %and3A_577 = arith.andi %eq3A_575, %lt3A_576 : vector<16xi1>
      %or3A_578 = arith.ori %lt3A_574, %and3A_577 : vector<16xi1>
      %select_n3A_579 = arith.select %or3A_578, %broadcast_in_dim3A_48, %broadcast_in_dim3A_46 : vector<16xi1>, vector<16xi32>
      %add3A_580 = arith.addi %add3A_560, %select_n3A_579 : vector<16xi32>
      %lt3A_581 = arith.cmpf olt, %broadcast_in_dim3A_570, %while3A_207#2 : vector<16xf32>
      %eq3A_582 = arith.cmpf oeq, %broadcast_in_dim3A_570, %while3A_207#2 : vector<16xf32>
      %lt3A_583 = arith.cmpi slt, %broadcast_in_dim3A_573, %while3A_207#3 : vector<16xi32>
      %and3A_584 = arith.andi %eq3A_582, %lt3A_583 : vector<16xi1>
      %or3A_585 = arith.ori %lt3A_581, %and3A_584 : vector<16xi1>
      %select_n3A_586 = arith.select %or3A_585, %broadcast_in_dim3A_48, %broadcast_in_dim3A_46 : vector<16xi1>, vector<16xi32>
      %add3A_587 = arith.addi %add3A_567, %select_n3A_586 : vector<16xi32>
      %slice3A_588 = vector.extract_strided_slice %while3A_207#2 {offsets = [3], sizes = [1], strides = [1]} : vector<16xf32> to vector<1xf32>
      %squeeze3A_589 = vector.extract %slice3A_588[0] : f32 from vector<1xf32>
      %broadcast_in_dim3A_590 = vector.broadcast %squeeze3A_589 : f32 to vector<16xf32>
      %slice3A_591 = vector.extract_strided_slice %while3A_207#3 {offsets = [3], sizes = [1], strides = [1]} : vector<16xi32> to vector<1xi32>
      %squeeze3A_592 = vector.extract %slice3A_591[0] : i32 from vector<1xi32>
      %broadcast_in_dim3A_593 = vector.broadcast %squeeze3A_592 : i32 to vector<16xi32>
      %lt3A_594 = arith.cmpf olt, %broadcast_in_dim3A_590, %while3A_207#0 : vector<16xf32>
      %eq3A_595 = arith.cmpf oeq, %broadcast_in_dim3A_590, %while3A_207#0 : vector<16xf32>
      %lt3A_596 = arith.cmpi slt, %broadcast_in_dim3A_593, %while3A_207#1 : vector<16xi32>
      %and3A_597 = arith.andi %eq3A_595, %lt3A_596 : vector<16xi1>
      %or3A_598 = arith.ori %lt3A_594, %and3A_597 : vector<16xi1>
      %select_n3A_599 = arith.select %or3A_598, %broadcast_in_dim3A_48, %broadcast_in_dim3A_46 : vector<16xi1>, vector<16xi32>
      %add3A_600 = arith.addi %add3A_580, %select_n3A_599 : vector<16xi32>
      %lt3A_601 = arith.cmpf olt, %broadcast_in_dim3A_590, %while3A_207#2 : vector<16xf32>
      %eq3A_602 = arith.cmpf oeq, %broadcast_in_dim3A_590, %while3A_207#2 : vector<16xf32>
      %lt3A_603 = arith.cmpi slt, %broadcast_in_dim3A_593, %while3A_207#3 : vector<16xi32>
      %and3A_604 = arith.andi %eq3A_602, %lt3A_603 : vector<16xi1>
      %or3A_605 = arith.ori %lt3A_601, %and3A_604 : vector<16xi1>
      %select_n3A_606 = arith.select %or3A_605, %broadcast_in_dim3A_48, %broadcast_in_dim3A_46 : vector<16xi1>, vector<16xi32>
      %add3A_607 = arith.addi %add3A_587, %select_n3A_606 : vector<16xi32>
      %slice3A_608 = vector.extract_strided_slice %while3A_207#2 {offsets = [4], sizes = [1], strides = [1]} : vector<16xf32> to vector<1xf32>
      %squeeze3A_609 = vector.extract %slice3A_608[0] : f32 from vector<1xf32>
      %broadcast_in_dim3A_610 = vector.broadcast %squeeze3A_609 : f32 to vector<16xf32>
      %slice3A_611 = vector.extract_strided_slice %while3A_207#3 {offsets = [4], sizes = [1], strides = [1]} : vector<16xi32> to vector<1xi32>
      %squeeze3A_612 = vector.extract %slice3A_611[0] : i32 from vector<1xi32>
      %broadcast_in_dim3A_613 = vector.broadcast %squeeze3A_612 : i32 to vector<16xi32>
      %lt3A_614 = arith.cmpf olt, %broadcast_in_dim3A_610, %while3A_207#0 : vector<16xf32>
      %eq3A_615 = arith.cmpf oeq, %broadcast_in_dim3A_610, %while3A_207#0 : vector<16xf32>
      %lt3A_616 = arith.cmpi slt, %broadcast_in_dim3A_613, %while3A_207#1 : vector<16xi32>
      %and3A_617 = arith.andi %eq3A_615, %lt3A_616 : vector<16xi1>
      %or3A_618 = arith.ori %lt3A_614, %and3A_617 : vector<16xi1>
      %select_n3A_619 = arith.select %or3A_618, %broadcast_in_dim3A_48, %broadcast_in_dim3A_46 : vector<16xi1>, vector<16xi32>
      %add3A_620 = arith.addi %add3A_600, %select_n3A_619 : vector<16xi32>
      %lt3A_621 = arith.cmpf olt, %broadcast_in_dim3A_610, %while3A_207#2 : vector<16xf32>
      %eq3A_622 = arith.cmpf oeq, %broadcast_in_dim3A_610, %while3A_207#2 : vector<16xf32>
      %lt3A_623 = arith.cmpi slt, %broadcast_in_dim3A_613, %while3A_207#3 : vector<16xi32>
      %and3A_624 = arith.andi %eq3A_622, %lt3A_623 : vector<16xi1>
      %or3A_625 = arith.ori %lt3A_621, %and3A_624 : vector<16xi1>
      %select_n3A_626 = arith.select %or3A_625, %broadcast_in_dim3A_48, %broadcast_in_dim3A_46 : vector<16xi1>, vector<16xi32>
      %add3A_627 = arith.addi %add3A_607, %select_n3A_626 : vector<16xi32>
      %slice3A_628 = vector.extract_strided_slice %while3A_207#2 {offsets = [5], sizes = [1], strides = [1]} : vector<16xf32> to vector<1xf32>
      %squeeze3A_629 = vector.extract %slice3A_628[0] : f32 from vector<1xf32>
      %broadcast_in_dim3A_630 = vector.broadcast %squeeze3A_629 : f32 to vector<16xf32>
      %slice3A_631 = vector.extract_strided_slice %while3A_207#3 {offsets = [5], sizes = [1], strides = [1]} : vector<16xi32> to vector<1xi32>
      %squeeze3A_632 = vector.extract %slice3A_631[0] : i32 from vector<1xi32>
      %broadcast_in_dim3A_633 = vector.broadcast %squeeze3A_632 : i32 to vector<16xi32>
      %lt3A_634 = arith.cmpf olt, %broadcast_in_dim3A_630, %while3A_207#0 : vector<16xf32>
      %eq3A_635 = arith.cmpf oeq, %broadcast_in_dim3A_630, %while3A_207#0 : vector<16xf32>
      %lt3A_636 = arith.cmpi slt, %broadcast_in_dim3A_633, %while3A_207#1 : vector<16xi32>
      %and3A_637 = arith.andi %eq3A_635, %lt3A_636 : vector<16xi1>
      %or3A_638 = arith.ori %lt3A_634, %and3A_637 : vector<16xi1>
      %select_n3A_639 = arith.select %or3A_638, %broadcast_in_dim3A_48, %broadcast_in_dim3A_46 : vector<16xi1>, vector<16xi32>
      %add3A_640 = arith.addi %add3A_620, %select_n3A_639 : vector<16xi32>
      %lt3A_641 = arith.cmpf olt, %broadcast_in_dim3A_630, %while3A_207#2 : vector<16xf32>
      %eq3A_642 = arith.cmpf oeq, %broadcast_in_dim3A_630, %while3A_207#2 : vector<16xf32>
      %lt3A_643 = arith.cmpi slt, %broadcast_in_dim3A_633, %while3A_207#3 : vector<16xi32>
      %and3A_644 = arith.andi %eq3A_642, %lt3A_643 : vector<16xi1>
      %or3A_645 = arith.ori %lt3A_641, %and3A_644 : vector<16xi1>
      %select_n3A_646 = arith.select %or3A_645, %broadcast_in_dim3A_48, %broadcast_in_dim3A_46 : vector<16xi1>, vector<16xi32>
      %add3A_647 = arith.addi %add3A_627, %select_n3A_646 : vector<16xi32>
      %slice3A_648 = vector.extract_strided_slice %while3A_207#2 {offsets = [6], sizes = [1], strides = [1]} : vector<16xf32> to vector<1xf32>
      %squeeze3A_649 = vector.extract %slice3A_648[0] : f32 from vector<1xf32>
      %broadcast_in_dim3A_650 = vector.broadcast %squeeze3A_649 : f32 to vector<16xf32>
      %slice3A_651 = vector.extract_strided_slice %while3A_207#3 {offsets = [6], sizes = [1], strides = [1]} : vector<16xi32> to vector<1xi32>
      %squeeze3A_652 = vector.extract %slice3A_651[0] : i32 from vector<1xi32>
      %broadcast_in_dim3A_653 = vector.broadcast %squeeze3A_652 : i32 to vector<16xi32>
      %lt3A_654 = arith.cmpf olt, %broadcast_in_dim3A_650, %while3A_207#0 : vector<16xf32>
      %eq3A_655 = arith.cmpf oeq, %broadcast_in_dim3A_650, %while3A_207#0 : vector<16xf32>
      %lt3A_656 = arith.cmpi slt, %broadcast_in_dim3A_653, %while3A_207#1 : vector<16xi32>
      %and3A_657 = arith.andi %eq3A_655, %lt3A_656 : vector<16xi1>
      %or3A_658 = arith.ori %lt3A_654, %and3A_657 : vector<16xi1>
      %select_n3A_659 = arith.select %or3A_658, %broadcast_in_dim3A_48, %broadcast_in_dim3A_46 : vector<16xi1>, vector<16xi32>
      %add3A_660 = arith.addi %add3A_640, %select_n3A_659 : vector<16xi32>
      %lt3A_661 = arith.cmpf olt, %broadcast_in_dim3A_650, %while3A_207#2 : vector<16xf32>
      %eq3A_662 = arith.cmpf oeq, %broadcast_in_dim3A_650, %while3A_207#2 : vector<16xf32>
      %lt3A_663 = arith.cmpi slt, %broadcast_in_dim3A_653, %while3A_207#3 : vector<16xi32>
      %and3A_664 = arith.andi %eq3A_662, %lt3A_663 : vector<16xi1>
      %or3A_665 = arith.ori %lt3A_661, %and3A_664 : vector<16xi1>
      %select_n3A_666 = arith.select %or3A_665, %broadcast_in_dim3A_48, %broadcast_in_dim3A_46 : vector<16xi1>, vector<16xi32>
      %add3A_667 = arith.addi %add3A_647, %select_n3A_666 : vector<16xi32>
      %slice3A_668 = vector.extract_strided_slice %while3A_207#2 {offsets = [7], sizes = [1], strides = [1]} : vector<16xf32> to vector<1xf32>
      %squeeze3A_669 = vector.extract %slice3A_668[0] : f32 from vector<1xf32>
      %broadcast_in_dim3A_670 = vector.broadcast %squeeze3A_669 : f32 to vector<16xf32>
      %slice3A_671 = vector.extract_strided_slice %while3A_207#3 {offsets = [7], sizes = [1], strides = [1]} : vector<16xi32> to vector<1xi32>
      %squeeze3A_672 = vector.extract %slice3A_671[0] : i32 from vector<1xi32>
      %broadcast_in_dim3A_673 = vector.broadcast %squeeze3A_672 : i32 to vector<16xi32>
      %lt3A_674 = arith.cmpf olt, %broadcast_in_dim3A_670, %while3A_207#0 : vector<16xf32>
      %eq3A_675 = arith.cmpf oeq, %broadcast_in_dim3A_670, %while3A_207#0 : vector<16xf32>
      %lt3A_676 = arith.cmpi slt, %broadcast_in_dim3A_673, %while3A_207#1 : vector<16xi32>
      %and3A_677 = arith.andi %eq3A_675, %lt3A_676 : vector<16xi1>
      %or3A_678 = arith.ori %lt3A_674, %and3A_677 : vector<16xi1>
      %select_n3A_679 = arith.select %or3A_678, %broadcast_in_dim3A_48, %broadcast_in_dim3A_46 : vector<16xi1>, vector<16xi32>
      %add3A_680 = arith.addi %add3A_660, %select_n3A_679 : vector<16xi32>
      %lt3A_681 = arith.cmpf olt, %broadcast_in_dim3A_670, %while3A_207#2 : vector<16xf32>
      %eq3A_682 = arith.cmpf oeq, %broadcast_in_dim3A_670, %while3A_207#2 : vector<16xf32>
      %lt3A_683 = arith.cmpi slt, %broadcast_in_dim3A_673, %while3A_207#3 : vector<16xi32>
      %and3A_684 = arith.andi %eq3A_682, %lt3A_683 : vector<16xi1>
      %or3A_685 = arith.ori %lt3A_681, %and3A_684 : vector<16xi1>
      %select_n3A_686 = arith.select %or3A_685, %broadcast_in_dim3A_48, %broadcast_in_dim3A_46 : vector<16xi1>, vector<16xi32>
      %add3A_687 = arith.addi %add3A_667, %select_n3A_686 : vector<16xi32>
      %slice3A_688 = vector.extract_strided_slice %while3A_207#2 {offsets = [8], sizes = [1], strides = [1]} : vector<16xf32> to vector<1xf32>
      %squeeze3A_689 = vector.extract %slice3A_688[0] : f32 from vector<1xf32>
      %broadcast_in_dim3A_690 = vector.broadcast %squeeze3A_689 : f32 to vector<16xf32>
      %slice3A_691 = vector.extract_strided_slice %while3A_207#3 {offsets = [8], sizes = [1], strides = [1]} : vector<16xi32> to vector<1xi32>
      %squeeze3A_692 = vector.extract %slice3A_691[0] : i32 from vector<1xi32>
      %broadcast_in_dim3A_693 = vector.broadcast %squeeze3A_692 : i32 to vector<16xi32>
      %lt3A_694 = arith.cmpf olt, %broadcast_in_dim3A_690, %while3A_207#0 : vector<16xf32>
      %eq3A_695 = arith.cmpf oeq, %broadcast_in_dim3A_690, %while3A_207#0 : vector<16xf32>
      %lt3A_696 = arith.cmpi slt, %broadcast_in_dim3A_693, %while3A_207#1 : vector<16xi32>
      %and3A_697 = arith.andi %eq3A_695, %lt3A_696 : vector<16xi1>
      %or3A_698 = arith.ori %lt3A_694, %and3A_697 : vector<16xi1>
      %select_n3A_699 = arith.select %or3A_698, %broadcast_in_dim3A_48, %broadcast_in_dim3A_46 : vector<16xi1>, vector<16xi32>
      %add3A_700 = arith.addi %add3A_680, %select_n3A_699 : vector<16xi32>
      %lt3A_701 = arith.cmpf olt, %broadcast_in_dim3A_690, %while3A_207#2 : vector<16xf32>
      %eq3A_702 = arith.cmpf oeq, %broadcast_in_dim3A_690, %while3A_207#2 : vector<16xf32>
      %lt3A_703 = arith.cmpi slt, %broadcast_in_dim3A_693, %while3A_207#3 : vector<16xi32>
      %and3A_704 = arith.andi %eq3A_702, %lt3A_703 : vector<16xi1>
      %or3A_705 = arith.ori %lt3A_701, %and3A_704 : vector<16xi1>
      %select_n3A_706 = arith.select %or3A_705, %broadcast_in_dim3A_48, %broadcast_in_dim3A_46 : vector<16xi1>, vector<16xi32>
      %add3A_707 = arith.addi %add3A_687, %select_n3A_706 : vector<16xi32>
      %slice3A_708 = vector.extract_strided_slice %while3A_207#2 {offsets = [9], sizes = [1], strides = [1]} : vector<16xf32> to vector<1xf32>
      %squeeze3A_709 = vector.extract %slice3A_708[0] : f32 from vector<1xf32>
      %broadcast_in_dim3A_710 = vector.broadcast %squeeze3A_709 : f32 to vector<16xf32>
      %slice3A_711 = vector.extract_strided_slice %while3A_207#3 {offsets = [9], sizes = [1], strides = [1]} : vector<16xi32> to vector<1xi32>
      %squeeze3A_712 = vector.extract %slice3A_711[0] : i32 from vector<1xi32>
      %broadcast_in_dim3A_713 = vector.broadcast %squeeze3A_712 : i32 to vector<16xi32>
      %lt3A_714 = arith.cmpf olt, %broadcast_in_dim3A_710, %while3A_207#0 : vector<16xf32>
      %eq3A_715 = arith.cmpf oeq, %broadcast_in_dim3A_710, %while3A_207#0 : vector<16xf32>
      %lt3A_716 = arith.cmpi slt, %broadcast_in_dim3A_713, %while3A_207#1 : vector<16xi32>
      %and3A_717 = arith.andi %eq3A_715, %lt3A_716 : vector<16xi1>
      %or3A_718 = arith.ori %lt3A_714, %and3A_717 : vector<16xi1>
      %select_n3A_719 = arith.select %or3A_718, %broadcast_in_dim3A_48, %broadcast_in_dim3A_46 : vector<16xi1>, vector<16xi32>
      %add3A_720 = arith.addi %add3A_700, %select_n3A_719 : vector<16xi32>
      %lt3A_721 = arith.cmpf olt, %broadcast_in_dim3A_710, %while3A_207#2 : vector<16xf32>
      %eq3A_722 = arith.cmpf oeq, %broadcast_in_dim3A_710, %while3A_207#2 : vector<16xf32>
      %lt3A_723 = arith.cmpi slt, %broadcast_in_dim3A_713, %while3A_207#3 : vector<16xi32>
      %and3A_724 = arith.andi %eq3A_722, %lt3A_723 : vector<16xi1>
      %or3A_725 = arith.ori %lt3A_721, %and3A_724 : vector<16xi1>
      %select_n3A_726 = arith.select %or3A_725, %broadcast_in_dim3A_48, %broadcast_in_dim3A_46 : vector<16xi1>, vector<16xi32>
      %add3A_727 = arith.addi %add3A_707, %select_n3A_726 : vector<16xi32>
      %slice3A_728 = vector.extract_strided_slice %while3A_207#2 {offsets = [10], sizes = [1], strides = [1]} : vector<16xf32> to vector<1xf32>
      %squeeze3A_729 = vector.extract %slice3A_728[0] : f32 from vector<1xf32>
      %broadcast_in_dim3A_730 = vector.broadcast %squeeze3A_729 : f32 to vector<16xf32>
      %slice3A_731 = vector.extract_strided_slice %while3A_207#3 {offsets = [10], sizes = [1], strides = [1]} : vector<16xi32> to vector<1xi32>
      %squeeze3A_732 = vector.extract %slice3A_731[0] : i32 from vector<1xi32>
      %broadcast_in_dim3A_733 = vector.broadcast %squeeze3A_732 : i32 to vector<16xi32>
      %lt3A_734 = arith.cmpf olt, %broadcast_in_dim3A_730, %while3A_207#0 : vector<16xf32>
      %eq3A_735 = arith.cmpf oeq, %broadcast_in_dim3A_730, %while3A_207#0 : vector<16xf32>
      %lt3A_736 = arith.cmpi slt, %broadcast_in_dim3A_733, %while3A_207#1 : vector<16xi32>
      %and3A_737 = arith.andi %eq3A_735, %lt3A_736 : vector<16xi1>
      %or3A_738 = arith.ori %lt3A_734, %and3A_737 : vector<16xi1>
      %select_n3A_739 = arith.select %or3A_738, %broadcast_in_dim3A_48, %broadcast_in_dim3A_46 : vector<16xi1>, vector<16xi32>
      %add3A_740 = arith.addi %add3A_720, %select_n3A_739 : vector<16xi32>
      %lt3A_741 = arith.cmpf olt, %broadcast_in_dim3A_730, %while3A_207#2 : vector<16xf32>
      %eq3A_742 = arith.cmpf oeq, %broadcast_in_dim3A_730, %while3A_207#2 : vector<16xf32>
      %lt3A_743 = arith.cmpi slt, %broadcast_in_dim3A_733, %while3A_207#3 : vector<16xi32>
      %and3A_744 = arith.andi %eq3A_742, %lt3A_743 : vector<16xi1>
      %or3A_745 = arith.ori %lt3A_741, %and3A_744 : vector<16xi1>
      %select_n3A_746 = arith.select %or3A_745, %broadcast_in_dim3A_48, %broadcast_in_dim3A_46 : vector<16xi1>, vector<16xi32>
      %add3A_747 = arith.addi %add3A_727, %select_n3A_746 : vector<16xi32>
      %slice3A_748 = vector.extract_strided_slice %while3A_207#2 {offsets = [11], sizes = [1], strides = [1]} : vector<16xf32> to vector<1xf32>
      %squeeze3A_749 = vector.extract %slice3A_748[0] : f32 from vector<1xf32>
      %broadcast_in_dim3A_750 = vector.broadcast %squeeze3A_749 : f32 to vector<16xf32>
      %slice3A_751 = vector.extract_strided_slice %while3A_207#3 {offsets = [11], sizes = [1], strides = [1]} : vector<16xi32> to vector<1xi32>
      %squeeze3A_752 = vector.extract %slice3A_751[0] : i32 from vector<1xi32>
      %broadcast_in_dim3A_753 = vector.broadcast %squeeze3A_752 : i32 to vector<16xi32>
      %lt3A_754 = arith.cmpf olt, %broadcast_in_dim3A_750, %while3A_207#0 : vector<16xf32>
      %eq3A_755 = arith.cmpf oeq, %broadcast_in_dim3A_750, %while3A_207#0 : vector<16xf32>
      %lt3A_756 = arith.cmpi slt, %broadcast_in_dim3A_753, %while3A_207#1 : vector<16xi32>
      %and3A_757 = arith.andi %eq3A_755, %lt3A_756 : vector<16xi1>
      %or3A_758 = arith.ori %lt3A_754, %and3A_757 : vector<16xi1>
      %select_n3A_759 = arith.select %or3A_758, %broadcast_in_dim3A_48, %broadcast_in_dim3A_46 : vector<16xi1>, vector<16xi32>
      %add3A_760 = arith.addi %add3A_740, %select_n3A_759 : vector<16xi32>
      %lt3A_761 = arith.cmpf olt, %broadcast_in_dim3A_750, %while3A_207#2 : vector<16xf32>
      %eq3A_762 = arith.cmpf oeq, %broadcast_in_dim3A_750, %while3A_207#2 : vector<16xf32>
      %lt3A_763 = arith.cmpi slt, %broadcast_in_dim3A_753, %while3A_207#3 : vector<16xi32>
      %and3A_764 = arith.andi %eq3A_762, %lt3A_763 : vector<16xi1>
      %or3A_765 = arith.ori %lt3A_761, %and3A_764 : vector<16xi1>
      %select_n3A_766 = arith.select %or3A_765, %broadcast_in_dim3A_48, %broadcast_in_dim3A_46 : vector<16xi1>, vector<16xi32>
      %add3A_767 = arith.addi %add3A_747, %select_n3A_766 : vector<16xi32>
      %slice3A_768 = vector.extract_strided_slice %while3A_207#2 {offsets = [12], sizes = [1], strides = [1]} : vector<16xf32> to vector<1xf32>
      %squeeze3A_769 = vector.extract %slice3A_768[0] : f32 from vector<1xf32>
      %broadcast_in_dim3A_770 = vector.broadcast %squeeze3A_769 : f32 to vector<16xf32>
      %slice3A_771 = vector.extract_strided_slice %while3A_207#3 {offsets = [12], sizes = [1], strides = [1]} : vector<16xi32> to vector<1xi32>
      %squeeze3A_772 = vector.extract %slice3A_771[0] : i32 from vector<1xi32>
      %broadcast_in_dim3A_773 = vector.broadcast %squeeze3A_772 : i32 to vector<16xi32>
      %lt3A_774 = arith.cmpf olt, %broadcast_in_dim3A_770, %while3A_207#0 : vector<16xf32>
      %eq3A_775 = arith.cmpf oeq, %broadcast_in_dim3A_770, %while3A_207#0 : vector<16xf32>
      %lt3A_776 = arith.cmpi slt, %broadcast_in_dim3A_773, %while3A_207#1 : vector<16xi32>
      %and3A_777 = arith.andi %eq3A_775, %lt3A_776 : vector<16xi1>
      %or3A_778 = arith.ori %lt3A_774, %and3A_777 : vector<16xi1>
      %select_n3A_779 = arith.select %or3A_778, %broadcast_in_dim3A_48, %broadcast_in_dim3A_46 : vector<16xi1>, vector<16xi32>
      %add3A_780 = arith.addi %add3A_760, %select_n3A_779 : vector<16xi32>
      %lt3A_781 = arith.cmpf olt, %broadcast_in_dim3A_770, %while3A_207#2 : vector<16xf32>
      %eq3A_782 = arith.cmpf oeq, %broadcast_in_dim3A_770, %while3A_207#2 : vector<16xf32>
      %lt3A_783 = arith.cmpi slt, %broadcast_in_dim3A_773, %while3A_207#3 : vector<16xi32>
      %and3A_784 = arith.andi %eq3A_782, %lt3A_783 : vector<16xi1>
      %or3A_785 = arith.ori %lt3A_781, %and3A_784 : vector<16xi1>
      %select_n3A_786 = arith.select %or3A_785, %broadcast_in_dim3A_48, %broadcast_in_dim3A_46 : vector<16xi1>, vector<16xi32>
      %add3A_787 = arith.addi %add3A_767, %select_n3A_786 : vector<16xi32>
      %slice3A_788 = vector.extract_strided_slice %while3A_207#2 {offsets = [13], sizes = [1], strides = [1]} : vector<16xf32> to vector<1xf32>
      %squeeze3A_789 = vector.extract %slice3A_788[0] : f32 from vector<1xf32>
      %broadcast_in_dim3A_790 = vector.broadcast %squeeze3A_789 : f32 to vector<16xf32>
      %slice3A_791 = vector.extract_strided_slice %while3A_207#3 {offsets = [13], sizes = [1], strides = [1]} : vector<16xi32> to vector<1xi32>
      %squeeze3A_792 = vector.extract %slice3A_791[0] : i32 from vector<1xi32>
      %broadcast_in_dim3A_793 = vector.broadcast %squeeze3A_792 : i32 to vector<16xi32>
      %lt3A_794 = arith.cmpf olt, %broadcast_in_dim3A_790, %while3A_207#0 : vector<16xf32>
      %eq3A_795 = arith.cmpf oeq, %broadcast_in_dim3A_790, %while3A_207#0 : vector<16xf32>
      %lt3A_796 = arith.cmpi slt, %broadcast_in_dim3A_793, %while3A_207#1 : vector<16xi32>
      %and3A_797 = arith.andi %eq3A_795, %lt3A_796 : vector<16xi1>
      %or3A_798 = arith.ori %lt3A_794, %and3A_797 : vector<16xi1>
      %select_n3A_799 = arith.select %or3A_798, %broadcast_in_dim3A_48, %broadcast_in_dim3A_46 : vector<16xi1>, vector<16xi32>
      %add3A_800 = arith.addi %add3A_780, %select_n3A_799 : vector<16xi32>
      %lt3A_801 = arith.cmpf olt, %broadcast_in_dim3A_790, %while3A_207#2 : vector<16xf32>
      %eq3A_802 = arith.cmpf oeq, %broadcast_in_dim3A_790, %while3A_207#2 : vector<16xf32>
      %lt3A_803 = arith.cmpi slt, %broadcast_in_dim3A_793, %while3A_207#3 : vector<16xi32>
      %and3A_804 = arith.andi %eq3A_802, %lt3A_803 : vector<16xi1>
      %or3A_805 = arith.ori %lt3A_801, %and3A_804 : vector<16xi1>
      %select_n3A_806 = arith.select %or3A_805, %broadcast_in_dim3A_48, %broadcast_in_dim3A_46 : vector<16xi1>, vector<16xi32>
      %add3A_807 = arith.addi %add3A_787, %select_n3A_806 : vector<16xi32>
      %slice3A_808 = vector.extract_strided_slice %while3A_207#2 {offsets = [14], sizes = [1], strides = [1]} : vector<16xf32> to vector<1xf32>
      %squeeze3A_809 = vector.extract %slice3A_808[0] : f32 from vector<1xf32>
      %broadcast_in_dim3A_810 = vector.broadcast %squeeze3A_809 : f32 to vector<16xf32>
      %slice3A_811 = vector.extract_strided_slice %while3A_207#3 {offsets = [14], sizes = [1], strides = [1]} : vector<16xi32> to vector<1xi32>
      %squeeze3A_812 = vector.extract %slice3A_811[0] : i32 from vector<1xi32>
      %broadcast_in_dim3A_813 = vector.broadcast %squeeze3A_812 : i32 to vector<16xi32>
      %lt3A_814 = arith.cmpf olt, %broadcast_in_dim3A_810, %while3A_207#0 : vector<16xf32>
      %eq3A_815 = arith.cmpf oeq, %broadcast_in_dim3A_810, %while3A_207#0 : vector<16xf32>
      %lt3A_816 = arith.cmpi slt, %broadcast_in_dim3A_813, %while3A_207#1 : vector<16xi32>
      %and3A_817 = arith.andi %eq3A_815, %lt3A_816 : vector<16xi1>
      %or3A_818 = arith.ori %lt3A_814, %and3A_817 : vector<16xi1>
      %select_n3A_819 = arith.select %or3A_818, %broadcast_in_dim3A_48, %broadcast_in_dim3A_46 : vector<16xi1>, vector<16xi32>
      %add3A_820 = arith.addi %add3A_800, %select_n3A_819 : vector<16xi32>
      %lt3A_821 = arith.cmpf olt, %broadcast_in_dim3A_810, %while3A_207#2 : vector<16xf32>
      %eq3A_822 = arith.cmpf oeq, %broadcast_in_dim3A_810, %while3A_207#2 : vector<16xf32>
      %lt3A_823 = arith.cmpi slt, %broadcast_in_dim3A_813, %while3A_207#3 : vector<16xi32>
      %and3A_824 = arith.andi %eq3A_822, %lt3A_823 : vector<16xi1>
      %or3A_825 = arith.ori %lt3A_821, %and3A_824 : vector<16xi1>
      %select_n3A_826 = arith.select %or3A_825, %broadcast_in_dim3A_48, %broadcast_in_dim3A_46 : vector<16xi1>, vector<16xi32>
      %add3A_827 = arith.addi %add3A_807, %select_n3A_826 : vector<16xi32>
      %slice3A_828 = vector.extract_strided_slice %while3A_207#2 {offsets = [15], sizes = [1], strides = [1]} : vector<16xf32> to vector<1xf32>
      %squeeze3A_829 = vector.extract %slice3A_828[0] : f32 from vector<1xf32>
      %broadcast_in_dim3A_830 = vector.broadcast %squeeze3A_829 : f32 to vector<16xf32>
      %slice3A_831 = vector.extract_strided_slice %while3A_207#3 {offsets = [15], sizes = [1], strides = [1]} : vector<16xi32> to vector<1xi32>
      %squeeze3A_832 = vector.extract %slice3A_831[0] : i32 from vector<1xi32>
      %broadcast_in_dim3A_833 = vector.broadcast %squeeze3A_832 : i32 to vector<16xi32>
      %lt3A_834 = arith.cmpf olt, %broadcast_in_dim3A_830, %while3A_207#0 : vector<16xf32>
      %eq3A_835 = arith.cmpf oeq, %broadcast_in_dim3A_830, %while3A_207#0 : vector<16xf32>
      %lt3A_836 = arith.cmpi slt, %broadcast_in_dim3A_833, %while3A_207#1 : vector<16xi32>
      %and3A_837 = arith.andi %eq3A_835, %lt3A_836 : vector<16xi1>
      %or3A_838 = arith.ori %lt3A_834, %and3A_837 : vector<16xi1>
      %select_n3A_839 = arith.select %or3A_838, %broadcast_in_dim3A_48, %broadcast_in_dim3A_46 : vector<16xi1>, vector<16xi32>
      %add3A_840 = arith.addi %add3A_820, %select_n3A_839 : vector<16xi32>
      %lt3A_841 = arith.cmpf olt, %broadcast_in_dim3A_830, %while3A_207#2 : vector<16xf32>
      %eq3A_842 = arith.cmpf oeq, %broadcast_in_dim3A_830, %while3A_207#2 : vector<16xf32>
      %lt3A_843 = arith.cmpi slt, %broadcast_in_dim3A_833, %while3A_207#3 : vector<16xi32>
      %and3A_844 = arith.andi %eq3A_842, %lt3A_843 : vector<16xi1>
      %or3A_845 = arith.ori %lt3A_841, %and3A_844 : vector<16xi1>
      %select_n3A_846 = arith.select %or3A_845, %broadcast_in_dim3A_48, %broadcast_in_dim3A_46 : vector<16xi1>, vector<16xi32>
      %add3A_847 = arith.addi %add3A_827, %select_n3A_846 : vector<16xi32>
      tpu.vector_store_idx %arg17[%add3A_840], %while3A_207#1 masked %eq3A_208 : memref<768xi32, #tpu.memory_space<vmem>>[vector<16xi32>], vector<16xi32>, vector<16xi1>
      tpu.vector_store_idx %arg17[%add3A_847], %while3A_207#3 masked %eq3A_208 : memref<768xi32, #tpu.memory_space<vmem>>[vector<16xi32>], vector<16xi32>, vector<16xi1>
      %get3A_848 = arith.constant 0 : index
      %get3A_849 = tpu.vector_load %arg17[%get3A_848] {strides = array<i32>} : memref<768xi32, #tpu.memory_space<vmem>>, vector<16xi32>,
      %get3A_850 = arith.constant 16 : index
      %get3A_851 = tpu.vector_load %arg17[%get3A_850] {strides = array<i32>} : memref<768xi32, #tpu.memory_space<vmem>>, vector<16xi32>,
      %swap3A_852 = arith.constant 0 : index
      %swap3A_853 = tpu.vector_load %arg17[%swap3A_852] {strides = array<i32>} : memref<768xi32, #tpu.memory_space<vmem>>, vector<16xi32>,
      tpu.vector_store %arg17[%swap3A_852], %broadcast_in_dim3A_44 {strides = array<i32>} : memref<768xi32, #tpu.memory_space<vmem>>, vector<16xi32>,
      %swap3A_854 = arith.constant 16 : index
      %swap3A_855 = tpu.vector_load %arg17[%swap3A_854] {strides = array<i32>} : memref<768xi32, #tpu.memory_space<vmem>>, vector<16xi32>,
      tpu.vector_store %arg17[%swap3A_854], %broadcast_in_dim3A_44 {strides = array<i32>} : memref<768xi32, #tpu.memory_space<vmem>>, vector<16xi32>,
      %mul3A_856 = arith.constant 16384 : i32
      %mul3A_857 = arith.muli %select_n3A, %mul3A_856 : i32
      %broadcast_in_dim3A_858 = vector.broadcast %mul3A_857 : i32 to vector<16xi32>
      %add3A_859 = arith.addi %get3A_849, %broadcast_in_dim3A_858 : vector<16xi32>
      %mul3A_860 = arith.constant 32 : i32
      %mul3A_861 = arith.muli %scan3A_159, %mul3A_860 : i32
      %swap3A_862 = arith.index_cast %mul3A_861 : i32 to index
      %swap3A_863 = tpu.vector_load %arg18[%swap3A_862] {strides = array<i32>} : memref<8192xi32, #tpu.memory_space<vmem>>, vector<16xi32>,
      tpu.vector_store %arg18[%swap3A_862], %add3A_859 {strides = array<i32>} : memref<8192xi32, #tpu.memory_space<vmem>>, vector<16xi32>,
      %add3A_864 = arith.addi %get3A_851, %broadcast_in_dim3A_858 : vector<16xi32>
      %mul3A_865 = arith.constant 32 : i32
      %mul3A_866 = arith.muli %scan3A_159, %mul3A_865 : i32
      %add3A_867 = arith.constant 16 : i32
      %add3A_868 = arith.addi %mul3A_866, %add3A_867 : i32
      %swap3A_869 = arith.index_cast %add3A_868 : i32 to index
      %swap3A_870 = tpu.vector_load %arg18[%swap3A_869] {strides = array<i32>} : memref<8192xi32, #tpu.memory_space<vmem>>, vector<16xi32>,
      tpu.vector_store %arg18[%swap3A_869], %add3A_864 {strides = array<i32>} : memref<8192xi32, #tpu.memory_space<vmem>>, vector<16xi32>,
      %scan3A_871 = arith.constant 0 : i32
      scf.yield %scan3A_871 : i32
    }
    %scan3A_151 = arith.constant 256 : i32
    %scan3A_152 = arith.constant 0 : i32
    %scan3A_153 = arith.constant 0 : i32
    %scan3A_154 = arith.constant 64 : i32
    %scan3A_155 = arith.addi %scan3A_153, %scan3A_154 : i32
    %scan3A_156 = arith.constant 1 : i32
    %scan3A_157 = scf.for %scan3A_159 = %scan3A_153 to %scan3A_155 step %scan3A_156 iter_args(%scan3A_160 = %scan3A_152) -> (i32)  : i32 {
      %mul3A_161 = arith.constant 4 : i32
      %mul3A_162 = arith.muli %scan3A_159, %mul3A_161 : i32
      %mul3A_163 = arith.constant 32 : i32
      %mul3A_164 = arith.muli %mul3A_162, %mul3A_163 : i32
      %dma_start3A = tpu.memref_slice %arg18[%mul3A_164] : memref<8192xi32, #tpu.memory_space<vmem>> -> memref<128xi32, #tpu.memory_space<vmem>>
      %dma_start3A_165 = arith.constant 0 : i32
      %dma_start3A_166 = arith.constant 0 : i32
      %dma_start3A_167 = tpu.memref_slice %arg8[%dma_start3A_165, %dma_start3A_166] : memref<32768x80xf32, #tpu.memory_space<hbm>> -> memref<32768x80xf32, #tpu.memory_space<hbm>>
      tpu.enqueue_indirect_dma source(%dma_start3A_167 : memref<32768x80xf32, #tpu.memory_space<hbm>>) target(%arg19 : memref<128x80xf32, #tpu.memory_space<vmem>>) offsets(%dma_start3A : memref<128xi32, #tpu.memory_space<vmem>>) semaphore(%arg20 : memref<!tpu.dma_semaphore, #tpu.memory_space<semaphore_mem>>)
      %dma_wait3A = tpu.memref_slice %arg18[%mul3A_164] : memref<8192xi32, #tpu.memory_space<vmem>> -> memref<128xi32, #tpu.memory_space<vmem>>
      %dma_wait3A_168 = arith.constant 0 : i32
      %dma_wait3A_169 = arith.constant 0 : i32
      %dma_wait3A_170 = tpu.memref_slice %arg8[%dma_wait3A_168, %dma_wait3A_169] : memref<32768x80xf32, #tpu.memory_space<hbm>> -> memref<32768x80xf32, #tpu.memory_space<hbm>>
      tpu.wait_indirect_dma semaphore(%arg20 : memref<!tpu.dma_semaphore, #tpu.memory_space<semaphore_mem>>) src(%dma_wait3A_170 : memref<32768x80xf32, #tpu.memory_space<hbm>>) dst(%arg19 : memref<128x80xf32, #tpu.memory_space<vmem>>)
      %mul3A_171 = arith.constant 4 : i32
      %mul3A_172 = arith.muli %scan3A_159, %mul3A_171 : i32
      %add3A_173 = arith.constant 0 : i32
      %add3A_174 = arith.addi %mul3A_172, %add3A_173 : i32
      %mul3A_175 = arith.constant 16 : i32
      %mul3A_176 = arith.muli %add3A_174, %mul3A_175 : i32
      %get3A = arith.index_cast %mul3A_176 : i32 to index
      %get3A_177 = tpu.vector_load %arg15[%get3A] {strides = array<i32>} : memref<4096xf32, #tpu.memory_space<vmem>>, vector<16xf32>,
      %get3A_178 = arith.constant 0 : i32
      %get3A_179 = arith.index_cast %get3A_178 : i32 to index
      %get3A_180 = arith.constant 0 : index
      %get3A_181 = tpu.vector_load %arg19[%get3A_179, %get3A_180] {strides = array<i32>} : memref<128x80xf32, #tpu.memory_space<vmem>>, vector<16xf32>,
      %sub3A_182 = arith.subf %get3A_181, %get3A_177 : vector<16xf32>
      %swap3A_183 = arith.constant 0 : i32
      %swap3A_184 = arith.index_cast %swap3A_183 : i32 to index
      %swap3A_185 = arith.constant 0 : index
      %swap3A_186 = tpu.vector_load %arg19[%swap3A_184, %swap3A_185] {strides = array<i32>} : memref<128x80xf32, #tpu.memory_space<vmem>>, vector<16xf32>,
      tpu.vector_store %arg19[%swap3A_184, %swap3A_185], %sub3A_182 {strides = array<i32>} : memref<128x80xf32, #tpu.memory_space<vmem>>, vector<16xf32>,
      %get3A_187 = arith.constant 1 : i32
      %get3A_188 = arith.index_cast %get3A_187 : i32 to index
      %get3A_189 = arith.constant 0 : index
      %get3A_190 = tpu.vector_load %arg19[%get3A_188, %get3A_189] {strides = array<i32>} : memref<128x80xf32, #tpu.memory_space<vmem>>, vector<16xf32>,
      %sub3A_191 = arith.subf %get3A_190, %get3A_177 : vector<16xf32>
      %swap3A_192 = arith.constant 1 : i32
      %swap3A_193 = arith.index_cast %swap3A_192 : i32 to index
      %swap3A_194 = arith.constant 0 : index
      %swap3A_195 = tpu.vector_load %arg19[%swap3A_193, %swap3A_194] {strides = array<i32>} : memref<128x80xf32, #tpu.memory_space<vmem>>, vector<16xf32>,
      tpu.vector_store %arg19[%swap3A_193, %swap3A_194], %sub3A_191 {strides = array<i32>} : memref<128x80xf32, #tpu.memory_space<vmem>>, vector<16xf32>,
      %get3A_196 = arith.constant 2 : i32
      %get3A_197 = arith.index_cast %get3A_196 : i32 to index
      %get3A_198 = arith.constant 0 : index
      %get3A_199 = tpu.vector_load %arg19[%get3A_197, %get3A_198] {strides = array<i32>} : memref<128x80xf32, #tpu.memory_space<vmem>>, vector<16xf32>,
      %sub3A_200 = arith.subf %get3A_199, %get3A_177 : vector<16xf32>
      %swap3A_201 = arith.constant 2 : i32
      %swap3A_202 = arith.index_cast %swap3A_201 : i32 to index
      %swap3A_203 = arith.constant 0 : index
      %swap3A_204 = tpu.vector_load %arg19[%swap3A_202, %swap3A_203] {strides = array<i32>} : memref<128x80xf32, #tpu.memory_space<vmem>>, vector<16xf32>,
      tpu.vector_store %arg19[%swap3A_202, %swap3A_203], %sub3A_200 {strides = array<i32>} : memref<128x80xf32, #tpu.memory_space<vmem>>, vector<16xf32>,
      %get3A_205 = arith.constant 3 : i32
      %get3A_206 = arith.index_cast %get3A_205 : i32 to index
      %get3A_207 = arith.constant 0 : index
      %get3A_208 = tpu.vector_load %arg19[%get3A_206, %get3A_207] {strides = array<i32>} : memref<128x80xf32, #tpu.memory_space<vmem>>, vector<16xf32>,
      %sub3A_209 = arith.subf %get3A_208, %get3A_177 : vector<16xf32>
      %swap3A_210 = arith.constant 3 : i32
      %swap3A_211 = arith.index_cast %swap3A_210 : i32 to index
      %swap3A_212 = arith.constant 0 : index
      %swap3A_213 = tpu.vector_load %arg19[%swap3A_211, %swap3A_212] {strides = array<i32>} : memref<128x80xf32, #tpu.memory_space<vmem>>, vector<16xf32>,
      tpu.vector_store %arg19[%swap3A_211, %swap3A_212], %sub3A_209 {strides = array<i32>} : memref<128x80xf32, #tpu.memory_space<vmem>>, vector<16xf32>,
      %get3A_214 = arith.constant 4 : i32
      %get3A_215 = arith.index_cast %get3A_214 : i32 to index
      %get3A_216 = arith.constant 0 : index
      %get3A_217 = tpu.vector_load %arg19[%get3A_215, %get3A_216] {strides = array<i32>} : memref<128x80xf32, #tpu.memory_space<vmem>>, vector<16xf32>,
      %sub3A_218 = arith.subf %get3A_217, %get3A_177 : vector<16xf32>
      %swap3A_219 = arith.constant 4 : i32
      %swap3A_220 = arith.index_cast %swap3A_219 : i32 to index
      %swap3A_221 = arith.constant 0 : index
      %swap3A_222 = tpu.vector_load %arg19[%swap3A_220, %swap3A_221] {strides = array<i32>} : memref<128x80xf32, #tpu.memory_space<vmem>>, vector<16xf32>,
      tpu.vector_store %arg19[%swap3A_220, %swap3A_221], %sub3A_218 {strides = array<i32>} : memref<128x80xf32, #tpu.memory_space<vmem>>, vector<16xf32>,
      %get3A_223 = arith.constant 5 : i32
      %get3A_224 = arith.index_cast %get3A_223 : i32 to index
      %get3A_225 = arith.constant 0 : index
      %get3A_226 = tpu.vector_load %arg19[%get3A_224, %get3A_225] {strides = array<i32>} : memref<128x80xf32, #tpu.memory_space<vmem>>, vector<16xf32>,
      %sub3A_227 = arith.subf %get3A_226, %get3A_177 : vector<16xf32>
      %swap3A_228 = arith.constant 5 : i32
      %swap3A_229 = arith.index_cast %swap3A_228 : i32 to index
      %swap3A_230 = arith.constant 0 : index
      %swap3A_231 = tpu.vector_load %arg19[%swap3A_229, %swap3A_230] {strides = array<i32>} : memref<128x80xf32, #tpu.memory_space<vmem>>, vector<16xf32>,
      tpu.vector_store %arg19[%swap3A_229, %swap3A_230], %sub3A_227 {strides = array<i32>} : memref<128x80xf32, #tpu.memory_space<vmem>>, vector<16xf32>,
      %get3A_232 = arith.constant 6 : i32
      %get3A_233 = arith.index_cast %get3A_232 : i32 to index
      %get3A_234 = arith.constant 0 : index
      %get3A_235 = tpu.vector_load %arg19[%get3A_233, %get3A_234] {strides = array<i32>} : memref<128x80xf32, #tpu.memory_space<vmem>>, vector<16xf32>,
      %sub3A_236 = arith.subf %get3A_235, %get3A_177 : vector<16xf32>
      %swap3A_237 = arith.constant 6 : i32
      %swap3A_238 = arith.index_cast %swap3A_237 : i32 to index
      %swap3A_239 = arith.constant 0 : index
      %swap3A_240 = tpu.vector_load %arg19[%swap3A_238, %swap3A_239] {strides = array<i32>} : memref<128x80xf32, #tpu.memory_space<vmem>>, vector<16xf32>,
      tpu.vector_store %arg19[%swap3A_238, %swap3A_239], %sub3A_236 {strides = array<i32>} : memref<128x80xf32, #tpu.memory_space<vmem>>, vector<16xf32>,
      %get3A_241 = arith.constant 7 : i32
      %get3A_242 = arith.index_cast %get3A_241 : i32 to index
      %get3A_243 = arith.constant 0 : index
      %get3A_244 = tpu.vector_load %arg19[%get3A_242, %get3A_243] {strides = array<i32>} : memref<128x80xf32, #tpu.memory_space<vmem>>, vector<16xf32>,
      %sub3A_245 = arith.subf %get3A_244, %get3A_177 : vector<16xf32>
      %swap3A_246 = arith.constant 7 : i32
      %swap3A_247 = arith.index_cast %swap3A_246 : i32 to index
      %swap3A_248 = arith.constant 0 : index
      %swap3A_249 = tpu.vector_load %arg19[%swap3A_247, %swap3A_248] {strides = array<i32>} : memref<128x80xf32, #tpu.memory_space<vmem>>, vector<16xf32>,
      tpu.vector_store %arg19[%swap3A_247, %swap3A_248], %sub3A_245 {strides = array<i32>} : memref<128x80xf32, #tpu.memory_space<vmem>>, vector<16xf32>,
      %get3A_250 = arith.constant 8 : i32
      %get3A_251 = arith.index_cast %get3A_250 : i32 to index
      %get3A_252 = arith.constant 0 : index
      %get3A_253 = tpu.vector_load %arg19[%get3A_251, %get3A_252] {strides = array<i32>} : memref<128x80xf32, #tpu.memory_space<vmem>>, vector<16xf32>,
      %sub3A_254 = arith.subf %get3A_253, %get3A_177 : vector<16xf32>
      %swap3A_255 = arith.constant 8 : i32
      %swap3A_256 = arith.index_cast %swap3A_255 : i32 to index
      %swap3A_257 = arith.constant 0 : index
      %swap3A_258 = tpu.vector_load %arg19[%swap3A_256, %swap3A_257] {strides = array<i32>} : memref<128x80xf32, #tpu.memory_space<vmem>>, vector<16xf32>,
      tpu.vector_store %arg19[%swap3A_256, %swap3A_257], %sub3A_254 {strides = array<i32>} : memref<128x80xf32, #tpu.memory_space<vmem>>, vector<16xf32>,
      %get3A_259 = arith.constant 9 : i32
      %get3A_260 = arith.index_cast %get3A_259 : i32 to index
      %get3A_261 = arith.constant 0 : index
      %get3A_262 = tpu.vector_load %arg19[%get3A_260, %get3A_261] {strides = array<i32>} : memref<128x80xf32, #tpu.memory_space<vmem>>, vector<16xf32>,
      %sub3A_263 = arith.subf %get3A_262, %get3A_177 : vector<16xf32>
      %swap3A_264 = arith.constant 9 : i32
      %swap3A_265 = arith.index_cast %swap3A_264 : i32 to index
      %swap3A_266 = arith.constant 0 : index
      %swap3A_267 = tpu.vector_load %arg19[%swap3A_265, %swap3A_266] {strides = array<i32>} : memref<128x80xf32, #tpu.memory_space<vmem>>, vector<16xf32>,
      tpu.vector_store %arg19[%swap3A_265, %swap3A_266], %sub3A_263 {strides = array<i32>} : memref<128x80xf32, #tpu.memory_space<vmem>>, vector<16xf32>,
      %get3A_268 = arith.constant 10 : i32
      %get3A_269 = arith.index_cast %get3A_268 : i32 to index
      %get3A_270 = arith.constant 0 : index
      %get3A_271 = tpu.vector_load %arg19[%get3A_269, %get3A_270] {strides = array<i32>} : memref<128x80xf32, #tpu.memory_space<vmem>>, vector<16xf32>,
      %sub3A_272 = arith.subf %get3A_271, %get3A_177 : vector<16xf32>
      %swap3A_273 = arith.constant 10 : i32
      %swap3A_274 = arith.index_cast %swap3A_273 : i32 to index
      %swap3A_275 = arith.constant 0 : index
      %swap3A_276 = tpu.vector_load %arg19[%swap3A_274, %swap3A_275] {strides = array<i32>} : memref<128x80xf32, #tpu.memory_space<vmem>>, vector<16xf32>,
      tpu.vector_store %arg19[%swap3A_274, %swap3A_275], %sub3A_272 {strides = array<i32>} : memref<128x80xf32, #tpu.memory_space<vmem>>, vector<16xf32>,
      %get3A_277 = arith.constant 11 : i32
      %get3A_278 = arith.index_cast %get3A_277 : i32 to index
      %get3A_279 = arith.constant 0 : index
      %get3A_280 = tpu.vector_load %arg19[%get3A_278, %get3A_279] {strides = array<i32>} : memref<128x80xf32, #tpu.memory_space<vmem>>, vector<16xf32>,
      %sub3A_281 = arith.subf %get3A_280, %get3A_177 : vector<16xf32>
      %swap3A_282 = arith.constant 11 : i32
      %swap3A_283 = arith.index_cast %swap3A_282 : i32 to index
      %swap3A_284 = arith.constant 0 : index
      %swap3A_285 = tpu.vector_load %arg19[%swap3A_283, %swap3A_284] {strides = array<i32>} : memref<128x80xf32, #tpu.memory_space<vmem>>, vector<16xf32>,
      tpu.vector_store %arg19[%swap3A_283, %swap3A_284], %sub3A_281 {strides = array<i32>} : memref<128x80xf32, #tpu.memory_space<vmem>>, vector<16xf32>,
      %get3A_286 = arith.constant 12 : i32
      %get3A_287 = arith.index_cast %get3A_286 : i32 to index
      %get3A_288 = arith.constant 0 : index
      %get3A_289 = tpu.vector_load %arg19[%get3A_287, %get3A_288] {strides = array<i32>} : memref<128x80xf32, #tpu.memory_space<vmem>>, vector<16xf32>,
      %sub3A_290 = arith.subf %get3A_289, %get3A_177 : vector<16xf32>
      %swap3A_291 = arith.constant 12 : i32
      %swap3A_292 = arith.index_cast %swap3A_291 : i32 to index
      %swap3A_293 = arith.constant 0 : index
      %swap3A_294 = tpu.vector_load %arg19[%swap3A_292, %swap3A_293] {strides = array<i32>} : memref<128x80xf32, #tpu.memory_space<vmem>>, vector<16xf32>,
      tpu.vector_store %arg19[%swap3A_292, %swap3A_293], %sub3A_290 {strides = array<i32>} : memref<128x80xf32, #tpu.memory_space<vmem>>, vector<16xf32>,
      %get3A_295 = arith.constant 13 : i32
      %get3A_296 = arith.index_cast %get3A_295 : i32 to index
      %get3A_297 = arith.constant 0 : index
      %get3A_298 = tpu.vector_load %arg19[%get3A_296, %get3A_297] {strides = array<i32>} : memref<128x80xf32, #tpu.memory_space<vmem>>, vector<16xf32>,
      %sub3A_299 = arith.subf %get3A_298, %get3A_177 : vector<16xf32>
      %swap3A_300 = arith.constant 13 : i32
      %swap3A_301 = arith.index_cast %swap3A_300 : i32 to index
      %swap3A_302 = arith.constant 0 : index
      %swap3A_303 = tpu.vector_load %arg19[%swap3A_301, %swap3A_302] {strides = array<i32>} : memref<128x80xf32, #tpu.memory_space<vmem>>, vector<16xf32>,
      tpu.vector_store %arg19[%swap3A_301, %swap3A_302], %sub3A_299 {strides = array<i32>} : memref<128x80xf32, #tpu.memory_space<vmem>>, vector<16xf32>,
      %get3A_304 = arith.constant 14 : i32
      %get3A_305 = arith.index_cast %get3A_304 : i32 to index
      %get3A_306 = arith.constant 0 : index
      %get3A_307 = tpu.vector_load %arg19[%get3A_305, %get3A_306] {strides = array<i32>} : memref<128x80xf32, #tpu.memory_space<vmem>>, vector<16xf32>,
      %sub3A_308 = arith.subf %get3A_307, %get3A_177 : vector<16xf32>
      %swap3A_309 = arith.constant 14 : i32
      %swap3A_310 = arith.index_cast %swap3A_309 : i32 to index
      %swap3A_311 = arith.constant 0 : index
      %swap3A_312 = tpu.vector_load %arg19[%swap3A_310, %swap3A_311] {strides = array<i32>} : memref<128x80xf32, #tpu.memory_space<vmem>>, vector<16xf32>,
      tpu.vector_store %arg19[%swap3A_310, %swap3A_311], %sub3A_308 {strides = array<i32>} : memref<128x80xf32, #tpu.memory_space<vmem>>, vector<16xf32>,
      %get3A_313 = arith.constant 15 : i32
      %get3A_314 = arith.index_cast %get3A_313 : i32 to index
      %get3A_315 = arith.constant 0 : index
      %get3A_316 = tpu.vector_load %arg19[%get3A_314, %get3A_315] {strides = array<i32>} : memref<128x80xf32, #tpu.memory_space<vmem>>, vector<16xf32>,
      %sub3A_317 = arith.subf %get3A_316, %get3A_177 : vector<16xf32>
      %swap3A_318 = arith.constant 15 : i32
      %swap3A_319 = arith.index_cast %swap3A_318 : i32 to index
      %swap3A_320 = arith.constant 0 : index
      %swap3A_321 = tpu.vector_load %arg19[%swap3A_319, %swap3A_320] {strides = array<i32>} : memref<128x80xf32, #tpu.memory_space<vmem>>, vector<16xf32>,
      tpu.vector_store %arg19[%swap3A_319, %swap3A_320], %sub3A_317 {strides = array<i32>} : memref<128x80xf32, #tpu.memory_space<vmem>>, vector<16xf32>,
      %get3A_322 = arith.constant 16 : i32
      %get3A_323 = arith.index_cast %get3A_322 : i32 to index
      %get3A_324 = arith.constant 0 : index
      %get3A_325 = tpu.vector_load %arg19[%get3A_323, %get3A_324] {strides = array<i32>} : memref<128x80xf32, #tpu.memory_space<vmem>>, vector<16xf32>,
      %sub3A_326 = arith.subf %get3A_325, %get3A_177 : vector<16xf32>
      %swap3A_327 = arith.constant 16 : i32
      %swap3A_328 = arith.index_cast %swap3A_327 : i32 to index
      %swap3A_329 = arith.constant 0 : index
      %swap3A_330 = tpu.vector_load %arg19[%swap3A_328, %swap3A_329] {strides = array<i32>} : memref<128x80xf32, #tpu.memory_space<vmem>>, vector<16xf32>,
      tpu.vector_store %arg19[%swap3A_328, %swap3A_329], %sub3A_326 {strides = array<i32>} : memref<128x80xf32, #tpu.memory_space<vmem>>, vector<16xf32>,
      %get3A_331 = arith.constant 17 : i32
      %get3A_332 = arith.index_cast %get3A_331 : i32 to index
      %get3A_333 = arith.constant 0 : index
      %get3A_334 = tpu.vector_load %arg19[%get3A_332, %get3A_333] {strides = array<i32>} : memref<128x80xf32, #tpu.memory_space<vmem>>, vector<16xf32>,
      %sub3A_335 = arith.subf %get3A_334, %get3A_177 : vector<16xf32>
      %swap3A_336 = arith.constant 17 : i32
      %swap3A_337 = arith.index_cast %swap3A_336 : i32 to index
      %swap3A_338 = arith.constant 0 : index
      %swap3A_339 = tpu.vector_load %arg19[%swap3A_337, %swap3A_338] {strides = array<i32>} : memref<128x80xf32, #tpu.memory_space<vmem>>, vector<16xf32>,
      tpu.vector_store %arg19[%swap3A_337, %swap3A_338], %sub3A_335 {strides = array<i32>} : memref<128x80xf32, #tpu.memory_space<vmem>>, vector<16xf32>,
      %get3A_340 = arith.constant 18 : i32
      %get3A_341 = arith.index_cast %get3A_340 : i32 to index
      %get3A_342 = arith.constant 0 : index
      %get3A_343 = tpu.vector_load %arg19[%get3A_341, %get3A_342] {strides = array<i32>} : memref<128x80xf32, #tpu.memory_space<vmem>>, vector<16xf32>,
      %sub3A_344 = arith.subf %get3A_343, %get3A_177 : vector<16xf32>
      %swap3A_345 = arith.constant 18 : i32
      %swap3A_346 = arith.index_cast %swap3A_345 : i32 to index
      %swap3A_347 = arith.constant 0 : index
      %swap3A_348 = tpu.vector_load %arg19[%swap3A_346, %swap3A_347] {strides = array<i32>} : memref<128x80xf32, #tpu.memory_space<vmem>>, vector<16xf32>,
      tpu.vector_store %arg19[%swap3A_346, %swap3A_347], %sub3A_344 {strides = array<i32>} : memref<128x80xf32, #tpu.memory_space<vmem>>, vector<16xf32>,
      %get3A_349 = arith.constant 19 : i32
      %get3A_350 = arith.index_cast %get3A_349 : i32 to index
      %get3A_351 = arith.constant 0 : index
      %get3A_352 = tpu.vector_load %arg19[%get3A_350, %get3A_351] {strides = array<i32>} : memref<128x80xf32, #tpu.memory_space<vmem>>, vector<16xf32>,
      %sub3A_353 = arith.subf %get3A_352, %get3A_177 : vector<16xf32>
      %swap3A_354 = arith.constant 19 : i32
      %swap3A_355 = arith.index_cast %swap3A_354 : i32 to index
      %swap3A_356 = arith.constant 0 : index
      %swap3A_357 = tpu.vector_load %arg19[%swap3A_355, %swap3A_356] {strides = array<i32>} : memref<128x80xf32, #tpu.memory_space<vmem>>, vector<16xf32>,
      tpu.vector_store %arg19[%swap3A_355, %swap3A_356], %sub3A_353 {strides = array<i32>} : memref<128x80xf32, #tpu.memory_space<vmem>>, vector<16xf32>,
      %get3A_358 = arith.constant 20 : i32
      %get3A_359 = arith.index_cast %get3A_358 : i32 to index
      %get3A_360 = arith.constant 0 : index
      %get3A_361 = tpu.vector_load %arg19[%get3A_359, %get3A_360] {strides = array<i32>} : memref<128x80xf32, #tpu.memory_space<vmem>>, vector<16xf32>,
      %sub3A_362 = arith.subf %get3A_361, %get3A_177 : vector<16xf32>
      %swap3A_363 = arith.constant 20 : i32
      %swap3A_364 = arith.index_cast %swap3A_363 : i32 to index
      %swap3A_365 = arith.constant 0 : index
      %swap3A_366 = tpu.vector_load %arg19[%swap3A_364, %swap3A_365] {strides = array<i32>} : memref<128x80xf32, #tpu.memory_space<vmem>>, vector<16xf32>,
      tpu.vector_store %arg19[%swap3A_364, %swap3A_365], %sub3A_362 {strides = array<i32>} : memref<128x80xf32, #tpu.memory_space<vmem>>, vector<16xf32>,
      %get3A_367 = arith.constant 21 : i32
      %get3A_368 = arith.index_cast %get3A_367 : i32 to index
      %get3A_369 = arith.constant 0 : index
      %get3A_370 = tpu.vector_load %arg19[%get3A_368, %get3A_369] {strides = array<i32>} : memref<128x80xf32, #tpu.memory_space<vmem>>, vector<16xf32>,
      %sub3A_371 = arith.subf %get3A_370, %get3A_177 : vector<16xf32>
      %swap3A_372 = arith.constant 21 : i32
      %swap3A_373 = arith.index_cast %swap3A_372 : i32 to index
      %swap3A_374 = arith.constant 0 : index
      %swap3A_375 = tpu.vector_load %arg19[%swap3A_373, %swap3A_374] {strides = array<i32>} : memref<128x80xf32, #tpu.memory_space<vmem>>, vector<16xf32>,
      tpu.vector_store %arg19[%swap3A_373, %swap3A_374], %sub3A_371 {strides = array<i32>} : memref<128x80xf32, #tpu.memory_space<vmem>>, vector<16xf32>,
      %get3A_376 = arith.constant 22 : i32
      %get3A_377 = arith.index_cast %get3A_376 : i32 to index
      %get3A_378 = arith.constant 0 : index
      %get3A_379 = tpu.vector_load %arg19[%get3A_377, %get3A_378] {strides = array<i32>} : memref<128x80xf32, #tpu.memory_space<vmem>>, vector<16xf32>,
      %sub3A_380 = arith.subf %get3A_379, %get3A_177 : vector<16xf32>
      %swap3A_381 = arith.constant 22 : i32
      %swap3A_382 = arith.index_cast %swap3A_381 : i32 to index
      %swap3A_383 = arith.constant 0 : index
      %swap3A_384 = tpu.vector_load %arg19[%swap3A_382, %swap3A_383] {strides = array<i32>} : memref<128x80xf32, #tpu.memory_space<vmem>>, vector<16xf32>,
      tpu.vector_store %arg19[%swap3A_382, %swap3A_383], %sub3A_380 {strides = array<i32>} : memref<128x80xf32, #tpu.memory_space<vmem>>, vector<16xf32>,
      %get3A_385 = arith.constant 23 : i32
      %get3A_386 = arith.index_cast %get3A_385 : i32 to index
      %get3A_387 = arith.constant 0 : index
      %get3A_388 = tpu.vector_load %arg19[%get3A_386, %get3A_387] {strides = array<i32>} : memref<128x80xf32, #tpu.memory_space<vmem>>, vector<16xf32>,
      %sub3A_389 = arith.subf %get3A_388, %get3A_177 : vector<16xf32>
      %swap3A_390 = arith.constant 23 : i32
      %swap3A_391 = arith.index_cast %swap3A_390 : i32 to index
      %swap3A_392 = arith.constant 0 : index
      %swap3A_393 = tpu.vector_load %arg19[%swap3A_391, %swap3A_392] {strides = array<i32>} : memref<128x80xf32, #tpu.memory_space<vmem>>, vector<16xf32>,
      tpu.vector_store %arg19[%swap3A_391, %swap3A_392], %sub3A_389 {strides = array<i32>} : memref<128x80xf32, #tpu.memory_space<vmem>>, vector<16xf32>,
      %get3A_394 = arith.constant 24 : i32
      %get3A_395 = arith.index_cast %get3A_394 : i32 to index
      %get3A_396 = arith.constant 0 : index
      %get3A_397 = tpu.vector_load %arg19[%get3A_395, %get3A_396] {strides = array<i32>} : memref<128x80xf32, #tpu.memory_space<vmem>>, vector<16xf32>,
      %sub3A_398 = arith.subf %get3A_397, %get3A_177 : vector<16xf32>
      %swap3A_399 = arith.constant 24 : i32
      %swap3A_400 = arith.index_cast %swap3A_399 : i32 to index
      %swap3A_401 = arith.constant 0 : index
      %swap3A_402 = tpu.vector_load %arg19[%swap3A_400, %swap3A_401] {strides = array<i32>} : memref<128x80xf32, #tpu.memory_space<vmem>>, vector<16xf32>,
      tpu.vector_store %arg19[%swap3A_400, %swap3A_401], %sub3A_398 {strides = array<i32>} : memref<128x80xf32, #tpu.memory_space<vmem>>, vector<16xf32>,
      %get3A_403 = arith.constant 25 : i32
      %get3A_404 = arith.index_cast %get3A_403 : i32 to index
      %get3A_405 = arith.constant 0 : index
      %get3A_406 = tpu.vector_load %arg19[%get3A_404, %get3A_405] {strides = array<i32>} : memref<128x80xf32, #tpu.memory_space<vmem>>, vector<16xf32>,
      %sub3A_407 = arith.subf %get3A_406, %get3A_177 : vector<16xf32>
      %swap3A_408 = arith.constant 25 : i32
      %swap3A_409 = arith.index_cast %swap3A_408 : i32 to index
      %swap3A_410 = arith.constant 0 : index
      %swap3A_411 = tpu.vector_load %arg19[%swap3A_409, %swap3A_410] {strides = array<i32>} : memref<128x80xf32, #tpu.memory_space<vmem>>, vector<16xf32>,
      tpu.vector_store %arg19[%swap3A_409, %swap3A_410], %sub3A_407 {strides = array<i32>} : memref<128x80xf32, #tpu.memory_space<vmem>>, vector<16xf32>,
      %get3A_412 = arith.constant 26 : i32
      %get3A_413 = arith.index_cast %get3A_412 : i32 to index
      %get3A_414 = arith.constant 0 : index
      %get3A_415 = tpu.vector_load %arg19[%get3A_413, %get3A_414] {strides = array<i32>} : memref<128x80xf32, #tpu.memory_space<vmem>>, vector<16xf32>,
      %sub3A_416 = arith.subf %get3A_415, %get3A_177 : vector<16xf32>
      %swap3A_417 = arith.constant 26 : i32
      %swap3A_418 = arith.index_cast %swap3A_417 : i32 to index
      %swap3A_419 = arith.constant 0 : index
      %swap3A_420 = tpu.vector_load %arg19[%swap3A_418, %swap3A_419] {strides = array<i32>} : memref<128x80xf32, #tpu.memory_space<vmem>>, vector<16xf32>,
      tpu.vector_store %arg19[%swap3A_418, %swap3A_419], %sub3A_416 {strides = array<i32>} : memref<128x80xf32, #tpu.memory_space<vmem>>, vector<16xf32>,
      %get3A_421 = arith.constant 27 : i32
      %get3A_422 = arith.index_cast %get3A_421 : i32 to index
      %get3A_423 = arith.constant 0 : index
      %get3A_424 = tpu.vector_load %arg19[%get3A_422, %get3A_423] {strides = array<i32>} : memref<128x80xf32, #tpu.memory_space<vmem>>, vector<16xf32>,
      %sub3A_425 = arith.subf %get3A_424, %get3A_177 : vector<16xf32>
      %swap3A_426 = arith.constant 27 : i32
      %swap3A_427 = arith.index_cast %swap3A_426 : i32 to index
      %swap3A_428 = arith.constant 0 : index
      %swap3A_429 = tpu.vector_load %arg19[%swap3A_427, %swap3A_428] {strides = array<i32>} : memref<128x80xf32, #tpu.memory_space<vmem>>, vector<16xf32>,
      tpu.vector_store %arg19[%swap3A_427, %swap3A_428], %sub3A_425 {strides = array<i32>} : memref<128x80xf32, #tpu.memory_space<vmem>>, vector<16xf32>,
      %get3A_430 = arith.constant 28 : i32
      %get3A_431 = arith.index_cast %get3A_430 : i32 to index
      %get3A_432 = arith.constant 0 : index
      %get3A_433 = tpu.vector_load %arg19[%get3A_431, %get3A_432] {strides = array<i32>} : memref<128x80xf32, #tpu.memory_space<vmem>>, vector<16xf32>,
      %sub3A_434 = arith.subf %get3A_433, %get3A_177 : vector<16xf32>
      %swap3A_435 = arith.constant 28 : i32
      %swap3A_436 = arith.index_cast %swap3A_435 : i32 to index
      %swap3A_437 = arith.constant 0 : index
      %swap3A_438 = tpu.vector_load %arg19[%swap3A_436, %swap3A_437] {strides = array<i32>} : memref<128x80xf32, #tpu.memory_space<vmem>>, vector<16xf32>,
      tpu.vector_store %arg19[%swap3A_436, %swap3A_437], %sub3A_434 {strides = array<i32>} : memref<128x80xf32, #tpu.memory_space<vmem>>, vector<16xf32>,
      %get3A_439 = arith.constant 29 : i32
      %get3A_440 = arith.index_cast %get3A_439 : i32 to index
      %get3A_441 = arith.constant 0 : index
      %get3A_442 = tpu.vector_load %arg19[%get3A_440, %get3A_441] {strides = array<i32>} : memref<128x80xf32, #tpu.memory_space<vmem>>, vector<16xf32>,
      %sub3A_443 = arith.subf %get3A_442, %get3A_177 : vector<16xf32>
      %swap3A_444 = arith.constant 29 : i32
      %swap3A_445 = arith.index_cast %swap3A_444 : i32 to index
      %swap3A_446 = arith.constant 0 : index
      %swap3A_447 = tpu.vector_load %arg19[%swap3A_445, %swap3A_446] {strides = array<i32>} : memref<128x80xf32, #tpu.memory_space<vmem>>, vector<16xf32>,
      tpu.vector_store %arg19[%swap3A_445, %swap3A_446], %sub3A_443 {strides = array<i32>} : memref<128x80xf32, #tpu.memory_space<vmem>>, vector<16xf32>,
      %get3A_448 = arith.constant 30 : i32
      %get3A_449 = arith.index_cast %get3A_448 : i32 to index
      %get3A_450 = arith.constant 0 : index
      %get3A_451 = tpu.vector_load %arg19[%get3A_449, %get3A_450] {strides = array<i32>} : memref<128x80xf32, #tpu.memory_space<vmem>>, vector<16xf32>,
      %sub3A_452 = arith.subf %get3A_451, %get3A_177 : vector<16xf32>
      %swap3A_453 = arith.constant 30 : i32
      %swap3A_454 = arith.index_cast %swap3A_453 : i32 to index
      %swap3A_455 = arith.constant 0 : index
      %swap3A_456 = tpu.vector_load %arg19[%swap3A_454, %swap3A_455] {strides = array<i32>} : memref<128x80xf32, #tpu.memory_space<vmem>>, vector<16xf32>,
      tpu.vector_store %arg19[%swap3A_454, %swap3A_455], %sub3A_452 {strides = array<i32>} : memref<128x80xf32, #tpu.memory_space<vmem>>, vector<16xf32>,
      %get3A_457 = arith.constant 31 : i32
      %get3A_458 = arith.index_cast %get3A_457 : i32 to index
      %get3A_459 = arith.constant 0 : index
      %get3A_460 = tpu.vector_load %arg19[%get3A_458, %get3A_459] {strides = array<i32>} : memref<128x80xf32, #tpu.memory_space<vmem>>, vector<16xf32>,
      %sub3A_461 = arith.subf %get3A_460, %get3A_177 : vector<16xf32>
      %swap3A_462 = arith.constant 31 : i32
      %swap3A_463 = arith.index_cast %swap3A_462 : i32 to index
      %swap3A_464 = arith.constant 0 : index
      %swap3A_465 = tpu.vector_load %arg19[%swap3A_463, %swap3A_464] {strides = array<i32>} : memref<128x80xf32, #tpu.memory_space<vmem>>, vector<16xf32>,
      tpu.vector_store %arg19[%swap3A_463, %swap3A_464], %sub3A_461 {strides = array<i32>} : memref<128x80xf32, #tpu.memory_space<vmem>>, vector<16xf32>,
      %mul3A_466 = arith.constant 4 : i32
      %mul3A_467 = arith.muli %scan3A_159, %mul3A_466 : i32
      %add3A_468 = arith.constant 1 : i32
      %add3A_469 = arith.addi %mul3A_467, %add3A_468 : i32
      %mul3A_470 = arith.constant 16 : i32
      %mul3A_471 = arith.muli %add3A_469, %mul3A_470 : i32
      %get3A_472 = arith.index_cast %mul3A_471 : i32 to index
      %get3A_473 = tpu.vector_load %arg15[%get3A_472] {strides = array<i32>} : memref<4096xf32, #tpu.memory_space<vmem>>, vector<16xf32>,
      %get3A_474 = arith.constant 32 : i32
      %get3A_475 = arith.index_cast %get3A_474 : i32 to index
      %get3A_476 = arith.constant 0 : index
      %get3A_477 = tpu.vector_load %arg19[%get3A_475, %get3A_476] {strides = array<i32>} : memref<128x80xf32, #tpu.memory_space<vmem>>, vector<16xf32>,
      %sub3A_478 = arith.subf %get3A_477, %get3A_473 : vector<16xf32>
      %swap3A_479 = arith.constant 32 : i32
      %swap3A_480 = arith.index_cast %swap3A_479 : i32 to index
      %swap3A_481 = arith.constant 0 : index
      %swap3A_482 = tpu.vector_load %arg19[%swap3A_480, %swap3A_481] {strides = array<i32>} : memref<128x80xf32, #tpu.memory_space<vmem>>, vector<16xf32>,
      tpu.vector_store %arg19[%swap3A_480, %swap3A_481], %sub3A_478 {strides = array<i32>} : memref<128x80xf32, #tpu.memory_space<vmem>>, vector<16xf32>,
      %get3A_483 = arith.constant 33 : i32
      %get3A_484 = arith.index_cast %get3A_483 : i32 to index
      %get3A_485 = arith.constant 0 : index
      %get3A_486 = tpu.vector_load %arg19[%get3A_484, %get3A_485] {strides = array<i32>} : memref<128x80xf32, #tpu.memory_space<vmem>>, vector<16xf32>,
      %sub3A_487 = arith.subf %get3A_486, %get3A_473 : vector<16xf32>
      %swap3A_488 = arith.constant 33 : i32
      %swap3A_489 = arith.index_cast %swap3A_488 : i32 to index
      %swap3A_490 = arith.constant 0 : index
      %swap3A_491 = tpu.vector_load %arg19[%swap3A_489, %swap3A_490] {strides = array<i32>} : memref<128x80xf32, #tpu.memory_space<vmem>>, vector<16xf32>,
      tpu.vector_store %arg19[%swap3A_489, %swap3A_490], %sub3A_487 {strides = array<i32>} : memref<128x80xf32, #tpu.memory_space<vmem>>, vector<16xf32>,
      %get3A_492 = arith.constant 34 : i32
      %get3A_493 = arith.index_cast %get3A_492 : i32 to index
      %get3A_494 = arith.constant 0 : index
      %get3A_495 = tpu.vector_load %arg19[%get3A_493, %get3A_494] {strides = array<i32>} : memref<128x80xf32, #tpu.memory_space<vmem>>, vector<16xf32>,
      %sub3A_496 = arith.subf %get3A_495, %get3A_473 : vector<16xf32>
      %swap3A_497 = arith.constant 34 : i32
      %swap3A_498 = arith.index_cast %swap3A_497 : i32 to index
      %swap3A_499 = arith.constant 0 : index
      %swap3A_500 = tpu.vector_load %arg19[%swap3A_498, %swap3A_499] {strides = array<i32>} : memref<128x80xf32, #tpu.memory_space<vmem>>, vector<16xf32>,
      tpu.vector_store %arg19[%swap3A_498, %swap3A_499], %sub3A_496 {strides = array<i32>} : memref<128x80xf32, #tpu.memory_space<vmem>>, vector<16xf32>,
      %get3A_501 = arith.constant 35 : i32
      %get3A_502 = arith.index_cast %get3A_501 : i32 to index
      %get3A_503 = arith.constant 0 : index
      %get3A_504 = tpu.vector_load %arg19[%get3A_502, %get3A_503] {strides = array<i32>} : memref<128x80xf32, #tpu.memory_space<vmem>>, vector<16xf32>,
      %sub3A_505 = arith.subf %get3A_504, %get3A_473 : vector<16xf32>
      %swap3A_506 = arith.constant 35 : i32
      %swap3A_507 = arith.index_cast %swap3A_506 : i32 to index
      %swap3A_508 = arith.constant 0 : index
      %swap3A_509 = tpu.vector_load %arg19[%swap3A_507, %swap3A_508] {strides = array<i32>} : memref<128x80xf32, #tpu.memory_space<vmem>>, vector<16xf32>,
      tpu.vector_store %arg19[%swap3A_507, %swap3A_508], %sub3A_505 {strides = array<i32>} : memref<128x80xf32, #tpu.memory_space<vmem>>, vector<16xf32>,
      %get3A_510 = arith.constant 36 : i32
      %get3A_511 = arith.index_cast %get3A_510 : i32 to index
      %get3A_512 = arith.constant 0 : index
      %get3A_513 = tpu.vector_load %arg19[%get3A_511, %get3A_512] {strides = array<i32>} : memref<128x80xf32, #tpu.memory_space<vmem>>, vector<16xf32>,
      %sub3A_514 = arith.subf %get3A_513, %get3A_473 : vector<16xf32>
      %swap3A_515 = arith.constant 36 : i32
      %swap3A_516 = arith.index_cast %swap3A_515 : i32 to index
      %swap3A_517 = arith.constant 0 : index
      %swap3A_518 = tpu.vector_load %arg19[%swap3A_516, %swap3A_517] {strides = array<i32>} : memref<128x80xf32, #tpu.memory_space<vmem>>, vector<16xf32>,
      tpu.vector_store %arg19[%swap3A_516, %swap3A_517], %sub3A_514 {strides = array<i32>} : memref<128x80xf32, #tpu.memory_space<vmem>>, vector<16xf32>,
      %get3A_519 = arith.constant 37 : i32
      %get3A_520 = arith.index_cast %get3A_519 : i32 to index
      %get3A_521 = arith.constant 0 : index
      %get3A_522 = tpu.vector_load %arg19[%get3A_520, %get3A_521] {strides = array<i32>} : memref<128x80xf32, #tpu.memory_space<vmem>>, vector<16xf32>,
      %sub3A_523 = arith.subf %get3A_522, %get3A_473 : vector<16xf32>
      %swap3A_524 = arith.constant 37 : i32
      %swap3A_525 = arith.index_cast %swap3A_524 : i32 to index
      %swap3A_526 = arith.constant 0 : index
      %swap3A_527 = tpu.vector_load %arg19[%swap3A_525, %swap3A_526] {strides = array<i32>} : memref<128x80xf32, #tpu.memory_space<vmem>>, vector<16xf32>,
      tpu.vector_store %arg19[%swap3A_525, %swap3A_526], %sub3A_523 {strides = array<i32>} : memref<128x80xf32, #tpu.memory_space<vmem>>, vector<16xf32>,
      %get3A_528 = arith.constant 38 : i32
      %get3A_529 = arith.index_cast %get3A_528 : i32 to index
      %get3A_530 = arith.constant 0 : index
      %get3A_531 = tpu.vector_load %arg19[%get3A_529, %get3A_530] {strides = array<i32>} : memref<128x80xf32, #tpu.memory_space<vmem>>, vector<16xf32>,
      %sub3A_532 = arith.subf %get3A_531, %get3A_473 : vector<16xf32>
      %swap3A_533 = arith.constant 38 : i32
      %swap3A_534 = arith.index_cast %swap3A_533 : i32 to index
      %swap3A_535 = arith.constant 0 : index
      %swap3A_536 = tpu.vector_load %arg19[%swap3A_534, %swap3A_535] {strides = array<i32>} : memref<128x80xf32, #tpu.memory_space<vmem>>, vector<16xf32>,
      tpu.vector_store %arg19[%swap3A_534, %swap3A_535], %sub3A_532 {strides = array<i32>} : memref<128x80xf32, #tpu.memory_space<vmem>>, vector<16xf32>,
      %get3A_537 = arith.constant 39 : i32
      %get3A_538 = arith.index_cast %get3A_537 : i32 to index
      %get3A_539 = arith.constant 0 : index
      %get3A_540 = tpu.vector_load %arg19[%get3A_538, %get3A_539] {strides = array<i32>} : memref<128x80xf32, #tpu.memory_space<vmem>>, vector<16xf32>,
      %sub3A_541 = arith.subf %get3A_540, %get3A_473 : vector<16xf32>
      %swap3A_542 = arith.constant 39 : i32
      %swap3A_543 = arith.index_cast %swap3A_542 : i32 to index
      %swap3A_544 = arith.constant 0 : index
      %swap3A_545 = tpu.vector_load %arg19[%swap3A_543, %swap3A_544] {strides = array<i32>} : memref<128x80xf32, #tpu.memory_space<vmem>>, vector<16xf32>,
      tpu.vector_store %arg19[%swap3A_543, %swap3A_544], %sub3A_541 {strides = array<i32>} : memref<128x80xf32, #tpu.memory_space<vmem>>, vector<16xf32>,
      %get3A_546 = arith.constant 40 : i32
      %get3A_547 = arith.index_cast %get3A_546 : i32 to index
      %get3A_548 = arith.constant 0 : index
      %get3A_549 = tpu.vector_load %arg19[%get3A_547, %get3A_548] {strides = array<i32>} : memref<128x80xf32, #tpu.memory_space<vmem>>, vector<16xf32>,
      %sub3A_550 = arith.subf %get3A_549, %get3A_473 : vector<16xf32>
      %swap3A_551 = arith.constant 40 : i32
      %swap3A_552 = arith.index_cast %swap3A_551 : i32 to index
      %swap3A_553 = arith.constant 0 : index
      %swap3A_554 = tpu.vector_load %arg19[%swap3A_552, %swap3A_553] {strides = array<i32>} : memref<128x80xf32, #tpu.memory_space<vmem>>, vector<16xf32>,
      tpu.vector_store %arg19[%swap3A_552, %swap3A_553], %sub3A_550 {strides = array<i32>} : memref<128x80xf32, #tpu.memory_space<vmem>>, vector<16xf32>,
      %get3A_555 = arith.constant 41 : i32
      %get3A_556 = arith.index_cast %get3A_555 : i32 to index
      %get3A_557 = arith.constant 0 : index
      %get3A_558 = tpu.vector_load %arg19[%get3A_556, %get3A_557] {strides = array<i32>} : memref<128x80xf32, #tpu.memory_space<vmem>>, vector<16xf32>,
      %sub3A_559 = arith.subf %get3A_558, %get3A_473 : vector<16xf32>
      %swap3A_560 = arith.constant 41 : i32
      %swap3A_561 = arith.index_cast %swap3A_560 : i32 to index
      %swap3A_562 = arith.constant 0 : index
      %swap3A_563 = tpu.vector_load %arg19[%swap3A_561, %swap3A_562] {strides = array<i32>} : memref<128x80xf32, #tpu.memory_space<vmem>>, vector<16xf32>,
      tpu.vector_store %arg19[%swap3A_561, %swap3A_562], %sub3A_559 {strides = array<i32>} : memref<128x80xf32, #tpu.memory_space<vmem>>, vector<16xf32>,
      %get3A_564 = arith.constant 42 : i32
      %get3A_565 = arith.index_cast %get3A_564 : i32 to index
      %get3A_566 = arith.constant 0 : index
      %get3A_567 = tpu.vector_load %arg19[%get3A_565, %get3A_566] {strides = array<i32>} : memref<128x80xf32, #tpu.memory_space<vmem>>, vector<16xf32>,
      %sub3A_568 = arith.subf %get3A_567, %get3A_473 : vector<16xf32>
      %swap3A_569 = arith.constant 42 : i32
      %swap3A_570 = arith.index_cast %swap3A_569 : i32 to index
      %swap3A_571 = arith.constant 0 : index
      %swap3A_572 = tpu.vector_load %arg19[%swap3A_570, %swap3A_571] {strides = array<i32>} : memref<128x80xf32, #tpu.memory_space<vmem>>, vector<16xf32>,
      tpu.vector_store %arg19[%swap3A_570, %swap3A_571], %sub3A_568 {strides = array<i32>} : memref<128x80xf32, #tpu.memory_space<vmem>>, vector<16xf32>,
      %get3A_573 = arith.constant 43 : i32
      %get3A_574 = arith.index_cast %get3A_573 : i32 to index
      %get3A_575 = arith.constant 0 : index
      %get3A_576 = tpu.vector_load %arg19[%get3A_574, %get3A_575] {strides = array<i32>} : memref<128x80xf32, #tpu.memory_space<vmem>>, vector<16xf32>,
      %sub3A_577 = arith.subf %get3A_576, %get3A_473 : vector<16xf32>
      %swap3A_578 = arith.constant 43 : i32
      %swap3A_579 = arith.index_cast %swap3A_578 : i32 to index
      %swap3A_580 = arith.constant 0 : index
      %swap3A_581 = tpu.vector_load %arg19[%swap3A_579, %swap3A_580] {strides = array<i32>} : memref<128x80xf32, #tpu.memory_space<vmem>>, vector<16xf32>,
      tpu.vector_store %arg19[%swap3A_579, %swap3A_580], %sub3A_577 {strides = array<i32>} : memref<128x80xf32, #tpu.memory_space<vmem>>, vector<16xf32>,
      %get3A_582 = arith.constant 44 : i32
      %get3A_583 = arith.index_cast %get3A_582 : i32 to index
      %get3A_584 = arith.constant 0 : index
      %get3A_585 = tpu.vector_load %arg19[%get3A_583, %get3A_584] {strides = array<i32>} : memref<128x80xf32, #tpu.memory_space<vmem>>, vector<16xf32>,
      %sub3A_586 = arith.subf %get3A_585, %get3A_473 : vector<16xf32>
      %swap3A_587 = arith.constant 44 : i32
      %swap3A_588 = arith.index_cast %swap3A_587 : i32 to index
      %swap3A_589 = arith.constant 0 : index
      %swap3A_590 = tpu.vector_load %arg19[%swap3A_588, %swap3A_589] {strides = array<i32>} : memref<128x80xf32, #tpu.memory_space<vmem>>, vector<16xf32>,
      tpu.vector_store %arg19[%swap3A_588, %swap3A_589], %sub3A_586 {strides = array<i32>} : memref<128x80xf32, #tpu.memory_space<vmem>>, vector<16xf32>,
      %get3A_591 = arith.constant 45 : i32
      %get3A_592 = arith.index_cast %get3A_591 : i32 to index
      %get3A_593 = arith.constant 0 : index
      %get3A_594 = tpu.vector_load %arg19[%get3A_592, %get3A_593] {strides = array<i32>} : memref<128x80xf32, #tpu.memory_space<vmem>>, vector<16xf32>,
      %sub3A_595 = arith.subf %get3A_594, %get3A_473 : vector<16xf32>
      %swap3A_596 = arith.constant 45 : i32
      %swap3A_597 = arith.index_cast %swap3A_596 : i32 to index
      %swap3A_598 = arith.constant 0 : index
      %swap3A_599 = tpu.vector_load %arg19[%swap3A_597, %swap3A_598] {strides = array<i32>} : memref<128x80xf32, #tpu.memory_space<vmem>>, vector<16xf32>,
      tpu.vector_store %arg19[%swap3A_597, %swap3A_598], %sub3A_595 {strides = array<i32>} : memref<128x80xf32, #tpu.memory_space<vmem>>, vector<16xf32>,
      %get3A_600 = arith.constant 46 : i32
      %get3A_601 = arith.index_cast %get3A_600 : i32 to index
      %get3A_602 = arith.constant 0 : index
      %get3A_603 = tpu.vector_load %arg19[%get3A_601, %get3A_602] {strides = array<i32>} : memref<128x80xf32, #tpu.memory_space<vmem>>, vector<16xf32>,
      %sub3A_604 = arith.subf %get3A_603, %get3A_473 : vector<16xf32>
      %swap3A_605 = arith.constant 46 : i32
      %swap3A_606 = arith.index_cast %swap3A_605 : i32 to index
      %swap3A_607 = arith.constant 0 : index
      %swap3A_608 = tpu.vector_load %arg19[%swap3A_606, %swap3A_607] {strides = array<i32>} : memref<128x80xf32, #tpu.memory_space<vmem>>, vector<16xf32>,
      tpu.vector_store %arg19[%swap3A_606, %swap3A_607], %sub3A_604 {strides = array<i32>} : memref<128x80xf32, #tpu.memory_space<vmem>>, vector<16xf32>,
      %get3A_609 = arith.constant 47 : i32
      %get3A_610 = arith.index_cast %get3A_609 : i32 to index
      %get3A_611 = arith.constant 0 : index
      %get3A_612 = tpu.vector_load %arg19[%get3A_610, %get3A_611] {strides = array<i32>} : memref<128x80xf32, #tpu.memory_space<vmem>>, vector<16xf32>,
      %sub3A_613 = arith.subf %get3A_612, %get3A_473 : vector<16xf32>
      %swap3A_614 = arith.constant 47 : i32
      %swap3A_615 = arith.index_cast %swap3A_614 : i32 to index
      %swap3A_616 = arith.constant 0 : index
      %swap3A_617 = tpu.vector_load %arg19[%swap3A_615, %swap3A_616] {strides = array<i32>} : memref<128x80xf32, #tpu.memory_space<vmem>>, vector<16xf32>,
      tpu.vector_store %arg19[%swap3A_615, %swap3A_616], %sub3A_613 {strides = array<i32>} : memref<128x80xf32, #tpu.memory_space<vmem>>, vector<16xf32>,
      %get3A_618 = arith.constant 48 : i32
      %get3A_619 = arith.index_cast %get3A_618 : i32 to index
      %get3A_620 = arith.constant 0 : index
      %get3A_621 = tpu.vector_load %arg19[%get3A_619, %get3A_620] {strides = array<i32>} : memref<128x80xf32, #tpu.memory_space<vmem>>, vector<16xf32>,
      %sub3A_622 = arith.subf %get3A_621, %get3A_473 : vector<16xf32>
      %swap3A_623 = arith.constant 48 : i32
      %swap3A_624 = arith.index_cast %swap3A_623 : i32 to index
      %swap3A_625 = arith.constant 0 : index
      %swap3A_626 = tpu.vector_load %arg19[%swap3A_624, %swap3A_625] {strides = array<i32>} : memref<128x80xf32, #tpu.memory_space<vmem>>, vector<16xf32>,
      tpu.vector_store %arg19[%swap3A_624, %swap3A_625], %sub3A_622 {strides = array<i32>} : memref<128x80xf32, #tpu.memory_space<vmem>>, vector<16xf32>,
      %get3A_627 = arith.constant 49 : i32
      %get3A_628 = arith.index_cast %get3A_627 : i32 to index
      %get3A_629 = arith.constant 0 : index
      %get3A_630 = tpu.vector_load %arg19[%get3A_628, %get3A_629] {strides = array<i32>} : memref<128x80xf32, #tpu.memory_space<vmem>>, vector<16xf32>,
      %sub3A_631 = arith.subf %get3A_630, %get3A_473 : vector<16xf32>
      %swap3A_632 = arith.constant 49 : i32
      %swap3A_633 = arith.index_cast %swap3A_632 : i32 to index
      %swap3A_634 = arith.constant 0 : index
      %swap3A_635 = tpu.vector_load %arg19[%swap3A_633, %swap3A_634] {strides = array<i32>} : memref<128x80xf32, #tpu.memory_space<vmem>>, vector<16xf32>,
      tpu.vector_store %arg19[%swap3A_633, %swap3A_634], %sub3A_631 {strides = array<i32>} : memref<128x80xf32, #tpu.memory_space<vmem>>, vector<16xf32>,
      %get3A_636 = arith.constant 50 : i32
      %get3A_637 = arith.index_cast %get3A_636 : i32 to index
      %get3A_638 = arith.constant 0 : index
      %get3A_639 = tpu.vector_load %arg19[%get3A_637, %get3A_638] {strides = array<i32>} : memref<128x80xf32, #tpu.memory_space<vmem>>, vector<16xf32>,
      %sub3A_640 = arith.subf %get3A_639, %get3A_473 : vector<16xf32>
      %swap3A_641 = arith.constant 50 : i32
      %swap3A_642 = arith.index_cast %swap3A_641 : i32 to index
      %swap3A_643 = arith.constant 0 : index
      %swap3A_644 = tpu.vector_load %arg19[%swap3A_642, %swap3A_643] {strides = array<i32>} : memref<128x80xf32, #tpu.memory_space<vmem>>, vector<16xf32>,
      tpu.vector_store %arg19[%swap3A_642, %swap3A_643], %sub3A_640 {strides = array<i32>} : memref<128x80xf32, #tpu.memory_space<vmem>>, vector<16xf32>,
      %get3A_645 = arith.constant 51 : i32
      %get3A_646 = arith.index_cast %get3A_645 : i32 to index
      %get3A_647 = arith.constant 0 : index
      %get3A_648 = tpu.vector_load %arg19[%get3A_646, %get3A_647] {strides = array<i32>} : memref<128x80xf32, #tpu.memory_space<vmem>>, vector<16xf32>,
      %sub3A_649 = arith.subf %get3A_648, %get3A_473 : vector<16xf32>
      %swap3A_650 = arith.constant 51 : i32
      %swap3A_651 = arith.index_cast %swap3A_650 : i32 to index
      %swap3A_652 = arith.constant 0 : index
      %swap3A_653 = tpu.vector_load %arg19[%swap3A_651, %swap3A_652] {strides = array<i32>} : memref<128x80xf32, #tpu.memory_space<vmem>>, vector<16xf32>,
      tpu.vector_store %arg19[%swap3A_651, %swap3A_652], %sub3A_649 {strides = array<i32>} : memref<128x80xf32, #tpu.memory_space<vmem>>, vector<16xf32>,
      %get3A_654 = arith.constant 52 : i32
      %get3A_655 = arith.index_cast %get3A_654 : i32 to index
      %get3A_656 = arith.constant 0 : index
      %get3A_657 = tpu.vector_load %arg19[%get3A_655, %get3A_656] {strides = array<i32>} : memref<128x80xf32, #tpu.memory_space<vmem>>, vector<16xf32>,
      %sub3A_658 = arith.subf %get3A_657, %get3A_473 : vector<16xf32>
      %swap3A_659 = arith.constant 52 : i32
      %swap3A_660 = arith.index_cast %swap3A_659 : i32 to index
      %swap3A_661 = arith.constant 0 : index
      %swap3A_662 = tpu.vector_load %arg19[%swap3A_660, %swap3A_661] {strides = array<i32>} : memref<128x80xf32, #tpu.memory_space<vmem>>, vector<16xf32>,
      tpu.vector_store %arg19[%swap3A_660, %swap3A_661], %sub3A_658 {strides = array<i32>} : memref<128x80xf32, #tpu.memory_space<vmem>>, vector<16xf32>,
      %get3A_663 = arith.constant 53 : i32
      %get3A_664 = arith.index_cast %get3A_663 : i32 to index
      %get3A_665 = arith.constant 0 : index
      %get3A_666 = tpu.vector_load %arg19[%get3A_664, %get3A_665] {strides = array<i32>} : memref<128x80xf32, #tpu.memory_space<vmem>>, vector<16xf32>,
      %sub3A_667 = arith.subf %get3A_666, %get3A_473 : vector<16xf32>
      %swap3A_668 = arith.constant 53 : i32
      %swap3A_669 = arith.index_cast %swap3A_668 : i32 to index
      %swap3A_670 = arith.constant 0 : index
      %swap3A_671 = tpu.vector_load %arg19[%swap3A_669, %swap3A_670] {strides = array<i32>} : memref<128x80xf32, #tpu.memory_space<vmem>>, vector<16xf32>,
      tpu.vector_store %arg19[%swap3A_669, %swap3A_670], %sub3A_667 {strides = array<i32>} : memref<128x80xf32, #tpu.memory_space<vmem>>, vector<16xf32>,
      %get3A_672 = arith.constant 54 : i32
      %get3A_673 = arith.index_cast %get3A_672 : i32 to index
      %get3A_674 = arith.constant 0 : index
      %get3A_675 = tpu.vector_load %arg19[%get3A_673, %get3A_674] {strides = array<i32>} : memref<128x80xf32, #tpu.memory_space<vmem>>, vector<16xf32>,
      %sub3A_676 = arith.subf %get3A_675, %get3A_473 : vector<16xf32>
      %swap3A_677 = arith.constant 54 : i32
      %swap3A_678 = arith.index_cast %swap3A_677 : i32 to index
      %swap3A_679 = arith.constant 0 : index
      %swap3A_680 = tpu.vector_load %arg19[%swap3A_678, %swap3A_679] {strides = array<i32>} : memref<128x80xf32, #tpu.memory_space<vmem>>, vector<16xf32>,
      tpu.vector_store %arg19[%swap3A_678, %swap3A_679], %sub3A_676 {strides = array<i32>} : memref<128x80xf32, #tpu.memory_space<vmem>>, vector<16xf32>,
      %get3A_681 = arith.constant 55 : i32
      %get3A_682 = arith.index_cast %get3A_681 : i32 to index
      %get3A_683 = arith.constant 0 : index
      %get3A_684 = tpu.vector_load %arg19[%get3A_682, %get3A_683] {strides = array<i32>} : memref<128x80xf32, #tpu.memory_space<vmem>>, vector<16xf32>,
      %sub3A_685 = arith.subf %get3A_684, %get3A_473 : vector<16xf32>
      %swap3A_686 = arith.constant 55 : i32
      %swap3A_687 = arith.index_cast %swap3A_686 : i32 to index
      %swap3A_688 = arith.constant 0 : index
      %swap3A_689 = tpu.vector_load %arg19[%swap3A_687, %swap3A_688] {strides = array<i32>} : memref<128x80xf32, #tpu.memory_space<vmem>>, vector<16xf32>,
      tpu.vector_store %arg19[%swap3A_687, %swap3A_688], %sub3A_685 {strides = array<i32>} : memref<128x80xf32, #tpu.memory_space<vmem>>, vector<16xf32>,
      %get3A_690 = arith.constant 56 : i32
      %get3A_691 = arith.index_cast %get3A_690 : i32 to index
      %get3A_692 = arith.constant 0 : index
      %get3A_693 = tpu.vector_load %arg19[%get3A_691, %get3A_692] {strides = array<i32>} : memref<128x80xf32, #tpu.memory_space<vmem>>, vector<16xf32>,
      %sub3A_694 = arith.subf %get3A_693, %get3A_473 : vector<16xf32>
      %swap3A_695 = arith.constant 56 : i32
      %swap3A_696 = arith.index_cast %swap3A_695 : i32 to index
      %swap3A_697 = arith.constant 0 : index
      %swap3A_698 = tpu.vector_load %arg19[%swap3A_696, %swap3A_697] {strides = array<i32>} : memref<128x80xf32, #tpu.memory_space<vmem>>, vector<16xf32>,
      tpu.vector_store %arg19[%swap3A_696, %swap3A_697], %sub3A_694 {strides = array<i32>} : memref<128x80xf32, #tpu.memory_space<vmem>>, vector<16xf32>,
      %get3A_699 = arith.constant 57 : i32
      %get3A_700 = arith.index_cast %get3A_699 : i32 to index
      %get3A_701 = arith.constant 0 : index
      %get3A_702 = tpu.vector_load %arg19[%get3A_700, %get3A_701] {strides = array<i32>} : memref<128x80xf32, #tpu.memory_space<vmem>>, vector<16xf32>,
      %sub3A_703 = arith.subf %get3A_702, %get3A_473 : vector<16xf32>
      %swap3A_704 = arith.constant 57 : i32
      %swap3A_705 = arith.index_cast %swap3A_704 : i32 to index
      %swap3A_706 = arith.constant 0 : index
      %swap3A_707 = tpu.vector_load %arg19[%swap3A_705, %swap3A_706] {strides = array<i32>} : memref<128x80xf32, #tpu.memory_space<vmem>>, vector<16xf32>,
      tpu.vector_store %arg19[%swap3A_705, %swap3A_706], %sub3A_703 {strides = array<i32>} : memref<128x80xf32, #tpu.memory_space<vmem>>, vector<16xf32>,
      %get3A_708 = arith.constant 58 : i32
      %get3A_709 = arith.index_cast %get3A_708 : i32 to index
      %get3A_710 = arith.constant 0 : index
      %get3A_711 = tpu.vector_load %arg19[%get3A_709, %get3A_710] {strides = array<i32>} : memref<128x80xf32, #tpu.memory_space<vmem>>, vector<16xf32>,
      %sub3A_712 = arith.subf %get3A_711, %get3A_473 : vector<16xf32>
      %swap3A_713 = arith.constant 58 : i32
      %swap3A_714 = arith.index_cast %swap3A_713 : i32 to index
      %swap3A_715 = arith.constant 0 : index
      %swap3A_716 = tpu.vector_load %arg19[%swap3A_714, %swap3A_715] {strides = array<i32>} : memref<128x80xf32, #tpu.memory_space<vmem>>, vector<16xf32>,
      tpu.vector_store %arg19[%swap3A_714, %swap3A_715], %sub3A_712 {strides = array<i32>} : memref<128x80xf32, #tpu.memory_space<vmem>>, vector<16xf32>,
      %get3A_717 = arith.constant 59 : i32
      %get3A_718 = arith.index_cast %get3A_717 : i32 to index
      %get3A_719 = arith.constant 0 : index
      %get3A_720 = tpu.vector_load %arg19[%get3A_718, %get3A_719] {strides = array<i32>} : memref<128x80xf32, #tpu.memory_space<vmem>>, vector<16xf32>,
      %sub3A_721 = arith.subf %get3A_720, %get3A_473 : vector<16xf32>
      %swap3A_722 = arith.constant 59 : i32
      %swap3A_723 = arith.index_cast %swap3A_722 : i32 to index
      %swap3A_724 = arith.constant 0 : index
      %swap3A_725 = tpu.vector_load %arg19[%swap3A_723, %swap3A_724] {strides = array<i32>} : memref<128x80xf32, #tpu.memory_space<vmem>>, vector<16xf32>,
      tpu.vector_store %arg19[%swap3A_723, %swap3A_724], %sub3A_721 {strides = array<i32>} : memref<128x80xf32, #tpu.memory_space<vmem>>, vector<16xf32>,
      %get3A_726 = arith.constant 60 : i32
      %get3A_727 = arith.index_cast %get3A_726 : i32 to index
      %get3A_728 = arith.constant 0 : index
      %get3A_729 = tpu.vector_load %arg19[%get3A_727, %get3A_728] {strides = array<i32>} : memref<128x80xf32, #tpu.memory_space<vmem>>, vector<16xf32>,
      %sub3A_730 = arith.subf %get3A_729, %get3A_473 : vector<16xf32>
      %swap3A_731 = arith.constant 60 : i32
      %swap3A_732 = arith.index_cast %swap3A_731 : i32 to index
      %swap3A_733 = arith.constant 0 : index
      %swap3A_734 = tpu.vector_load %arg19[%swap3A_732, %swap3A_733] {strides = array<i32>} : memref<128x80xf32, #tpu.memory_space<vmem>>, vector<16xf32>,
      tpu.vector_store %arg19[%swap3A_732, %swap3A_733], %sub3A_730 {strides = array<i32>} : memref<128x80xf32, #tpu.memory_space<vmem>>, vector<16xf32>,
      %get3A_735 = arith.constant 61 : i32
      %get3A_736 = arith.index_cast %get3A_735 : i32 to index
      %get3A_737 = arith.constant 0 : index
      %get3A_738 = tpu.vector_load %arg19[%get3A_736, %get3A_737] {strides = array<i32>} : memref<128x80xf32, #tpu.memory_space<vmem>>, vector<16xf32>,
      %sub3A_739 = arith.subf %get3A_738, %get3A_473 : vector<16xf32>
      %swap3A_740 = arith.constant 61 : i32
      %swap3A_741 = arith.index_cast %swap3A_740 : i32 to index
      %swap3A_742 = arith.constant 0 : index
      %swap3A_743 = tpu.vector_load %arg19[%swap3A_741, %swap3A_742] {strides = array<i32>} : memref<128x80xf32, #tpu.memory_space<vmem>>, vector<16xf32>,
      tpu.vector_store %arg19[%swap3A_741, %swap3A_742], %sub3A_739 {strides = array<i32>} : memref<128x80xf32, #tpu.memory_space<vmem>>, vector<16xf32>,
      %get3A_744 = arith.constant 62 : i32
      %get3A_745 = arith.index_cast %get3A_744 : i32 to index
      %get3A_746 = arith.constant 0 : index
      %get3A_747 = tpu.vector_load %arg19[%get3A_745, %get3A_746] {strides = array<i32>} : memref<128x80xf32, #tpu.memory_space<vmem>>, vector<16xf32>,
      %sub3A_748 = arith.subf %get3A_747, %get3A_473 : vector<16xf32>
      %swap3A_749 = arith.constant 62 : i32
      %swap3A_750 = arith.index_cast %swap3A_749 : i32 to index
      %swap3A_751 = arith.constant 0 : index
      %swap3A_752 = tpu.vector_load %arg19[%swap3A_750, %swap3A_751] {strides = array<i32>} : memref<128x80xf32, #tpu.memory_space<vmem>>, vector<16xf32>,
      tpu.vector_store %arg19[%swap3A_750, %swap3A_751], %sub3A_748 {strides = array<i32>} : memref<128x80xf32, #tpu.memory_space<vmem>>, vector<16xf32>,
      %get3A_753 = arith.constant 63 : i32
      %get3A_754 = arith.index_cast %get3A_753 : i32 to index
      %get3A_755 = arith.constant 0 : index
      %get3A_756 = tpu.vector_load %arg19[%get3A_754, %get3A_755] {strides = array<i32>} : memref<128x80xf32, #tpu.memory_space<vmem>>, vector<16xf32>,
      %sub3A_757 = arith.subf %get3A_756, %get3A_473 : vector<16xf32>
      %swap3A_758 = arith.constant 63 : i32
      %swap3A_759 = arith.index_cast %swap3A_758 : i32 to index
      %swap3A_760 = arith.constant 0 : index
      %swap3A_761 = tpu.vector_load %arg19[%swap3A_759, %swap3A_760] {strides = array<i32>} : memref<128x80xf32, #tpu.memory_space<vmem>>, vector<16xf32>,
      tpu.vector_store %arg19[%swap3A_759, %swap3A_760], %sub3A_757 {strides = array<i32>} : memref<128x80xf32, #tpu.memory_space<vmem>>, vector<16xf32>,
      %mul3A_762 = arith.constant 4 : i32
      %mul3A_763 = arith.muli %scan3A_159, %mul3A_762 : i32
      %add3A_764 = arith.constant 2 : i32
      %add3A_765 = arith.addi %mul3A_763, %add3A_764 : i32
      %mul3A_766 = arith.constant 16 : i32
      %mul3A_767 = arith.muli %add3A_765, %mul3A_766 : i32
      %get3A_768 = arith.index_cast %mul3A_767 : i32 to index
      %get3A_769 = tpu.vector_load %arg15[%get3A_768] {strides = array<i32>} : memref<4096xf32, #tpu.memory_space<vmem>>, vector<16xf32>,
      %get3A_770 = arith.constant 64 : i32
      %get3A_771 = arith.index_cast %get3A_770 : i32 to index
      %get3A_772 = arith.constant 0 : index
      %get3A_773 = tpu.vector_load %arg19[%get3A_771, %get3A_772] {strides = array<i32>} : memref<128x80xf32, #tpu.memory_space<vmem>>, vector<16xf32>,
      %sub3A_774 = arith.subf %get3A_773, %get3A_769 : vector<16xf32>
      %swap3A_775 = arith.constant 64 : i32
      %swap3A_776 = arith.index_cast %swap3A_775 : i32 to index
      %swap3A_777 = arith.constant 0 : index
      %swap3A_778 = tpu.vector_load %arg19[%swap3A_776, %swap3A_777] {strides = array<i32>} : memref<128x80xf32, #tpu.memory_space<vmem>>, vector<16xf32>,
      tpu.vector_store %arg19[%swap3A_776, %swap3A_777], %sub3A_774 {strides = array<i32>} : memref<128x80xf32, #tpu.memory_space<vmem>>, vector<16xf32>,
      %get3A_779 = arith.constant 65 : i32
      %get3A_780 = arith.index_cast %get3A_779 : i32 to index
      %get3A_781 = arith.constant 0 : index
      %get3A_782 = tpu.vector_load %arg19[%get3A_780, %get3A_781] {strides = array<i32>} : memref<128x80xf32, #tpu.memory_space<vmem>>, vector<16xf32>,
      %sub3A_783 = arith.subf %get3A_782, %get3A_769 : vector<16xf32>
      %swap3A_784 = arith.constant 65 : i32
      %swap3A_785 = arith.index_cast %swap3A_784 : i32 to index
      %swap3A_786 = arith.constant 0 : index
      %swap3A_787 = tpu.vector_load %arg19[%swap3A_785, %swap3A_786] {strides = array<i32>} : memref<128x80xf32, #tpu.memory_space<vmem>>, vector<16xf32>,
      tpu.vector_store %arg19[%swap3A_785, %swap3A_786], %sub3A_783 {strides = array<i32>} : memref<128x80xf32, #tpu.memory_space<vmem>>, vector<16xf32>,
      %get3A_788 = arith.constant 66 : i32
      %get3A_789 = arith.index_cast %get3A_788 : i32 to index
      %get3A_790 = arith.constant 0 : index
      %get3A_791 = tpu.vector_load %arg19[%get3A_789, %get3A_790] {strides = array<i32>} : memref<128x80xf32, #tpu.memory_space<vmem>>, vector<16xf32>,
      %sub3A_792 = arith.subf %get3A_791, %get3A_769 : vector<16xf32>
      %swap3A_793 = arith.constant 66 : i32
      %swap3A_794 = arith.index_cast %swap3A_793 : i32 to index
      %swap3A_795 = arith.constant 0 : index
      %swap3A_796 = tpu.vector_load %arg19[%swap3A_794, %swap3A_795] {strides = array<i32>} : memref<128x80xf32, #tpu.memory_space<vmem>>, vector<16xf32>,
      tpu.vector_store %arg19[%swap3A_794, %swap3A_795], %sub3A_792 {strides = array<i32>} : memref<128x80xf32, #tpu.memory_space<vmem>>, vector<16xf32>,
      %get3A_797 = arith.constant 67 : i32
      %get3A_798 = arith.index_cast %get3A_797 : i32 to index
      %get3A_799 = arith.constant 0 : index
      %get3A_800 = tpu.vector_load %arg19[%get3A_798, %get3A_799] {strides = array<i32>} : memref<128x80xf32, #tpu.memory_space<vmem>>, vector<16xf32>,
      %sub3A_801 = arith.subf %get3A_800, %get3A_769 : vector<16xf32>
      %swap3A_802 = arith.constant 67 : i32
      %swap3A_803 = arith.index_cast %swap3A_802 : i32 to index
      %swap3A_804 = arith.constant 0 : index
      %swap3A_805 = tpu.vector_load %arg19[%swap3A_803, %swap3A_804] {strides = array<i32>} : memref<128x80xf32, #tpu.memory_space<vmem>>, vector<16xf32>,
      tpu.vector_store %arg19[%swap3A_803, %swap3A_804], %sub3A_801 {strides = array<i32>} : memref<128x80xf32, #tpu.memory_space<vmem>>, vector<16xf32>,
      %get3A_806 = arith.constant 68 : i32
      %get3A_807 = arith.index_cast %get3A_806 : i32 to index
      %get3A_808 = arith.constant 0 : index
      %get3A_809 = tpu.vector_load %arg19[%get3A_807, %get3A_808] {strides = array<i32>} : memref<128x80xf32, #tpu.memory_space<vmem>>, vector<16xf32>,
      %sub3A_810 = arith.subf %get3A_809, %get3A_769 : vector<16xf32>
      %swap3A_811 = arith.constant 68 : i32
      %swap3A_812 = arith.index_cast %swap3A_811 : i32 to index
      %swap3A_813 = arith.constant 0 : index
      %swap3A_814 = tpu.vector_load %arg19[%swap3A_812, %swap3A_813] {strides = array<i32>} : memref<128x80xf32, #tpu.memory_space<vmem>>, vector<16xf32>,
      tpu.vector_store %arg19[%swap3A_812, %swap3A_813], %sub3A_810 {strides = array<i32>} : memref<128x80xf32, #tpu.memory_space<vmem>>, vector<16xf32>,
      %get3A_815 = arith.constant 69 : i32
      %get3A_816 = arith.index_cast %get3A_815 : i32 to index
      %get3A_817 = arith.constant 0 : index
      %get3A_818 = tpu.vector_load %arg19[%get3A_816, %get3A_817] {strides = array<i32>} : memref<128x80xf32, #tpu.memory_space<vmem>>, vector<16xf32>,
      %sub3A_819 = arith.subf %get3A_818, %get3A_769 : vector<16xf32>
      %swap3A_820 = arith.constant 69 : i32
      %swap3A_821 = arith.index_cast %swap3A_820 : i32 to index
      %swap3A_822 = arith.constant 0 : index
      %swap3A_823 = tpu.vector_load %arg19[%swap3A_821, %swap3A_822] {strides = array<i32>} : memref<128x80xf32, #tpu.memory_space<vmem>>, vector<16xf32>,
      tpu.vector_store %arg19[%swap3A_821, %swap3A_822], %sub3A_819 {strides = array<i32>} : memref<128x80xf32, #tpu.memory_space<vmem>>, vector<16xf32>,
      %get3A_824 = arith.constant 70 : i32
      %get3A_825 = arith.index_cast %get3A_824 : i32 to index
      %get3A_826 = arith.constant 0 : index
      %get3A_827 = tpu.vector_load %arg19[%get3A_825, %get3A_826] {strides = array<i32>} : memref<128x80xf32, #tpu.memory_space<vmem>>, vector<16xf32>,
      %sub3A_828 = arith.subf %get3A_827, %get3A_769 : vector<16xf32>
      %swap3A_829 = arith.constant 70 : i32
      %swap3A_830 = arith.index_cast %swap3A_829 : i32 to index
      %swap3A_831 = arith.constant 0 : index
      %swap3A_832 = tpu.vector_load %arg19[%swap3A_830, %swap3A_831] {strides = array<i32>} : memref<128x80xf32, #tpu.memory_space<vmem>>, vector<16xf32>,
      tpu.vector_store %arg19[%swap3A_830, %swap3A_831], %sub3A_828 {strides = array<i32>} : memref<128x80xf32, #tpu.memory_space<vmem>>, vector<16xf32>,
      %get3A_833 = arith.constant 71 : i32
      %get3A_834 = arith.index_cast %get3A_833 : i32 to index
      %get3A_835 = arith.constant 0 : index
      %get3A_836 = tpu.vector_load %arg19[%get3A_834, %get3A_835] {strides = array<i32>} : memref<128x80xf32, #tpu.memory_space<vmem>>, vector<16xf32>,
      %sub3A_837 = arith.subf %get3A_836, %get3A_769 : vector<16xf32>
      %swap3A_838 = arith.constant 71 : i32
      %swap3A_839 = arith.index_cast %swap3A_838 : i32 to index
      %swap3A_840 = arith.constant 0 : index
      %swap3A_841 = tpu.vector_load %arg19[%swap3A_839, %swap3A_840] {strides = array<i32>} : memref<128x80xf32, #tpu.memory_space<vmem>>, vector<16xf32>,
      tpu.vector_store %arg19[%swap3A_839, %swap3A_840], %sub3A_837 {strides = array<i32>} : memref<128x80xf32, #tpu.memory_space<vmem>>, vector<16xf32>,
      %get3A_842 = arith.constant 72 : i32
      %get3A_843 = arith.index_cast %get3A_842 : i32 to index
      %get3A_844 = arith.constant 0 : index
      %get3A_845 = tpu.vector_load %arg19[%get3A_843, %get3A_844] {strides = array<i32>} : memref<128x80xf32, #tpu.memory_space<vmem>>, vector<16xf32>,
      %sub3A_846 = arith.subf %get3A_845, %get3A_769 : vector<16xf32>
      %swap3A_847 = arith.constant 72 : i32
      %swap3A_848 = arith.index_cast %swap3A_847 : i32 to index
      %swap3A_849 = arith.constant 0 : index
      %swap3A_850 = tpu.vector_load %arg19[%swap3A_848, %swap3A_849] {strides = array<i32>} : memref<128x80xf32, #tpu.memory_space<vmem>>, vector<16xf32>,
      tpu.vector_store %arg19[%swap3A_848, %swap3A_849], %sub3A_846 {strides = array<i32>} : memref<128x80xf32, #tpu.memory_space<vmem>>, vector<16xf32>,
      %get3A_851 = arith.constant 73 : i32
      %get3A_852 = arith.index_cast %get3A_851 : i32 to index
      %get3A_853 = arith.constant 0 : index
      %get3A_854 = tpu.vector_load %arg19[%get3A_852, %get3A_853] {strides = array<i32>} : memref<128x80xf32, #tpu.memory_space<vmem>>, vector<16xf32>,
      %sub3A_855 = arith.subf %get3A_854, %get3A_769 : vector<16xf32>
      %swap3A_856 = arith.constant 73 : i32
      %swap3A_857 = arith.index_cast %swap3A_856 : i32 to index
      %swap3A_858 = arith.constant 0 : index
      %swap3A_859 = tpu.vector_load %arg19[%swap3A_857, %swap3A_858] {strides = array<i32>} : memref<128x80xf32, #tpu.memory_space<vmem>>, vector<16xf32>,
      tpu.vector_store %arg19[%swap3A_857, %swap3A_858], %sub3A_855 {strides = array<i32>} : memref<128x80xf32, #tpu.memory_space<vmem>>, vector<16xf32>,
      %get3A_860 = arith.constant 74 : i32
      %get3A_861 = arith.index_cast %get3A_860 : i32 to index
      %get3A_862 = arith.constant 0 : index
      %get3A_863 = tpu.vector_load %arg19[%get3A_861, %get3A_862] {strides = array<i32>} : memref<128x80xf32, #tpu.memory_space<vmem>>, vector<16xf32>,
      %sub3A_864 = arith.subf %get3A_863, %get3A_769 : vector<16xf32>
      %swap3A_865 = arith.constant 74 : i32
      %swap3A_866 = arith.index_cast %swap3A_865 : i32 to index
      %swap3A_867 = arith.constant 0 : index
      %swap3A_868 = tpu.vector_load %arg19[%swap3A_866, %swap3A_867] {strides = array<i32>} : memref<128x80xf32, #tpu.memory_space<vmem>>, vector<16xf32>,
      tpu.vector_store %arg19[%swap3A_866, %swap3A_867], %sub3A_864 {strides = array<i32>} : memref<128x80xf32, #tpu.memory_space<vmem>>, vector<16xf32>,
      %get3A_869 = arith.constant 75 : i32
      %get3A_870 = arith.index_cast %get3A_869 : i32 to index
      %get3A_871 = arith.constant 0 : index
      %get3A_872 = tpu.vector_load %arg19[%get3A_870, %get3A_871] {strides = array<i32>} : memref<128x80xf32, #tpu.memory_space<vmem>>, vector<16xf32>,
      %sub3A_873 = arith.subf %get3A_872, %get3A_769 : vector<16xf32>
      %swap3A_874 = arith.constant 75 : i32
      %swap3A_875 = arith.index_cast %swap3A_874 : i32 to index
      %swap3A_876 = arith.constant 0 : index
      %swap3A_877 = tpu.vector_load %arg19[%swap3A_875, %swap3A_876] {strides = array<i32>} : memref<128x80xf32, #tpu.memory_space<vmem>>, vector<16xf32>,
      tpu.vector_store %arg19[%swap3A_875, %swap3A_876], %sub3A_873 {strides = array<i32>} : memref<128x80xf32, #tpu.memory_space<vmem>>, vector<16xf32>,
      %get3A_878 = arith.constant 76 : i32
      %get3A_879 = arith.index_cast %get3A_878 : i32 to index
      %get3A_880 = arith.constant 0 : index
      %get3A_881 = tpu.vector_load %arg19[%get3A_879, %get3A_880] {strides = array<i32>} : memref<128x80xf32, #tpu.memory_space<vmem>>, vector<16xf32>,
      %sub3A_882 = arith.subf %get3A_881, %get3A_769 : vector<16xf32>
      %swap3A_883 = arith.constant 76 : i32
      %swap3A_884 = arith.index_cast %swap3A_883 : i32 to index
      %swap3A_885 = arith.constant 0 : index
      %swap3A_886 = tpu.vector_load %arg19[%swap3A_884, %swap3A_885] {strides = array<i32>} : memref<128x80xf32, #tpu.memory_space<vmem>>, vector<16xf32>,
      tpu.vector_store %arg19[%swap3A_884, %swap3A_885], %sub3A_882 {strides = array<i32>} : memref<128x80xf32, #tpu.memory_space<vmem>>, vector<16xf32>,
      %get3A_887 = arith.constant 77 : i32
      %get3A_888 = arith.index_cast %get3A_887 : i32 to index
      %get3A_889 = arith.constant 0 : index
      %get3A_890 = tpu.vector_load %arg19[%get3A_888, %get3A_889] {strides = array<i32>} : memref<128x80xf32, #tpu.memory_space<vmem>>, vector<16xf32>,
      %sub3A_891 = arith.subf %get3A_890, %get3A_769 : vector<16xf32>
      %swap3A_892 = arith.constant 77 : i32
      %swap3A_893 = arith.index_cast %swap3A_892 : i32 to index
      %swap3A_894 = arith.constant 0 : index
      %swap3A_895 = tpu.vector_load %arg19[%swap3A_893, %swap3A_894] {strides = array<i32>} : memref<128x80xf32, #tpu.memory_space<vmem>>, vector<16xf32>,
      tpu.vector_store %arg19[%swap3A_893, %swap3A_894], %sub3A_891 {strides = array<i32>} : memref<128x80xf32, #tpu.memory_space<vmem>>, vector<16xf32>,
      %get3A_896 = arith.constant 78 : i32
      %get3A_897 = arith.index_cast %get3A_896 : i32 to index
      %get3A_898 = arith.constant 0 : index
      %get3A_899 = tpu.vector_load %arg19[%get3A_897, %get3A_898] {strides = array<i32>} : memref<128x80xf32, #tpu.memory_space<vmem>>, vector<16xf32>,
      %sub3A_900 = arith.subf %get3A_899, %get3A_769 : vector<16xf32>
      %swap3A_901 = arith.constant 78 : i32
      %swap3A_902 = arith.index_cast %swap3A_901 : i32 to index
      %swap3A_903 = arith.constant 0 : index
      %swap3A_904 = tpu.vector_load %arg19[%swap3A_902, %swap3A_903] {strides = array<i32>} : memref<128x80xf32, #tpu.memory_space<vmem>>, vector<16xf32>,
      tpu.vector_store %arg19[%swap3A_902, %swap3A_903], %sub3A_900 {strides = array<i32>} : memref<128x80xf32, #tpu.memory_space<vmem>>, vector<16xf32>,
      %get3A_905 = arith.constant 79 : i32
      %get3A_906 = arith.index_cast %get3A_905 : i32 to index
      %get3A_907 = arith.constant 0 : index
      %get3A_908 = tpu.vector_load %arg19[%get3A_906, %get3A_907] {strides = array<i32>} : memref<128x80xf32, #tpu.memory_space<vmem>>, vector<16xf32>,
      %sub3A_909 = arith.subf %get3A_908, %get3A_769 : vector<16xf32>
      %swap3A_910 = arith.constant 79 : i32
      %swap3A_911 = arith.index_cast %swap3A_910 : i32 to index
      %swap3A_912 = arith.constant 0 : index
      %swap3A_913 = tpu.vector_load %arg19[%swap3A_911, %swap3A_912] {strides = array<i32>} : memref<128x80xf32, #tpu.memory_space<vmem>>, vector<16xf32>,
      tpu.vector_store %arg19[%swap3A_911, %swap3A_912], %sub3A_909 {strides = array<i32>} : memref<128x80xf32, #tpu.memory_space<vmem>>, vector<16xf32>,
      %get3A_914 = arith.constant 80 : i32
      %get3A_915 = arith.index_cast %get3A_914 : i32 to index
      %get3A_916 = arith.constant 0 : index
      %get3A_917 = tpu.vector_load %arg19[%get3A_915, %get3A_916] {strides = array<i32>} : memref<128x80xf32, #tpu.memory_space<vmem>>, vector<16xf32>,
      %sub3A_918 = arith.subf %get3A_917, %get3A_769 : vector<16xf32>
      %swap3A_919 = arith.constant 80 : i32
      %swap3A_920 = arith.index_cast %swap3A_919 : i32 to index
      %swap3A_921 = arith.constant 0 : index
      %swap3A_922 = tpu.vector_load %arg19[%swap3A_920, %swap3A_921] {strides = array<i32>} : memref<128x80xf32, #tpu.memory_space<vmem>>, vector<16xf32>,
      tpu.vector_store %arg19[%swap3A_920, %swap3A_921], %sub3A_918 {strides = array<i32>} : memref<128x80xf32, #tpu.memory_space<vmem>>, vector<16xf32>,
      %get3A_923 = arith.constant 81 : i32
      %get3A_924 = arith.index_cast %get3A_923 : i32 to index
      %get3A_925 = arith.constant 0 : index
      %get3A_926 = tpu.vector_load %arg19[%get3A_924, %get3A_925] {strides = array<i32>} : memref<128x80xf32, #tpu.memory_space<vmem>>, vector<16xf32>,
      %sub3A_927 = arith.subf %get3A_926, %get3A_769 : vector<16xf32>
      %swap3A_928 = arith.constant 81 : i32
      %swap3A_929 = arith.index_cast %swap3A_928 : i32 to index
      %swap3A_930 = arith.constant 0 : index
      %swap3A_931 = tpu.vector_load %arg19[%swap3A_929, %swap3A_930] {strides = array<i32>} : memref<128x80xf32, #tpu.memory_space<vmem>>, vector<16xf32>,
      tpu.vector_store %arg19[%swap3A_929, %swap3A_930], %sub3A_927 {strides = array<i32>} : memref<128x80xf32, #tpu.memory_space<vmem>>, vector<16xf32>,
      %get3A_932 = arith.constant 82 : i32
      %get3A_933 = arith.index_cast %get3A_932 : i32 to index
      %get3A_934 = arith.constant 0 : index
      %get3A_935 = tpu.vector_load %arg19[%get3A_933, %get3A_934] {strides = array<i32>} : memref<128x80xf32, #tpu.memory_space<vmem>>, vector<16xf32>,
      %sub3A_936 = arith.subf %get3A_935, %get3A_769 : vector<16xf32>
      %swap3A_937 = arith.constant 82 : i32
      %swap3A_938 = arith.index_cast %swap3A_937 : i32 to index
      %swap3A_939 = arith.constant 0 : index
      %swap3A_940 = tpu.vector_load %arg19[%swap3A_938, %swap3A_939] {strides = array<i32>} : memref<128x80xf32, #tpu.memory_space<vmem>>, vector<16xf32>,
      tpu.vector_store %arg19[%swap3A_938, %swap3A_939], %sub3A_936 {strides = array<i32>} : memref<128x80xf32, #tpu.memory_space<vmem>>, vector<16xf32>,
      %get3A_941 = arith.constant 83 : i32
      %get3A_942 = arith.index_cast %get3A_941 : i32 to index
      %get3A_943 = arith.constant 0 : index
      %get3A_944 = tpu.vector_load %arg19[%get3A_942, %get3A_943] {strides = array<i32>} : memref<128x80xf32, #tpu.memory_space<vmem>>, vector<16xf32>,
      %sub3A_945 = arith.subf %get3A_944, %get3A_769 : vector<16xf32>
      %swap3A_946 = arith.constant 83 : i32
      %swap3A_947 = arith.index_cast %swap3A_946 : i32 to index
      %swap3A_948 = arith.constant 0 : index
      %swap3A_949 = tpu.vector_load %arg19[%swap3A_947, %swap3A_948] {strides = array<i32>} : memref<128x80xf32, #tpu.memory_space<vmem>>, vector<16xf32>,
      tpu.vector_store %arg19[%swap3A_947, %swap3A_948], %sub3A_945 {strides = array<i32>} : memref<128x80xf32, #tpu.memory_space<vmem>>, vector<16xf32>,
      %get3A_950 = arith.constant 84 : i32
      %get3A_951 = arith.index_cast %get3A_950 : i32 to index
      %get3A_952 = arith.constant 0 : index
      %get3A_953 = tpu.vector_load %arg19[%get3A_951, %get3A_952] {strides = array<i32>} : memref<128x80xf32, #tpu.memory_space<vmem>>, vector<16xf32>,
      %sub3A_954 = arith.subf %get3A_953, %get3A_769 : vector<16xf32>
      %swap3A_955 = arith.constant 84 : i32
      %swap3A_956 = arith.index_cast %swap3A_955 : i32 to index
      %swap3A_957 = arith.constant 0 : index
      %swap3A_958 = tpu.vector_load %arg19[%swap3A_956, %swap3A_957] {strides = array<i32>} : memref<128x80xf32, #tpu.memory_space<vmem>>, vector<16xf32>,
      tpu.vector_store %arg19[%swap3A_956, %swap3A_957], %sub3A_954 {strides = array<i32>} : memref<128x80xf32, #tpu.memory_space<vmem>>, vector<16xf32>,
      %get3A_959 = arith.constant 85 : i32
      %get3A_960 = arith.index_cast %get3A_959 : i32 to index
      %get3A_961 = arith.constant 0 : index
      %get3A_962 = tpu.vector_load %arg19[%get3A_960, %get3A_961] {strides = array<i32>} : memref<128x80xf32, #tpu.memory_space<vmem>>, vector<16xf32>,
      %sub3A_963 = arith.subf %get3A_962, %get3A_769 : vector<16xf32>
      %swap3A_964 = arith.constant 85 : i32
      %swap3A_965 = arith.index_cast %swap3A_964 : i32 to index
      %swap3A_966 = arith.constant 0 : index
      %swap3A_967 = tpu.vector_load %arg19[%swap3A_965, %swap3A_966] {strides = array<i32>} : memref<128x80xf32, #tpu.memory_space<vmem>>, vector<16xf32>,
      tpu.vector_store %arg19[%swap3A_965, %swap3A_966], %sub3A_963 {strides = array<i32>} : memref<128x80xf32, #tpu.memory_space<vmem>>, vector<16xf32>,
      %get3A_968 = arith.constant 86 : i32
      %get3A_969 = arith.index_cast %get3A_968 : i32 to index
      %get3A_970 = arith.constant 0 : index
      %get3A_971 = tpu.vector_load %arg19[%get3A_969, %get3A_970] {strides = array<i32>} : memref<128x80xf32, #tpu.memory_space<vmem>>, vector<16xf32>,
      %sub3A_972 = arith.subf %get3A_971, %get3A_769 : vector<16xf32>
      %swap3A_973 = arith.constant 86 : i32
      %swap3A_974 = arith.index_cast %swap3A_973 : i32 to index
      %swap3A_975 = arith.constant 0 : index
      %swap3A_976 = tpu.vector_load %arg19[%swap3A_974, %swap3A_975] {strides = array<i32>} : memref<128x80xf32, #tpu.memory_space<vmem>>, vector<16xf32>,
      tpu.vector_store %arg19[%swap3A_974, %swap3A_975], %sub3A_972 {strides = array<i32>} : memref<128x80xf32, #tpu.memory_space<vmem>>, vector<16xf32>,
      %get3A_977 = arith.constant 87 : i32
      %get3A_978 = arith.index_cast %get3A_977 : i32 to index
      %get3A_979 = arith.constant 0 : index
      %get3A_980 = tpu.vector_load %arg19[%get3A_978, %get3A_979] {strides = array<i32>} : memref<128x80xf32, #tpu.memory_space<vmem>>, vector<16xf32>,
      %sub3A_981 = arith.subf %get3A_980, %get3A_769 : vector<16xf32>
      %swap3A_982 = arith.constant 87 : i32
      %swap3A_983 = arith.index_cast %swap3A_982 : i32 to index
      %swap3A_984 = arith.constant 0 : index
      %swap3A_985 = tpu.vector_load %arg19[%swap3A_983, %swap3A_984] {strides = array<i32>} : memref<128x80xf32, #tpu.memory_space<vmem>>, vector<16xf32>,
      tpu.vector_store %arg19[%swap3A_983, %swap3A_984], %sub3A_981 {strides = array<i32>} : memref<128x80xf32, #tpu.memory_space<vmem>>, vector<16xf32>,
      %get3A_986 = arith.constant 88 : i32
      %get3A_987 = arith.index_cast %get3A_986 : i32 to index
      %get3A_988 = arith.constant 0 : index
      %get3A_989 = tpu.vector_load %arg19[%get3A_987, %get3A_988] {strides = array<i32>} : memref<128x80xf32, #tpu.memory_space<vmem>>, vector<16xf32>,
      %sub3A_990 = arith.subf %get3A_989, %get3A_769 : vector<16xf32>
      %swap3A_991 = arith.constant 88 : i32
      %swap3A_992 = arith.index_cast %swap3A_991 : i32 to index
      %swap3A_993 = arith.constant 0 : index
      %swap3A_994 = tpu.vector_load %arg19[%swap3A_992, %swap3A_993] {strides = array<i32>} : memref<128x80xf32, #tpu.memory_space<vmem>>, vector<16xf32>,
      tpu.vector_store %arg19[%swap3A_992, %swap3A_993], %sub3A_990 {strides = array<i32>} : memref<128x80xf32, #tpu.memory_space<vmem>>, vector<16xf32>,
      %get3A_995 = arith.constant 89 : i32
      %get3A_996 = arith.index_cast %get3A_995 : i32 to index
      %get3A_997 = arith.constant 0 : index
      %get3A_998 = tpu.vector_load %arg19[%get3A_996, %get3A_997] {strides = array<i32>} : memref<128x80xf32, #tpu.memory_space<vmem>>, vector<16xf32>,
      %sub3A_999 = arith.subf %get3A_998, %get3A_769 : vector<16xf32>
      %swap3A_1000 = arith.constant 89 : i32
      %swap3A_1001 = arith.index_cast %swap3A_1000 : i32 to index
      %swap3A_1002 = arith.constant 0 : index
      %swap3A_1003 = tpu.vector_load %arg19[%swap3A_1001, %swap3A_1002] {strides = array<i32>} : memref<128x80xf32, #tpu.memory_space<vmem>>, vector<16xf32>,
      tpu.vector_store %arg19[%swap3A_1001, %swap3A_1002], %sub3A_999 {strides = array<i32>} : memref<128x80xf32, #tpu.memory_space<vmem>>, vector<16xf32>,
      %get3A_1004 = arith.constant 90 : i32
      %get3A_1005 = arith.index_cast %get3A_1004 : i32 to index
      %get3A_1006 = arith.constant 0 : index
      %get3A_1007 = tpu.vector_load %arg19[%get3A_1005, %get3A_1006] {strides = array<i32>} : memref<128x80xf32, #tpu.memory_space<vmem>>, vector<16xf32>,
      %sub3A_1008 = arith.subf %get3A_1007, %get3A_769 : vector<16xf32>
      %swap3A_1009 = arith.constant 90 : i32
      %swap3A_1010 = arith.index_cast %swap3A_1009 : i32 to index
      %swap3A_1011 = arith.constant 0 : index
      %swap3A_1012 = tpu.vector_load %arg19[%swap3A_1010, %swap3A_1011] {strides = array<i32>} : memref<128x80xf32, #tpu.memory_space<vmem>>, vector<16xf32>,
      tpu.vector_store %arg19[%swap3A_1010, %swap3A_1011], %sub3A_1008 {strides = array<i32>} : memref<128x80xf32, #tpu.memory_space<vmem>>, vector<16xf32>,
      %get3A_1013 = arith.constant 91 : i32
      %get3A_1014 = arith.index_cast %get3A_1013 : i32 to index
      %get3A_1015 = arith.constant 0 : index
      %get3A_1016 = tpu.vector_load %arg19[%get3A_1014, %get3A_1015] {strides = array<i32>} : memref<128x80xf32, #tpu.memory_space<vmem>>, vector<16xf32>,
      %sub3A_1017 = arith.subf %get3A_1016, %get3A_769 : vector<16xf32>
      %swap3A_1018 = arith.constant 91 : i32
      %swap3A_1019 = arith.index_cast %swap3A_1018 : i32 to index
      %swap3A_1020 = arith.constant 0 : index
      %swap3A_1021 = tpu.vector_load %arg19[%swap3A_1019, %swap3A_1020] {strides = array<i32>} : memref<128x80xf32, #tpu.memory_space<vmem>>, vector<16xf32>,
      tpu.vector_store %arg19[%swap3A_1019, %swap3A_1020], %sub3A_1017 {strides = array<i32>} : memref<128x80xf32, #tpu.memory_space<vmem>>, vector<16xf32>,
      %get3A_1022 = arith.constant 92 : i32
      %get3A_1023 = arith.index_cast %get3A_1022 : i32 to index
      %get3A_1024 = arith.constant 0 : index
      %get3A_1025 = tpu.vector_load %arg19[%get3A_1023, %get3A_1024] {strides = array<i32>} : memref<128x80xf32, #tpu.memory_space<vmem>>, vector<16xf32>,
      %sub3A_1026 = arith.subf %get3A_1025, %get3A_769 : vector<16xf32>
      %swap3A_1027 = arith.constant 92 : i32
      %swap3A_1028 = arith.index_cast %swap3A_1027 : i32 to index
      %swap3A_1029 = arith.constant 0 : index
      %swap3A_1030 = tpu.vector_load %arg19[%swap3A_1028, %swap3A_1029] {strides = array<i32>} : memref<128x80xf32, #tpu.memory_space<vmem>>, vector<16xf32>,
      tpu.vector_store %arg19[%swap3A_1028, %swap3A_1029], %sub3A_1026 {strides = array<i32>} : memref<128x80xf32, #tpu.memory_space<vmem>>, vector<16xf32>,
      %get3A_1031 = arith.constant 93 : i32
      %get3A_1032 = arith.index_cast %get3A_1031 : i32 to index
      %get3A_1033 = arith.constant 0 : index
      %get3A_1034 = tpu.vector_load %arg19[%get3A_1032, %get3A_1033] {strides = array<i32>} : memref<128x80xf32, #tpu.memory_space<vmem>>, vector<16xf32>,
      %sub3A_1035 = arith.subf %get3A_1034, %get3A_769 : vector<16xf32>
      %swap3A_1036 = arith.constant 93 : i32
      %swap3A_1037 = arith.index_cast %swap3A_1036 : i32 to index
      %swap3A_1038 = arith.constant 0 : index
      %swap3A_1039 = tpu.vector_load %arg19[%swap3A_1037, %swap3A_1038] {strides = array<i32>} : memref<128x80xf32, #tpu.memory_space<vmem>>, vector<16xf32>,
      tpu.vector_store %arg19[%swap3A_1037, %swap3A_1038], %sub3A_1035 {strides = array<i32>} : memref<128x80xf32, #tpu.memory_space<vmem>>, vector<16xf32>,
      %get3A_1040 = arith.constant 94 : i32
      %get3A_1041 = arith.index_cast %get3A_1040 : i32 to index
      %get3A_1042 = arith.constant 0 : index
      %get3A_1043 = tpu.vector_load %arg19[%get3A_1041, %get3A_1042] {strides = array<i32>} : memref<128x80xf32, #tpu.memory_space<vmem>>, vector<16xf32>,
      %sub3A_1044 = arith.subf %get3A_1043, %get3A_769 : vector<16xf32>
      %swap3A_1045 = arith.constant 94 : i32
      %swap3A_1046 = arith.index_cast %swap3A_1045 : i32 to index
      %swap3A_1047 = arith.constant 0 : index
      %swap3A_1048 = tpu.vector_load %arg19[%swap3A_1046, %swap3A_1047] {strides = array<i32>} : memref<128x80xf32, #tpu.memory_space<vmem>>, vector<16xf32>,
      tpu.vector_store %arg19[%swap3A_1046, %swap3A_1047], %sub3A_1044 {strides = array<i32>} : memref<128x80xf32, #tpu.memory_space<vmem>>, vector<16xf32>,
      %get3A_1049 = arith.constant 95 : i32
      %get3A_1050 = arith.index_cast %get3A_1049 : i32 to index
      %get3A_1051 = arith.constant 0 : index
      %get3A_1052 = tpu.vector_load %arg19[%get3A_1050, %get3A_1051] {strides = array<i32>} : memref<128x80xf32, #tpu.memory_space<vmem>>, vector<16xf32>,
      %sub3A_1053 = arith.subf %get3A_1052, %get3A_769 : vector<16xf32>
      %swap3A_1054 = arith.constant 95 : i32
      %swap3A_1055 = arith.index_cast %swap3A_1054 : i32 to index
      %swap3A_1056 = arith.constant 0 : index
      %swap3A_1057 = tpu.vector_load %arg19[%swap3A_1055, %swap3A_1056] {strides = array<i32>} : memref<128x80xf32, #tpu.memory_space<vmem>>, vector<16xf32>,
      tpu.vector_store %arg19[%swap3A_1055, %swap3A_1056], %sub3A_1053 {strides = array<i32>} : memref<128x80xf32, #tpu.memory_space<vmem>>, vector<16xf32>,
      %mul3A_1058 = arith.constant 4 : i32
      %mul3A_1059 = arith.muli %scan3A_159, %mul3A_1058 : i32
      %add3A_1060 = arith.constant 3 : i32
      %add3A_1061 = arith.addi %mul3A_1059, %add3A_1060 : i32
      %mul3A_1062 = arith.constant 16 : i32
      %mul3A_1063 = arith.muli %add3A_1061, %mul3A_1062 : i32
      %get3A_1064 = arith.index_cast %mul3A_1063 : i32 to index
      %get3A_1065 = tpu.vector_load %arg15[%get3A_1064] {strides = array<i32>} : memref<4096xf32, #tpu.memory_space<vmem>>, vector<16xf32>,
      %get3A_1066 = arith.constant 96 : i32
      %get3A_1067 = arith.index_cast %get3A_1066 : i32 to index
      %get3A_1068 = arith.constant 0 : index
      %get3A_1069 = tpu.vector_load %arg19[%get3A_1067, %get3A_1068] {strides = array<i32>} : memref<128x80xf32, #tpu.memory_space<vmem>>, vector<16xf32>,
      %sub3A_1070 = arith.subf %get3A_1069, %get3A_1065 : vector<16xf32>
      %swap3A_1071 = arith.constant 96 : i32
      %swap3A_1072 = arith.index_cast %swap3A_1071 : i32 to index
      %swap3A_1073 = arith.constant 0 : index
      %swap3A_1074 = tpu.vector_load %arg19[%swap3A_1072, %swap3A_1073] {strides = array<i32>} : memref<128x80xf32, #tpu.memory_space<vmem>>, vector<16xf32>,
      tpu.vector_store %arg19[%swap3A_1072, %swap3A_1073], %sub3A_1070 {strides = array<i32>} : memref<128x80xf32, #tpu.memory_space<vmem>>, vector<16xf32>,
      %get3A_1075 = arith.constant 97 : i32
      %get3A_1076 = arith.index_cast %get3A_1075 : i32 to index
      %get3A_1077 = arith.constant 0 : index
      %get3A_1078 = tpu.vector_load %arg19[%get3A_1076, %get3A_1077] {strides = array<i32>} : memref<128x80xf32, #tpu.memory_space<vmem>>, vector<16xf32>,
      %sub3A_1079 = arith.subf %get3A_1078, %get3A_1065 : vector<16xf32>
      %swap3A_1080 = arith.constant 97 : i32
      %swap3A_1081 = arith.index_cast %swap3A_1080 : i32 to index
      %swap3A_1082 = arith.constant 0 : index
      %swap3A_1083 = tpu.vector_load %arg19[%swap3A_1081, %swap3A_1082] {strides = array<i32>} : memref<128x80xf32, #tpu.memory_space<vmem>>, vector<16xf32>,
      tpu.vector_store %arg19[%swap3A_1081, %swap3A_1082], %sub3A_1079 {strides = array<i32>} : memref<128x80xf32, #tpu.memory_space<vmem>>, vector<16xf32>,
      %get3A_1084 = arith.constant 98 : i32
      %get3A_1085 = arith.index_cast %get3A_1084 : i32 to index
      %get3A_1086 = arith.constant 0 : index
      %get3A_1087 = tpu.vector_load %arg19[%get3A_1085, %get3A_1086] {strides = array<i32>} : memref<128x80xf32, #tpu.memory_space<vmem>>, vector<16xf32>,
      %sub3A_1088 = arith.subf %get3A_1087, %get3A_1065 : vector<16xf32>
      %swap3A_1089 = arith.constant 98 : i32
      %swap3A_1090 = arith.index_cast %swap3A_1089 : i32 to index
      %swap3A_1091 = arith.constant 0 : index
      %swap3A_1092 = tpu.vector_load %arg19[%swap3A_1090, %swap3A_1091] {strides = array<i32>} : memref<128x80xf32, #tpu.memory_space<vmem>>, vector<16xf32>,
      tpu.vector_store %arg19[%swap3A_1090, %swap3A_1091], %sub3A_1088 {strides = array<i32>} : memref<128x80xf32, #tpu.memory_space<vmem>>, vector<16xf32>,
      %get3A_1093 = arith.constant 99 : i32
      %get3A_1094 = arith.index_cast %get3A_1093 : i32 to index
      %get3A_1095 = arith.constant 0 : index
      %get3A_1096 = tpu.vector_load %arg19[%get3A_1094, %get3A_1095] {strides = array<i32>} : memref<128x80xf32, #tpu.memory_space<vmem>>, vector<16xf32>,
      %sub3A_1097 = arith.subf %get3A_1096, %get3A_1065 : vector<16xf32>
      %swap3A_1098 = arith.constant 99 : i32
      %swap3A_1099 = arith.index_cast %swap3A_1098 : i32 to index
      %swap3A_1100 = arith.constant 0 : index
      %swap3A_1101 = tpu.vector_load %arg19[%swap3A_1099, %swap3A_1100] {strides = array<i32>} : memref<128x80xf32, #tpu.memory_space<vmem>>, vector<16xf32>,
      tpu.vector_store %arg19[%swap3A_1099, %swap3A_1100], %sub3A_1097 {strides = array<i32>} : memref<128x80xf32, #tpu.memory_space<vmem>>, vector<16xf32>,
      %get3A_1102 = arith.constant 100 : i32
      %get3A_1103 = arith.index_cast %get3A_1102 : i32 to index
      %get3A_1104 = arith.constant 0 : index
      %get3A_1105 = tpu.vector_load %arg19[%get3A_1103, %get3A_1104] {strides = array<i32>} : memref<128x80xf32, #tpu.memory_space<vmem>>, vector<16xf32>,
      %sub3A_1106 = arith.subf %get3A_1105, %get3A_1065 : vector<16xf32>
      %swap3A_1107 = arith.constant 100 : i32
      %swap3A_1108 = arith.index_cast %swap3A_1107 : i32 to index
      %swap3A_1109 = arith.constant 0 : index
      %swap3A_1110 = tpu.vector_load %arg19[%swap3A_1108, %swap3A_1109] {strides = array<i32>} : memref<128x80xf32, #tpu.memory_space<vmem>>, vector<16xf32>,
      tpu.vector_store %arg19[%swap3A_1108, %swap3A_1109], %sub3A_1106 {strides = array<i32>} : memref<128x80xf32, #tpu.memory_space<vmem>>, vector<16xf32>,
      %get3A_1111 = arith.constant 101 : i32
      %get3A_1112 = arith.index_cast %get3A_1111 : i32 to index
      %get3A_1113 = arith.constant 0 : index
      %get3A_1114 = tpu.vector_load %arg19[%get3A_1112, %get3A_1113] {strides = array<i32>} : memref<128x80xf32, #tpu.memory_space<vmem>>, vector<16xf32>,
      %sub3A_1115 = arith.subf %get3A_1114, %get3A_1065 : vector<16xf32>
      %swap3A_1116 = arith.constant 101 : i32
      %swap3A_1117 = arith.index_cast %swap3A_1116 : i32 to index
      %swap3A_1118 = arith.constant 0 : index
      %swap3A_1119 = tpu.vector_load %arg19[%swap3A_1117, %swap3A_1118] {strides = array<i32>} : memref<128x80xf32, #tpu.memory_space<vmem>>, vector<16xf32>,
      tpu.vector_store %arg19[%swap3A_1117, %swap3A_1118], %sub3A_1115 {strides = array<i32>} : memref<128x80xf32, #tpu.memory_space<vmem>>, vector<16xf32>,
      %get3A_1120 = arith.constant 102 : i32
      %get3A_1121 = arith.index_cast %get3A_1120 : i32 to index
      %get3A_1122 = arith.constant 0 : index
      %get3A_1123 = tpu.vector_load %arg19[%get3A_1121, %get3A_1122] {strides = array<i32>} : memref<128x80xf32, #tpu.memory_space<vmem>>, vector<16xf32>,
      %sub3A_1124 = arith.subf %get3A_1123, %get3A_1065 : vector<16xf32>
      %swap3A_1125 = arith.constant 102 : i32
      %swap3A_1126 = arith.index_cast %swap3A_1125 : i32 to index
      %swap3A_1127 = arith.constant 0 : index
      %swap3A_1128 = tpu.vector_load %arg19[%swap3A_1126, %swap3A_1127] {strides = array<i32>} : memref<128x80xf32, #tpu.memory_space<vmem>>, vector<16xf32>,
      tpu.vector_store %arg19[%swap3A_1126, %swap3A_1127], %sub3A_1124 {strides = array<i32>} : memref<128x80xf32, #tpu.memory_space<vmem>>, vector<16xf32>,
      %get3A_1129 = arith.constant 103 : i32
      %get3A_1130 = arith.index_cast %get3A_1129 : i32 to index
      %get3A_1131 = arith.constant 0 : index
      %get3A_1132 = tpu.vector_load %arg19[%get3A_1130, %get3A_1131] {strides = array<i32>} : memref<128x80xf32, #tpu.memory_space<vmem>>, vector<16xf32>,
      %sub3A_1133 = arith.subf %get3A_1132, %get3A_1065 : vector<16xf32>
      %swap3A_1134 = arith.constant 103 : i32
      %swap3A_1135 = arith.index_cast %swap3A_1134 : i32 to index
      %swap3A_1136 = arith.constant 0 : index
      %swap3A_1137 = tpu.vector_load %arg19[%swap3A_1135, %swap3A_1136] {strides = array<i32>} : memref<128x80xf32, #tpu.memory_space<vmem>>, vector<16xf32>,
      tpu.vector_store %arg19[%swap3A_1135, %swap3A_1136], %sub3A_1133 {strides = array<i32>} : memref<128x80xf32, #tpu.memory_space<vmem>>, vector<16xf32>,
      %get3A_1138 = arith.constant 104 : i32
      %get3A_1139 = arith.index_cast %get3A_1138 : i32 to index
      %get3A_1140 = arith.constant 0 : index
      %get3A_1141 = tpu.vector_load %arg19[%get3A_1139, %get3A_1140] {strides = array<i32>} : memref<128x80xf32, #tpu.memory_space<vmem>>, vector<16xf32>,
      %sub3A_1142 = arith.subf %get3A_1141, %get3A_1065 : vector<16xf32>
      %swap3A_1143 = arith.constant 104 : i32
      %swap3A_1144 = arith.index_cast %swap3A_1143 : i32 to index
      %swap3A_1145 = arith.constant 0 : index
      %swap3A_1146 = tpu.vector_load %arg19[%swap3A_1144, %swap3A_1145] {strides = array<i32>} : memref<128x80xf32, #tpu.memory_space<vmem>>, vector<16xf32>,
      tpu.vector_store %arg19[%swap3A_1144, %swap3A_1145], %sub3A_1142 {strides = array<i32>} : memref<128x80xf32, #tpu.memory_space<vmem>>, vector<16xf32>,
      %get3A_1147 = arith.constant 105 : i32
      %get3A_1148 = arith.index_cast %get3A_1147 : i32 to index
      %get3A_1149 = arith.constant 0 : index
      %get3A_1150 = tpu.vector_load %arg19[%get3A_1148, %get3A_1149] {strides = array<i32>} : memref<128x80xf32, #tpu.memory_space<vmem>>, vector<16xf32>,
      %sub3A_1151 = arith.subf %get3A_1150, %get3A_1065 : vector<16xf32>
      %swap3A_1152 = arith.constant 105 : i32
      %swap3A_1153 = arith.index_cast %swap3A_1152 : i32 to index
      %swap3A_1154 = arith.constant 0 : index
      %swap3A_1155 = tpu.vector_load %arg19[%swap3A_1153, %swap3A_1154] {strides = array<i32>} : memref<128x80xf32, #tpu.memory_space<vmem>>, vector<16xf32>,
      tpu.vector_store %arg19[%swap3A_1153, %swap3A_1154], %sub3A_1151 {strides = array<i32>} : memref<128x80xf32, #tpu.memory_space<vmem>>, vector<16xf32>,
      %get3A_1156 = arith.constant 106 : i32
      %get3A_1157 = arith.index_cast %get3A_1156 : i32 to index
      %get3A_1158 = arith.constant 0 : index
      %get3A_1159 = tpu.vector_load %arg19[%get3A_1157, %get3A_1158] {strides = array<i32>} : memref<128x80xf32, #tpu.memory_space<vmem>>, vector<16xf32>,
      %sub3A_1160 = arith.subf %get3A_1159, %get3A_1065 : vector<16xf32>
      %swap3A_1161 = arith.constant 106 : i32
      %swap3A_1162 = arith.index_cast %swap3A_1161 : i32 to index
      %swap3A_1163 = arith.constant 0 : index
      %swap3A_1164 = tpu.vector_load %arg19[%swap3A_1162, %swap3A_1163] {strides = array<i32>} : memref<128x80xf32, #tpu.memory_space<vmem>>, vector<16xf32>,
      tpu.vector_store %arg19[%swap3A_1162, %swap3A_1163], %sub3A_1160 {strides = array<i32>} : memref<128x80xf32, #tpu.memory_space<vmem>>, vector<16xf32>,
      %get3A_1165 = arith.constant 107 : i32
      %get3A_1166 = arith.index_cast %get3A_1165 : i32 to index
      %get3A_1167 = arith.constant 0 : index
      %get3A_1168 = tpu.vector_load %arg19[%get3A_1166, %get3A_1167] {strides = array<i32>} : memref<128x80xf32, #tpu.memory_space<vmem>>, vector<16xf32>,
      %sub3A_1169 = arith.subf %get3A_1168, %get3A_1065 : vector<16xf32>
      %swap3A_1170 = arith.constant 107 : i32
      %swap3A_1171 = arith.index_cast %swap3A_1170 : i32 to index
      %swap3A_1172 = arith.constant 0 : index
      %swap3A_1173 = tpu.vector_load %arg19[%swap3A_1171, %swap3A_1172] {strides = array<i32>} : memref<128x80xf32, #tpu.memory_space<vmem>>, vector<16xf32>,
      tpu.vector_store %arg19[%swap3A_1171, %swap3A_1172], %sub3A_1169 {strides = array<i32>} : memref<128x80xf32, #tpu.memory_space<vmem>>, vector<16xf32>,
      %get3A_1174 = arith.constant 108 : i32
      %get3A_1175 = arith.index_cast %get3A_1174 : i32 to index
      %get3A_1176 = arith.constant 0 : index
      %get3A_1177 = tpu.vector_load %arg19[%get3A_1175, %get3A_1176] {strides = array<i32>} : memref<128x80xf32, #tpu.memory_space<vmem>>, vector<16xf32>,
      %sub3A_1178 = arith.subf %get3A_1177, %get3A_1065 : vector<16xf32>
      %swap3A_1179 = arith.constant 108 : i32
      %swap3A_1180 = arith.index_cast %swap3A_1179 : i32 to index
      %swap3A_1181 = arith.constant 0 : index
      %swap3A_1182 = tpu.vector_load %arg19[%swap3A_1180, %swap3A_1181] {strides = array<i32>} : memref<128x80xf32, #tpu.memory_space<vmem>>, vector<16xf32>,
      tpu.vector_store %arg19[%swap3A_1180, %swap3A_1181], %sub3A_1178 {strides = array<i32>} : memref<128x80xf32, #tpu.memory_space<vmem>>, vector<16xf32>,
      %get3A_1183 = arith.constant 109 : i32
      %get3A_1184 = arith.index_cast %get3A_1183 : i32 to index
      %get3A_1185 = arith.constant 0 : index
      %get3A_1186 = tpu.vector_load %arg19[%get3A_1184, %get3A_1185] {strides = array<i32>} : memref<128x80xf32, #tpu.memory_space<vmem>>, vector<16xf32>,
      %sub3A_1187 = arith.subf %get3A_1186, %get3A_1065 : vector<16xf32>
      %swap3A_1188 = arith.constant 109 : i32
      %swap3A_1189 = arith.index_cast %swap3A_1188 : i32 to index
      %swap3A_1190 = arith.constant 0 : index
      %swap3A_1191 = tpu.vector_load %arg19[%swap3A_1189, %swap3A_1190] {strides = array<i32>} : memref<128x80xf32, #tpu.memory_space<vmem>>, vector<16xf32>,
      tpu.vector_store %arg19[%swap3A_1189, %swap3A_1190], %sub3A_1187 {strides = array<i32>} : memref<128x80xf32, #tpu.memory_space<vmem>>, vector<16xf32>,
      %get3A_1192 = arith.constant 110 : i32
      %get3A_1193 = arith.index_cast %get3A_1192 : i32 to index
      %get3A_1194 = arith.constant 0 : index
      %get3A_1195 = tpu.vector_load %arg19[%get3A_1193, %get3A_1194] {strides = array<i32>} : memref<128x80xf32, #tpu.memory_space<vmem>>, vector<16xf32>,
      %sub3A_1196 = arith.subf %get3A_1195, %get3A_1065 : vector<16xf32>
      %swap3A_1197 = arith.constant 110 : i32
      %swap3A_1198 = arith.index_cast %swap3A_1197 : i32 to index
      %swap3A_1199 = arith.constant 0 : index
      %swap3A_1200 = tpu.vector_load %arg19[%swap3A_1198, %swap3A_1199] {strides = array<i32>} : memref<128x80xf32, #tpu.memory_space<vmem>>, vector<16xf32>,
      tpu.vector_store %arg19[%swap3A_1198, %swap3A_1199], %sub3A_1196 {strides = array<i32>} : memref<128x80xf32, #tpu.memory_space<vmem>>, vector<16xf32>,
      %get3A_1201 = arith.constant 111 : i32
      %get3A_1202 = arith.index_cast %get3A_1201 : i32 to index
      %get3A_1203 = arith.constant 0 : index
      %get3A_1204 = tpu.vector_load %arg19[%get3A_1202, %get3A_1203] {strides = array<i32>} : memref<128x80xf32, #tpu.memory_space<vmem>>, vector<16xf32>,
      %sub3A_1205 = arith.subf %get3A_1204, %get3A_1065 : vector<16xf32>
      %swap3A_1206 = arith.constant 111 : i32
      %swap3A_1207 = arith.index_cast %swap3A_1206 : i32 to index
      %swap3A_1208 = arith.constant 0 : index
      %swap3A_1209 = tpu.vector_load %arg19[%swap3A_1207, %swap3A_1208] {strides = array<i32>} : memref<128x80xf32, #tpu.memory_space<vmem>>, vector<16xf32>,
      tpu.vector_store %arg19[%swap3A_1207, %swap3A_1208], %sub3A_1205 {strides = array<i32>} : memref<128x80xf32, #tpu.memory_space<vmem>>, vector<16xf32>,
      %get3A_1210 = arith.constant 112 : i32
      %get3A_1211 = arith.index_cast %get3A_1210 : i32 to index
      %get3A_1212 = arith.constant 0 : index
      %get3A_1213 = tpu.vector_load %arg19[%get3A_1211, %get3A_1212] {strides = array<i32>} : memref<128x80xf32, #tpu.memory_space<vmem>>, vector<16xf32>,
      %sub3A_1214 = arith.subf %get3A_1213, %get3A_1065 : vector<16xf32>
      %swap3A_1215 = arith.constant 112 : i32
      %swap3A_1216 = arith.index_cast %swap3A_1215 : i32 to index
      %swap3A_1217 = arith.constant 0 : index
      %swap3A_1218 = tpu.vector_load %arg19[%swap3A_1216, %swap3A_1217] {strides = array<i32>} : memref<128x80xf32, #tpu.memory_space<vmem>>, vector<16xf32>,
      tpu.vector_store %arg19[%swap3A_1216, %swap3A_1217], %sub3A_1214 {strides = array<i32>} : memref<128x80xf32, #tpu.memory_space<vmem>>, vector<16xf32>,
      %get3A_1219 = arith.constant 113 : i32
      %get3A_1220 = arith.index_cast %get3A_1219 : i32 to index
      %get3A_1221 = arith.constant 0 : index
      %get3A_1222 = tpu.vector_load %arg19[%get3A_1220, %get3A_1221] {strides = array<i32>} : memref<128x80xf32, #tpu.memory_space<vmem>>, vector<16xf32>,
      %sub3A_1223 = arith.subf %get3A_1222, %get3A_1065 : vector<16xf32>
      %swap3A_1224 = arith.constant 113 : i32
      %swap3A_1225 = arith.index_cast %swap3A_1224 : i32 to index
      %swap3A_1226 = arith.constant 0 : index
      %swap3A_1227 = tpu.vector_load %arg19[%swap3A_1225, %swap3A_1226] {strides = array<i32>} : memref<128x80xf32, #tpu.memory_space<vmem>>, vector<16xf32>,
      tpu.vector_store %arg19[%swap3A_1225, %swap3A_1226], %sub3A_1223 {strides = array<i32>} : memref<128x80xf32, #tpu.memory_space<vmem>>, vector<16xf32>,
      %get3A_1228 = arith.constant 114 : i32
      %get3A_1229 = arith.index_cast %get3A_1228 : i32 to index
      %get3A_1230 = arith.constant 0 : index
      %get3A_1231 = tpu.vector_load %arg19[%get3A_1229, %get3A_1230] {strides = array<i32>} : memref<128x80xf32, #tpu.memory_space<vmem>>, vector<16xf32>,
      %sub3A_1232 = arith.subf %get3A_1231, %get3A_1065 : vector<16xf32>
      %swap3A_1233 = arith.constant 114 : i32
      %swap3A_1234 = arith.index_cast %swap3A_1233 : i32 to index
      %swap3A_1235 = arith.constant 0 : index
      %swap3A_1236 = tpu.vector_load %arg19[%swap3A_1234, %swap3A_1235] {strides = array<i32>} : memref<128x80xf32, #tpu.memory_space<vmem>>, vector<16xf32>,
      tpu.vector_store %arg19[%swap3A_1234, %swap3A_1235], %sub3A_1232 {strides = array<i32>} : memref<128x80xf32, #tpu.memory_space<vmem>>, vector<16xf32>,
      %get3A_1237 = arith.constant 115 : i32
      %get3A_1238 = arith.index_cast %get3A_1237 : i32 to index
      %get3A_1239 = arith.constant 0 : index
      %get3A_1240 = tpu.vector_load %arg19[%get3A_1238, %get3A_1239] {strides = array<i32>} : memref<128x80xf32, #tpu.memory_space<vmem>>, vector<16xf32>,
      %sub3A_1241 = arith.subf %get3A_1240, %get3A_1065 : vector<16xf32>
      %swap3A_1242 = arith.constant 115 : i32
      %swap3A_1243 = arith.index_cast %swap3A_1242 : i32 to index
      %swap3A_1244 = arith.constant 0 : index
      %swap3A_1245 = tpu.vector_load %arg19[%swap3A_1243, %swap3A_1244] {strides = array<i32>} : memref<128x80xf32, #tpu.memory_space<vmem>>, vector<16xf32>,
      tpu.vector_store %arg19[%swap3A_1243, %swap3A_1244], %sub3A_1241 {strides = array<i32>} : memref<128x80xf32, #tpu.memory_space<vmem>>, vector<16xf32>,
      %get3A_1246 = arith.constant 116 : i32
      %get3A_1247 = arith.index_cast %get3A_1246 : i32 to index
      %get3A_1248 = arith.constant 0 : index
      %get3A_1249 = tpu.vector_load %arg19[%get3A_1247, %get3A_1248] {strides = array<i32>} : memref<128x80xf32, #tpu.memory_space<vmem>>, vector<16xf32>,
      %sub3A_1250 = arith.subf %get3A_1249, %get3A_1065 : vector<16xf32>
      %swap3A_1251 = arith.constant 116 : i32
      %swap3A_1252 = arith.index_cast %swap3A_1251 : i32 to index
      %swap3A_1253 = arith.constant 0 : index
      %swap3A_1254 = tpu.vector_load %arg19[%swap3A_1252, %swap3A_1253] {strides = array<i32>} : memref<128x80xf32, #tpu.memory_space<vmem>>, vector<16xf32>,
      tpu.vector_store %arg19[%swap3A_1252, %swap3A_1253], %sub3A_1250 {strides = array<i32>} : memref<128x80xf32, #tpu.memory_space<vmem>>, vector<16xf32>,
      %get3A_1255 = arith.constant 117 : i32
      %get3A_1256 = arith.index_cast %get3A_1255 : i32 to index
      %get3A_1257 = arith.constant 0 : index
      %get3A_1258 = tpu.vector_load %arg19[%get3A_1256, %get3A_1257] {strides = array<i32>} : memref<128x80xf32, #tpu.memory_space<vmem>>, vector<16xf32>,
      %sub3A_1259 = arith.subf %get3A_1258, %get3A_1065 : vector<16xf32>
      %swap3A_1260 = arith.constant 117 : i32
      %swap3A_1261 = arith.index_cast %swap3A_1260 : i32 to index
      %swap3A_1262 = arith.constant 0 : index
      %swap3A_1263 = tpu.vector_load %arg19[%swap3A_1261, %swap3A_1262] {strides = array<i32>} : memref<128x80xf32, #tpu.memory_space<vmem>>, vector<16xf32>,
      tpu.vector_store %arg19[%swap3A_1261, %swap3A_1262], %sub3A_1259 {strides = array<i32>} : memref<128x80xf32, #tpu.memory_space<vmem>>, vector<16xf32>,
      %get3A_1264 = arith.constant 118 : i32
      %get3A_1265 = arith.index_cast %get3A_1264 : i32 to index
      %get3A_1266 = arith.constant 0 : index
      %get3A_1267 = tpu.vector_load %arg19[%get3A_1265, %get3A_1266] {strides = array<i32>} : memref<128x80xf32, #tpu.memory_space<vmem>>, vector<16xf32>,
      %sub3A_1268 = arith.subf %get3A_1267, %get3A_1065 : vector<16xf32>
      %swap3A_1269 = arith.constant 118 : i32
      %swap3A_1270 = arith.index_cast %swap3A_1269 : i32 to index
      %swap3A_1271 = arith.constant 0 : index
      %swap3A_1272 = tpu.vector_load %arg19[%swap3A_1270, %swap3A_1271] {strides = array<i32>} : memref<128x80xf32, #tpu.memory_space<vmem>>, vector<16xf32>,
      tpu.vector_store %arg19[%swap3A_1270, %swap3A_1271], %sub3A_1268 {strides = array<i32>} : memref<128x80xf32, #tpu.memory_space<vmem>>, vector<16xf32>,
      %get3A_1273 = arith.constant 119 : i32
      %get3A_1274 = arith.index_cast %get3A_1273 : i32 to index
      %get3A_1275 = arith.constant 0 : index
      %get3A_1276 = tpu.vector_load %arg19[%get3A_1274, %get3A_1275] {strides = array<i32>} : memref<128x80xf32, #tpu.memory_space<vmem>>, vector<16xf32>,
      %sub3A_1277 = arith.subf %get3A_1276, %get3A_1065 : vector<16xf32>
      %swap3A_1278 = arith.constant 119 : i32
      %swap3A_1279 = arith.index_cast %swap3A_1278 : i32 to index
      %swap3A_1280 = arith.constant 0 : index
      %swap3A_1281 = tpu.vector_load %arg19[%swap3A_1279, %swap3A_1280] {strides = array<i32>} : memref<128x80xf32, #tpu.memory_space<vmem>>, vector<16xf32>,
      tpu.vector_store %arg19[%swap3A_1279, %swap3A_1280], %sub3A_1277 {strides = array<i32>} : memref<128x80xf32, #tpu.memory_space<vmem>>, vector<16xf32>,
      %get3A_1282 = arith.constant 120 : i32
      %get3A_1283 = arith.index_cast %get3A_1282 : i32 to index
      %get3A_1284 = arith.constant 0 : index
      %get3A_1285 = tpu.vector_load %arg19[%get3A_1283, %get3A_1284] {strides = array<i32>} : memref<128x80xf32, #tpu.memory_space<vmem>>, vector<16xf32>,
      %sub3A_1286 = arith.subf %get3A_1285, %get3A_1065 : vector<16xf32>
      %swap3A_1287 = arith.constant 120 : i32
      %swap3A_1288 = arith.index_cast %swap3A_1287 : i32 to index
      %swap3A_1289 = arith.constant 0 : index
      %swap3A_1290 = tpu.vector_load %arg19[%swap3A_1288, %swap3A_1289] {strides = array<i32>} : memref<128x80xf32, #tpu.memory_space<vmem>>, vector<16xf32>,
      tpu.vector_store %arg19[%swap3A_1288, %swap3A_1289], %sub3A_1286 {strides = array<i32>} : memref<128x80xf32, #tpu.memory_space<vmem>>, vector<16xf32>,
      %get3A_1291 = arith.constant 121 : i32
      %get3A_1292 = arith.index_cast %get3A_1291 : i32 to index
      %get3A_1293 = arith.constant 0 : index
      %get3A_1294 = tpu.vector_load %arg19[%get3A_1292, %get3A_1293] {strides = array<i32>} : memref<128x80xf32, #tpu.memory_space<vmem>>, vector<16xf32>,
      %sub3A_1295 = arith.subf %get3A_1294, %get3A_1065 : vector<16xf32>
      %swap3A_1296 = arith.constant 121 : i32
      %swap3A_1297 = arith.index_cast %swap3A_1296 : i32 to index
      %swap3A_1298 = arith.constant 0 : index
      %swap3A_1299 = tpu.vector_load %arg19[%swap3A_1297, %swap3A_1298] {strides = array<i32>} : memref<128x80xf32, #tpu.memory_space<vmem>>, vector<16xf32>,
      tpu.vector_store %arg19[%swap3A_1297, %swap3A_1298], %sub3A_1295 {strides = array<i32>} : memref<128x80xf32, #tpu.memory_space<vmem>>, vector<16xf32>,
      %get3A_1300 = arith.constant 122 : i32
      %get3A_1301 = arith.index_cast %get3A_1300 : i32 to index
      %get3A_1302 = arith.constant 0 : index
      %get3A_1303 = tpu.vector_load %arg19[%get3A_1301, %get3A_1302] {strides = array<i32>} : memref<128x80xf32, #tpu.memory_space<vmem>>, vector<16xf32>,
      %sub3A_1304 = arith.subf %get3A_1303, %get3A_1065 : vector<16xf32>
      %swap3A_1305 = arith.constant 122 : i32
      %swap3A_1306 = arith.index_cast %swap3A_1305 : i32 to index
      %swap3A_1307 = arith.constant 0 : index
      %swap3A_1308 = tpu.vector_load %arg19[%swap3A_1306, %swap3A_1307] {strides = array<i32>} : memref<128x80xf32, #tpu.memory_space<vmem>>, vector<16xf32>,
      tpu.vector_store %arg19[%swap3A_1306, %swap3A_1307], %sub3A_1304 {strides = array<i32>} : memref<128x80xf32, #tpu.memory_space<vmem>>, vector<16xf32>,
      %get3A_1309 = arith.constant 123 : i32
      %get3A_1310 = arith.index_cast %get3A_1309 : i32 to index
      %get3A_1311 = arith.constant 0 : index
      %get3A_1312 = tpu.vector_load %arg19[%get3A_1310, %get3A_1311] {strides = array<i32>} : memref<128x80xf32, #tpu.memory_space<vmem>>, vector<16xf32>,
      %sub3A_1313 = arith.subf %get3A_1312, %get3A_1065 : vector<16xf32>
      %swap3A_1314 = arith.constant 123 : i32
      %swap3A_1315 = arith.index_cast %swap3A_1314 : i32 to index
      %swap3A_1316 = arith.constant 0 : index
      %swap3A_1317 = tpu.vector_load %arg19[%swap3A_1315, %swap3A_1316] {strides = array<i32>} : memref<128x80xf32, #tpu.memory_space<vmem>>, vector<16xf32>,
      tpu.vector_store %arg19[%swap3A_1315, %swap3A_1316], %sub3A_1313 {strides = array<i32>} : memref<128x80xf32, #tpu.memory_space<vmem>>, vector<16xf32>,
      %get3A_1318 = arith.constant 124 : i32
      %get3A_1319 = arith.index_cast %get3A_1318 : i32 to index
      %get3A_1320 = arith.constant 0 : index
      %get3A_1321 = tpu.vector_load %arg19[%get3A_1319, %get3A_1320] {strides = array<i32>} : memref<128x80xf32, #tpu.memory_space<vmem>>, vector<16xf32>,
      %sub3A_1322 = arith.subf %get3A_1321, %get3A_1065 : vector<16xf32>
      %swap3A_1323 = arith.constant 124 : i32
      %swap3A_1324 = arith.index_cast %swap3A_1323 : i32 to index
      %swap3A_1325 = arith.constant 0 : index
      %swap3A_1326 = tpu.vector_load %arg19[%swap3A_1324, %swap3A_1325] {strides = array<i32>} : memref<128x80xf32, #tpu.memory_space<vmem>>, vector<16xf32>,
      tpu.vector_store %arg19[%swap3A_1324, %swap3A_1325], %sub3A_1322 {strides = array<i32>} : memref<128x80xf32, #tpu.memory_space<vmem>>, vector<16xf32>,
      %get3A_1327 = arith.constant 125 : i32
      %get3A_1328 = arith.index_cast %get3A_1327 : i32 to index
      %get3A_1329 = arith.constant 0 : index
      %get3A_1330 = tpu.vector_load %arg19[%get3A_1328, %get3A_1329] {strides = array<i32>} : memref<128x80xf32, #tpu.memory_space<vmem>>, vector<16xf32>,
      %sub3A_1331 = arith.subf %get3A_1330, %get3A_1065 : vector<16xf32>
      %swap3A_1332 = arith.constant 125 : i32
      %swap3A_1333 = arith.index_cast %swap3A_1332 : i32 to index
      %swap3A_1334 = arith.constant 0 : index
      %swap3A_1335 = tpu.vector_load %arg19[%swap3A_1333, %swap3A_1334] {strides = array<i32>} : memref<128x80xf32, #tpu.memory_space<vmem>>, vector<16xf32>,
      tpu.vector_store %arg19[%swap3A_1333, %swap3A_1334], %sub3A_1331 {strides = array<i32>} : memref<128x80xf32, #tpu.memory_space<vmem>>, vector<16xf32>,
      %get3A_1336 = arith.constant 126 : i32
      %get3A_1337 = arith.index_cast %get3A_1336 : i32 to index
      %get3A_1338 = arith.constant 0 : index
      %get3A_1339 = tpu.vector_load %arg19[%get3A_1337, %get3A_1338] {strides = array<i32>} : memref<128x80xf32, #tpu.memory_space<vmem>>, vector<16xf32>,
      %sub3A_1340 = arith.subf %get3A_1339, %get3A_1065 : vector<16xf32>
      %swap3A_1341 = arith.constant 126 : i32
      %swap3A_1342 = arith.index_cast %swap3A_1341 : i32 to index
      %swap3A_1343 = arith.constant 0 : index
      %swap3A_1344 = tpu.vector_load %arg19[%swap3A_1342, %swap3A_1343] {strides = array<i32>} : memref<128x80xf32, #tpu.memory_space<vmem>>, vector<16xf32>,
      tpu.vector_store %arg19[%swap3A_1342, %swap3A_1343], %sub3A_1340 {strides = array<i32>} : memref<128x80xf32, #tpu.memory_space<vmem>>, vector<16xf32>,
      %get3A_1345 = arith.constant 127 : i32
      %get3A_1346 = arith.index_cast %get3A_1345 : i32 to index
      %get3A_1347 = arith.constant 0 : index
      %get3A_1348 = tpu.vector_load %arg19[%get3A_1346, %get3A_1347] {strides = array<i32>} : memref<128x80xf32, #tpu.memory_space<vmem>>, vector<16xf32>,
      %sub3A_1349 = arith.subf %get3A_1348, %get3A_1065 : vector<16xf32>
      %swap3A_1350 = arith.constant 127 : i32
      %swap3A_1351 = arith.index_cast %swap3A_1350 : i32 to index
      %swap3A_1352 = arith.constant 0 : index
      %swap3A_1353 = tpu.vector_load %arg19[%swap3A_1351, %swap3A_1352] {strides = array<i32>} : memref<128x80xf32, #tpu.memory_space<vmem>>, vector<16xf32>,
      tpu.vector_store %arg19[%swap3A_1351, %swap3A_1352], %sub3A_1349 {strides = array<i32>} : memref<128x80xf32, #tpu.memory_space<vmem>>, vector<16xf32>,
      %mul3A_1354 = arith.constant 4 : i32
      %mul3A_1355 = arith.muli %scan3A_159, %mul3A_1354 : i32
      %add3A_1356 = arith.addi %add3A_35, %mul3A_1355 : i32
      %mul3A_1357 = arith.constant 32 : i32
      %mul3A_1358 = arith.muli %add3A_1356, %mul3A_1357 : i32
      "tpu.region"() ({
        %run_scoped3A = tpu.sem_alloc : memref<!tpu.dma_semaphore, #tpu.memory_space<semaphore_mem>>
        %dma_start3A_1360 = arith.constant 0 : i32
        %dma_start3A_1361 = tpu.memref_slice %arg9[%mul3A_1358, %dma_start3A_1360] : memref<262144x80xf32, #tpu.memory_space<hbm>> -> memref<128x80xf32, #tpu.memory_space<hbm>>
        %dma_start3A_1362 = arith.constant 0 : i32
        %dma_start3A_1363 = tpu.memref_slice %arg9[%mul3A_1358, %dma_start3A_1362] : memref<262144x80xf32, #tpu.memory_space<hbm>> -> memref<128x80xf32, #tpu.memory_space<hbm>>
        tpu.enqueue_dma source(%arg19 : memref<128x80xf32, #tpu.memory_space<vmem>>) target(%dma_start3A_1363 : memref<128x80xf32, #tpu.memory_space<hbm>>) target_semaphore(%run_scoped3A : memref<!tpu.dma_semaphore, #tpu.memory_space<semaphore_mem>>)
        %dma_wait3A_1364 = arith.constant 0 : i32
        %dma_wait3A_1365 = tpu.memref_slice %arg9[%mul3A_1358, %dma_wait3A_1364] : memref<262144x80xf32, #tpu.memory_space<hbm>> -> memref<128x80xf32, #tpu.memory_space<hbm>>
        %dma_wait3A_1366 = arith.constant 0 : i32
        %dma_wait3A_1367 = tpu.memref_slice %arg9[%mul3A_1358, %dma_wait3A_1366] : memref<262144x80xf32, #tpu.memory_space<hbm>> -> memref<128x80xf32, #tpu.memory_space<hbm>>
        tpu.wait_dma2 semaphore(%run_scoped3A : memref<!tpu.dma_semaphore, #tpu.memory_space<semaphore_mem>>) src(%arg19 : memref<128x80xf32, #tpu.memory_space<vmem>>) dst(%dma_wait3A_1367 : memref<128x80xf32, #tpu.memory_space<hbm>>)
        tpu.yield
      }) : () -> ()
      %scan3A_1359 = arith.constant 0 : i32
      scf.yield %scan3A_1359 : i32
    }
    %scan3A_158 = arith.constant 64 : i32
    return
  }
}

</mosaic_0001>

<sc_bundles>
// kernel: kernel.3.cloned.1.call-start
scs
__scs_entry_jumppad:
0x0: {  	(pc) =	sbr.rel $0x88, $3  }
0x1: {  	(tag) =	ssettag $0x0;
	lr =	simm.s32 $0x1  }
0x2: {  	[smem:$0x3F9E] =	sst lr;
	_ =	strace $0xD0000000  }
0x3: {  	_ = 	snop  }
0x4: {  	_ = 	snop  }
0x5: {  	_ = 	snop  }
0x6: {  	_ = 	snop  }
0x7: {  	_ = 	snop  }
__scs_overlays_trampoline_lowered:
0x8: {  	[smem:$0x3FAD] =	sst s0  }
0x9: {  	[smem:$0x3FAE] =	sst s1  }
0xa: {  	[smem:$0x3FAF] =	sst s2  }
0xb: {  	[smem:$0x3FB0] =	sst s3  }
0xc: {  	[smem:$0x3FB1] =	sst s4  }
0xd: {  	[smem:$0x3FB2] =	sst s5  }
0xe: {  	[smem:$0x3FB3] =	sst s6  }
0xf: {  	[smem:$0x3FB4] =	sst s7  }
0x10: {  	[smem:$0x3FB5] =	sst s8  }
0x11: {  	[smem:$0x3FB6] =	sst s9;
	s0 =	simm.s32 @!p0 $0x0  }
0x12: {  	s1 =	sld [smem:$0x3F9C];
	s0 =	simm.s32 @p0 $0x1  }
0x13: {  	[smem:$0x3FB7] =	sst s0;
	s0 =	simm.s32 @!p1 $0x0  }
0x14: {  	s2 =	sld [smem:$0x3F9B];
	s0 =	simm.s32 @p1 $0x1  }
0x15: {  	[smem:$0x3FB8] =	sst s0;
	s0 =	simm.s32 @!p2 $0x0  }
0x16: {  	s3 =	sld [smem:$0x3FDB];
	s0 =	simm.s32 @p2 $0x1  }
0x17: {  	s4 =	simm.s32 $0x1BF5;
	[smem:$0x3FBA] =	sst s0  }
0x18: {  	s0 =	sld [smem:$0x3F9D];
	_ =	swait.ge [sflag:s4], $0x0  }
0x19: {  	s7 =	sld [smem:$0x3F9E]  }
0x1a: {  	s8 =	sadd.s32 $0xFFFFE003, lr  }
0x1b: {  	s9 =	sadd.s32 $0xFFFFFEF7, lr;
	s5 =	simm.s32 $0xFFFFFFFF;
	p2 =	slt.u32 s8, $0xFFFFF086  }
0x1c: {  	p1 =	slt.u32 s9, $0xF7A;
	s5 =	simm.s32 @!p2 $0x0  }
0x1d: {  	s5 =	simm.s32 @p1 $0x1;
	p0 =	seq.s32 s7, s2  }
0x1e: {  	s7 =	smul.u32 @!p0 $0xF7A, s2;
	p2 =	seq.s32 @!p0 s5, $0x0  }
0x1f: {  	s9 =	smul.u32 $0xF7A, s1;
	s8 =	simm.s32 @!p0 $0x1BF5;
	p2 =	por !p2, p0  }
0x20: {  	[sflag:s8] =	ssyncset.s32 @!p0 $0xFFFFF086;
	s6 =	sadd.s32 @!p0 s3, s7;
	s7 =	simm.s32 @!p0 $0x108  }
0x21: {  	s3 =	sadd.s32 s3, s9;
	s6 =	sadd.s32 @!p0 $0x88, s6;
	s7 =	simm.s32 @p2 $0x1082  }
0x22: {  	[simem:s7], [sflag:s8] =	dma.local @!p0 [hbm:s6], $0xF7A  }
0x23: {  	s9 =	sor.u32 $0xD0000000, s2;
	s6 =	simm.s32 $0x108;
	_ =	swait.ge @!p0 [sflag:s8], $0x0  }
0x24: {  	s3 =	sadd.s32 $0x88, s3;
	s6 =	simm.s32 @!p1 $0x1082;
	[sflag:s4] =	ssyncset.s32 $0xFFFFF086  }
0x25: {  	[simem:s6], [sflag:s4] =	dma.local [hbm:s3], $0xF7A  }
0x26: {  	[smem:$0x3F9E] =	sst s1;
	(tag) =	ssettag s2;
	_ =	strace s9  }
0x27: {  	s1 =	sld [smem:$0x3FAE]  }
0x28: {  	s2 =	sld [smem:$0x3FAF]  }
0x29: {  	s4 =	sld [smem:$0x3FB1]  }
0x2a: {  	p0 =	seq.s32 s5, $0x0;
	s5 =	sld [smem:$0x3FB2]  }
0x2b: {  	s6 =	sld [smem:$0x3FB3]  }
0x2c: {  	s7 =	sld [smem:$0x3FB4]  }
0x2d: {  	s3 =	simm.s32 $0x108;
	s8 =	sld [smem:$0x3FB5]  }
0x2e: {  	s3 =	simm.s32 @!p0 $0x1082;
	s9 =	sld [smem:$0x3FB6]  }
0x2f: {  	lr =	sadd.s32 s0, s3;
	s0 =	sld [smem:$0x3FAD]  }
0x30: {  	s3 =	sld [smem:$0x3FB0]  }
0x31: {  	[smem:$0x3FB9] =	sst s10  }
0x32: {  	s10 =	sld [smem:$0x3FB7];
	_ =	sdelay $0x3  }
0x33: {  	p0 =	seq.s32 s10, $0x1;
	s10 =	sld [smem:$0x3FB9];
	_ =	sdelay $0x3  }
0x34: {  	[smem:$0x3FB9] =	sst s10  }
0x35: {  	s10 =	sld [smem:$0x3FB8];
	_ =	sdelay $0x3  }
0x36: {  	p1 =	seq.s32 s10, $0x1;
	s10 =	sld [smem:$0x3FB9];
	_ =	sdelay $0x3  }
0x37: {  	[smem:$0x3FB9] =	sst s10  }
0x38: {  	s10 =	sld [smem:$0x3FBA]  }
0x39: {  	_ = 	snop;
	(pc) =	sbr.ind lr, $3  }
0x3a: {  	_ = 	snop  }
0x3b: {  	_ = 	snop  }
0x3c: {  	p2 =	seq.s32 s10, $0x1;
	s10 =	sld [smem:$0x3FB9]  }
0x3d: {  	_ =	shalt  }
0x3e: {  	_ =	shalt  }
0x3f: {  	_ =	shalt  }
0x40: {  	_ =	shalt  }
0x41: {  	_ =	shalt  }
0x42: {  	_ =	shalt  }
0x43: {  	_ =	shalt  }
0x44: {  	_ =	shalt  }
0x45: {  	_ =	shalt  }
0x46: {  	_ =	shalt  }
0x47: {  	_ =	shalt  }
0x48: {  	_ =	shalt  }
0x49: {  	_ =	shalt  }
0x4a: {  	_ =	shalt  }
0x4b: {  	_ =	shalt  }
0x4c: {  	_ =	shalt  }
0x4d: {  	_ =	shalt  }
0x4e: {  	_ =	shalt  }
0x4f: {  	_ =	shalt  }
0x50: {  	_ =	shalt  }
0x51: {  	_ =	shalt  }
0x52: {  	_ =	shalt  }
0x53: {  	_ =	shalt  }
0x54: {  	_ =	shalt  }
0x55: {  	_ =	shalt  }
0x56: {  	_ =	shalt  }
0x57: {  	_ =	shalt  }
0x58: {  	_ =	shalt  }
0x59: {  	_ =	shalt  }
0x5a: {  	_ =	shalt  }
0x5b: {  	_ =	shalt  }
0x5c: {  	_ =	shalt  }
0x5d: {  	_ =	shalt  }
0x5e: {  	_ =	shalt  }
0x5f: {  	_ =	shalt  }
0x60: {  	_ =	shalt  }
0x61: {  	_ =	shalt  }
0x62: {  	_ =	shalt  }
0x63: {  	_ =	shalt  }
0x64: {  	_ =	shalt  }
0x65: {  	_ =	shalt  }
0x66: {  	_ =	shalt  }
0x67: {  	_ =	shalt  }
0x68: {  	_ =	shalt  }
0x69: {  	_ =	shalt  }
0x6a: {  	_ =	shalt  }
0x6b: {  	_ =	shalt  }
0x6c: {  	_ =	shalt  }
0x6d: {  	_ =	shalt  }
0x6e: {  	_ =	shalt  }
0x6f: {  	_ =	shalt  }
0x70: {  	_ =	shalt  }
0x71: {  	_ =	shalt  }
0x72: {  	_ =	shalt  }
0x73: {  	_ =	shalt  }
0x74: {  	_ =	shalt  }
0x75: {  	_ =	shalt  }
0x76: {  	_ =	shalt  }
0x77: {  	_ =	shalt  }
0x78: {  	_ =	shalt  }
0x79: {  	_ =	shalt  }
0x7a: {  	_ =	shalt  }
0x7b: {  	_ =	shalt  }
0x7c: {  	_ =	shalt  }
0x7d: {  	_ =	shalt  }
0x7e: {  	_ =	shalt  }
0x7f: {  	_ =	shalt  }
0x80: {  	_ =	shalt  }
0x81: {  	_ =	shalt  }
0x82: {  	_ =	shalt  }
0x83: {  	_ =	shalt  }
0x84: {  	_ =	shalt  }
0x85: {  	_ =	shalt  }
0x86: {  	_ =	shalt  }
0x87: {  	_ =	shalt  }
.Lfunc_end0:
.L_simem_size_0:
called_computation.1_lowered:
.L_overlay_start_0:
0x88: {  	s2 =	sld [smem:$0x3FD9]  }
0x89: {  	s3 =	sld [smem:$0x3FFE];
	_ =	sdelay $0x1  }
0x8a: {  	s1 =	srdreg.scid  }
0x8b: {  	s0 =	sand.u32 $0x1, s1  }
0x8c: {  	s17 =	sshll.u32 s0, $0xA;
	s2 =	sadd.s32 s3, s2  }
0x8d: {  	s2 =	sadd.s32 s2, s17  }
0x8e: {  	[smem:$0x3FC5] =	sst s2  }
0x8f: {  	_ = 	snop  }
0x90: {  	s2 =	sld [smem:$0x3FD0];
	(tm) =	ssettm $0x1  }
0x91: {  	s18 =	sld [smem:$0x3FFB];
	_ =	sdelay $0x3  }
0x92: {  	_ =	strace s18  }
0x93: {  	s3 =	sld [smem:$0x3FFC];
	_ =	sdelay $0x3  }
0x94: {  	_ =	strace s3  }
0x95: {  	s3 =	sld [smem:$0x3FFD];
	_ =	sdelay $0x3  }
0x96: {  	_ =	strace s3  }
0x97: {  	_ =	strace $0x8FFFFFFF  }
0x98: {  	s19 =	sld [smem:$0x3FDB];
	_ =	sdelay $0x1  }
0x99: {  	s4 =	simm.s32 $_scs_section_size  }
0x9a: {  	s5 =	simm.s32 $_size__tile_overlayer_lowered;
	s6 =	simm.s32 $_tile_overlayer_lowered  }
0x9b: {  	s22 =	simm.s32 $0x1BFF;
	s21 =	sshll.u32 s6, $0x1;
	s3 =	sadd.s32 s4, s19  }
0x9c: {  	s7 =	simm.s32 $0x0;
	s20 =	sshll.u32 s5, $0x1;
	s5 =	sadd.s32 s21, s3  }
0x9d: {  	[timem:s7], [sflag:s22] =	dma.local [hbm:s5], s20  }
0x9e: {  	_ =	swait.ge [sflag:s22], s20  }
0x9f: {  	s4 =	ssub.s32 $0x0, s20;
	[sflag:s22] =	ssyncset.done $0x0  }
0xa0: {  	[sflag:s22] =	ssyncadd.s32 s4;
	_ =	sdelay $0x1  }
0xa1: {  	s23 =	simm.s32 $0x1B8B  }
0xa2: {  	_ =	swait.ge [sflag:s23], $0x1  }
0xa3: {  	[sflag:s23] =	ssyncset.done $0x0  }
0xa4: {  	s25 =	simm.s32 $0x1B8E;
	s24 =	sld [smem:$0x3FFE];
	[sflag:s23] =	ssyncadd.s32 $0xFFFFFFFF  }
0xa5: {  	s26 =	simm.s32 $execute0_lowered;
	[smem:$0x3FD2] =	sst s25  }
0xa6: {  	s5 =	sshll.u32 s26, $0x1;
	_ =	strace $0x80000046;
	[dreg:$0x1] =	wrdreg $0xFFFFFFFF  }
0xa7: {  	s28 =	simm.s32 $_size_execute0_lowered;
	s3 =	sadd.s32 s3, s5;
	[dreg:$0x0] =	wrdreg $0x0  }
0xa8: {  	s5 =	sshll.u32 s28, $0x1;
	[dreg:$0x2] =	wrdreg s3  }
0xa9: {  	[dreg:$0x3] =	wrdreg s5  }
0xaa: {  	[dreg:$0x4] =	wrdreg $0xC0  }
0xab: {  	_ =	task [dreg:s7], $0x5FFFF  }
0xac: {  	[dreg:$0x1] =	wrdreg $0xFFFFFFFF  }
0xad: {  	[dreg:$0x0] =	wrdreg $0x60  }
0xae: {  	[dreg:$0x2] =	wrdreg s24  }
0xaf: {  	[dreg:$0x3] =	wrdreg s2  }
0xb0: {  	[dreg:$0x4] =	wrdreg $0x9  }
0xb1: {  	_ =	task.clear_ibuf [dreg:s7], $0x5FFFF;
	_ =	strace $0x90000046  }
0xb2: {  	s29 =	simm.s32 $0x9;
	_ =	strace $0x80000048  }
0xb3: {  	_ =	swait.ge [sflag:s29], $0x1  }
0xb4: {  	[sflag:s29] =	ssyncadd.s32 $0xFFFFFFFF  }
0xb5: {  	_ =	strace $0x90000048  }
0xb6: {  	_ =	sfence  }
0xb7: {  	s30 =	sld [smem:$0x0];
	_ =	sdelay $0x2  }
0xb8: {  	s31 =	sshll.u32 s1, $0xD;
	s1 =	sshrl.u32 s1, $0x2  }
0xb9: {  	s3 =	sand.u32 $0x4000, s31;
	s1 =	sadd.s32 s1, s30  }
0xba: {  	s0 =	sor.u32 s3, s0;
	s1 =	sshll.u32 s1, $0x11  }
0xbb: {  	s0 =	sor.u32 s1, s0  }
0xbc: {  	s0 =	sadd.s32 $0x8F2B, s0  }
0xbd: {  	[sflag:s0] =	ssyncadd.remote.s32 $0x1  }
0xbe: {  	_ =	sfence.sel $0xFFFF  }
0xbf: {  	[dreg:$0x0] =	wrdreg $0xFFFFFFFF;
	(pc) =	sbr.abs _section_cstart, $3  }
0xc0: {  	[dreg:$0x1] =	wrdreg $0xFFFFFFFF  }
0xc1: {  	_ =	task.clear_ibuf [dreg:s7], $0x2FFFF;
	_ =	strace $0x9FFFFFFF  }
0xc2: {  	(tm) =	ssettm $0x7FFFFFFF  }
0xc3: {  	_ =	shalt  }
tec
execute0_lowered:
.L_overlay_start_1:
0x0: {  	(tag) =	ssettag $0x1  }
0x1: {  	s4 =	rddreg [dreg:$0x0]  }
0x2: {  	s2 =	rddreg [dreg:$0x1]  }
0x3: {  	s3 =	simm.s32 $0x0;
	s1 =	stileid.u32;
	s6 =	srdreg.scid  }
0x4: {  	s14 =	simm.s32 $0x8000;
	s15 =	simm.s32 $0xC000;
	s16 =	simm.s32 $0x10000  }
0x5: {  	s17 =	simm.s32 $0x11000;
	s19 =	simm.s32 $0x12000;
	s20 =	simm.s32 $0x80  }
0x6: {  	s21 =	simm.s32 $0x18310;
	s22 =	simm.s32 $0x1;
	s23 =	simm.s32 $0x0  }
0x7: {  	[smem:$0x7FF] =	sst s3;
	s5 =	sshrl.u32 s1, $0x3;
	s6 =	sand.u32 $0x1, s6  }
0x8: {  	s7 =	sshll.u32 s1, $0x1;
	s8 =	sand.u32 $0x7, s1;
	_ =	strace $0x80000047  }
0x9: {  	s7 =	sand.u32 $0xE, s7;
	s9 =	sshll.u32 s5, $0xC;
	s8 =	sshll.u32 s8, $0x9  }
0xa: {  	s29 =	sshll.u32 s6, $0x8;
	s10 =	sshll.u32 s5, $0xB;
	s30 =	sshll.u32 s5, $0xD  }
0xb: {  	s18 =	sshll.u32 s5, $0xE;
	s7 =	sor.u32 s6, s7;
	s8 =	sor.u32 s8, s9  }
0xc: {  	s6 =	ssub.s32 $0x2, s6;
	s10 =	sadd.s32 s10, s4;
	v1 =	vmov s18;
	s18 =	simm.s32 $0x16010  }
0xd: {  	s7 =	sshll.u32 s7, $0x9;
	s8 =	sor.u32 s29, s8;
	s31 =	sshrl.u32 s6, $0x1  }
0xe: {  	s5 =	sadd.s32 $0x2C00, s10;
	s8 =	smul.u32 $0x140, s8;
	s7 =	sor.u32 s30, s7  }
0xf: {  	v0 =	vlaneseq.u32;
	s13 =	ssub.s32 s6, s31;
	s6 =	sadd.s32 $0x1C00, s10;
	s11 =	sadd.s32 s7, s4  }
0x10: {  	v5 =	vmul.u32 $0xFFFFFFFF, v0;
	s7 =	sadd.s32 $0xC00, s10;
	s12 =	sadd.s32 s8, s4;
	s4 =	sadd.s32 $0x3C00, s10  }
0x11: {  	v2 =	vimm.f32 $+Inf;
	s8 =	sadd.s32 $0x4C00, s11;
	s9 =	sadd.s32 $0x8C00, s11;
	s10 =	smax.u32 s13, $0x1  }
0x12: {  	v3 =	vimm.s32 $0x4000;
	v4 =	vimm.s32 $0x0;
	v5 =	vadd.s32 $0xF, v5;
	s13 =	simm.s32 $0x4000;
	s11 =	sadd.s32 $0xCC00, s12;
	s12 =	simm.s32 $0x2  }
.LBB2_1:
0x13: {  	[tilespmem:s3], [sflag:$0x2] =	stream.linear.gather [hbm4b:s4+s3], $0x4000, $0x38;
	[tilespmem:$0x1AB10] =	vst v63  }
0x14: {  	_ =	swait.ge [sflag:s12], $0x4000  }
0x15: {  	[sflag:s12] =	ssyncset.done $0x0  }
0x16: {  	[sflag:s12] =	ssyncadd.s32 $0xFFFFC000  }
0x17: {  	[tilespmem:s13], [sflag:$0x2] =	stream.linear.gather [hbm4b:s5+s3], $0x4000, $0x38;
	[tilespmem:$0x1AB10] =	vst v63  }
0x18: {  	_ =	swait.ge [sflag:s12], $0x4000  }
0x19: {  	[sflag:s12] =	ssyncset.done $0x0  }
0x1a: {  	[sflag:s12] =	ssyncadd.s32 $0xFFFFC000  }
0x1b: {  	[tilespmem:s14], [sflag:$0x2] =	stream.linear.gather [hbm4b:s6+s3], $0x4000, $0x38;
	[tilespmem:$0x1AB10] =	vst v63  }
0x1c: {  	_ =	swait.ge [sflag:s12], $0x4000  }
0x1d: {  	[sflag:s12] =	ssyncset.done $0x0  }
0x1e: {  	[sflag:s12] =	ssyncadd.s32 $0xFFFFC000  }
0x1f: {  	[tilespmem:s15], [sflag:$0x2] =	stream.linear.gather [hbm4b:s7+s3], $0x4000, $0x38;
	[tilespmem:$0x1AB10] =	vst v63  }
0x20: {  	_ =	swait.ge [sflag:s12], $0x4000  }
0x21: {  	[sflag:s12] =	ssyncset.done $0x0  }
0x22: {  	[sflag:s12] =	ssyncadd.s32 $0xFFFFC000  }
0x23: {  	[tilespmem:s16], [sflag:$0x2] =	stream.linear.gather [hbm4b:s8+s3], $0x1000, $0x38;
	[tilespmem:$0x1AB10] =	vst v63  }
0x24: {  	_ =	swait.ge [sflag:s12], $0x1000  }
0x25: {  	[sflag:s12] =	ssyncset.done $0x0  }
0x26: {  	[sflag:s12] =	ssyncadd.s32 $0xFFFFF000  }
0x27: {  	[tilespmem:s17], [sflag:$0x2] =	stream.linear.gather [hbm4b:s9+s3], $0x1000, $0x38;
	[tilespmem:$0x1AB10] =	vst v63  }
0x28: {  	_ =	swait.ge [sflag:s12], $0x1000  }
0x29: {  	[sflag:s12] =	ssyncset.done $0x0  }
0x2a: {  	[sflag:s12] =	ssyncadd.s32 $0xFFFFF000  }
0x2b: {  	[tilespmem:$0x16000] =	vst v2  }
0x2c: {  	[tilespmem:$0x16010] =	vst v3  }
0x2d: {  	[tilespmem:$0x16020] =	vst v3  }
0x2e: {  	[tilespmem:$0x16030] =	vst v3  }
0x2f: {  	[tilespmem:$0x16040] =	vst v3  }
0x30: {  	[tilespmem:$0x16050] =	vst v3  }
0x31: {  	[tilespmem:$0x16060] =	vst v3  }
0x32: {  	[tilespmem:$0x16070] =	vst v3  }
0x33: {  	[tilespmem:$0x16080] =	vst v3  }
0x34: {  	[tilespmem:$0x16090] =	vst v3  }
0x35: {  	[tilespmem:$0x160A0] =	vst v3  }
0x36: {  	[tilespmem:$0x160B0] =	vst v3  }
0x37: {  	[tilespmem:$0x160C0] =	vst v3  }
0x38: {  	[tilespmem:$0x160D0] =	vst v3  }
0x39: {  	[tilespmem:$0x160E0] =	vst v3  }
0x3a: {  	[tilespmem:$0x160F0] =	vst v3  }
0x3b: {  	[tilespmem:$0x16100] =	vst v3  }
0x3c: {  	[tilespmem:$0x16110] =	vst v3  }
0x3d: {  	[tilespmem:$0x16120] =	vst v3  }
0x3e: {  	[tilespmem:$0x16130] =	vst v3  }
0x3f: {  	[tilespmem:$0x16140] =	vst v3  }
0x40: {  	[tilespmem:$0x16150] =	vst v3  }
0x41: {  	[tilespmem:$0x16160] =	vst v3  }
0x42: {  	[tilespmem:$0x16170] =	vst v3  }
0x43: {  	[tilespmem:$0x16180] =	vst v3  }
0x44: {  	[tilespmem:$0x16190] =	vst v3  }
0x45: {  	[tilespmem:$0x161A0] =	vst v3  }
0x46: {  	[tilespmem:$0x161B0] =	vst v3  }
0x47: {  	[tilespmem:$0x161C0] =	vst v3  }
0x48: {  	[tilespmem:$0x161D0] =	vst v3  }
0x49: {  	[tilespmem:$0x161E0] =	vst v3  }
0x4a: {  	[tilespmem:$0x161F0] =	vst v3  }
0x4b: {  	[tilespmem:$0x16200] =	vst v3  }
0x4c: {  	[tilespmem:$0x16210] =	vst v3  }
0x4d: {  	[tilespmem:$0x16220] =	vst v3  }
0x4e: {  	[tilespmem:$0x16230] =	vst v3  }
0x4f: {  	[tilespmem:$0x16240] =	vst v3  }
0x50: {  	[tilespmem:$0x16250] =	vst v3  }
0x51: {  	[tilespmem:$0x16260] =	vst v3  }
0x52: {  	[tilespmem:$0x16270] =	vst v3  }
0x53: {  	[tilespmem:$0x16280] =	vst v3  }
0x54: {  	[tilespmem:$0x16290] =	vst v3  }
0x55: {  	[tilespmem:$0x162A0] =	vst v3  }
0x56: {  	[tilespmem:$0x162B0] =	vst v3  }
.Ltmp0:
0x57: {  	[tilespmem:$0x162C0] =	vst v3;
	(pc) =	sbr.rel .LBB2_2-.Ltmp0, $4  }
0x58: {  	[tilespmem:$0x162D0] =	vst v3  }
0x59: {  	[tilespmem:$0x162E0] =	vst v3  }
0x5a: {  	[tilespmem:$0x162F0] =	vst v3  }
0x5b: {  	s24 =	simm.s32 $0x0;
	[tilespmem:$0x16300] =	vst v3  }
.LBB2_18:
0x5c: {  	v18 =	vmov v9;
	v19 =	vmov v8  }
.LBB2_23:
0x5d: {  	v14 =	vsel @p1 vm2, v16, v14;
	v15 =	vsel @p1 vm2, v17, v15  }
0x5e: {  	(xrf1) =	vsort.ascd.msk.f32 @p1 $0xffff, v14, v15  }
0x5f: {  	vm0 =	vmor @p0 vm0, vm1  }
0x60: {  	v14 =	vsel @p0 vm0, v12, v18;
	v15 =	vsel @p0 vm0, v13, v19;
	(xrf1) =	vsort.ascd.msk.f32 $0xffff, v11, v10  }
0x61: {  	v10 =	vsel @p0 vm0, v18, v12;
	v11 =	vsel @p0 vm0, v19, v13;
	(xrf1) =	vsort.ascd.msk.f32 @p0 $0xffff, v14, v15  }
0x62: {  	(xrf1) =	vsort.ascd.msk.f32 @p0 $0xffff, v10, v11;
	_ =	sdelay $0x9  }
0x63: {  	v10, v11, _ =	vpop @p1 (xrf1)  }
0x64: {  	v10 =	vpsel p1, v10, v7  }
0x65: {  	v11 =	vpsel p1, v11, v6;
	v62, v63, _ =	vpop (xrf1);
	v10 =	vperm.xlane @p0 v10, v5  }
0x66: {  	v11 =	vperm.xlane @p0 v11, v5;
	v14, v15, _ =	vpop @p0 (xrf1)  }
0x67: {  	v12 =	vperm.xlane v62, v5;
	v13 =	vperm.xlane v63, v5;
	v16, v17, _ =	vpop @p0 (xrf1);
	vm0 =	veq.f32 @p0 v14, v10  }
0x68: {  	vm1 =	vle.s32 @p0 v15, v11;
	vm2 =	vlt.f32 @p0 v14, v10;
	v9 =	vpsel p0, v16, v9  }
0x69: {  	v8 =	vpsel p0, v17, v8;
	v14 =	vpsel p0, v14, v0;
	vm0 =	vmand @p0 vm0, vm1  }
0x6a: {  	v10 =	vpsel p0, v10, v0;
	v15 =	vpsel p0, v15, v0;
	vm0 =	vmor @p0 vm2, vm0  }
0x6b: {  	v11 =	vpsel p0, v11, v0;
	vm10 =	veq.f32 v9, v12;
	vm0 =	vmmov @p0 vm0  }
0x6c: {  	vm11 =	vle.s32 v8, v13;
	v10 =	vsel @p0 vm0, v14, v10;
	v11 =	vsel @p0 vm0, v15, v11  }
0x6d: {  	vm12 =	vlt.f32 v9, v12;
	vm1 =	vmand vm10, vm11;
	(xrf1) =	vsort.ascd.msk.f32 @p0 $0xffff, v10, v11  }
0x6e: {  	vm0 =	vmor vm12, vm1  }
0x6f: {  	v10 =	vsel vm0, v12, v9;
	v11 =	vsel vm0, v13, v8  }
0x70: {  	(xrf1) =	vsort.ascd.msk.f32 $0xffff, v10, v11;
	_ =	sdelay $0xa  }
0x71: {  	v10, v11, _ =	vpop @p0 (xrf1)  }
0x72: {  	v7 =	vpsel p0, v10, v7;
	v6 =	vpsel p0, v11, v6  }
0x73: {  	v7 =	vperm.xlane v7, v5;
	v6 =	vperm.xlane v6, v5  }
0x74: {  	v10, v11, _ =	vpop (xrf1)  }
0x75: {  	vm13 =	veq.f32 v10, v7;
	vm14 =	vle.s32 v11, v6  }
0x76: {  	vm3 =	vlt.f32 v10, v7;
	vm1 =	vmand vm13, vm14  }
0x77: {  	v9 =	vsel vm0, v9, v12;
	v8 =	vsel vm0, v8, v13;
	vm15 =	vmor vm3, vm1  }
0x78: {  	(xrf1) =	vsort.ascd.msk.f32 $0xffff, v9, v8;
	v7 =	vsel vm15, v10, v7;
	v6 =	vsel vm15, v11, v6  }
0x79: {  	(xrf1) =	vsort.ascd.msk.f32 $0xffff, v7, v6;
	_ =	sdelay $0xc  }
0x7a: {  	v9, v8, _ =	vpop (xrf1)  }
0x7b: {  	v7, v6, _ =	vpop (xrf1)  }
.LBB2_24:
0x7c: {  	v10 =	vbroadcast v9, $0x0;
	v11 =	vbroadcast v8, $0x0  }
0x7d: {  	v12 =	vbroadcast v9, $0x1;
	v13 =	vbroadcast v8, $0x1  }
0x7e: {  	v34 =	vbroadcast v9, $0x2;
	v15 =	vbroadcast v8, $0x2  }
0x7f: {  	v36 =	vbroadcast v9, $0x3;
	v37 =	vbroadcast v8, $0x3  }
0x80: {  	v41 =	vbroadcast v9, $0x4;
	v16 =	vbroadcast v8, $0x4  }
0x81: {  	v44 =	vbroadcast v9, $0x5;
	v45 =	vbroadcast v8, $0x5  }
0x82: {  	v47 =	vbroadcast v9, $0x6;
	v48 =	vbroadcast v8, $0x6  }
0x83: {  	v52 =	vbroadcast v9, $0x7;
	v53 =	vbroadcast v8, $0x7  }
0x84: {  	v56 =	vbroadcast v9, $0x8;
	v57 =	vbroadcast v8, $0x8  }
0x85: {  	v59 =	vbroadcast v9, $0x9;
	v60 =	vbroadcast v8, $0x9  }
0x86: {  	v20 =	vbroadcast v9, $0xA;
	v21 =	vbroadcast v8, $0xA  }
0x87: {  	v24 =	vbroadcast v9, $0xB;
	v25 =	vbroadcast v8, $0xB  }
0x88: {  	v27 =	vbroadcast v9, $0xC;
	v28 =	vbroadcast v8, $0xC  }
0x89: {  	vm0 =	vlt.f32 v10, v9;
	vm1 =	veq.f32 v10, v9;
	vm2 =	vlt.s32 v11, v8  }
0x8a: {  	vm12 =	veq.f32 v10, v7;
	vm13 =	vlt.s32 v11, v6;
	vm14 =	veq.f32 v12, v9  }
0x8b: {  	vm3 =	vlt.s32 v13, v8;
	vm4 =	vlt.f32 v10, v7;
	vm15 =	vlt.f32 v12, v9  }
0x8c: {  	vm8 =	veq.f32 v12, v7;
	vm9 =	vlt.s32 v13, v6;
	vm10 =	vlt.f32 v12, v7  }
0x8d: {  	vm11 =	veq.f32 v34, v9;
	vm5 =	veq.f32 v36, v9;
	vm1 =	vmand vm1, vm2  }
0x8e: {  	vm2 =	vmand vm14, vm3;
	vm14 =	veq.f32 v34, v7;
	vm0 =	vmor vm0, vm1  }
0x8f: {  	vm1 =	vmand vm12, vm13;
	vm7 =	vmor vm15, vm2;
	vm12 =	vlt.s32 v15, v8  }
0x90: {  	vm13 =	vlt.f32 v34, v9;
	vm15 =	vlt.s32 v15, v6;
	v32 =	vsel vm0, $0x1, v4  }
0x91: {  	vm6 =	vmor vm4, vm1;
	v14 =	vsel vm7, $0x1, v4;
	vm0 =	vmand vm8, vm9  }
0x92: {  	vm1 =	vmand vm11, vm12;
	vm4 =	vlt.f32 v34, v7;
	vm7 =	vlt.f32 v36, v9  }
0x93: {  	vm8 =	vlt.f32 v36, v7;
	vm9 =	veq.f32 v36, v7;
	vm11 =	veq.f32 v41, v9  }
0x94: {  	vm12 =	vlt.s32 v16, v8;
	v36 =	vbroadcast v9, $0xE;
	v33 =	vsel vm6, $0x1, v4  }
0x95: {  	v10 =	vadd.s32 v14, v32;
	vm0 =	vmor vm10, vm0;
	vm6 =	vlt.s32 v37, v8  }
0x96: {  	vm10 =	vlt.s32 v37, v6;
	vm2 =	vmand vm11, vm12;
	vm11 =	vlt.f32 v44, v7  }
0x97: {  	vm12 =	veq.f32 v47, v9;
	v32 =	vbroadcast v9, $0xD;
	v37 =	vbroadcast v8, $0xE  }
0x98: {  	v35 =	vsel vm0, $0x1, v4;
	vm0 =	vmor vm13, vm1;
	vm1 =	vmand vm14, vm15  }
0x99: {  	vm13 =	vlt.f32 v41, v9;
	vm15 =	veq.f32 v41, v7;
	v11 =	vadd.s32 v35, v33  }
0x9a: {  	v38 =	vsel vm0, $0x1, v4;
	vm0 =	vmor vm4, vm1;
	vm1 =	vmand vm5, vm6  }
0x9b: {  	vm14 =	vmor vm13, vm2;
	vm4 =	vlt.s32 v16, v6;
	vm5 =	vlt.f32 v41, v7  }
0x9c: {  	vm6 =	veq.f32 v44, v9;
	vm13 =	vlt.s32 v48, v8;
	v33 =	vbroadcast v8, $0xD  }
0x9d: {  	v39 =	vsel vm0, $0x1, v4;
	v10 =	vadd.s32 v38, v10;
	vm0 =	vmor vm7, vm1  }
0x9e: {  	vm1 =	vmand vm9, vm10;
	v43 =	vsel vm14, $0x1, v4;
	vm7 =	vlt.s32 v45, v8  }
0x9f: {  	vm9 =	veq.f32 v44, v7;
	vm10 =	vlt.s32 v45, v6;
	vm14 =	vlt.f32 v47, v9  }
0xa0: {  	v45 =	vbroadcast v6, $0x0;
	v11 =	vadd.s32 v39, v11;
	v40 =	vsel vm0, $0x1, v4  }
0xa1: {  	vm0 =	vmor vm8, vm1;
	vm8 =	vlt.f32 v44, v9;
	vm1 =	vmand vm6, vm7  }
0xa2: {  	vm6 =	vlt.s32 v48, v6;
	vm7 =	veq.f32 v52, v9;
	v39 =	vbroadcast v9, $0xF  }
0xa3: {  	v44 =	vbroadcast v7, $0x0;
	v48 =	vbroadcast v7, $0x1;
	v10 =	vadd.s32 v40, v10  }
0xa4: {  	v42 =	vsel vm0, $0x1, v4;
	vm0 =	vmand vm15, vm4;
	vm15 =	vlt.f32 v47, v7  }
0xa5: {  	vm4 =	vlt.f32 v56, v9;
	v40 =	vbroadcast v8, $0xF;
	v11 =	vadd.s32 v42, v11  }
0xa6: {  	v10 =	vadd.s32 v43, v10;
	vm0 =	vmor vm5, vm0;
	vm5 =	veq.f32 v47, v7  }
0xa7: {  	v46 =	vsel vm0, $0x1, v4;
	vm0 =	vmor vm8, vm1;
	vm1 =	vmand vm9, vm10  }
0xa8: {  	vm8 =	vlt.s32 v53, v8;
	vm9 =	vlt.f32 v52, v9;
	v11 =	vadd.s32 v46, v11  }
0xa9: {  	v49 =	vsel vm0, $0x1, v4;
	vm0 =	vmor vm11, vm1;
	vm1 =	vmand vm12, vm13  }
0xaa: {  	vm2 =	vmand vm7, vm8;
	vm11 =	veq.f32 v52, v7;
	vm12 =	vlt.s32 v53, v6  }
0xab: {  	vm13 =	vlt.f32 v52, v7;
	vm7 =	vlt.f32 v56, v7;
	vm8 =	veq.f32 v59, v9  }
0xac: {  	v52 =	vbroadcast v6, $0x2;
	v50 =	vsel vm0, $0x1, v4;
	v10 =	vadd.s32 v49, v10  }
0xad: {  	vm0 =	vmor vm14, vm1;
	vm1 =	vmand vm5, vm6;
	vm10 =	vmor vm9, vm2  }
0xae: {  	vm14 =	veq.f32 v56, v9;
	vm5 =	veq.f32 v56, v7;
	vm6 =	vlt.s32 v57, v6  }
0xaf: {  	vm9 =	vlt.s32 v60, v8;
	v49 =	vbroadcast v6, $0x1;
	v56 =	vbroadcast v7, $0x3  }
0xb0: {  	v11 =	vadd.s32 v50, v11;
	v51 =	vsel vm0, $0x1, v4;
	vm0 =	vmor vm15, vm1  }
0xb1: {  	v55 =	vsel vm10, $0x1, v4;
	vm15 =	vlt.s32 v57, v8;
	vm10 =	vlt.f32 v59, v9  }
0xb2: {  	v57 =	vbroadcast v6, $0x3;
	v10 =	vadd.s32 v51, v10;
	v54 =	vsel vm0, $0x1, v4  }
0xb3: {  	vm0 =	vmand vm11, vm12;
	vm1 =	vmand vm14, vm15;
	vm11 =	vlt.f32 v59, v7  }
0xb4: {  	vm12 =	veq.f32 v59, v7;
	vm14 =	veq.f32 v20, v9;
	vm15 =	vlt.s32 v21, v8  }
0xb5: {  	v51 =	vbroadcast v7, $0x2;
	v11 =	vadd.s32 v54, v11;
	v10 =	vadd.s32 v55, v10  }
0xb6: {  	vm0 =	vmor vm13, vm0;
	vm13 =	vlt.s32 v60, v6;
	vm2 =	vmand vm14, vm15  }
0xb7: {  	vm14 =	veq.f32 v24, v7;
	vm15 =	vlt.s32 v25, v6;
	v60 =	vbroadcast v7, $0x4  }
0xb8: {  	v58 =	vsel vm0, $0x1, v4;
	vm0 =	vmor vm4, vm1;
	vm1 =	vmand vm5, vm6  }
0xb9: {  	vm6 =	vlt.f32 v20, v9;
	vm4 =	vlt.f32 v24, v7;
	vm5 =	veq.f32 v27, v9  }
0xba: {  	v11 =	vadd.s32 v58, v11;
	v61 =	vsel vm0, $0x1, v4;
	vm0 =	vmor vm7, vm1  }
0xbb: {  	vm1 =	vmand vm8, vm9;
	vm7 =	vmor vm6, vm2;
	vm8 =	veq.f32 v20, v7  }
0xbc: {  	vm9 =	vlt.s32 v21, v6;
	vm6 =	vlt.s32 v28, v8;
	v62 =	vsel vm0, $0x1, v4  }
0xbd: {  	v10 =	vadd.s32 v61, v10;
	vm0 =	vmor vm10, vm1;
	vm1 =	vmand vm12, vm13  }
0xbe: {  	v23 =	vsel vm7, $0x1, v4;
	vm10 =	vlt.f32 v20, v7;
	vm12 =	vlt.s32 v25, v8  }
0xbf: {  	vm13 =	vlt.f32 v24, v9;
	vm7 =	vlt.f32 v27, v9;
	v61 =	vbroadcast v6, $0x4  }
0xc0: {  	v20 =	vbroadcast v6, $0x5;
	v25 =	vbroadcast v6, $0x6;
	v11 =	vadd.s32 v62, v11  }
0xc1: {  	v63 =	vsel vm0, $0x1, v4;
	vm0 =	vmor vm11, vm1;
	vm11 =	veq.f32 v24, v9  }
0xc2: {  	v24 =	vbroadcast v7, $0x6;
	v10 =	vadd.s32 v63, v10;
	v22 =	vsel vm0, $0x1, v4  }
0xc3: {  	vm0 =	vmand vm8, vm9;
	vm1 =	vmand vm11, vm12;
	vm8 =	vlt.f32 v27, v7  }
0xc4: {  	vm9 =	veq.f32 v27, v7;
	vm11 =	veq.f32 v32, v9;
	vm12 =	vlt.s32 v33, v8  }
0xc5: {  	v63 =	vbroadcast v7, $0x5;
	v11 =	vadd.s32 v22, v11;
	v10 =	vadd.s32 v23, v10  }
0xc6: {  	vm0 =	vmor vm10, vm0;
	vm10 =	vlt.s32 v28, v6;
	vm2 =	vmand vm11, vm12  }
0xc7: {  	vm11 =	vlt.f32 v36, v7;
	vm12 =	veq.f32 v39, v9;
	v28 =	vbroadcast v7, $0x7  }
0xc8: {  	v26 =	vsel vm0, $0x1, v4;
	vm0 =	vmor vm13, vm1;
	vm1 =	vmand vm14, vm15  }
0xc9: {  	vm13 =	vlt.f32 v32, v9;
	vm15 =	veq.f32 v32, v7;
	v11 =	vadd.s32 v26, v11  }
0xca: {  	v29 =	vsel vm0, $0x1, v4;
	vm0 =	vmor vm4, vm1;
	vm1 =	vmand vm5, vm6  }
0xcb: {  	vm14 =	vmor vm13, vm2;
	vm4 =	vlt.s32 v33, v6;
	vm5 =	vlt.f32 v32, v7  }
0xcc: {  	vm6 =	veq.f32 v36, v9;
	vm13 =	vlt.s32 v40, v8;
	v32 =	vbroadcast v6, $0x8  }
0xcd: {  	v30 =	vsel vm0, $0x1, v4;
	v10 =	vadd.s32 v29, v10;
	vm0 =	vmor vm7, vm1  }
0xce: {  	vm1 =	vmand vm9, vm10;
	v35 =	vsel vm14, $0x1, v4;
	vm7 =	vlt.s32 v37, v8  }
0xcf: {  	vm9 =	veq.f32 v36, v7;
	vm10 =	vlt.s32 v37, v6;
	vm14 =	vlt.f32 v39, v9  }
0xd0: {  	v29 =	vbroadcast v6, $0x7;
	v37 =	vbroadcast v6, $0x9;
	v11 =	vadd.s32 v30, v11  }
0xd1: {  	v31 =	vsel vm0, $0x1, v4;
	vm0 =	vmor vm8, vm1;
	vm8 =	vlt.f32 v36, v9  }
0xd2: {  	vm1 =	vmand vm6, vm7;
	vm6 =	vlt.s32 v40, v6;
	vm7 =	veq.f32 v44, v9  }
0xd3: {  	v36 =	vbroadcast v7, $0x9;
	v40 =	vbroadcast v7, $0xA;
	v10 =	vadd.s32 v31, v10  }
0xd4: {  	v34 =	vsel vm0, $0x1, v4;
	vm0 =	vmand vm15, vm4;
	vm15 =	vlt.f32 v39, v7  }
0xd5: {  	vm4 =	vlt.f32 v48, v9;
	v31 =	vbroadcast v7, $0x8;
	v11 =	vadd.s32 v34, v11  }
0xd6: {  	v10 =	vadd.s32 v35, v10;
	vm0 =	vmor vm5, vm0;
	vm5 =	veq.f32 v39, v7  }
0xd7: {  	v38 =	vsel vm0, $0x1, v4;
	vm0 =	vmor vm8, vm1;
	vm1 =	vmand vm9, vm10  }
0xd8: {  	vm8 =	vlt.s32 v45, v8;
	vm9 =	vlt.f32 v44, v9;
	v11 =	vadd.s32 v38, v11  }
0xd9: {  	v41 =	vsel vm0, $0x1, v4;
	vm0 =	vmor vm11, vm1;
	vm1 =	vmand vm12, vm13  }
0xda: {  	vm2 =	vmand vm7, vm8;
	vm11 =	veq.f32 v44, v7;
	vm12 =	vlt.s32 v45, v6  }
0xdb: {  	vm13 =	vlt.f32 v44, v7;
	vm7 =	vlt.f32 v48, v7;
	vm8 =	veq.f32 v51, v9  }
0xdc: {  	v44 =	vbroadcast v6, $0xB;
	v42 =	vsel vm0, $0x1, v4;
	v10 =	vadd.s32 v41, v10  }
0xdd: {  	vm0 =	vmor vm14, vm1;
	vm1 =	vmand vm5, vm6;
	vm10 =	vmor vm9, vm2  }
0xde: {  	vm14 =	veq.f32 v48, v9;
	vm5 =	veq.f32 v48, v7;
	vm6 =	vlt.s32 v49, v6  }
0xdf: {  	vm9 =	vlt.s32 v52, v8;
	v41 =	vbroadcast v6, $0xA;
	v48 =	vbroadcast v7, $0xC  }
0xe0: {  	v11 =	vadd.s32 v42, v11;
	v43 =	vsel vm0, $0x1, v4;
	vm0 =	vmor vm15, vm1  }
0xe1: {  	v47 =	vsel vm10, $0x1, v4;
	vm15 =	vlt.s32 v49, v8;
	vm10 =	vlt.f32 v51, v9  }
0xe2: {  	v49 =	vbroadcast v6, $0xC;
	v10 =	vadd.s32 v43, v10;
	v46 =	vsel vm0, $0x1, v4  }
0xe3: {  	vm0 =	vmand vm11, vm12;
	vm1 =	vmand vm14, vm15;
	vm11 =	vlt.f32 v51, v7  }
0xe4: {  	vm12 =	veq.f32 v51, v7;
	vm14 =	veq.f32 v56, v9;
	vm15 =	vlt.s32 v57, v8  }
0xe5: {  	v43 =	vbroadcast v7, $0xB;
	v11 =	vadd.s32 v46, v11;
	v10 =	vadd.s32 v47, v10  }
0xe6: {  	vm0 =	vmor vm13, vm0;
	vm13 =	vlt.s32 v52, v6;
	vm2 =	vmand vm14, vm15  }
0xe7: {  	vm14 =	veq.f32 v60, v7;
	vm15 =	vlt.s32 v61, v6;
	v52 =	vbroadcast v7, $0xD  }
0xe8: {  	v50 =	vsel vm0, $0x1, v4;
	vm0 =	vmor vm4, vm1;
	vm1 =	vmand vm5, vm6  }
0xe9: {  	vm6 =	vlt.f32 v56, v9;
	vm4 =	vlt.f32 v60, v7;
	vm5 =	veq.f32 v63, v9  }
0xea: {  	v11 =	vadd.s32 v50, v11;
	v53 =	vsel vm0, $0x1, v4;
	vm0 =	vmor vm7, vm1  }
0xeb: {  	vm1 =	vmand vm8, vm9;
	vm7 =	vmor vm6, vm2;
	vm8 =	veq.f32 v56, v7  }
0xec: {  	vm9 =	vlt.s32 v57, v6;
	vm6 =	vlt.s32 v20, v8;
	v57 =	vbroadcast v7, $0xF  }
0xed: {  	v54 =	vsel vm0, $0x1, v4;
	v10 =	vadd.s32 v53, v10;
	vm0 =	vmor vm10, vm1  }
0xee: {  	vm1 =	vmand vm12, vm13;
	v59 =	vsel vm7, $0x1, v4;
	vm10 =	vlt.f32 v56, v7  }
0xef: {  	vm12 =	vlt.s32 v61, v8;
	vm13 =	vlt.f32 v60, v9;
	vm7 =	vlt.f32 v63, v9  }
0xf0: {  	v53 =	vbroadcast v6, $0xD;
	v56 =	vbroadcast v6, $0xE;
	v11 =	vadd.s32 v54, v11  }
0xf1: {  	v55 =	vsel vm0, $0x1, v4;
	vm0 =	vmor vm11, vm1;
	vm11 =	veq.f32 v60, v9  }
0xf2: {  	v10 =	vadd.s32 v55, v10;
	v58 =	vsel vm0, $0x1, v4;
	vm0 =	vmand vm8, vm9  }
0xf3: {  	vm1 =	vmand vm11, vm12;
	vm8 =	vlt.f32 v63, v7;
	vm9 =	veq.f32 v63, v7  }
0xf4: {  	vm11 =	veq.f32 v24, v9;
	vm12 =	vlt.s32 v25, v8;
	v55 =	vbroadcast v7, $0xE  }
0xf5: {  	v11 =	vadd.s32 v58, v11;
	v10 =	vadd.s32 v59, v10;
	vm0 =	vmor vm10, vm0  }
0xf6: {  	vm10 =	vlt.s32 v20, v6;
	vm2 =	vmand vm11, vm12;
	vm11 =	vlt.f32 v28, v7  }
0xf7: {  	vm12 =	veq.f32 v31, v9;
	v58 =	vbroadcast v6, $0xF;
	v62 =	vsel vm0, $0x1, v4  }
0xf8: {  	vm0 =	vmor vm13, vm1;
	vm1 =	vmand vm14, vm15;
	vm13 =	vlt.f32 v24, v9  }
0xf9: {  	vm15 =	veq.f32 v24, v7;
	v11 =	vadd.s32 v62, v11;
	v21 =	vsel vm0, $0x1, v4  }
0xfa: {  	vm0 =	vmor vm4, vm1;
	vm1 =	vmand vm5, vm6;
	vm14 =	vmor vm13, vm2  }
0xfb: {  	vm4 =	vlt.s32 v25, v6;
	vm5 =	vlt.f32 v24, v7;
	vm6 =	veq.f32 v28, v9  }
0xfc: {  	vm13 =	vlt.s32 v32, v8;
	v22 =	vsel vm0, $0x1, v4;
	v10 =	vadd.s32 v21, v10  }
0xfd: {  	vm0 =	vmor vm7, vm1;
	vm1 =	vmand vm9, vm10;
	v27 =	vsel vm14, $0x1, v4  }
0xfe: {  	vm7 =	vlt.s32 v29, v8;
	vm9 =	veq.f32 v28, v7;
	vm10 =	vlt.s32 v29, v6  }
0xff: {  	vm14 =	vlt.f32 v31, v9;
	v11 =	vadd.s32 v22, v11;
	v23 =	vsel vm0, $0x1, v4  }
0x100: {  	vm0 =	vmor vm8, vm1;
	vm8 =	vlt.f32 v28, v9;
	vm1 =	vmand vm6, vm7  }
0x101: {  	vm6 =	veq.f32 v36, v9;
	vm7 =	vlt.s32 v37, v8;
	v10 =	vadd.s32 v23, v10  }
0x102: {  	v26 =	vsel vm0, $0x1, v4;
	vm0 =	vmand vm15, vm4;
	vm15 =	vlt.f32 v31, v7  }
0x103: {  	vm4 =	veq.f32 v31, v7;
	vm2 =	vmand vm6, vm7;
	vm6 =	vlt.f32 v40, v7  }
0x104: {  	vm7 =	veq.f32 v43, v9;
	v11 =	vadd.s32 v26, v11;
	vm0 =	vmor vm5, vm0  }
0x105: {  	v10 =	vadd.s32 v27, v10;
	vm5 =	vlt.s32 v32, v6;
	v30 =	vsel vm0, $0x1, v4  }
0x106: {  	vm0 =	vmor vm8, vm1;
	vm1 =	vmand vm9, vm10;
	vm8 =	vlt.f32 v36, v9  }
0x107: {  	vm10 =	veq.f32 v36, v7;
	v11 =	vadd.s32 v30, v11;
	v33 =	vsel vm0, $0x1, v4  }
0x108: {  	vm0 =	vmor vm11, vm1;
	vm1 =	vmand vm12, vm13;
	vm9 =	vmor vm8, vm2  }
0x109: {  	vm11 =	vlt.s32 v37, v6;
	vm12 =	vlt.f32 v36, v7;
	vm13 =	veq.f32 v40, v9  }
0x10a: {  	vm8 =	vlt.s32 v44, v8;
	v34 =	vsel vm0, $0x1, v4;
	v10 =	vadd.s32 v33, v10  }
0x10b: {  	vm0 =	vmor vm14, vm1;
	vm1 =	vmand vm4, vm5;
	v39 =	vsel vm9, $0x1, v4  }
0x10c: {  	vm14 =	vlt.s32 v41, v8;
	vm4 =	veq.f32 v40, v7;
	vm5 =	vlt.s32 v41, v6  }
0x10d: {  	vm9 =	vlt.f32 v43, v9;
	v11 =	vadd.s32 v34, v11;
	v35 =	vsel vm0, $0x1, v4  }
0x10e: {  	vm0 =	vmor vm15, vm1;
	vm15 =	vlt.f32 v40, v9;
	vm1 =	vmand vm13, vm14  }
0x10f: {  	vm13 =	veq.f32 v48, v9;
	vm14 =	vlt.s32 v49, v8;
	v10 =	vadd.s32 v35, v10  }
0x110: {  	v38 =	vsel vm0, $0x1, v4;
	vm0 =	vmand vm10, vm11;
	vm10 =	vlt.f32 v43, v7  }
0x111: {  	vm11 =	veq.f32 v43, v7;
	vm2 =	vmand vm13, vm14;
	vm13 =	veq.f32 v55, v9  }
0x112: {  	vm14 =	vlt.s32 v56, v8;
	v11 =	vadd.s32 v38, v11;
	vm0 =	vmor vm12, vm0  }
0x113: {  	v10 =	vadd.s32 v39, v10;
	vm12 =	vlt.s32 v44, v6;
	v42 =	vsel vm0, $0x1, v4  }
0x114: {  	vm0 =	vmor vm15, vm1;
	vm1 =	vmand vm4, vm5;
	vm15 =	vlt.f32 v48, v9  }
0x115: {  	vm5 =	veq.f32 v48, v7;
	v11 =	vadd.s32 v42, v11;
	v45 =	vsel vm0, $0x1, v4  }
0x116: {  	vm0 =	vmor vm6, vm1;
	vm1 =	vmand vm7, vm8;
	vm4 =	vmor vm15, vm2  }
0x117: {  	vm6 =	vlt.s32 v49, v6;
	vm7 =	vlt.f32 v48, v7;
	vm8 =	veq.f32 v52, v9  }
0x118: {  	vm15 =	vlt.f32 v52, v7;
	v46 =	vsel vm0, $0x1, v4;
	v10 =	vadd.s32 v45, v10  }
0x119: {  	vm0 =	vmor vm9, vm1;
	vm1 =	vmand vm11, vm12;
	v51 =	vsel vm4, $0x1, v4  }
0x11a: {  	vm9 =	vlt.s32 v53, v8;
	vm11 =	veq.f32 v52, v7;
	vm12 =	vlt.s32 v53, v6  }
0x11b: {  	v11 =	vadd.s32 v46, v11;
	v47 =	vsel vm0, $0x1, v4;
	vm0 =	vmor vm10, vm1  }
0x11c: {  	vm10 =	vlt.f32 v52, v9;
	vm1 =	vmand vm8, vm9;
	vm8 =	vlt.s32 v56, v6  }
0x11d: {  	vm9 =	vlt.f32 v55, v7;
	v10 =	vadd.s32 v47, v10;
	v50 =	vsel vm0, $0x1, v4  }
0x11e: {  	vm0 =	vmand vm5, vm6;
	vm6 =	vlt.f32 v55, v9;
	v11 =	vadd.s32 v50, v11  }
0x11f: {  	v10 =	vadd.s32 v51, v10;
	vm0 =	vmor vm7, vm0;
	vm7 =	veq.f32 v55, v7  }
0x120: {  	v54 =	vsel vm0, $0x1, v4;
	vm0 =	vmor vm10, vm1;
	vm1 =	vmand vm13, vm14  }
0x121: {  	vm2 =	vmand vm7, vm8;
	vm10 =	veq.f32 v57, v9;
	vm13 =	vlt.s32 v58, v6  }
0x122: {  	vm14 =	veq.f32 v57, v7;
	v17 =	vsel vm0, $0x1, v4;
	vm0 =	vmand vm11, vm12  }
0x123: {  	vm1 =	vmor vm6, vm1;
	vm11 =	vlt.s32 v58, v8;
	v11 =	vadd.s32 v54, v11  }
0x124: {  	vm12 =	vlt.f32 v57, v9;
	vm0 =	vmor vm15, vm0;
	v10 =	vadd.s32 v17, v10  }
0x125: {  	v60 =	vsel vm1, $0x1, v4;
	vm15 =	vlt.f32 v57, v7;
	v59 =	vsel vm0, $0x1, v4  }
0x126: {  	vm0 =	vmor vm9, vm2;
	vm2 =	vmand vm10, vm11;
	v7 =	vadd.s32 v60, v10  }
0x127: {  	v61 =	vsel vm0, $0x1, v4;
	vm1 =	vmor vm12, vm2;
	vm0 =	vmand vm14, vm13  }
0x128: {  	v11 =	vadd.s32 v59, v11;
	v62 =	vsel vm1, $0x1, v4;
	vm0 =	vmor vm15, vm0  }
0x129: {  	v9 =	vadd.s32 v61, v11;
	v7 =	vadd.s32 v62, v7;
	v63 =	vsel vm0, $0x1, v4  }
0x12a: {  	v9 =	vadd.s32 v63, v9;
	_ =	sdelay $0x3  }
0x12b: {  	[tilespmem:v7+s18+$0x0] =	vst.idx.msk $0xffff, v8  }
0x12c: {  	[tilespmem:v9+s18+$0x0] =	vst.idx.msk $0xffff, v6  }
0x12d: {  	v6 =	vld [tilespmem:$0x16010]  }
0x12e: {  	s0 =	sshll.u32 s24, $0x5;
	s24 =	sadd.s32 $0x1, s24;
	v7 =	vld [tilespmem:$0x16020]  }
0x12f: {  	p0 =	sne.s32 s24, $0x100  }
.Ltmp1:
0x130: {  	_ = 	snop;
	(pc) =	sbr.rel @!p0 .LBB2_25-.Ltmp1, $4  }
0x131: {  	[tilespmem:$0x16010] =	vst v3  }
0x132: {  	s0 =	sand.u32 $0x3FFFFFE0, s0;
	[tilespmem:$0x16020] =	vst v3;
	v6 =	vadd.s32 v1, v6  }
0x133: {  	[tilespmem:s0+$0x16310] =	vst v6;
	v6 =	vadd.s32 v1, v7  }
0x134: {  	[tilespmem:s0+$0x16320] =	vst v6  }
.LBB2_2:
0x135: {  	s26 =	simm.s32 $0x40  }
0x136: {  	s25 =	sshll.u32 s24, $0x4;
	v23 =	vld [tilespmem:s26+$0x8010]  }
0x137: {  	s25 =	sand.u32 $0x3FFFFFF0, s25;
	v24 =	vld [tilespmem:s26+$0x4010]  }
0x138: {  	v6 =	vld [tilespmem:s25+$0x10000];
	s25 =	simm.s32 $0x0  }
0x139: {  	v11 =	vld [tilespmem:s25+$0x4010]  }
0x13a: {  	v12 =	vld [tilespmem:s25+$0x10]  }
0x13b: {  	v25 =	vld [tilespmem:s26+$0x10]  }
0x13c: {  	v10 =	vld [tilespmem:s25+$0x8010]  }
0x13d: {  	v26 =	vld [tilespmem:s26+$0x0];
	v8 =	vbroadcast v6, $0x0;
	v9 =	vbroadcast v6, $0x1  }
0x13e: {  	v13 =	vld [tilespmem:s25+$0x4000];
	v7 =	vbroadcast v6, $0x2  }
0x13f: {  	v14 =	vld [tilespmem:s25+$0x0];
	v12 =	vmul.f32 v12, v8;
	v11 =	vmul.f32 v11, v9  }
0x140: {  	v16 =	vld [tilespmem:s25+$0x20]  }
0x141: {  	v17 =	vld [tilespmem:s25+$0x4020];
	v10 =	vmul.f32 v10, v7;
	v11 =	vadd.f32 v11, v12  }
0x142: {  	v15 =	vld [tilespmem:s25+$0x8000]  }
0x143: {  	v18 =	vld [tilespmem:s25+$0x8020];
	v10 =	vadd.f32 v10, v11  }
0x144: {  	v11 =	vld [tilespmem:s25+$0xC010]  }
0x145: {  	v19 =	vld [tilespmem:s25+$0x30];
	v6 =	vbroadcast v6, $0x3;
	v10 =	vadd.f32 v10, v10  }
0x146: {  	v20 =	vld [tilespmem:s25+$0x4030];
	v16 =	vmul.f32 v16, v8;
	v17 =	vmul.f32 v17, v9  }
0x147: {  	v28 =	vld [tilespmem:s25+$0xC030];
	v14 =	vmul.f32 v14, v8;
	v13 =	vmul.f32 v13, v9;
	v10 =	vsub.f32 v6, v10  }
0x148: {  	v18 =	vmul.f32 v18, v7;
	v12 =	vld [tilespmem:s25+$0x8030];
	v16 =	vadd.f32 v17, v16  }
0x149: {  	v21 =	vld [tilespmem:s25+$0xC000];
	v10 =	vadd.f32 v10, v11;
	v11 =	vadd.f32 v13, v14;
	v13 =	vmul.f32 v15, v7  }
0x14a: {  	v22 =	vld [tilespmem:s25+$0xC020];
	v14 =	vadd.f32 v18, v16  }
0x14b: {  	v17 =	vld [tilespmem:s26+$0x4000];
	v15 =	vmul.f32 v20, v9;
	v16 =	vmul.f32 v19, v8;
	[tilespmem:s25+$0x12010] =	vst v10;
	v11 =	vadd.f32 v13, v11  }
0x14c: {  	v25 =	vmul.f32 v25, v8;
	v24 =	vmul.f32 v24, v9;
	v13 =	vadd.f32 v14, v14;
	v18 =	vld [tilespmem:s26+$0x8000]  }
0x14d: {  	v12 =	vmul.f32 v12, v7;
	v14 =	vadd.f32 v15, v16;
	v19 =	vld [tilespmem:s26+$0x20];
	v11 =	vadd.f32 v11, v11  }
0x14e: {  	v24 =	vadd.f32 v24, v25;
	v27 =	vld [tilespmem:s26+$0x8020];
	v15 =	vsub.f32 v6, v13  }
0x14f: {  	v23 =	vmul.f32 v23, v7;
	v16 =	vld [tilespmem:s26+$0x4020];
	v12 =	vadd.f32 v12, v14;
	v29 =	vsub.f32 v6, v11  }
0x150: {  	v17 =	vmul.f32 v17, v9;
	v20 =	vld [tilespmem:s26+$0x4030];
	v11 =	vadd.f32 v15, v22;
	v22 =	vmul.f32 v26, v8  }
0x151: {  	v13 =	vimm.f32 $+Inf;
	v14 =	vld [tilespmem:s26+$0x30];
	v12 =	vadd.f32 v12, v12;
	v25 =	vadd.f32 v29, v21  }
0x152: {  	v15 =	vld [tilespmem:s26+$0x8030];
	[tilespmem:s25+$0x12020] =	vst v11;
	v22 =	vadd.f32 v17, v22;
	v18 =	vmul.f32 v18, v7;
	v21 =	vmul.f32 v19, v8  }
0x153: {  	v29 =	vadd.f32 v23, v24;
	v30 =	vsub.f32 v6, v12;
	v23 =	vmul.f32 v27, v7;
	v17 =	vld [tilespmem:s26+$0xC030];
	[tilespmem:s25+$0x12000] =	vst v25  }
0x154: {  	v24 =	vmin.f32 v13, v25;
	v19 =	vadd.f32 v18, v22;
	v26 =	vmax.f32 v13, v25;
	v22 =	vld [tilespmem:s26+$0xC010]  }
0x155: {  	s28 =	simm.s32 $0x200;
	v27 =	vadd.f32 v29, v29;
	v18 =	vadd.f32 v30, v28;
	v12 =	vld [tilespmem:s26+$0xC000];
	v25 =	vmax.f32 v24, v10  }
.LBB2_3:
0x156: {  	s29 =	sshra.s32 s28, $0x2;
	p0 =	sne.s32 s28, $0xFF00;
	s28 =	sadd.s32 $0x100, s28;
	v28 =	vld [tilespmem:s26+$0xC020];
	v16 =	vmul.f32 v16, v9;
	v20 =	vmul.f32 v20, v9;
	v13 =	vmin.f32 v13, v26  }
0x157: {  	v24 =	vmin.f32 v24, v10;
	v26 =	vld [tilespmem:s29+$0x8010];
	v27 =	vsub.f32 v6, v27;
	[tilespmem:s25+$0x12030] =	vst v18;
	s25 =	smov.u32 s26;
	s26 =	smov.u32 s29  }
0x158: {  	v13 =	vmin.f32 v13, v25;
	v29 =	vld [tilespmem:s26+$0x4010];
	v16 =	vadd.f32 v16, v21;
	v21 =	vmin.f32 v24, v11;
	v30 =	vmovc v17  }
0x159: {  	v14 =	vmul.f32 v14, v8;
	v17 =	vld [tilespmem:s26+$0x10];
	v10 =	vadd.f32 v27, v22;
	v22 =	vmax.f32 v21, v18  }
0x15a: {  	v11 =	vmax.f32 v24, v11;
	v18 =	vmin.f32 v21, v18;
	v25 =	vld [tilespmem:s26+$0x4000];
	v16 =	vadd.f32 v23, v16  }
0x15b: {  	v15 =	vmul.f32 v15, v7;
	v14 =	vadd.f32 v20, v14;
	v11 =	vmin.f32 v13, v11;
	v21 =	vld [tilespmem:s26+$0x0];
	[tilespmem:s25+$0x12010] =	vst v10  }
0x15c: {  	v13 =	vmin.f32 v11, v22;
	v23 =	vld [tilespmem:s26+$0x8000];
	v20 =	vadd.f32 v16, v16  }
0x15d: {  	v11 =	vadd.f32 v19, v19;
	v14 =	vadd.f32 v15, v14;
	v22 =	vld [tilespmem:s26+$0x20]  }
0x15e: {  	v15 =	vmul.f32 v17, v8;
	v16 =	vld [tilespmem:s26+$0x4020];
	v17 =	vsub.f32 v6, v20  }
0x15f: {  	v24 =	vsub.f32 v6, v11;
	v19 =	vmul.f32 v29, v9;
	v29 =	vadd.f32 v14, v14;
	v27 =	vld [tilespmem:s26+$0x8020]  }
0x160: {  	v25 =	vmul.f32 v25, v9;
	v21 =	vmul.f32 v21, v8;
	v14 =	vld [tilespmem:s26+$0x30];
	v11 =	vadd.f32 v17, v28  }
.Ltmp2:
0x161: {  	v12 =	vadd.f32 v24, v12;
	v17 =	vadd.f32 v19, v15;
	v19 =	vmul.f32 v26, v7;
	v20 =	vld [tilespmem:s26+$0x4030];
	(pc) =	sbr.rel @p0 .LBB2_3-.Ltmp2, $4  }
0x162: {  	v23 =	vmul.f32 v23, v7;
	v25 =	vadd.f32 v25, v21;
	v21 =	vmul.f32 v22, v8;
	v15 =	vld [tilespmem:s26+$0x8030];
	[tilespmem:s25+$0x12020] =	vst v11  }
0x163: {  	v29 =	vsub.f32 v6, v29;
	v24 =	vmin.f32 v18, v12;
	v28 =	vadd.f32 v19, v17;
	v17 =	vld [tilespmem:s26+$0xC030];
	[tilespmem:s25+$0x12000] =	vst v12  }
0x164: {  	v26 =	vmax.f32 v18, v12;
	v19 =	vadd.f32 v23, v25;
	v22 =	vld [tilespmem:s26+$0xC010];
	v23 =	vmul.f32 v27, v7  }
0x165: {  	v18 =	vadd.f32 v29, v30;
	v27 =	vadd.f32 v28, v28;
	v25 =	vmax.f32 v24, v10;
	v12 =	vld [tilespmem:s26+$0xC000]  }
0x166: {  	v16 =	vmul.f32 v16, v9  }
0x167: {  	v9 =	vmul.f32 v20, v9;
	v8 =	vmul.f32 v14, v8  }
0x168: {  	v13 =	vmin.f32 v13, v26;
	v10 =	vmin.f32 v24, v10;
	v16 =	vadd.f32 v16, v21  }
0x169: {  	v7 =	vmul.f32 v15, v7;
	v8 =	vadd.f32 v9, v8;
	v9 =	vadd.f32 v19, v19  }
0x16a: {  	v55 =	vsub.f32 v6, v27;
	v13 =	vmin.f32 v13, v25;
	v56 =	vadd.f32 v23, v16  }
0x16b: {  	v57 =	vld [tilespmem:s26+$0xC020];
	v58 =	vmin.f32 v10, v11;
	v7 =	vadd.f32 v7, v8;
	v8 =	vsub.f32 v6, v9  }
0x16c: {  	v10 =	vmax.f32 v10, v11;
	v59 =	vmax.f32 v58, v18;
	v15 =	vadd.f32 v56, v56  }
0x16d: {  	v11 =	vmin.f32 v58, v18;
	v7 =	vadd.f32 v7, v7;
	v8 =	vadd.f32 v8, v12  }
0x16e: {  	v10 =	vmin.f32 v13, v10;
	v9 =	vadd.f32 v55, v22;
	v60 =	vsub.f32 v6, v15  }
0x16f: {  	v10 =	vmin.f32 v10, v59;
	v61 =	vmin.f32 v11, v8;
	v6 =	vsub.f32 v6, v7  }
0x170: {  	v11 =	vmax.f32 v11, v8;
	v62 =	vmax.f32 v61, v9;
	v7 =	vadd.f32 v60, v57  }
0x171: {  	v63 =	vadd.f32 v6, v17;
	v6 =	vmin.f32 v10, v11;
	v10 =	vmin.f32 v61, v9  }
0x172: {  	v6 =	vmin.f32 v6, v62;
	v11 =	vmin.f32 v10, v7;
	v10 =	vmax.f32 v10, v7  }
0x173: {  	v11 =	vmax.f32 v11, v63;
	v6 =	vmin.f32 v6, v10  }
0x174: {  	v6 =	vmin.f32 v6, v11  }
0x175: {  	(xrf0) =	vmax.scan.msk.f32 $0xffff, v6;
	_ =	sdelay $0x2  }
.Ltmp3:
0x176: {  	[tilespmem:s25+$0x12030] =	vst v18;
	(pc) =	sbr.rel .LBB2_5-.Ltmp3, $4  }
0x177: {  	[tilespmem:s26+$0x12010] =	vst v9  }
0x178: {  	[tilespmem:s26+$0x12000] =	vst v8  }
0x179: {  	v8 =	vimm.s32 $0xFFFFFFFF;
	v9 =	vimm.f32 $+Inf;
	[tilespmem:s26+$0x12020] =	vst v7;
	v7 =	vimm.f32 $+Inf;
	v6, _, _ =	vpop (xrf0)  }
0x17a: {  	s28 =	simm.s32 $0x0;
	s25 =	simm.s32 $0x0;
	[tilespmem:s26+$0x12030] =	vst v63;
	s26 =	simm.s32 $0x12020;
	v11 =	vimm.s32 $0x0;
	v10 =	vbroadcast v6, $0xF;
	v6 =	vimm.s32 $0xFFFFFFFF  }
.LBB2_9:
0x17b: {  	v20 =	vmov v9;
	v21 =	vmov v8  }
.LBB2_14:
0x17c: {  	v16 =	vsel @p1 vm2, v18, v16;
	v17 =	vsel @p1 vm2, v19, v17  }
0x17d: {  	(xrf1) =	vsort.ascd.msk.f32 @p1 $0xffff, v16, v17  }
0x17e: {  	vm0 =	vmor @p0 vm0, vm1  }
0x17f: {  	v16 =	vsel @p0 vm0, v14, v20;
	v17 =	vsel @p0 vm0, v15, v21;
	(xrf1) =	vsort.ascd.msk.f32 $0xffff, v13, v12  }
0x180: {  	v12 =	vsel @p0 vm0, v20, v14;
	v13 =	vsel @p0 vm0, v21, v15;
	(xrf1) =	vsort.ascd.msk.f32 @p0 $0xffff, v16, v17  }
0x181: {  	(xrf1) =	vsort.ascd.msk.f32 @p0 $0xffff, v12, v13;
	_ =	sdelay $0x9  }
0x182: {  	v12, v13, _ =	vpop @p1 (xrf1)  }
0x183: {  	v12 =	vpsel p1, v12, v7  }
0x184: {  	v13 =	vpsel p1, v13, v6;
	v58, v59, _ =	vpop (xrf1);
	v12 =	vperm.xlane @p0 v12, v5  }
0x185: {  	v13 =	vperm.xlane @p0 v13, v5;
	v16, v17, _ =	vpop @p0 (xrf1)  }
0x186: {  	v14 =	vperm.xlane v58, v5;
	v15 =	vperm.xlane v59, v5;
	v18, v19, _ =	vpop @p0 (xrf1);
	vm0 =	veq.f32 @p0 v16, v12  }
0x187: {  	vm1 =	vle.s32 @p0 v17, v13;
	vm2 =	vlt.f32 @p0 v16, v12;
	v9 =	vpsel p0, v18, v9  }
0x188: {  	v8 =	vpsel p0, v19, v8;
	v16 =	vpsel p0, v16, v0;
	vm0 =	vmand @p0 vm0, vm1  }
0x189: {  	v12 =	vpsel p0, v12, v0;
	v17 =	vpsel p0, v17, v0;
	vm0 =	vmor @p0 vm2, vm0  }
0x18a: {  	v13 =	vpsel p0, v13, v0;
	vm10 =	veq.f32 v9, v14;
	vm0 =	vmmov @p0 vm0  }
0x18b: {  	vm11 =	vle.s32 v8, v15;
	v12 =	vsel @p0 vm0, v16, v12;
	v13 =	vsel @p0 vm0, v17, v13  }
0x18c: {  	vm12 =	vlt.f32 v9, v14;
	vm1 =	vmand vm10, vm11;
	(xrf1) =	vsort.ascd.msk.f32 @p0 $0xffff, v12, v13  }
0x18d: {  	vm0 =	vmor vm12, vm1  }
0x18e: {  	v60 =	vsel vm0, v14, v9;
	v61 =	vsel vm0, v15, v8  }
0x18f: {  	(xrf1) =	vsort.ascd.msk.f32 $0xffff, v60, v61;
	_ =	sdelay $0xa  }
0x190: {  	v12, v13, _ =	vpop @p0 (xrf1)  }
0x191: {  	v7 =	vpsel p0, v12, v7;
	v6 =	vpsel p0, v13, v6  }
0x192: {  	v7 =	vperm.xlane v7, v5;
	v6 =	vperm.xlane v6, v5  }
0x193: {  	v62, v63, _ =	vpop (xrf1)  }
0x194: {  	vm13 =	veq.f32 v62, v7;
	vm14 =	vle.s32 v63, v6  }
0x195: {  	vm3 =	vlt.f32 v62, v7;
	vm1 =	vmand vm13, vm14  }
0x196: {  	v9 =	vsel vm0, v9, v14;
	v8 =	vsel vm0, v8, v15;
	vm15 =	vmor vm3, vm1  }
0x197: {  	(xrf1) =	vsort.ascd.msk.f32 $0xffff, v9, v8;
	v7 =	vsel vm15, v62, v7;
	v6 =	vsel vm15, v63, v6  }
0x198: {  	(xrf1) =	vsort.ascd.msk.f32 $0xffff, v7, v6;
	_ =	sdelay $0xc  }
0x199: {  	v9, v8, _ =	vpop (xrf1)  }
0x19a: {  	v7, v6, _ =	vpop (xrf1)  }
.LBB2_15:
0x19b: {  	s28 =	sadd.s32 $0x1, s28  }
0x19c: {  	p1 =	sne.s32 s28, $0x20  }
.Ltmp4:
0x19d: {  	_ = 	snop;
	(pc) =	sbr.rel @!p1 .LBB2_16-.Ltmp4, $3  }
0x19e: {  	_ =	sdelay $0x1  }
0x19f: {  	p0 =	sgt.s32 s29, $0xF  }
0x1a0: {  	s25 =	sadd.s32 $0x200, s25;
	s26 =	sadd.s32 $0x200, s26;
	v11 =	vpsel p0, $0x0, v11  }
.LBB2_5:
0x1a1: {  	s29 =	smov.u32 s26;
	s30 =	simm.s32 $0x0  }
.LBB2_6:
0x1a2: {  	v12 =	vld [tilespmem:s29+$0xFFFFFFE0];
	_ =	sdelay $0x4  }
0x1a3: {  	v54 =	vshll.u32 v11, $0x4;
	vm0 =	vle.f32 v12, v10  }
0x1a4: {  	v12 =	vor.u32 v0, v54;
	_ =	sdelay $0x2  }
0x1a5: {  	s31 =	sadd.s32 s30, s25  }
0x1a6: {  	v13 =	vor.u32 s31, v0  }
0x1a7: {  	[tilespmem:v12+s18+$0x0] =	vst.idx.msk vm0, v13  }
0x1a8: {  	v12 =	vld [tilespmem:s29+$0xFFFFFFF0];
	_ =	sdelay $0x2  }
0x1a9: {  	v55 =	vsel vm0, $0x1, v4  }
0x1aa: {  	v11 =	vadd.s32 v55, v11  }
0x1ab: {  	v56 =	vshll.u32 v11, $0x4;
	vm13 =	vle.f32 v12, v10  }
0x1ac: {  	v12 =	vor.u32 v0, v56;
	_ =	sdelay $0x2  }
0x1ad: {  	s0 =	sadd.s32 $0x10, s31  }
0x1ae: {  	v57 =	vor.u32 s0, v0  }
0x1af: {  	[tilespmem:v12+s18+$0x0] =	vst.idx.msk vm13, v57  }
0x1b0: {  	v12 =	vld [tilespmem:s29+$0x0];
	_ =	sdelay $0x2  }
0x1b1: {  	v58 =	vsel vm13, $0x1, v4  }
0x1b2: {  	v11 =	vadd.s32 v58, v11  }
0x1b3: {  	v59 =	vshll.u32 v11, $0x4;
	vm14 =	vle.f32 v12, v10  }
0x1b4: {  	v12 =	vor.u32 v0, v59;
	_ =	sdelay $0x2  }
0x1b5: {  	s0 =	sadd.s32 $0x20, s31  }
0x1b6: {  	v60 =	vor.u32 s0, v0  }
0x1b7: {  	[tilespmem:v12+s18+$0x0] =	vst.idx.msk vm14, v60  }
0x1b8: {  	v12 =	vld [tilespmem:s29+$0x10];
	_ =	sdelay $0x2  }
0x1b9: {  	v61 =	vsel vm14, $0x1, v4  }
0x1ba: {  	v11 =	vadd.s32 v61, v11  }
0x1bb: {  	v62 =	vshll.u32 v11, $0x4;
	vm15 =	vle.f32 v12, v10  }
0x1bc: {  	p0 =	sne.s32 s30, $0x1C0;
	v12 =	vor.u32 v0, v62  }
.Ltmp5:
0x1bd: {  	_ = 	snop;
	(pc) =	sbr.rel @p0 .LBB2_6-.Ltmp5, $4  }
0x1be: {  	_ = 	snop  }
0x1bf: {  	s31 =	sadd.s32 $0x30, s31  }
0x1c0: {  	v63 =	vor.u32 s31, v0;
	v14 =	vsel vm15, $0x1, v4  }
0x1c1: {  	s30 =	sadd.s32 $0x40, s30;
	s29 =	sadd.s32 $0x40, s29;
	v11 =	vadd.s32 v14, v11;
	[tilespmem:v12+s18+$0x0] =	vst.idx.msk vm15, v63  }
0x1c2: {  	v12 =	vxor.u32 $0x80000000, v11  }
0x1c3: {  	(xrf0) =	vmax.scan.msk.u32 $0xffff, v12;
	_ =	sdelay $0x5  }
0x1c4: {  	v12, _, _ =	vpop (xrf0)  }
0x1c5: {  	(v2sf) =	vpush v12, $0xF;
	_ =	sdelay $0xe  }
0x1c6: {  	s0 =	spop (v2sf)  }
0x1c7: {  	s29 =	sxor.u32 $0x80000000, s0  }
0x1c8: {  	p0 =	slt.s32 s29, $0x10  }
.Ltmp6:
0x1c9: {  	_ = 	snop;
	(pc) =	sbr.rel @p0 .LBB2_15-.Ltmp6, $2  }
0x1ca: {  	_ =	sdelay $0x2  }
0x1cb: {  	s30 =	simm.s32 $0x16010  }
0x1cc: {  	v12 =	vld [tilespmem:s30+$0x0];
	_ =	sdelay $0x3  }
0x1cd: {  	p2 =	sne.s32 s29, $0x1  }
.Ltmp7:
0x1ce: {  	_ = 	snop;
	(pc) =	sbr.rel @!p2 .LBB2_9-.Ltmp7, $3  }
0x1cf: {  	_ =	sdelay $0x1  }
0x1d0: {  	v13 =	vld.idx.msk [tilespmem:v12+s19+$0x0], $0xffff  }
0x1d1: {  	s31 =	sadd.s32 $0xFFFFFFFF, s29;
	p0 =	por $0x0, $0x0;
	p1 =	por $0x0, $0x0;
	[tilespmem:s30+$0x0] =	vst v3  }
0x1d2: {  	_ =	sdelay $0x2  }
0x1d3: {  	(xrf1) =	vsort.ascd.msk.f32 $0xffff, v13, v12;
	_ =	sdelay $0x7  }
0x1d4: {  	s30 =	sadd.s32 $0x10, s30  }
0x1d5: {  	v12 =	vld [tilespmem:s30+$0x0];
	_ =	sdelay $0x3  }
0x1d6: {  	p2 =	sne.s32 s31, $0x1  }
.Ltmp8:
0x1d7: {  	v13, v15, _ =	vpop (xrf1);
	(pc) =	sbr.rel @!p2 .LBB2_11-.Ltmp8, $3  }
0x1d8: {  	v14 =	vperm.xlane v13, v5;
	v15 =	vperm.xlane v15, v5;
	_ =	sdelay $0x1  }
0x1d9: {  	v13 =	vld.idx.msk [tilespmem:v12+s19+$0x0], $0xffff;
	vm1 =	veq.f32 v9, v14;
	vm2 =	vle.s32 v8, v15  }
0x1da: {  	s31 =	sadd.s32 $0xFFFFFFFF, s31;
	p0 =	por $0x1, $0x1;
	[tilespmem:s30+$0x0] =	vst v3;
	vm0 =	vlt.f32 v9, v14;
	vm1 =	vmand vm1, vm2  }
0x1db: {  	_ =	sdelay $0x1  }
0x1dc: {  	vm0 =	vmor vm0, vm1  }
0x1dd: {  	v16 =	vsel vm0, v14, v9;
	v17 =	vsel vm0, v15, v8;
	(xrf1) =	vsort.ascd.msk.f32 $0xffff, v13, v12  }
0x1de: {  	v12 =	vsel vm0, v9, v14;
	v13 =	vsel vm0, v8, v15;
	(xrf1) =	vsort.ascd.msk.f32 $0xffff, v16, v17  }
0x1df: {  	(xrf1) =	vsort.ascd.msk.f32 $0xffff, v12, v13;
	_ =	sdelay $0x4  }
0x1e0: {  	s30 =	sadd.s32 $0x10, s30  }
0x1e1: {  	v12 =	vld [tilespmem:s30+$0x0];
	_ =	sdelay $0x4  }
0x1e2: {  	p2 =	sne.s32 s31, $0x1  }
.Ltmp9:
0x1e3: {  	v16 =	vperm.xlane v7, v5;
	v17 =	vperm.xlane v6, v5;
	v13, v15, _ =	vpop (xrf1);
	(pc) =	sbr.rel @!p2 .LBB2_14-.Ltmp9, $4  }
0x1e4: {  	v14 =	vperm.xlane v13, v5;
	v15 =	vperm.xlane v15, v5;
	v18, v19, _ =	vpop (xrf1)  }
0x1e5: {  	v13 =	vld.idx.msk [tilespmem:v12+s19+$0x0], $0xffff;
	vm2 =	vlt.f32 v18, v16;
	vm0 =	veq.f32 v18, v16;
	vm1 =	vle.s32 v19, v17;
	v20, v21, _ =	vpop (xrf1)  }
0x1e6: {  	vm3 =	veq.f32 v20, v14;
	vm4 =	vle.s32 v21, v15;
	vm5 =	vmand vm0, vm1  }
0x1e7: {  	s31 =	sadd.s32 $0xFFFFFFFF, s31;
	p1 =	por $0x1, $0x1;
	[tilespmem:s30+$0x0] =	vst v3;
	vm0 =	vlt.f32 v20, v14;
	vm1 =	vmand vm3, vm4;
	vm2 =	vmor vm2, vm5  }
.LBB2_13:
0x1e8: {  	p2 =	sne.s32 s31, $0x1;
	s31 =	sadd.s32 $0xFFFFFFFF, s31;
	vm0 =	vmor vm0, vm1;
	v16 =	vsel vm2, v18, v16;
	v17 =	vsel vm2, v19, v17  }
0x1e9: {  	v18 =	vsel vm0, v14, v20;
	v19 =	vsel vm0, v15, v21;
	(xrf1) =	vsort.ascd.msk.f32 $0xffff, v16, v17  }
0x1ea: {  	(xrf1) =	vsort.ascd.msk.f32 $0xffff, v13, v12;
	v12 =	vsel vm0, v20, v14;
	v13 =	vsel vm0, v21, v15  }
0x1eb: {  	(xrf1) =	vsort.ascd.msk.f32 $0xffff, v18, v19  }
0x1ec: {  	(xrf1) =	vsort.ascd.msk.f32 $0xffff, v12, v13;
	_ =	sdelay $0x3  }
0x1ed: {  	s30 =	sadd.s32 $0x10, s30  }
0x1ee: {  	v12 =	vld [tilespmem:s30+$0x0];
	_ =	sdelay $0x5  }
0x1ef: {  	v13, v14, _ =	vpop (xrf1)  }
.Ltmp10:
0x1f0: {  	v15, v18, _ =	vpop (xrf1);
	v16 =	vperm.xlane v13, v5;
	v17 =	vperm.xlane v14, v5;
	(pc) =	sbr.rel @p2 .LBB2_13-.Ltmp10, $4  }
0x1f1: {  	v13 =	vld.idx.msk [tilespmem:v12+s19+$0x0], $0xffff;
	v14 =	vperm.xlane v15, v5;
	v15 =	vperm.xlane v18, v5;
	v18, v19, _ =	vpop (xrf1)  }
0x1f2: {  	[tilespmem:s30+$0x0] =	vst v3;
	vm2 =	vlt.f32 v18, v16;
	vm0 =	veq.f32 v18, v16;
	vm1 =	vle.s32 v19, v17;
	v20, v21, _ =	vpop (xrf1)  }
0x1f3: {  	vm3 =	veq.f32 v20, v14;
	vm4 =	vle.s32 v21, v15;
	vm5 =	vmand vm0, vm1  }
0x1f4: {  	vm0 =	vlt.f32 v20, v14;
	vm1 =	vmand vm3, vm4;
	vm2 =	vmor vm2, vm5  }
.Ltmp11:
0x1f5: {  	_ = 	snop;
	(pc) =	sbr.rel .LBB2_14-.Ltmp11, $1  }
0x1f6: {  	_ =	sdelay $0x3  }
.LBB2_11:
.Ltmp12:
0x1f7: {  	(pc) =	sbr.rel .LBB2_14-.Ltmp12, $2  }
0x1f8: {  	_ =	sdelay $0x2  }
0x1f9: {  	v20 =	vmov v9;
	v21 =	vmov v8  }
.LBB2_16:
0x1fa: {  	v10 =	vxor.u32 $0x80000000, v11  }
0x1fb: {  	(xrf0) =	vmax.scan.msk.u32 $0xffff, v10;
	_ =	sdelay $0x5  }
0x1fc: {  	v10, _, _ =	vpop (xrf0)  }
0x1fd: {  	(v2sf) =	vpush v10, $0xF;
	_ =	sdelay $0xe  }
0x1fe: {  	s0 =	spop (v2sf)  }
0x1ff: {  	s26 =	sxor.u32 $0x80000000, s0  }
0x200: {  	p0 =	slt.s32 s26, $0x1  }
.Ltmp13:
0x201: {  	_ = 	snop;
	(pc) =	sbr.rel @p0 .LBB2_24-.Ltmp13, $2  }
0x202: {  	_ =	sdelay $0x2  }
0x203: {  	s25 =	simm.s32 $0x16010  }
0x204: {  	v10 =	vld [tilespmem:s25+$0x0];
	_ =	sdelay $0x3  }
0x205: {  	p2 =	sne.s32 s26, $0x1  }
.Ltmp14:
0x206: {  	_ = 	snop;
	(pc) =	sbr.rel @!p2 .LBB2_18-.Ltmp14, $3  }
0x207: {  	_ =	sdelay $0x1  }
0x208: {  	v11 =	vld.idx.msk [tilespmem:v10+s19+$0x0], $0xffff  }
0x209: {  	s26 =	sadd.s32 $0xFFFFFFFF, s26;
	p0 =	por $0x0, $0x0;
	p1 =	por $0x0, $0x0;
	[tilespmem:s25+$0x0] =	vst v3  }
0x20a: {  	_ =	sdelay $0x2  }
0x20b: {  	(xrf1) =	vsort.ascd.msk.f32 $0xffff, v11, v10;
	_ =	sdelay $0x7  }
0x20c: {  	s25 =	sadd.s32 $0x10, s25  }
0x20d: {  	v10 =	vld [tilespmem:s25+$0x0];
	_ =	sdelay $0x3  }
0x20e: {  	p2 =	sne.s32 s26, $0x1  }
.Ltmp15:
0x20f: {  	v11, v13, _ =	vpop (xrf1);
	(pc) =	sbr.rel @!p2 .LBB2_20-.Ltmp15, $3  }
0x210: {  	v12 =	vperm.xlane v11, v5;
	v13 =	vperm.xlane v13, v5;
	_ =	sdelay $0x1  }
0x211: {  	v11 =	vld.idx.msk [tilespmem:v10+s19+$0x0], $0xffff;
	vm1 =	veq.f32 v9, v12;
	vm2 =	vle.s32 v8, v13  }
0x212: {  	s26 =	sadd.s32 $0xFFFFFFFF, s26;
	p0 =	por $0x1, $0x1;
	[tilespmem:s25+$0x0] =	vst v3;
	vm0 =	vlt.f32 v9, v12;
	vm1 =	vmand vm1, vm2  }
0x213: {  	_ =	sdelay $0x1  }
0x214: {  	vm0 =	vmor vm0, vm1  }
0x215: {  	v14 =	vsel vm0, v12, v9;
	v15 =	vsel vm0, v13, v8;
	(xrf1) =	vsort.ascd.msk.f32 $0xffff, v11, v10  }
0x216: {  	v10 =	vsel vm0, v9, v12;
	v11 =	vsel vm0, v8, v13;
	(xrf1) =	vsort.ascd.msk.f32 $0xffff, v14, v15  }
0x217: {  	(xrf1) =	vsort.ascd.msk.f32 $0xffff, v10, v11;
	_ =	sdelay $0x4  }
0x218: {  	s25 =	sadd.s32 $0x10, s25  }
0x219: {  	v10 =	vld [tilespmem:s25+$0x0];
	_ =	sdelay $0x4  }
0x21a: {  	p2 =	sne.s32 s26, $0x1  }
.Ltmp16:
0x21b: {  	v14 =	vperm.xlane v7, v5;
	v15 =	vperm.xlane v6, v5;
	v11, v13, _ =	vpop (xrf1);
	(pc) =	sbr.rel @!p2 .LBB2_23-.Ltmp16, $4  }
0x21c: {  	v12 =	vperm.xlane v11, v5;
	v13 =	vperm.xlane v13, v5;
	v16, v17, _ =	vpop (xrf1)  }
0x21d: {  	v11 =	vld.idx.msk [tilespmem:v10+s19+$0x0], $0xffff;
	vm2 =	vlt.f32 v16, v14;
	vm0 =	veq.f32 v16, v14;
	vm1 =	vle.s32 v17, v15;
	v18, v19, _ =	vpop (xrf1)  }
0x21e: {  	vm3 =	veq.f32 v18, v12;
	vm4 =	vle.s32 v19, v13;
	vm5 =	vmand vm0, vm1  }
0x21f: {  	s26 =	sadd.s32 $0xFFFFFFFF, s26;
	p1 =	por $0x1, $0x1;
	[tilespmem:s25+$0x0] =	vst v3;
	vm0 =	vlt.f32 v18, v12;
	vm1 =	vmand vm3, vm4;
	vm2 =	vmor vm2, vm5  }
.LBB2_22:
0x220: {  	p2 =	sne.s32 s26, $0x1;
	s26 =	sadd.s32 $0xFFFFFFFF, s26;
	vm0 =	vmor vm0, vm1;
	v14 =	vsel vm2, v16, v14;
	v15 =	vsel vm2, v17, v15  }
0x221: {  	v16 =	vsel vm0, v12, v18;
	v17 =	vsel vm0, v13, v19;
	(xrf1) =	vsort.ascd.msk.f32 $0xffff, v14, v15  }
0x222: {  	(xrf1) =	vsort.ascd.msk.f32 $0xffff, v11, v10;
	v10 =	vsel vm0, v18, v12;
	v11 =	vsel vm0, v19, v13  }
0x223: {  	(xrf1) =	vsort.ascd.msk.f32 $0xffff, v16, v17  }
0x224: {  	(xrf1) =	vsort.ascd.msk.f32 $0xffff, v10, v11;
	_ =	sdelay $0x3  }
0x225: {  	s25 =	sadd.s32 $0x10, s25  }
0x226: {  	v10 =	vld [tilespmem:s25+$0x0];
	_ =	sdelay $0x5  }
0x227: {  	v11, v12, _ =	vpop (xrf1)  }
.Ltmp17:
0x228: {  	v13, v16, _ =	vpop (xrf1);
	v14 =	vperm.xlane v11, v5;
	v15 =	vperm.xlane v12, v5;
	(pc) =	sbr.rel @p2 .LBB2_22-.Ltmp17, $4  }
0x229: {  	v11 =	vld.idx.msk [tilespmem:v10+s19+$0x0], $0xffff;
	v12 =	vperm.xlane v13, v5;
	v13 =	vperm.xlane v16, v5;
	v16, v17, _ =	vpop (xrf1)  }
0x22a: {  	[tilespmem:s25+$0x0] =	vst v3;
	vm2 =	vlt.f32 v16, v14;
	vm0 =	veq.f32 v16, v14;
	vm1 =	vle.s32 v17, v15;
	v18, v19, _ =	vpop (xrf1)  }
0x22b: {  	vm3 =	veq.f32 v18, v12;
	vm4 =	vle.s32 v19, v13;
	vm5 =	vmand vm0, vm1  }
0x22c: {  	vm0 =	vlt.f32 v18, v12;
	vm1 =	vmand vm3, vm4;
	vm2 =	vmor vm2, vm5  }
.Ltmp18:
0x22d: {  	_ = 	snop;
	(pc) =	sbr.rel .LBB2_23-.Ltmp18, $1  }
0x22e: {  	_ =	sdelay $0x3  }
.LBB2_20:
.Ltmp19:
0x22f: {  	(pc) =	sbr.rel .LBB2_23-.Ltmp19, $2  }
0x230: {  	_ =	sdelay $0x2  }
0x231: {  	v18 =	vmov v9;
	v19 =	vmov v8  }
.LBB2_25:
0x232: {  	s24 =	simm.s32 $0x0;
	s25 =	simm.s32 $0x11020;
	s26 =	smov.u32 s11  }
.LBB2_26:
0x233: {  	s0 =	sshra.s32 s24, $0x2  }
0x234: {  	s0 =	sadd.s32 $0x16310, s0  }
0x235: {  	[tilespmem:s21], [sflag:$0x1] =	stream.indirect.gather [hbm4b:s2+s20], $0x50, s0, s20, $0xb8;
	[tilespmem:$0x1AB10] =	vst v63  }
0x236: {  	_ =	swait.ge [sflag:s22], $0x2800  }
0x237: {  	[sflag:s22] =	ssyncset.done $0x0  }
0x238: {  	[sflag:s22] =	ssyncadd.s32 $0xFFFFD800  }
0x239: {  	v6 =	vld [tilespmem:s25+$0xFFFFFFE0]  }
0x23a: {  	v7 =	vld [tilespmem:$0x18310]  }
0x23b: {  	v8 =	vld [tilespmem:$0x18360]  }
0x23c: {  	v9 =	vld [tilespmem:$0x183B0]  }
0x23d: {  	v10 =	vld [tilespmem:$0x18400]  }
0x23e: {  	v11 =	vld [tilespmem:$0x18450]  }
0x23f: {  	v12 =	vld [tilespmem:$0x184A0];
	v7 =	vsub.f32 v7, v6  }
0x240: {  	v13 =	vld [tilespmem:$0x184F0];
	v8 =	vsub.f32 v8, v6  }
0x241: {  	v34 =	vld [tilespmem:$0x18540];
	[tilespmem:$0x18310] =	vst v7;
	v7 =	vsub.f32 v9, v6  }
0x242: {  	v36 =	vld [tilespmem:$0x18590];
	v35 =	vsub.f32 v10, v6;
	[tilespmem:$0x18360] =	vst v8  }
0x243: {  	v37 =	vld [tilespmem:$0x185E0];
	[tilespmem:$0x183B0] =	vst v7;
	v7 =	vsub.f32 v11, v6  }
0x244: {  	v39 =	vld [tilespmem:$0x18630];
	v38 =	vsub.f32 v12, v6;
	[tilespmem:$0x18400] =	vst v35  }
0x245: {  	v40 =	vld [tilespmem:$0x18680];
	[tilespmem:$0x18450] =	vst v7;
	v7 =	vsub.f32 v13, v6  }
0x246: {  	v42 =	vld [tilespmem:$0x186D0];
	v41 =	vsub.f32 v34, v6;
	[tilespmem:$0x184A0] =	vst v38  }
0x247: {  	v43 =	vld [tilespmem:$0x18720];
	[tilespmem:$0x184F0] =	vst v7;
	v7 =	vsub.f32 v36, v6  }
0x248: {  	v45 =	vld [tilespmem:$0x18770];
	v44 =	vsub.f32 v37, v6;
	[tilespmem:$0x18540] =	vst v41  }
0x249: {  	v46 =	vld [tilespmem:$0x187C0];
	[tilespmem:$0x18590] =	vst v7;
	v7 =	vsub.f32 v39, v6  }
0x24a: {  	v48 =	vld [tilespmem:$0x18810];
	v47 =	vsub.f32 v40, v6;
	[tilespmem:$0x185E0] =	vst v44  }
0x24b: {  	v49 =	vld [tilespmem:$0x18860];
	[tilespmem:$0x18630] =	vst v7;
	v7 =	vsub.f32 v42, v6  }
0x24c: {  	v51 =	vld [tilespmem:$0x188B0];
	v50 =	vsub.f32 v43, v6;
	[tilespmem:$0x18680] =	vst v47  }
0x24d: {  	v52 =	vld [tilespmem:$0x18900];
	[tilespmem:$0x186D0] =	vst v7;
	v7 =	vsub.f32 v45, v6  }
0x24e: {  	v54 =	vld [tilespmem:$0x18950];
	v53 =	vsub.f32 v46, v6;
	[tilespmem:$0x18720] =	vst v50  }
0x24f: {  	v55 =	vld [tilespmem:$0x189A0];
	[tilespmem:$0x18770] =	vst v7;
	v7 =	vsub.f32 v48, v6  }
0x250: {  	v57 =	vld [tilespmem:$0x189F0];
	v56 =	vsub.f32 v49, v6;
	[tilespmem:$0x187C0] =	vst v53  }
0x251: {  	v58 =	vld [tilespmem:$0x18A40];
	[tilespmem:$0x18810] =	vst v7;
	v7 =	vsub.f32 v51, v6  }
0x252: {  	v60 =	vld [tilespmem:$0x18A90];
	v59 =	vsub.f32 v52, v6;
	[tilespmem:$0x18860] =	vst v56  }
0x253: {  	v61 =	vld [tilespmem:$0x18AE0];
	[tilespmem:$0x188B0] =	vst v7;
	v7 =	vsub.f32 v54, v6  }
0x254: {  	v63 =	vld [tilespmem:$0x18B30];
	v62 =	vsub.f32 v55, v6;
	[tilespmem:$0x18900] =	vst v59  }
0x255: {  	v16 =	vld [tilespmem:$0x18B80];
	[tilespmem:$0x18950] =	vst v7;
	v7 =	vsub.f32 v57, v6  }
0x256: {  	v18 =	vld [tilespmem:$0x18BD0];
	v17 =	vsub.f32 v58, v6;
	[tilespmem:$0x189A0] =	vst v62  }
0x257: {  	v19 =	vld [tilespmem:$0x18C20];
	[tilespmem:$0x189F0] =	vst v7;
	v7 =	vsub.f32 v60, v6  }
0x258: {  	v21 =	vld [tilespmem:$0x18C70];
	v20 =	vsub.f32 v61, v6;
	[tilespmem:$0x18A40] =	vst v17  }
0x259: {  	v22 =	vld [tilespmem:$0x18CC0];
	[tilespmem:$0x18A90] =	vst v7;
	v7 =	vsub.f32 v63, v6  }
0x25a: {  	v23 =	vsub.f32 v16, v6;
	[tilespmem:$0x18AE0] =	vst v20  }
0x25b: {  	[tilespmem:$0x18B30] =	vst v7;
	v7 =	vsub.f32 v18, v6  }
0x25c: {  	v24 =	vsub.f32 v19, v6;
	[tilespmem:$0x18B80] =	vst v23  }
0x25d: {  	[tilespmem:$0x18BD0] =	vst v7;
	v7 =	vsub.f32 v21, v6  }
0x25e: {  	[tilespmem:$0x18C20] =	vst v24;
	v6 =	vsub.f32 v22, v6  }
0x25f: {  	[tilespmem:$0x18C70] =	vst v7  }
0x260: {  	[tilespmem:$0x18CC0] =	vst v6;
	v7 =	vld [tilespmem:$0x18D10]  }
0x261: {  	v6 =	vld [tilespmem:s25+$0xFFFFFFF0]  }
0x262: {  	v25 =	vld [tilespmem:$0x18D60]  }
0x263: {  	v26 =	vld [tilespmem:$0x18DB0]  }
0x264: {  	v27 =	vld [tilespmem:$0x18E00]  }
0x265: {  	v28 =	vld [tilespmem:$0x18E50]  }
0x266: {  	v29 =	vld [tilespmem:$0x18EA0];
	v7 =	vsub.f32 v7, v6  }
0x267: {  	v30 =	vld [tilespmem:$0x18EF0];
	v8 =	vsub.f32 v25, v6  }
0x268: {  	v31 =	vld [tilespmem:$0x18F40];
	[tilespmem:$0x18D10] =	vst v7;
	v7 =	vsub.f32 v26, v6  }
0x269: {  	v33 =	vld [tilespmem:$0x18F90];
	v32 =	vsub.f32 v27, v6;
	[tilespmem:$0x18D60] =	vst v8  }
0x26a: {  	v34 =	vld [tilespmem:$0x18FE0];
	[tilespmem:$0x18DB0] =	vst v7;
	v7 =	vsub.f32 v28, v6  }
0x26b: {  	v36 =	vld [tilespmem:$0x19030];
	v35 =	vsub.f32 v29, v6;
	[tilespmem:$0x18E00] =	vst v32  }
0x26c: {  	v37 =	vld [tilespmem:$0x19080];
	[tilespmem:$0x18E50] =	vst v7;
	v7 =	vsub.f32 v30, v6  }
0x26d: {  	v39 =	vld [tilespmem:$0x190D0];
	v38 =	vsub.f32 v31, v6;
	[tilespmem:$0x18EA0] =	vst v35  }
0x26e: {  	v40 =	vld [tilespmem:$0x19120];
	[tilespmem:$0x18EF0] =	vst v7;
	v7 =	vsub.f32 v33, v6  }
0x26f: {  	v42 =	vld [tilespmem:$0x19170];
	v41 =	vsub.f32 v34, v6;
	[tilespmem:$0x18F40] =	vst v38  }
0x270: {  	v43 =	vld [tilespmem:$0x191C0];
	[tilespmem:$0x18F90] =	vst v7;
	v7 =	vsub.f32 v36, v6  }
0x271: {  	v45 =	vld [tilespmem:$0x19210];
	v44 =	vsub.f32 v37, v6;
	[tilespmem:$0x18FE0] =	vst v41  }
0x272: {  	v46 =	vld [tilespmem:$0x19260];
	[tilespmem:$0x19030] =	vst v7;
	v7 =	vsub.f32 v39, v6  }
0x273: {  	v48 =	vld [tilespmem:$0x192B0];
	v47 =	vsub.f32 v40, v6;
	[tilespmem:$0x19080] =	vst v44  }
0x274: {  	v49 =	vld [tilespmem:$0x19300];
	[tilespmem:$0x190D0] =	vst v7;
	v7 =	vsub.f32 v42, v6  }
0x275: {  	v51 =	vld [tilespmem:$0x19350];
	v50 =	vsub.f32 v43, v6;
	[tilespmem:$0x19120] =	vst v47  }
0x276: {  	v52 =	vld [tilespmem:$0x193A0];
	[tilespmem:$0x19170] =	vst v7;
	v7 =	vsub.f32 v45, v6  }
0x277: {  	v54 =	vld [tilespmem:$0x193F0];
	v53 =	vsub.f32 v46, v6;
	[tilespmem:$0x191C0] =	vst v50  }
0x278: {  	v55 =	vld [tilespmem:$0x19440];
	[tilespmem:$0x19210] =	vst v7;
	v7 =	vsub.f32 v48, v6  }
0x279: {  	v57 =	vld [tilespmem:$0x19490];
	v56 =	vsub.f32 v49, v6;
	[tilespmem:$0x19260] =	vst v53  }
0x27a: {  	v58 =	vld [tilespmem:$0x194E0];
	[tilespmem:$0x192B0] =	vst v7;
	v7 =	vsub.f32 v51, v6  }
0x27b: {  	v60 =	vld [tilespmem:$0x19530];
	v59 =	vsub.f32 v52, v6;
	[tilespmem:$0x19300] =	vst v56  }
0x27c: {  	v61 =	vld [tilespmem:$0x19580];
	[tilespmem:$0x19350] =	vst v7;
	v7 =	vsub.f32 v54, v6  }
0x27d: {  	v63 =	vld [tilespmem:$0x195D0];
	v62 =	vsub.f32 v55, v6;
	[tilespmem:$0x193A0] =	vst v59  }
0x27e: {  	v16 =	vld [tilespmem:$0x19620];
	[tilespmem:$0x193F0] =	vst v7;
	v7 =	vsub.f32 v57, v6  }
0x27f: {  	v18 =	vld [tilespmem:$0x19670];
	v17 =	vsub.f32 v58, v6;
	[tilespmem:$0x19440] =	vst v62  }
0x280: {  	v19 =	vld [tilespmem:$0x196C0];
	[tilespmem:$0x19490] =	vst v7;
	v7 =	vsub.f32 v60, v6  }
0x281: {  	v20 =	vsub.f32 v61, v6;
	[tilespmem:$0x194E0] =	vst v17  }
0x282: {  	[tilespmem:$0x19530] =	vst v7;
	v7 =	vsub.f32 v63, v6  }
0x283: {  	v21 =	vsub.f32 v16, v6;
	[tilespmem:$0x19580] =	vst v20  }
0x284: {  	[tilespmem:$0x195D0] =	vst v7;
	v7 =	vsub.f32 v18, v6  }
0x285: {  	[tilespmem:$0x19620] =	vst v21;
	v6 =	vsub.f32 v19, v6  }
0x286: {  	[tilespmem:$0x19670] =	vst v7  }
0x287: {  	[tilespmem:$0x196C0] =	vst v6;
	v7 =	vld [tilespmem:$0x19710]  }
0x288: {  	v6 =	vld [tilespmem:s25+$0x0]  }
0x289: {  	v22 =	vld [tilespmem:$0x19760]  }
0x28a: {  	v23 =	vld [tilespmem:$0x197B0]  }
0x28b: {  	v24 =	vld [tilespmem:$0x19800]  }
0x28c: {  	v25 =	vld [tilespmem:$0x19850]  }
0x28d: {  	v26 =	vld [tilespmem:$0x198A0];
	v7 =	vsub.f32 v7, v6  }
0x28e: {  	v27 =	vld [tilespmem:$0x198F0];
	v8 =	vsub.f32 v22, v6  }
0x28f: {  	v28 =	vld [tilespmem:$0x19940];
	[tilespmem:$0x19710] =	vst v7;
	v7 =	vsub.f32 v23, v6  }
0x290: {  	v30 =	vld [tilespmem:$0x19990];
	v29 =	vsub.f32 v24, v6;
	[tilespmem:$0x19760] =	vst v8  }
0x291: {  	v31 =	vld [tilespmem:$0x199E0];
	[tilespmem:$0x197B0] =	vst v7;
	v7 =	vsub.f32 v25, v6  }
0x292: {  	v33 =	vld [tilespmem:$0x19A30];
	v32 =	vsub.f32 v26, v6;
	[tilespmem:$0x19800] =	vst v29  }
0x293: {  	v34 =	vld [tilespmem:$0x19A80];
	[tilespmem:$0x19850] =	vst v7;
	v7 =	vsub.f32 v27, v6  }
0x294: {  	v36 =	vld [tilespmem:$0x19AD0];
	v35 =	vsub.f32 v28, v6;
	[tilespmem:$0x198A0] =	vst v32  }
0x295: {  	v37 =	vld [tilespmem:$0x19B20];
	[tilespmem:$0x198F0] =	vst v7;
	v7 =	vsub.f32 v30, v6  }
0x296: {  	v39 =	vld [tilespmem:$0x19B70];
	v38 =	vsub.f32 v31, v6;
	[tilespmem:$0x19940] =	vst v35  }
0x297: {  	v40 =	vld [tilespmem:$0x19BC0];
	[tilespmem:$0x19990] =	vst v7;
	v7 =	vsub.f32 v33, v6  }
0x298: {  	v42 =	vld [tilespmem:$0x19C10];
	v41 =	vsub.f32 v34, v6;
	[tilespmem:$0x199E0] =	vst v38  }
0x299: {  	v43 =	vld [tilespmem:$0x19C60];
	[tilespmem:$0x19A30] =	vst v7;
	v7 =	vsub.f32 v36, v6  }
0x29a: {  	v45 =	vld [tilespmem:$0x19CB0];
	v44 =	vsub.f32 v37, v6;
	[tilespmem:$0x19A80] =	vst v41  }
0x29b: {  	v46 =	vld [tilespmem:$0x19D00];
	[tilespmem:$0x19AD0] =	vst v7;
	v7 =	vsub.f32 v39, v6  }
0x29c: {  	v48 =	vld [tilespmem:$0x19D50];
	v47 =	vsub.f32 v40, v6;
	[tilespmem:$0x19B20] =	vst v44  }
0x29d: {  	v49 =	vld [tilespmem:$0x19DA0];
	[tilespmem:$0x19B70] =	vst v7;
	v7 =	vsub.f32 v42, v6  }
0x29e: {  	v51 =	vld [tilespmem:$0x19DF0];
	v50 =	vsub.f32 v43, v6;
	[tilespmem:$0x19BC0] =	vst v47  }
0x29f: {  	v52 =	vld [tilespmem:$0x19E40];
	[tilespmem:$0x19C10] =	vst v7;
	v7 =	vsub.f32 v45, v6  }
0x2a0: {  	v54 =	vld [tilespmem:$0x19E90];
	v53 =	vsub.f32 v46, v6;
	[tilespmem:$0x19C60] =	vst v50  }
0x2a1: {  	v55 =	vld [tilespmem:$0x19EE0];
	[tilespmem:$0x19CB0] =	vst v7;
	v7 =	vsub.f32 v48, v6  }
0x2a2: {  	v57 =	vld [tilespmem:$0x19F30];
	v56 =	vsub.f32 v49, v6;
	[tilespmem:$0x19D00] =	vst v53  }
0x2a3: {  	v58 =	vld [tilespmem:$0x19F80];
	[tilespmem:$0x19D50] =	vst v7;
	v7 =	vsub.f32 v51, v6  }
0x2a4: {  	v60 =	vld [tilespmem:$0x19FD0];
	v59 =	vsub.f32 v52, v6;
	[tilespmem:$0x19DA0] =	vst v56  }
0x2a5: {  	v61 =	vld [tilespmem:$0x1A020];
	[tilespmem:$0x19DF0] =	vst v7;
	v7 =	vsub.f32 v54, v6  }
0x2a6: {  	v63 =	vld [tilespmem:$0x1A070];
	v62 =	vsub.f32 v55, v6;
	[tilespmem:$0x19E40] =	vst v59  }
0x2a7: {  	v16 =	vld [tilespmem:$0x1A0C0];
	[tilespmem:$0x19E90] =	vst v7;
	v7 =	vsub.f32 v57, v6  }
0x2a8: {  	v17 =	vsub.f32 v58, v6;
	[tilespmem:$0x19EE0] =	vst v62  }
0x2a9: {  	[tilespmem:$0x19F30] =	vst v7;
	v7 =	vsub.f32 v60, v6  }
0x2aa: {  	v18 =	vsub.f32 v61, v6;
	[tilespmem:$0x19F80] =	vst v17  }
0x2ab: {  	[tilespmem:$0x19FD0] =	vst v7;
	v7 =	vsub.f32 v63, v6  }
0x2ac: {  	[tilespmem:$0x1A020] =	vst v18;
	v6 =	vsub.f32 v16, v6  }
0x2ad: {  	[tilespmem:$0x1A070] =	vst v7  }
0x2ae: {  	[tilespmem:$0x1A0C0] =	vst v6;
	v7 =	vld [tilespmem:$0x1A110]  }
0x2af: {  	v6 =	vld [tilespmem:s25+$0x10]  }
0x2b0: {  	v19 =	vld [tilespmem:$0x1A160]  }
0x2b1: {  	v20 =	vld [tilespmem:$0x1A1B0]  }
0x2b2: {  	v21 =	vld [tilespmem:$0x1A200]  }
0x2b3: {  	v22 =	vld [tilespmem:$0x1A250]  }
0x2b4: {  	v23 =	vld [tilespmem:$0x1A2A0];
	v7 =	vsub.f32 v7, v6  }
0x2b5: {  	v24 =	vld [tilespmem:$0x1A2F0];
	v8 =	vsub.f32 v19, v6  }
0x2b6: {  	v25 =	vld [tilespmem:$0x1A340];
	[tilespmem:$0x1A110] =	vst v7;
	v7 =	vsub.f32 v20, v6  }
0x2b7: {  	v27 =	vld [tilespmem:$0x1A390];
	v26 =	vsub.f32 v21, v6;
	[tilespmem:$0x1A160] =	vst v8  }
0x2b8: {  	v28 =	vld [tilespmem:$0x1A3E0];
	[tilespmem:$0x1A1B0] =	vst v7;
	v7 =	vsub.f32 v22, v6  }
0x2b9: {  	v30 =	vld [tilespmem:$0x1A430];
	v29 =	vsub.f32 v23, v6;
	[tilespmem:$0x1A200] =	vst v26  }
0x2ba: {  	v31 =	vld [tilespmem:$0x1A480];
	[tilespmem:$0x1A250] =	vst v7;
	v7 =	vsub.f32 v24, v6  }
0x2bb: {  	v33 =	vld [tilespmem:$0x1A4D0];
	v32 =	vsub.f32 v25, v6;
	[tilespmem:$0x1A2A0] =	vst v29  }
0x2bc: {  	v34 =	vld [tilespmem:$0x1A520];
	[tilespmem:$0x1A2F0] =	vst v7;
	v7 =	vsub.f32 v27, v6  }
0x2bd: {  	v36 =	vld [tilespmem:$0x1A570];
	v35 =	vsub.f32 v28, v6;
	[tilespmem:$0x1A340] =	vst v32  }
0x2be: {  	v37 =	vld [tilespmem:$0x1A5C0];
	[tilespmem:$0x1A390] =	vst v7;
	v7 =	vsub.f32 v30, v6  }
0x2bf: {  	v39 =	vld [tilespmem:$0x1A610];
	v38 =	vsub.f32 v31, v6;
	[tilespmem:$0x1A3E0] =	vst v35  }
0x2c0: {  	v40 =	vld [tilespmem:$0x1A660];
	[tilespmem:$0x1A430] =	vst v7;
	v7 =	vsub.f32 v33, v6  }
0x2c1: {  	v42 =	vld [tilespmem:$0x1A6B0];
	v41 =	vsub.f32 v34, v6;
	[tilespmem:$0x1A480] =	vst v38  }
0x2c2: {  	v43 =	vld [tilespmem:$0x1A700];
	[tilespmem:$0x1A4D0] =	vst v7;
	v7 =	vsub.f32 v36, v6  }
0x2c3: {  	v45 =	vld [tilespmem:$0x1A750];
	v44 =	vsub.f32 v37, v6;
	[tilespmem:$0x1A520] =	vst v41  }
0x2c4: {  	v46 =	vld [tilespmem:$0x1A7A0];
	[tilespmem:$0x1A570] =	vst v7;
	v7 =	vsub.f32 v39, v6  }
0x2c5: {  	v48 =	vld [tilespmem:$0x1A7F0];
	v47 =	vsub.f32 v40, v6;
	[tilespmem:$0x1A5C0] =	vst v44  }
0x2c6: {  	v49 =	vld [tilespmem:$0x1A840];
	[tilespmem:$0x1A610] =	vst v7;
	v7 =	vsub.f32 v42, v6  }
0x2c7: {  	v51 =	vld [tilespmem:$0x1A890];
	v50 =	vsub.f32 v43, v6;
	[tilespmem:$0x1A660] =	vst v47  }
0x2c8: {  	v52 =	vld [tilespmem:$0x1A8E0];
	[tilespmem:$0x1A6B0] =	vst v7;
	v7 =	vsub.f32 v45, v6  }
0x2c9: {  	v54 =	vld [tilespmem:$0x1A930];
	v53 =	vsub.f32 v46, v6;
	[tilespmem:$0x1A700] =	vst v50  }
0x2ca: {  	v55 =	vld [tilespmem:$0x1A980];
	[tilespmem:$0x1A750] =	vst v7;
	v7 =	vsub.f32 v48, v6  }
0x2cb: {  	v57 =	vld [tilespmem:$0x1A9D0];
	v56 =	vsub.f32 v49, v6;
	[tilespmem:$0x1A7A0] =	vst v53  }
0x2cc: {  	v58 =	vld [tilespmem:$0x1AA20];
	[tilespmem:$0x1A7F0] =	vst v7;
	v7 =	vsub.f32 v51, v6  }
0x2cd: {  	v60 =	vld [tilespmem:$0x1AA70];
	v59 =	vsub.f32 v52, v6;
	[tilespmem:$0x1A840] =	vst v56  }
0x2ce: {  	v61 =	vld [tilespmem:$0x1AAC0];
	[tilespmem:$0x1A890] =	vst v7;
	v7 =	vsub.f32 v54, v6  }
0x2cf: {  	v62 =	vsub.f32 v55, v6;
	[tilespmem:$0x1A8E0] =	vst v59  }
0x2d0: {  	[tilespmem:$0x1A930] =	vst v7;
	v7 =	vsub.f32 v57, v6  }
0x2d1: {  	v63 =	vsub.f32 v58, v6;
	[tilespmem:$0x1A980] =	vst v62  }
0x2d2: {  	[tilespmem:$0x1A9D0] =	vst v7;
	v7 =	vsub.f32 v60, v6  }
0x2d3: {  	[tilespmem:$0x1AA20] =	vst v63;
	v6 =	vsub.f32 v61, v6  }
0x2d4: {  	p0 =	sne.s32 s24, $0x7E00;
	[tilespmem:$0x1AA70] =	vst v7  }
.Ltmp20:
0x2d5: {  	[tilespmem:$0x1AAC0] =	vst v6;
	(pc) =	sbr.rel @p0 .LBB2_26-.Ltmp20, $4  }
0x2d6: {  	[hbm4b:s26+s3] =	stream.linear.scatter [tilespmem:s21], [sflag:$0x2], $0x2800, $0x38;
	[tilespmem:$0x1AB10] =	vst v63  }
0x2d7: {  	_ =	swait.ge [sflag:s12], $0x2800  }
0x2d8: {  	s24 =	sadd.s32 $0x200, s24;
	[sflag:s12] =	ssyncset.done $0x0  }
0x2d9: {  	s25 =	sadd.s32 $0x40, s25;
	s26 =	sadd.s32 $0x500, s26;
	[sflag:s12] =	ssyncadd.s32 $0xFFFFD800  }
0x2da: {  	s23 =	sadd.s32 $0x1, s23  }
0x2db: {  	p0 =	sne.s32 s23, s10  }
.Ltmp21:
0x2dc: {  	_ = 	snop;
	(pc) =	sbr.rel @p0 .LBB2_1-.Ltmp21, $1  }
0x2dd: {  	_ =	sdelay $0x3  }
0x2de: {  	_ =	sfence.sel $0x180000  }
0x2df: {  	[bflag:$0x0] =	sbarrier.arrive $0xFFFF  }
0x2e0: {  	_ =	strace $0x90000047  }
0x2e1: {  	[bflag:$0x2] =	sbarrier.arrive $0xFFFF  }
0x2e2: {  	p0 =	sne.s32 s1, $0x0;
	s0 =	rddreg [dreg:$0x2]  }
0x2e3: {  	s0 =	sadd.s32 @!p0 $0x100000, s0  }
0x2e4: {  	[sflag:s0] =	ssyncadd.tile.s32 @!p0 $0x1;
	_ =	shalt  }
.Lfunc_end2:
_tile_overlayer_lowered:
.L_overlay_start_2:
0x2e5: {  	(tag) =	ssettag $0x2  }
0x2e6: {  	s0 =	rddreg [dreg:$0x0];
	s2 =	stileid.u32  }
0x2e7: {  	s1 =	rddreg [dreg:$0x1];
	p0 =	sne.s32 s2, $0x0  }
0x2e8: {  	s3 =	rddreg [dreg:$0x2];
	[bflag:$0x3] =	sbarrier.arrive $0xFFFF;
	s2 =	simm.s32 @!p0 $0x1C02  }
0x2e9: {  	[timem:s3], [sflag:s2] =	dma.local @!p0 [hbm:s0], s1  }
0x2ea: {  	s0 =	simm.s32 @!p0 $0x2  }
0x2eb: {  	_ =	swait.ge @!p0 [sflag:s0], s1  }
0x2ec: {  	s1 =	ssub.s32 @!p0 $0x0, s1;
	[sflag:s0] =	ssyncset.done @!p0 $0x0  }
0x2ed: {  	[sflag:s0] =	ssyncadd.s32 @!p0 s1  }
0x2ee: {  	[bflag:$0x3] =	sbarrier.arrive $0xFFFF  }
0x2ef: {  	_ =	shalt  }

// kernel: sparse-core-data-format-call.cloned.1.call-start
scs
called_computation_lowered:
.L_overlay_start_0:
0x0: {  	s1 =	sld [smem:$0x3FD9]  }
0x1: {  	s2 =	sld [smem:$0x3FFE];
	_ =	sdelay $0x1  }
0x2: {  	s3 =	srdreg.scid  }
0x3: {  	s0 =	sand.u32 $0x1, s3  }
0x4: {  	s17 =	sshll.u32 s0, $0xA;
	s1 =	sadd.s32 s2, s1  }
0x5: {  	s1 =	sadd.s32 s1, s17  }
0x6: {  	[smem:$0x3FC5] =	sst s1  }
0x7: {  	_ = 	snop  }
0x8: {  	(tm) =	ssettm $0x1  }
0x9: {  	s18 =	sld [smem:$0x3FFB];
	_ =	sdelay $0x3  }
0xa: {  	_ =	strace s18  }
0xb: {  	s1 =	sld [smem:$0x3FFC];
	_ =	sdelay $0x3  }
0xc: {  	_ =	strace s1  }
0xd: {  	s1 =	sld [smem:$0x3FFD];
	_ =	sdelay $0x3  }
0xe: {  	_ =	strace s1  }
0xf: {  	_ =	strace $0x8FFFFFFF  }
0x10: {  	s19 =	sld [smem:$0x3FDB];
	_ =	sdelay $0x1  }
0x11: {  	s20 =	simm.s32 $_scs_section_size  }
0x12: {  	s4 =	simm.s32 $_size__tile_overlayer_lowered;
	s5 =	simm.s32 $_tile_overlayer_lowered  }
0x13: {  	s23 =	simm.s32 $0x1BFF;
	s22 =	sshll.u32 s5, $0x1;
	s1 =	sadd.s32 s20, s19  }
0x14: {  	s6 =	simm.s32 $0x0;
	s21 =	sshll.u32 s4, $0x1;
	s4 =	sadd.s32 s22, s1  }
0x15: {  	[timem:s6], [sflag:s23] =	dma.local [hbm:s4], s21  }
0x16: {  	_ =	swait.ge [sflag:s23], s21  }
0x17: {  	s2 =	ssub.s32 $0x0, s21;
	[sflag:s23] =	ssyncset.done $0x0  }
0x18: {  	[sflag:s23] =	ssyncadd.s32 s2;
	_ =	sdelay $0x1  }
0x19: {  	s24 =	simm.s32 $0x1B8B  }
0x1a: {  	_ =	swait.ge [sflag:s24], $0x1  }
0x1b: {  	[sflag:s24] =	ssyncset.done $0x0  }
0x1c: {  	s26 =	simm.s32 $0x1B8E;
	s25 =	sld [smem:$0x3FFE];
	[sflag:s24] =	ssyncadd.s32 $0xFFFFFFFF  }
0x1d: {  	s27 =	simm.s32 $execute0_lowered;
	[smem:$0x3FD2] =	sst s26  }
0x1e: {  	s4 =	sshll.u32 s27, $0x1;
	_ =	strace $0x80000049;
	[dreg:$0x1] =	wrdreg $0xFFFFFFFF  }
0x1f: {  	s28 =	simm.s32 $_size_execute0_lowered;
	s1 =	sadd.s32 s1, s4;
	[dreg:$0x0] =	wrdreg $0x0  }
0x20: {  	s4 =	sshll.u32 s28, $0x1;
	[dreg:$0x2] =	wrdreg s1  }
0x21: {  	[dreg:$0x3] =	wrdreg s4  }
0x22: {  	[dreg:$0x4] =	wrdreg $0xC0  }
0x23: {  	_ =	task [dreg:s6], $0x5FFFF  }
0x24: {  	[dreg:$0x1] =	wrdreg $0xFFFFFFFF  }
0x25: {  	[dreg:$0x0] =	wrdreg $0x60  }
0x26: {  	[dreg:$0x2] =	wrdreg s25  }
0x27: {  	[dreg:$0x3] =	wrdreg $0x9  }
0x28: {  	_ =	task.clear_ibuf [dreg:s6], $0x4FFFF;
	_ =	strace $0x90000049  }
0x29: {  	s29 =	simm.s32 $0x9;
	_ =	strace $0x8000004B  }
0x2a: {  	_ =	swait.ge [sflag:s29], $0x1  }
0x2b: {  	[sflag:s29] =	ssyncadd.s32 $0xFFFFFFFF  }
0x2c: {  	_ =	strace $0x9000004B  }
0x2d: {  	_ =	sfence  }
0x2e: {  	s30 =	sld [smem:$0x0];
	_ =	sdelay $0x2  }
0x2f: {  	s31 =	sshll.u32 s3, $0xD;
	s3 =	sshrl.u32 s3, $0x2  }
0x30: {  	s2 =	sand.u32 $0x4000, s31;
	s1 =	sadd.s32 s3, s30  }
0x31: {  	s0 =	sor.u32 s2, s0;
	s1 =	sshll.u32 s1, $0x11  }
0x32: {  	s0 =	sor.u32 s1, s0  }
0x33: {  	s0 =	sadd.s32 $0x8F2B, s0  }
0x34: {  	[sflag:s0] =	ssyncadd.remote.s32 $0x1  }
0x35: {  	_ =	sfence.sel $0xFFFF  }
0x36: {  	[dreg:$0x0] =	wrdreg $0xFFFFFFFF;
	(pc) =	sbr.abs _section_cstart, $3  }
0x37: {  	[dreg:$0x1] =	wrdreg $0xFFFFFFFF  }
0x38: {  	_ =	task.clear_ibuf [dreg:s6], $0x2FFFF;
	_ =	strace $0x9FFFFFFF  }
0x39: {  	(tm) =	ssettm $0x7FFFFFFF  }
tec
execute0_lowered:
.L_overlay_start_1:
0x0: {  	(tag) =	ssettag $0x1  }
0x1: {  	s0 =	stileid.u32  }
0x2: {  	s1 =	srdreg.scid;
	s5 =	rddreg [dreg:$0x0];
	s31 =	simm.s32 $0x2  }
0x3: {  	s17 =	simm.s32 $0x0;
	s9 =	simm.s32 $0x20000;
	s18 =	simm.s32 $0x0  }
0x4: {  	s19 =	simm.s32 $0x0;
	s2 =	sshll.u32 s0, $0x6;
	s1 =	sshll.u32 s1, $0xA  }
0x5: {  	s10 =	simm.s32 $0x0;
	s11 =	simm.s32 $0x0;
	s1 =	sor.u32 s2, s1  }
0x6: {  	s12 =	simm.s32 $0x0;
	s13 =	simm.s32 $0x0;
	s1 =	sand.u32 $0x780, s1  }
0x7: {  	s16 =	simm.s32 $0x0;
	s2 =	sand.u32 $0x1, s0;
	s3 =	ssub.s32 $0x1000, s1  }
0x8: {  	s4 =	ssub.s32 $0x2, s2;
	s15 =	smov.u32 s2;
	s6 =	sand.u32 $0x780, s3  }
0x9: {  	s7 =	sshrl.u32 s4, $0x1;
	p0 =	sne.s32 s6, $0x0;
	s6 =	simm.s32 $0x1  }
0xa: {  	s4 =	sand.u32 $0x1, s4;
	s8 =	sshrl.u32 s3, $0xB;
	s6 =	simm.s32 @!p0 $0x0  }
.Ltmp0:
0xb: {  	s4 =	sadd.s32 s4, s7;
	s6 =	sadd.s32 s6, s8;
	(pc) =	sbr.rel .LBB1_1-.Ltmp0, $4  }
0xc: {  	s14 =	smov.u32 s1;
	s3 =	rddreg [dreg:$0x1];
	s7 =	smul.u32 s6, s4  }
0xd: {  	_ =	strace $0x8000004A;
	p0 =	por $0x0, $0x0;
	s6 =	simm.s32 $0x1  }
0xe: {  	s4 =	sadd.s32 $0x28CC00, s5;
	[sflag:s6] =	ssyncpa.u1 $0x0;
	s7 =	sshll.u32 s7, $0x5  }
0xf: {  	s5 =	sadd.s32 $0xC00, s5;
	[sflag:s31] =	ssyncpa.u1 $0x0;
	s8 =	sor.u32 $0x1, s7  }
.LBB1_4:
0x10: {  	s24 =	sshra.s32 s24, $0x2;
	s28 =	sshll.u32 s10, $0xC;
	s25 =	sshll.u32 s11, $0x3  }
0x11: {  	s26 =	sshra.s32 s12, $0x1F;
	p1 =	sgt.s32 s12, $0x1;
	p2 =	sgt.s32 s11, $0xF80  }
0x12: {  	s29 =	sshra.s32 s11, $0x1F;
	s30 =	sshra.s32 s10, $0x1F;
	s23 =	sadd.s32 s24, s23  }
0x13: {  	s24 =	sand.u32 $0x18000, s28;
	s27 =	sand.u32 $0x1FC00, s25;
	s28 =	smov.u32 s12  }
0x14: {  	s26 =	sand.u32 s26, s12;
	s25 =	sand.u32 $0xC00, s25;
	s24 =	sadd.s32 s27, s24  }
0x15: {  	s28 =	simm.s32 @!p1 $0x1;
	s26 =	sxor.u32 $0xFFFFFFFF, s26;
	s27 =	smov.u32 s11  }
0x16: {  	s26 =	sadd.s32 s26, s28;
	s27 =	simm.s32 @!p2 $0xF80;
	s28 =	sand.u32 s29, s11  }
0x17: {  	v5 =	vld [tilespmem:s21+$0xFFFFFFD0];
	[tilespmem:s22+$0x2040 ss:$0x81] =	vst.msk $0xffff, v4;
	p2 =	sgt.s32 s10, $0x1F;
	s29 =	smov.u32 s10;
	s24 =	sshrl.u32 s24, $0x3  }
0x18: {  	v58 =	vld [tilespmem:s21+$0xFFFFFFE0];
	[tilespmem:s22+$0x2850 ss:$0x81] =	vst.msk $0xffff, v3;
	p1 =	sgt.s32 s26, $0x0;
	s27 =	ssub.s32 s27, s28;
	s26 =	ssub.s32 $0x1, s26  }
0x19: {  	v59 =	vld [tilespmem:s21+$0xFFFFFFF0];
	[tilespmem:s22+$0x3060 ss:$0x81] =	vst.msk $0xffff, v2;
	s29 =	simm.s32 @!p2 $0x1F;
	s28 =	sand.u32 s30, s10;
	s24 =	sand.u32 $0x3E00, s24  }
0x1a: {  	[tilespmem:s22+$0x0 ss:$0x81] =	vst.msk $0xffff, v1;
	v60 =	vld [tilespmem:s21+$0x0];
	s26 =	smul.u32 $0x50, s26;
	s28 =	ssub.s32 s29, s28;
	s31 =	sadd.s32 $0xFFFFF080, s27  }
0x1b: {  	v61 =	vld [tilespmem:s21+$0x10];
	[tilespmem:s23+$0x3870 ss:$0x81] =	vst.msk $0xffff, v0;
	s27 =	ssub.s32 $0x1000, s27;
	s29 =	sshll.u32 s10, $0x7;
	p2 =	sgt.s32 s31, $0x7F  }
0x1c: {  	v62 =	vld [tilespmem:s21+$0x20];
	[tilespmem:s23+$0x810 ss:$0x81] =	vst.msk $0xffff, v5;
	s30 =	sadd.s32 $0xFFFFFFE1, s28;
	s31 =	sand.u32 $0x78, s11;
	s26 =	simm.s32 @p1 $0x0  }
0x1d: {  	v63 =	vld [tilespmem:s21+$0xFFFFFFC0];
	[tilespmem:s23+$0x1020 ss:$0x81] =	vst.msk $0xffff, v58;
	s27 =	simm.s32 @p2 $0x0;
	s22 =	sor.u32 s31, s25;
	s31 =	smul.u32 $0x140000, s12  }
0x1e: {  	[tilespmem:s23+$0x1830 ss:$0x81] =	vst.msk $0xffff, v59;
	p1 =	sgt.s32 s30, $0x0;
	s26 =	smul.u32 s26, s27;
	s27 =	ssub.s32 $0x20, s28  }
0x1f: {  	[tilespmem:s23+$0x2040 ss:$0x81] =	vst.msk $0xffff, v60;
	s30 =	sand.u32 $0x380, s29;
	s29 =	sand.u32 $0x7, s11;
	s27 =	simm.s32 @p1 $0x0  }
0x20: {  	[tilespmem:s23+$0x2850 ss:$0x81] =	vst.msk $0xffff, v61;
	s21 =	sor.u32 s30, s22;
	s25 =	sadd.s32 s5, s31;
	s28 =	smul.u32 s27, s26  }
0x21: {  	[tilespmem:s23+$0x3060 ss:$0x81] =	vst.msk $0xffff, v62;
	s30 =	sshll.u32 s29, $0x12;
	s21 =	sshrl.u32 s21, $0x3;
	s24 =	sadd.s32 s24, s25  }
0x22: {  	[tilespmem:s23+$0x0 ss:$0x81] =	vst.msk $0xffff, v63;
	s31 =	sor.u32 $0x80, s30;
	s21 =	sadd.s32 s21, s24;
	s22 =	sand.u32 $0x3FFFFFF0, s28  }
0x23: {  	[hbm4b:s21+s31] =	stream.strided.scatter [tilespmem:s20], [sflag:$0x2], s22, s9, s31, $0x20;
	[tilespmem:$0x10100] =	vst v63  }
.LBB1_5:
0x24: {  	p1 =	slt.u32 s16, $0x2  }
0x25: {  	p2 =	sgt.s32 @!p1 s19, $0x1;
	s20 =	sshra.s32 @!p1 s19, $0x1F  }
0x26: {  	s21 =	smov.u32 s19;
	p2 =	por !p2, p1;
	s19 =	sand.u32 @!p1 s20, s19  }
0x27: {  	s21 =	simm.s32 @p2 $0x1;
	s19 =	sxor.u32 @!p1 $0xFFFFFFFF, s19  }
0x28: {  	p3 =	sgt.s32 @!p1 s18, $0xF80;
	s19 =	sadd.s32 @!p1 s19, s21  }
0x29: {  	p3 =	por !p3, p1;
	s21 =	sshra.s32 @!p1 s18, $0x1F;
	s20 =	ssub.s32 @!p1 $0x1, s19  }
0x2a: {  	p2 =	sgt.s32 @!p1 s19, $0x0;
	s19 =	smul.u32 @!p1 $0x50, s20;
	s20 =	smov.u32 s18  }
0x2b: {  	p2 =	por !p2, p1;
	s20 =	simm.s32 @p3 $0xF80;
	p3 =	sgt.s32 @!p1 s17, $0x1F  }
0x2c: {  	s18 =	sand.u32 @!p1 s21, s18;
	s21 =	smov.u32 s17;
	p3 =	por !p3, p1  }
0x2d: {  	s18 =	ssub.s32 @!p1 s20, s18;
	s20 =	sshra.s32 @!p1 s17, $0x1F;
	s19 =	simm.s32 @!p2 $0x0  }
0x2e: {  	s21 =	simm.s32 @p3 $0x1F;
	s17 =	sand.u32 @!p1 s20, s17;
	s20 =	sadd.s32 @!p1 $0xFFFFF080, s18  }
0x2f: {  	s18 =	ssub.s32 @!p1 $0x1000, s18;
	s17 =	ssub.s32 @!p1 s21, s17;
	p2 =	sgt.s32 @!p1 s20, $0x7F  }
0x30: {  	s21 =	smov.u32 s14;
	s20 =	sadd.s32 @!p1 $0xFFFFFFE1, s17;
	p2 =	por !p2, p1  }
0x31: {  	s17 =	ssub.s32 @!p1 $0x20, s17;
	p3 =	sgt.s32 @!p1 s20, $0x0;
	s18 =	simm.s32 @!p2 $0x0  }
0x32: {  	s20 =	sadd.s32 $0x1, s13;
	p2 =	por !p3, p1;
	s18 =	smul.u32 @!p1 s19, s18  }
0x33: {  	s19 =	sadd.s32 $0x800, s14;
	s17 =	simm.s32 @!p2 $0x0;
	p2 =	sgt.s32 s20, $0x1F  }
0x34: {  	s22 =	smov.u32 s15;
	s21 =	smov.u32 @p2 s19  }
0x35: {  	s17 =	smul.u32 @!p1 s17, s18;
	s18 =	sadd.s32 $0x2, s15;
	p3 =	sgt.s32 s21, $0xFFF  }
0x36: {  	p0 =	por !p0, !p0;
	s23 =	simm.s32 @!p1 $0x2;
	s22 =	smov.u32 @p3 s18  }
0x37: {  	s20 =	simm.s32 @p2 $0x0;
	s19 =	smov.u32 s12;
	p2 =	sgt.s32 s22, $0x1  }
0x38: {  	s12 =	smov.u32 s15;
	s22 =	smov.u32 @p2 s2;
	p2 =	sne.s32 s16, s8  }
.Ltmp1:
0x39: {  	s17 =	sand.u32 @!p1 $0x3FFFFFF0, s17;
	s21 =	smov.u32 @p3 s1;
	(pc) =	sbr.rel @!p2 .LBB1_6-.Ltmp1, $4  }
0x3a: {  	s18 =	smov.u32 s11;
	s11 =	smov.u32 s14;
	_ =	swait.ge @!p1 [sflag:s23], s17  }
0x3b: {  	s24 =	ssub.s32 @!p1 $0x0, s17;
	s17 =	smov.u32 s10;
	s10 =	smov.u32 s13  }
0x3c: {  	s13 =	smov.u32 s20;
	s14 =	smov.u32 s21;
	[sflag:s23] =	ssyncset.done @!p1 $0x0  }
0x3d: {  	s16 =	sadd.s32 $0x1, s16;
	[sflag:s23] =	ssyncadd.s32 @!p1 s24;
	s15 =	smov.u32 s22  }
.LBB1_1:
0x3e: {  	p1 =	sge.u32 s16, s7;
	s31 =	sadd.s32 $0xFFFFFFFF, s16  }
0x3f: {  	s20 =	sxor.u32 @!p1 $0xFFFFFFFF, s16;
	s21 =	sshll.u32 @!p1 s15, $0x15;
	s22 =	sshll.u32 @!p1 s14, $0x9  }
0x40: {  	s23 =	sshll.u32 @!p1 s13, $0x4;
	s20 =	sshll.u32 @!p1 s20, $0xE;
	s21 =	sadd.s32 @!p1 s4, s21  }
0x41: {  	s23 =	sand.u32 @!p1 $0x1F0, s23;
	s20 =	sand.u32 @!p1 $0x4000, s20;
	s21 =	sadd.s32 @!p1 s22, s21  }
0x42: {  	s22 =	simm.s32 @!p1 $0x80;
	s21 =	sadd.s32 @!p1 s23, s21;
	s23 =	simm.s32 @!p1 $0x1000  }
0x43: {  	[tilespmem:s20], [sflag:$0x1] =	stream.strided.gather @!p1 [hbm4b:s21+s22], $0x4000, s23, s22, $0x38;
	[tilespmem:$0x10100] =	vst v63  }
0x44: {  	p1 =	sge.u32 s31, s7  }
.Ltmp2:
0x45: {  	_ = 	snop;
	(pc) =	sbr.rel @p1 .LBB1_5-.Ltmp2, $1  }
0x46: {  	_ =	sdelay $0x3  }
0x47: {  	s20 =	simm.s32 $0x1  }
0x48: {  	_ =	swait.ge [sflag:s6], $0x4000;
	s20 =	simm.s32 @!p0 $0x0  }
0x49: {  	[sflag:s6] =	ssyncset.done $0x0;
	s21 =	sshll.u32 s20, $0xE  }
0x4a: {  	[sflag:s6] =	ssyncadd.s32 $0xFFFFC000;
	s21 =	sor.u32 $0x40, s21  }
0x4b: {  	s20 =	smul.u32 $0x10200, s20;
	v0 =	vld [tilespmem:s21+$0x30]  }
0x4c: {  	v1 =	vld [tilespmem:s21+$0xFFFFFFD0]  }
0x4d: {  	s20 =	sshrl.u32 s20, $0x2;
	v5 =	vld [tilespmem:s21+$0xFFFFFFE0]  }
0x4e: {  	v6 =	vld [tilespmem:s21+$0xFFFFFFF0];
	s23 =	sor.u32 $0x8000, s20  }
0x4f: {  	s31 =	sand.u32 $0x1, s16;
	v4 =	vld [tilespmem:s21+$0x0];
	s22 =	sadd.s32 $0x0, s23  }
0x50: {  	v3 =	vld [tilespmem:s21+$0x10];
	s20 =	smul.u32 $0x10200, s31;
	[tilespmem:s22+$0x3870 ss:$0x81] =	vst.msk $0xffff, v0  }
0x51: {  	v2 =	vld [tilespmem:s21+$0x20];
	[tilespmem:s22+$0x810 ss:$0x81] =	vst.msk $0xffff, v1  }
0x52: {  	s20 =	sshrl.u32 s20, $0x2;
	v1 =	vld [tilespmem:s21+$0xFFFFFFC0];
	[tilespmem:s22+$0x1020 ss:$0x81] =	vst.msk $0xffff, v5;
	s21 =	sadd.s32 $0x80, s21  }
0x53: {  	s24 =	simm.s32 $0x4;
	s25 =	simm.s32 $0x8;
	s20 =	sor.u32 $0x8000, s20;
	[tilespmem:s22+$0x1830 ss:$0x81] =	vst.msk $0xffff, v6;
	v0 =	vld [tilespmem:s21+$0x30]  }
.LBB1_3:
0x54: {  	p1 =	sne.s32 s25, $0x1FC;
	v5 =	vld [tilespmem:s21+$0xFFFFFFD0];
	[tilespmem:s22+$0x2040 ss:$0x81] =	vst.msk $0xffff, v4  }
0x55: {  	v6 =	vld [tilespmem:s21+$0xFFFFFFE0];
	[tilespmem:s22+$0x2850 ss:$0x81] =	vst.msk $0xffff, v3  }
0x56: {  	s26 =	sshra.s32 s24, $0x2;
	s24 =	smov.u32 s25;
	v7 =	vld [tilespmem:s21+$0xFFFFFFF0];
	[tilespmem:s22+$0x3060 ss:$0x81] =	vst.msk $0xffff, v2  }
.Ltmp3:
0x57: {  	v4 =	vld [tilespmem:s21+$0x0];
	[tilespmem:s22+$0x0 ss:$0x81] =	vst.msk $0xffff, v1;
	s22 =	sadd.s32 s26, s23;
	(pc) =	sbr.rel @p1 .LBB1_3-.Ltmp3, $4  }
0x58: {  	v3 =	vld [tilespmem:s21+$0x10];
	[tilespmem:s22+$0x3870 ss:$0x81] =	vst.msk $0xffff, v0  }
0x59: {  	[tilespmem:s22+$0x810 ss:$0x81] =	vst.msk $0xffff, v5;
	v2 =	vld [tilespmem:s21+$0x20]  }
0x5a: {  	v1 =	vld [tilespmem:s21+$0xFFFFFFC0];
	[tilespmem:s22+$0x1020 ss:$0x81] =	vst.msk $0xffff, v6;
	s21 =	sadd.s32 $0x80, s21  }
0x5b: {  	s25 =	sadd.s32 $0x4, s25;
	v0 =	vld [tilespmem:s21+$0x30];
	[tilespmem:s22+$0x1830 ss:$0x81] =	vst.msk $0xffff, v7  }
.Ltmp4:
0x5c: {  	_ = 	snop;
	(pc) =	sbr.rel .LBB1_4-.Ltmp4, $1  }
0x5d: {  	_ =	sdelay $0x3  }
.LBB1_6:
0x5e: {  	_ =	sfence.sel $0x180000  }
0x5f: {  	s1 =	simm.s32 $0x1;
	[bflag:$0x0] =	sbarrier.arrive $0xFFFF  }
0x60: {  	s31 =	simm.s32 $0x2;
	[sflag:s1] =	ssyncpa.u1 $0x1  }
0x61: {  	[sflag:s31] =	ssyncpa.u1 $0x1  }
0x62: {  	p0 =	sne.s32 s0, $0x0;
	_ =	strace $0x9000004A  }
0x63: {  	s0 =	sadd.s32 @!p0 $0x100000, s3;
	[bflag:$0x2] =	sbarrier.arrive $0xFFFF  }
0x64: {  	[sflag:s0] =	ssyncadd.tile.s32 @!p0 $0x1;
	_ =	shalt  }
.Lfunc_end1:
_tile_overlayer_lowered:
.L_overlay_start_2:
0x65: {  	(tag) =	ssettag $0x2  }
0x66: {  	s0 =	rddreg [dreg:$0x0];
	s2 =	stileid.u32  }
0x67: {  	s1 =	rddreg [dreg:$0x1];
	p0 =	sne.s32 s2, $0x0  }
0x68: {  	s3 =	rddreg [dreg:$0x2];
	[bflag:$0x3] =	sbarrier.arrive $0xFFFF;
	s2 =	simm.s32 @!p0 $0x1C01  }
0x69: {  	[timem:s3], [sflag:s2] =	dma.local @!p0 [hbm:s0], s1  }
0x6a: {  	s0 =	simm.s32 @!p0 $0x1  }
0x6b: {  	_ =	swait.ge @!p0 [sflag:s0], s1  }
0x6c: {  	s1 =	ssub.s32 @!p0 $0x0, s1;
	[sflag:s0] =	ssyncset.done @!p0 $0x0  }
0x6d: {  	[sflag:s0] =	ssyncadd.s32 @!p0 s1  }
0x6e: {  	[bflag:$0x3] =	sbarrier.arrive $0xFFFF  }
0x6f: {  	_ =	shalt  }

</sc_bundles>
